<compile_context>
chip_gen: v7x
topology: tpu7x:2x2x1
jax: 0.10.2.dev20260603
libtpu: 0.0.44.dev20260713+nightly
codegen_flags: <defaults>
</compile_context>

<pallas_src>
import jax
import jax.numpy as jnp
from jax import lax
from jax.experimental import pallas as pl
from jax.experimental.pallas import tpu as pltpu

B, C, H, W = 64, 512, 28, 28
HW = H * W
K = 9
NEG = float("-inf")


def _reduce_kernel(x_ref, max_ref, idx_ref):
    x = x_ref[...]
    m = jnp.max(x, axis=-1)
    iota = lax.broadcasted_iota(jnp.int32, x.shape, 2)
    idx = jnp.min(jnp.where(x == m[..., None], iota, HW), axis=-1)
    max_ref[...] = m
    idx_ref[...] = idx


def _select_kernel(max_ref, idx_ref, chan_ref, pos_ref, val_ref):
    maxv = max_ref[...]
    argp = idx_ref[...]
    ci = jnp.sum(maxv, axis=0, keepdims=True) * jnp.float32(1.0 / B)
    iota_c = lax.broadcasted_iota(jnp.int32, (1, C), 1)
    iota_c2 = lax.broadcasted_iota(jnp.int32, (B, C), 1)
    iota_b = lax.broadcasted_iota(jnp.int32, (B, 1), 0)
    for k in range(K):
        m = jnp.max(ci)
        c_k = jnp.min(jnp.where(ci == m, iota_c, C))
        ci = jnp.where(iota_c == c_k, NEG, ci)
        chan_ref[0, k] = c_k
        colmask = iota_c2 == c_k
        act = jnp.max(jnp.where(colmask, maxv, NEG), axis=1, keepdims=True)
        posc = jnp.max(jnp.where(colmask, argp, 0), axis=1, keepdims=True)
        for r in range(K):
            m2 = jnp.max(act)
            b_r = jnp.min(jnp.where(act == m2, iota_b, B))
            val_ref[k, r] = m2
            pos_ref[k, r] = jnp.max(jnp.where(iota_b == b_r, posc, 0))
            act = jnp.where(iota_b == b_r, NEG, act)


ROWS, COLS = 392, 1024


def _write_kernel(chan_ref, pos_ref, val_ref, out_ref):
    k = pl.program_id(0)
    c = chan_ref[0, k]
    rvals = jnp.stack([val_ref[k, r] for r in range(K)]).reshape(1, K, 1, 1)
    flat = [c * HW + pos_ref[k, r] for r in range(K)]
    rrow = jnp.stack([f // COLS for f in flat]).reshape(1, K, 1, 1)
    rcol = jnp.stack([f % COLS for f in flat]).reshape(1, K, 1, 1)
    ri2 = lax.broadcasted_iota(jnp.int32, (1, K, ROWS, COLS), 2)
    ci2 = lax.broadcasted_iota(jnp.int32, (1, K, ROWS, COLS), 3)
    out_ref[...] = jnp.where((ri2 == rrow) & (ci2 == rcol), rvals, jnp.float32(0.0))


def kernel(feature_map, top_k):
    x = feature_map.reshape(B, C, HW)

    maxv, argp = pl.pallas_call(
        _reduce_kernel,
        grid=(B // 8,),
        in_specs=[pl.BlockSpec((8, C, HW), lambda i: (i, 0, 0))],
        out_specs=[
            pl.BlockSpec((8, C), lambda i: (i, 0)),
            pl.BlockSpec((8, C), lambda i: (i, 0)),
        ],
        out_shape=[
            jax.ShapeDtypeStruct((B, C), jnp.float32),
            jax.ShapeDtypeStruct((B, C), jnp.int32),
        ],
    )(x)

    chan, pos, val = pl.pallas_call(
        _select_kernel,
        in_specs=[
            pl.BlockSpec((B, C), lambda: (0, 0)),
            pl.BlockSpec((B, C), lambda: (0, 0)),
        ],
        out_specs=[
            pl.BlockSpec(memory_space=pltpu.SMEM),
            pl.BlockSpec(memory_space=pltpu.SMEM),
            pl.BlockSpec(memory_space=pltpu.SMEM),
        ],
        out_shape=[
            jax.ShapeDtypeStruct((1, K), jnp.int32),
            jax.ShapeDtypeStruct((K, K), jnp.int32),
            jax.ShapeDtypeStruct((K, K), jnp.float32),
        ],
    )(maxv, argp)

    out = pl.pallas_call(
        _write_kernel,
        grid=(K,),
        in_specs=[
            pl.BlockSpec(memory_space=pltpu.SMEM),
            pl.BlockSpec(memory_space=pltpu.SMEM),
            pl.BlockSpec(memory_space=pltpu.SMEM),
        ],
        out_specs=pl.BlockSpec((1, K, ROWS, COLS), lambda i: (i, 0, 0, 0)),
        out_shape=jax.ShapeDtypeStruct((K, K, ROWS, COLS), jnp.float32),
    )(chan, pos, val)

    return out.reshape(K, K, C, H, W)

# --- scband reference (transcript-rebuilt; emitter-appended) ---
"""Pipeline reference for scband-deconv-net-88304527606606 (READ-ONLY COPY).

The authoritative reference and input builder live on the scoring server;
editing this copy changes nothing except your own understanding.
"""

import jax, jax.numpy as jnp
import numpy as np


def setup_inputs(seed: int = 0) -> dict:
    key = jax.random.key(seed)
    feature_map = jax.random.normal(key, (64, 512, 28, 28), dtype=jnp.float32)
    return {"feature_map": feature_map, "top_k": 9}


def _topk_mask_pipeline(feature_map, top_k):
    # Faithful jax translation of DeconvNet.select_channels -> remove_images -> zero_out_channels
    B, C, H, W = feature_map.shape
    K = 9  # static value always passed by setup_inputs; traced top_k folded in below
    # select_channels: top-k channels by mean-over-batch of per-image max activation
    channel_importance = jnp.max(feature_map.reshape(B, C, H * W), axis=2).mean(axis=0)
    channel_importance = channel_importance + (jnp.asarray(top_k) * 0).astype(channel_importance.dtype)
    _, selected_channels = jax.lax.top_k(channel_importance, K)
    outs = []
    for i in range(K):
        c = selected_channels[i]
        fm = feature_map
        # remove_images: keep top 9 images by max activation in selected channel
        max_act = jnp.max(fm[:, c].reshape(B, H * W), axis=1)
        _, top_imgs = jax.lax.top_k(max_act, 9)
        mask = jnp.zeros((B,), fm.dtype).at[top_imgs].set(1.0)
        fm = fm * mask[:, None, None, None]
        fm9 = fm[top_imgs]  # [9, C, H, W]
        # zero_out_channels: keep only max-activation position in selected channel
        flat = fm9[:, c].reshape(9, H * W)
        maxidx = jnp.argmax(flat, axis=1)
        hh = maxidx // W
        ww = maxidx % W
        rows = jnp.arange(9)
        vals = fm9[rows, c, hh, ww]
        sel = jnp.zeros_like(fm9).at[rows, c, hh, ww].set(vals)
        outs.append(sel)
    return jnp.stack(outs, axis=0)  # [top_k, 9, C, H, W]


def reference(feature_map, top_k):
    return _topk_mask_pipeline(feature_map, top_k)

if __name__ == "__main__":
    import jax
    _d = setup_inputs()
    print(jax.jit(kernel)(*tuple(_d.values())))

</pallas_src>

<mosaic_0001>
module attributes {stable_mosaic.version = 14 : i64} {
  func.func @_reduce_kernel(%arg0: i32, %arg1: memref<8x512x784xf32, #tpu.memory_space<vmem>>, %arg2: memref<8x512xf32, #tpu.memory_space<vmem>>, %arg3: memref<8x512xi32, #tpu.memory_space<vmem>>) attributes {dimension_semantics = [#tpu.dimension_semantics<arbitrary>], iteration_bounds = array<i64: 8>, scalar_prefetch = 0 : i64, scratch_operands = 0 : i64, tpu.core_type = #tpu.core_type<tc>, window_params = [{transform_indices = @transform_0, window_bounds = array<i64: 8, 512, 784>}, {transform_indices = @transform_1, window_bounds = array<i64: 8, 512>}, {transform_indices = @transform_2, window_bounds = array<i64: 8, 512>}]} {
    %get3A = arith.constant 0 : index
    %get3A_0 = arith.constant 0 : index
    %get3A_1 = arith.constant 0 : index
    %get3A_2 = vector.load %arg1[%get3A, %get3A_0, %get3A_1] : memref<8x512x784xf32, #tpu.memory_space<vmem>>, vector<8x512x784xf32>
    %reduce_max3A = arith.constant dense<0xFF800000> : vector<8x512xf32>
    %reduce_max3A_3 = vector.multi_reduction <maximumf>, %get3A_2, %reduce_max3A [2] : vector<8x512x784xf32> to vector<8x512xf32>
    %iota3A = tpu.iota {dimensions = array<i32: 2>} : vector<8x512x784xi32>
    %broadcast_in_dim3A = vector.shape_cast %reduce_max3A_3 : vector<8x512xf32> to vector<8x512x1xf32>
    %eq3A = vector.broadcast %broadcast_in_dim3A : vector<8x512x1xf32> to vector<8x512x784xf32>
    %eq3A_4 = arith.cmpf oeq, %get3A_2, %eq3A : vector<8x512x784xf32>
    %jit3A = arith.constant 784 : i32
    %broadcast_in_dim3A_5 = vector.broadcast %jit3A : i32 to vector<8x512x784xi32>
    %select_n3A = arith.select %eq3A_4, %iota3A, %broadcast_in_dim3A_5 : vector<8x512x784xi1>, vector<8x512x784xi32>
    %reduce_min3A = arith.constant dense<2147483647> : vector<8x512xi32>
    %reduce_min3A_6 = vector.multi_reduction <minsi>, %select_n3A, %reduce_min3A [2] : vector<8x512x784xi32> to vector<8x512xi32>
    %swap3A = arith.constant 0 : index
    %swap3A_7 = arith.constant 0 : index
    %swap3A_8 = vector.load %arg2[%swap3A, %swap3A_7] : memref<8x512xf32, #tpu.memory_space<vmem>>, vector<8x512xf32>
    tpu.vector_store %arg2[%swap3A, %swap3A_7], %reduce_max3A_3 {strides = array<i32>} : memref<8x512xf32, #tpu.memory_space<vmem>>, vector<8x512xf32>,
    %swap3A_9 = arith.constant 0 : index
    %swap3A_10 = arith.constant 0 : index
    %swap3A_11 = vector.load %arg3[%swap3A_9, %swap3A_10] : memref<8x512xi32, #tpu.memory_space<vmem>>, vector<8x512xi32>
    tpu.vector_store %arg3[%swap3A_9, %swap3A_10], %reduce_min3A_6 {strides = array<i32>} : memref<8x512xi32, #tpu.memory_space<vmem>>, vector<8x512xi32>,
    return
  }
  func.func @transform_0(%arg0: i32) -> (i32, i32, i32) {
    %c0_i32 = arith.constant 0 : i32
    %c0_i32_0 = arith.constant 0 : i32
    %c0_i32_1 = arith.constant 0 : i32
    return %arg0, %c0_i32, %c0_i32_0 : i32, i32, i32
  }
  func.func @transform_1(%arg0: i32) -> (i32, i32) {
    %c0_i32 = arith.constant 0 : i32
    %c0_i32_0 = arith.constant 0 : i32
    return %arg0, %c0_i32 : i32, i32
  }
  func.func @transform_2(%arg0: i32) -> (i32, i32) {
    %c0_i32 = arith.constant 0 : i32
    %c0_i32_0 = arith.constant 0 : i32
    return %arg0, %c0_i32 : i32, i32
  }
}

module attributes {stable_mosaic.version = 14 : i64} {
  func.func @_write_kernel(%arg0: i32, %arg1: memref<1x9xi32, #tpu.memory_space<smem>>, %arg2: memref<9x9xi32, #tpu.memory_space<smem>>, %arg3: memref<9x9xf32, #tpu.memory_space<smem>>, %arg4: memref<1x9x392x1024xf32, #tpu.memory_space<vmem>>) attributes {dimension_semantics = [#tpu.dimension_semantics<arbitrary>], iteration_bounds = array<i64: 9>, scalar_prefetch = 0 : i64, scratch_operands = 0 : i64, tpu.core_type = #tpu.core_type<tc>, window_params = [{transform_indices = @transform_0, window_bounds = array<i64: 1, 9>}, {transform_indices = @transform_1, window_bounds = array<i64: 9, 9>}, {transform_indices = @transform_2, window_bounds = array<i64: 9, 9>}, {transform_indices = @transform_3, window_bounds = array<i64: 1, 9, 392, 1024>}]} {
    %get3A = arith.constant 0 : index
    %get3A_0 = arith.index_cast %arg0 : i32 to index
    %get3A_1 = memref.load %arg1[%get3A, %get3A_0] : memref<1x9xi32, #tpu.memory_space<smem>>
    %get3A_2 = arith.index_cast %arg0 : i32 to index
    %get3A_3 = arith.constant 0 : index
    %get3A_4 = memref.load %arg3[%get3A_2, %get3A_3] : memref<9x9xf32, #tpu.memory_space<smem>>
    %get3A_5 = arith.index_cast %arg0 : i32 to index
    %get3A_6 = arith.constant 1 : index
    %get3A_7 = memref.load %arg3[%get3A_5, %get3A_6] : memref<9x9xf32, #tpu.memory_space<smem>>
    %get3A_8 = arith.index_cast %arg0 : i32 to index
    %get3A_9 = arith.constant 2 : index
    %get3A_10 = memref.load %arg3[%get3A_8, %get3A_9] : memref<9x9xf32, #tpu.memory_space<smem>>
    %get3A_11 = arith.index_cast %arg0 : i32 to index
    %get3A_12 = arith.constant 3 : index
    %get3A_13 = memref.load %arg3[%get3A_11, %get3A_12] : memref<9x9xf32, #tpu.memory_space<smem>>
    %get3A_14 = arith.index_cast %arg0 : i32 to index
    %get3A_15 = arith.constant 4 : index
    %get3A_16 = memref.load %arg3[%get3A_14, %get3A_15] : memref<9x9xf32, #tpu.memory_space<smem>>
    %get3A_17 = arith.index_cast %arg0 : i32 to index
    %get3A_18 = arith.constant 5 : index
    %get3A_19 = memref.load %arg3[%get3A_17, %get3A_18] : memref<9x9xf32, #tpu.memory_space<smem>>
    %get3A_20 = arith.index_cast %arg0 : i32 to index
    %get3A_21 = arith.constant 6 : index
    %get3A_22 = memref.load %arg3[%get3A_20, %get3A_21] : memref<9x9xf32, #tpu.memory_space<smem>>
    %get3A_23 = arith.index_cast %arg0 : i32 to index
    %get3A_24 = arith.constant 7 : index
    %get3A_25 = memref.load %arg3[%get3A_23, %get3A_24] : memref<9x9xf32, #tpu.memory_space<smem>>
    %get3A_26 = arith.index_cast %arg0 : i32 to index
    %get3A_27 = arith.constant 8 : index
    %get3A_28 = memref.load %arg3[%get3A_26, %get3A_27] : memref<9x9xf32, #tpu.memory_space<smem>>
    %stack3A = vector.broadcast %get3A_4 : f32 to vector<1xf32>
    %stack3A_29 = vector.broadcast %get3A_7 : f32 to vector<1xf32>
    %stack3A_30 = vector.broadcast %get3A_10 : f32 to vector<1xf32>
    %stack3A_31 = vector.broadcast %get3A_13 : f32 to vector<1xf32>
    %stack3A_32 = vector.broadcast %get3A_16 : f32 to vector<1xf32>
    %stack3A_33 = vector.broadcast %get3A_19 : f32 to vector<1xf32>
    %stack3A_34 = vector.broadcast %get3A_22 : f32 to vector<1xf32>
    %stack3A_35 = vector.broadcast %get3A_25 : f32 to vector<1xf32>
    %stack3A_36 = vector.broadcast %get3A_28 : f32 to vector<1xf32>
    %stack3A_37 = tpu.concatenate %stack3A, %stack3A_29, %stack3A_30, %stack3A_31, %stack3A_32, %stack3A_33, %stack3A_34, %stack3A_35, %stack3A_36 in 0 : vector<1xf32>, vector<1xf32>, vector<1xf32>, vector<1xf32>, vector<1xf32>, vector<1xf32>, vector<1xf32>, vector<1xf32>, vector<1xf32> -> vector<9xf32>
    %reshape3A = vector.shape_cast %stack3A_37 : vector<9xf32> to vector<1x9x1x1xf32>
    %mul3A = arith.constant 784 : i32
    %mul3A_38 = arith.muli %get3A_1, %mul3A : i32
    %get3A_39 = arith.index_cast %arg0 : i32 to index
    %get3A_40 = arith.constant 0 : index
    %get3A_41 = memref.load %arg2[%get3A_39, %get3A_40] : memref<9x9xi32, #tpu.memory_space<smem>>
    %add3A = arith.addi %mul3A_38, %get3A_41 : i32
    %mul3A_42 = arith.constant 784 : i32
    %mul3A_43 = arith.muli %get3A_1, %mul3A_42 : i32
    %get3A_44 = arith.index_cast %arg0 : i32 to index
    %get3A_45 = arith.constant 1 : index
    %get3A_46 = memref.load %arg2[%get3A_44, %get3A_45] : memref<9x9xi32, #tpu.memory_space<smem>>
    %add3A_47 = arith.addi %mul3A_43, %get3A_46 : i32
    %mul3A_48 = arith.constant 784 : i32
    %mul3A_49 = arith.muli %get3A_1, %mul3A_48 : i32
    %get3A_50 = arith.index_cast %arg0 : i32 to index
    %get3A_51 = arith.constant 2 : index
    %get3A_52 = memref.load %arg2[%get3A_50, %get3A_51] : memref<9x9xi32, #tpu.memory_space<smem>>
    %add3A_53 = arith.addi %mul3A_49, %get3A_52 : i32
    %mul3A_54 = arith.constant 784 : i32
    %mul3A_55 = arith.muli %get3A_1, %mul3A_54 : i32
    %get3A_56 = arith.index_cast %arg0 : i32 to index
    %get3A_57 = arith.constant 3 : index
    %get3A_58 = memref.load %arg2[%get3A_56, %get3A_57] : memref<9x9xi32, #tpu.memory_space<smem>>
    %add3A_59 = arith.addi %mul3A_55, %get3A_58 : i32
    %mul3A_60 = arith.constant 784 : i32
    %mul3A_61 = arith.muli %get3A_1, %mul3A_60 : i32
    %get3A_62 = arith.index_cast %arg0 : i32 to index
    %get3A_63 = arith.constant 4 : index
    %get3A_64 = memref.load %arg2[%get3A_62, %get3A_63] : memref<9x9xi32, #tpu.memory_space<smem>>
    %add3A_65 = arith.addi %mul3A_61, %get3A_64 : i32
    %mul3A_66 = arith.constant 784 : i32
    %mul3A_67 = arith.muli %get3A_1, %mul3A_66 : i32
    %get3A_68 = arith.index_cast %arg0 : i32 to index
    %get3A_69 = arith.constant 5 : index
    %get3A_70 = memref.load %arg2[%get3A_68, %get3A_69] : memref<9x9xi32, #tpu.memory_space<smem>>
    %add3A_71 = arith.addi %mul3A_67, %get3A_70 : i32
    %mul3A_72 = arith.constant 784 : i32
    %mul3A_73 = arith.muli %get3A_1, %mul3A_72 : i32
    %get3A_74 = arith.index_cast %arg0 : i32 to index
    %get3A_75 = arith.constant 6 : index
    %get3A_76 = memref.load %arg2[%get3A_74, %get3A_75] : memref<9x9xi32, #tpu.memory_space<smem>>
    %add3A_77 = arith.addi %mul3A_73, %get3A_76 : i32
    %mul3A_78 = arith.constant 784 : i32
    %mul3A_79 = arith.muli %get3A_1, %mul3A_78 : i32
    %get3A_80 = arith.index_cast %arg0 : i32 to index
    %get3A_81 = arith.constant 7 : index
    %get3A_82 = memref.load %arg2[%get3A_80, %get3A_81] : memref<9x9xi32, #tpu.memory_space<smem>>
    %add3A_83 = arith.addi %mul3A_79, %get3A_82 : i32
    %mul3A_84 = arith.constant 784 : i32
    %mul3A_85 = arith.muli %get3A_1, %mul3A_84 : i32
    %get3A_86 = arith.index_cast %arg0 : i32 to index
    %get3A_87 = arith.constant 8 : index
    %get3A_88 = memref.load %arg2[%get3A_86, %get3A_87] : memref<9x9xi32, #tpu.memory_space<smem>>
    %add3A_89 = arith.addi %mul3A_85, %get3A_88 : i32
    %jit3A = arith.constant 1024 : i32
    %div3A = arith.divsi %add3A, %jit3A : i32
    %sign3A = arith.constant 0 : i32
    %sign3A_90 = arith.cmpi sgt, %add3A, %sign3A : i32
    %sign3A_91 = arith.extui %sign3A_90 : i1 to i32
    %sign3A_92 = arith.constant 0 : i32
    %sign3A_93 = arith.cmpi slt, %add3A, %sign3A_92 : i32
    %sign3A_94 = arith.extui %sign3A_93 : i1 to i32
    %sign3A_95 = arith.subi %sign3A_91, %sign3A_94 : i32
    %sign3A_96 = arith.constant 0 : i32
    %sign3A_97 = arith.cmpi sgt, %jit3A, %sign3A_96 : i32
    %sign3A_98 = arith.extui %sign3A_97 : i1 to i32
    %sign3A_99 = arith.constant 0 : i32
    %sign3A_100 = arith.cmpi slt, %jit3A, %sign3A_99 : i32
    %sign3A_101 = arith.extui %sign3A_100 : i1 to i32
    %sign3A_102 = arith.subi %sign3A_98, %sign3A_101 : i32
    %ne3A = arith.cmpi ne, %sign3A_95, %sign3A_102 : i32
    %rem3A = arith.remsi %add3A, %jit3A : i32
    %ne3A_103 = arith.constant 0 : i32
    %ne3A_104 = arith.cmpi ne, %rem3A, %ne3A_103 : i32
    %and3A = arith.andi %ne3A, %ne3A_104 : i1
    %sub3A = arith.constant 1 : i32
    %sub3A_105 = arith.subi %div3A, %sub3A : i32
    %select_n3A = arith.select %and3A, %sub3A_105, %div3A : i32
    %jit3A_106 = arith.constant 1024 : i32
    %div3A_107 = arith.divsi %add3A_47, %jit3A_106 : i32
    %sign3A_108 = arith.constant 0 : i32
    %sign3A_109 = arith.cmpi sgt, %add3A_47, %sign3A_108 : i32
    %sign3A_110 = arith.extui %sign3A_109 : i1 to i32
    %sign3A_111 = arith.constant 0 : i32
    %sign3A_112 = arith.cmpi slt, %add3A_47, %sign3A_111 : i32
    %sign3A_113 = arith.extui %sign3A_112 : i1 to i32
    %sign3A_114 = arith.subi %sign3A_110, %sign3A_113 : i32
    %sign3A_115 = arith.constant 0 : i32
    %sign3A_116 = arith.cmpi sgt, %jit3A_106, %sign3A_115 : i32
    %sign3A_117 = arith.extui %sign3A_116 : i1 to i32
    %sign3A_118 = arith.constant 0 : i32
    %sign3A_119 = arith.cmpi slt, %jit3A_106, %sign3A_118 : i32
    %sign3A_120 = arith.extui %sign3A_119 : i1 to i32
    %sign3A_121 = arith.subi %sign3A_117, %sign3A_120 : i32
    %ne3A_122 = arith.cmpi ne, %sign3A_114, %sign3A_121 : i32
    %rem3A_123 = arith.remsi %add3A_47, %jit3A_106 : i32
    %ne3A_124 = arith.constant 0 : i32
    %ne3A_125 = arith.cmpi ne, %rem3A_123, %ne3A_124 : i32
    %and3A_126 = arith.andi %ne3A_122, %ne3A_125 : i1
    %sub3A_127 = arith.constant 1 : i32
    %sub3A_128 = arith.subi %div3A_107, %sub3A_127 : i32
    %select_n3A_129 = arith.select %and3A_126, %sub3A_128, %div3A_107 : i32
    %jit3A_130 = arith.constant 1024 : i32
    %div3A_131 = arith.divsi %add3A_53, %jit3A_130 : i32
    %sign3A_132 = arith.constant 0 : i32
    %sign3A_133 = arith.cmpi sgt, %add3A_53, %sign3A_132 : i32
    %sign3A_134 = arith.extui %sign3A_133 : i1 to i32
    %sign3A_135 = arith.constant 0 : i32
    %sign3A_136 = arith.cmpi slt, %add3A_53, %sign3A_135 : i32
    %sign3A_137 = arith.extui %sign3A_136 : i1 to i32
    %sign3A_138 = arith.subi %sign3A_134, %sign3A_137 : i32
    %sign3A_139 = arith.constant 0 : i32
    %sign3A_140 = arith.cmpi sgt, %jit3A_130, %sign3A_139 : i32
    %sign3A_141 = arith.extui %sign3A_140 : i1 to i32
    %sign3A_142 = arith.constant 0 : i32
    %sign3A_143 = arith.cmpi slt, %jit3A_130, %sign3A_142 : i32
    %sign3A_144 = arith.extui %sign3A_143 : i1 to i32
    %sign3A_145 = arith.subi %sign3A_141, %sign3A_144 : i32
    %ne3A_146 = arith.cmpi ne, %sign3A_138, %sign3A_145 : i32
    %rem3A_147 = arith.remsi %add3A_53, %jit3A_130 : i32
    %ne3A_148 = arith.constant 0 : i32
    %ne3A_149 = arith.cmpi ne, %rem3A_147, %ne3A_148 : i32
    %and3A_150 = arith.andi %ne3A_146, %ne3A_149 : i1
    %sub3A_151 = arith.constant 1 : i32
    %sub3A_152 = arith.subi %div3A_131, %sub3A_151 : i32
    %select_n3A_153 = arith.select %and3A_150, %sub3A_152, %div3A_131 : i32
    %jit3A_154 = arith.constant 1024 : i32
    %div3A_155 = arith.divsi %add3A_59, %jit3A_154 : i32
    %sign3A_156 = arith.constant 0 : i32
    %sign3A_157 = arith.cmpi sgt, %add3A_59, %sign3A_156 : i32
    %sign3A_158 = arith.extui %sign3A_157 : i1 to i32
    %sign3A_159 = arith.constant 0 : i32
    %sign3A_160 = arith.cmpi slt, %add3A_59, %sign3A_159 : i32
    %sign3A_161 = arith.extui %sign3A_160 : i1 to i32
    %sign3A_162 = arith.subi %sign3A_158, %sign3A_161 : i32
    %sign3A_163 = arith.constant 0 : i32
    %sign3A_164 = arith.cmpi sgt, %jit3A_154, %sign3A_163 : i32
    %sign3A_165 = arith.extui %sign3A_164 : i1 to i32
    %sign3A_166 = arith.constant 0 : i32
    %sign3A_167 = arith.cmpi slt, %jit3A_154, %sign3A_166 : i32
    %sign3A_168 = arith.extui %sign3A_167 : i1 to i32
    %sign3A_169 = arith.subi %sign3A_165, %sign3A_168 : i32
    %ne3A_170 = arith.cmpi ne, %sign3A_162, %sign3A_169 : i32
    %rem3A_171 = arith.remsi %add3A_59, %jit3A_154 : i32
    %ne3A_172 = arith.constant 0 : i32
    %ne3A_173 = arith.cmpi ne, %rem3A_171, %ne3A_172 : i32
    %and3A_174 = arith.andi %ne3A_170, %ne3A_173 : i1
    %sub3A_175 = arith.constant 1 : i32
    %sub3A_176 = arith.subi %div3A_155, %sub3A_175 : i32
    %select_n3A_177 = arith.select %and3A_174, %sub3A_176, %div3A_155 : i32
    %jit3A_178 = arith.constant 1024 : i32
    %div3A_179 = arith.divsi %add3A_65, %jit3A_178 : i32
    %sign3A_180 = arith.constant 0 : i32
    %sign3A_181 = arith.cmpi sgt, %add3A_65, %sign3A_180 : i32
    %sign3A_182 = arith.extui %sign3A_181 : i1 to i32
    %sign3A_183 = arith.constant 0 : i32
    %sign3A_184 = arith.cmpi slt, %add3A_65, %sign3A_183 : i32
    %sign3A_185 = arith.extui %sign3A_184 : i1 to i32
    %sign3A_186 = arith.subi %sign3A_182, %sign3A_185 : i32
    %sign3A_187 = arith.constant 0 : i32
    %sign3A_188 = arith.cmpi sgt, %jit3A_178, %sign3A_187 : i32
    %sign3A_189 = arith.extui %sign3A_188 : i1 to i32
    %sign3A_190 = arith.constant 0 : i32
    %sign3A_191 = arith.cmpi slt, %jit3A_178, %sign3A_190 : i32
    %sign3A_192 = arith.extui %sign3A_191 : i1 to i32
    %sign3A_193 = arith.subi %sign3A_189, %sign3A_192 : i32
    %ne3A_194 = arith.cmpi ne, %sign3A_186, %sign3A_193 : i32
    %rem3A_195 = arith.remsi %add3A_65, %jit3A_178 : i32
    %ne3A_196 = arith.constant 0 : i32
    %ne3A_197 = arith.cmpi ne, %rem3A_195, %ne3A_196 : i32
    %and3A_198 = arith.andi %ne3A_194, %ne3A_197 : i1
    %sub3A_199 = arith.constant 1 : i32
    %sub3A_200 = arith.subi %div3A_179, %sub3A_199 : i32
    %select_n3A_201 = arith.select %and3A_198, %sub3A_200, %div3A_179 : i32
    %jit3A_202 = arith.constant 1024 : i32
    %div3A_203 = arith.divsi %add3A_71, %jit3A_202 : i32
    %sign3A_204 = arith.constant 0 : i32
    %sign3A_205 = arith.cmpi sgt, %add3A_71, %sign3A_204 : i32
    %sign3A_206 = arith.extui %sign3A_205 : i1 to i32
    %sign3A_207 = arith.constant 0 : i32
    %sign3A_208 = arith.cmpi slt, %add3A_71, %sign3A_207 : i32
    %sign3A_209 = arith.extui %sign3A_208 : i1 to i32
    %sign3A_210 = arith.subi %sign3A_206, %sign3A_209 : i32
    %sign3A_211 = arith.constant 0 : i32
    %sign3A_212 = arith.cmpi sgt, %jit3A_202, %sign3A_211 : i32
    %sign3A_213 = arith.extui %sign3A_212 : i1 to i32
    %sign3A_214 = arith.constant 0 : i32
    %sign3A_215 = arith.cmpi slt, %jit3A_202, %sign3A_214 : i32
    %sign3A_216 = arith.extui %sign3A_215 : i1 to i32
    %sign3A_217 = arith.subi %sign3A_213, %sign3A_216 : i32
    %ne3A_218 = arith.cmpi ne, %sign3A_210, %sign3A_217 : i32
    %rem3A_219 = arith.remsi %add3A_71, %jit3A_202 : i32
    %ne3A_220 = arith.constant 0 : i32
    %ne3A_221 = arith.cmpi ne, %rem3A_219, %ne3A_220 : i32
    %and3A_222 = arith.andi %ne3A_218, %ne3A_221 : i1
    %sub3A_223 = arith.constant 1 : i32
    %sub3A_224 = arith.subi %div3A_203, %sub3A_223 : i32
    %select_n3A_225 = arith.select %and3A_222, %sub3A_224, %div3A_203 : i32
    %jit3A_226 = arith.constant 1024 : i32
    %div3A_227 = arith.divsi %add3A_77, %jit3A_226 : i32
    %sign3A_228 = arith.constant 0 : i32
    %sign3A_229 = arith.cmpi sgt, %add3A_77, %sign3A_228 : i32
    %sign3A_230 = arith.extui %sign3A_229 : i1 to i32
    %sign3A_231 = arith.constant 0 : i32
    %sign3A_232 = arith.cmpi slt, %add3A_77, %sign3A_231 : i32
    %sign3A_233 = arith.extui %sign3A_232 : i1 to i32
    %sign3A_234 = arith.subi %sign3A_230, %sign3A_233 : i32
    %sign3A_235 = arith.constant 0 : i32
    %sign3A_236 = arith.cmpi sgt, %jit3A_226, %sign3A_235 : i32
    %sign3A_237 = arith.extui %sign3A_236 : i1 to i32
    %sign3A_238 = arith.constant 0 : i32
    %sign3A_239 = arith.cmpi slt, %jit3A_226, %sign3A_238 : i32
    %sign3A_240 = arith.extui %sign3A_239 : i1 to i32
    %sign3A_241 = arith.subi %sign3A_237, %sign3A_240 : i32
    %ne3A_242 = arith.cmpi ne, %sign3A_234, %sign3A_241 : i32
    %rem3A_243 = arith.remsi %add3A_77, %jit3A_226 : i32
    %ne3A_244 = arith.constant 0 : i32
    %ne3A_245 = arith.cmpi ne, %rem3A_243, %ne3A_244 : i32
    %and3A_246 = arith.andi %ne3A_242, %ne3A_245 : i1
    %sub3A_247 = arith.constant 1 : i32
    %sub3A_248 = arith.subi %div3A_227, %sub3A_247 : i32
    %select_n3A_249 = arith.select %and3A_246, %sub3A_248, %div3A_227 : i32
    %jit3A_250 = arith.constant 1024 : i32
    %div3A_251 = arith.divsi %add3A_83, %jit3A_250 : i32
    %sign3A_252 = arith.constant 0 : i32
    %sign3A_253 = arith.cmpi sgt, %add3A_83, %sign3A_252 : i32
    %sign3A_254 = arith.extui %sign3A_253 : i1 to i32
    %sign3A_255 = arith.constant 0 : i32
    %sign3A_256 = arith.cmpi slt, %add3A_83, %sign3A_255 : i32
    %sign3A_257 = arith.extui %sign3A_256 : i1 to i32
    %sign3A_258 = arith.subi %sign3A_254, %sign3A_257 : i32
    %sign3A_259 = arith.constant 0 : i32
    %sign3A_260 = arith.cmpi sgt, %jit3A_250, %sign3A_259 : i32
    %sign3A_261 = arith.extui %sign3A_260 : i1 to i32
    %sign3A_262 = arith.constant 0 : i32
    %sign3A_263 = arith.cmpi slt, %jit3A_250, %sign3A_262 : i32
    %sign3A_264 = arith.extui %sign3A_263 : i1 to i32
    %sign3A_265 = arith.subi %sign3A_261, %sign3A_264 : i32
    %ne3A_266 = arith.cmpi ne, %sign3A_258, %sign3A_265 : i32
    %rem3A_267 = arith.remsi %add3A_83, %jit3A_250 : i32
    %ne3A_268 = arith.constant 0 : i32
    %ne3A_269 = arith.cmpi ne, %rem3A_267, %ne3A_268 : i32
    %and3A_270 = arith.andi %ne3A_266, %ne3A_269 : i1
    %sub3A_271 = arith.constant 1 : i32
    %sub3A_272 = arith.subi %div3A_251, %sub3A_271 : i32
    %select_n3A_273 = arith.select %and3A_270, %sub3A_272, %div3A_251 : i32
    %jit3A_274 = arith.constant 1024 : i32
    %div3A_275 = arith.divsi %add3A_89, %jit3A_274 : i32
    %sign3A_276 = arith.constant 0 : i32
    %sign3A_277 = arith.cmpi sgt, %add3A_89, %sign3A_276 : i32
    %sign3A_278 = arith.extui %sign3A_277 : i1 to i32
    %sign3A_279 = arith.constant 0 : i32
    %sign3A_280 = arith.cmpi slt, %add3A_89, %sign3A_279 : i32
    %sign3A_281 = arith.extui %sign3A_280 : i1 to i32
    %sign3A_282 = arith.subi %sign3A_278, %sign3A_281 : i32
    %sign3A_283 = arith.constant 0 : i32
    %sign3A_284 = arith.cmpi sgt, %jit3A_274, %sign3A_283 : i32
    %sign3A_285 = arith.extui %sign3A_284 : i1 to i32
    %sign3A_286 = arith.constant 0 : i32
    %sign3A_287 = arith.cmpi slt, %jit3A_274, %sign3A_286 : i32
    %sign3A_288 = arith.extui %sign3A_287 : i1 to i32
    %sign3A_289 = arith.subi %sign3A_285, %sign3A_288 : i32
    %ne3A_290 = arith.cmpi ne, %sign3A_282, %sign3A_289 : i32
    %rem3A_291 = arith.remsi %add3A_89, %jit3A_274 : i32
    %ne3A_292 = arith.constant 0 : i32
    %ne3A_293 = arith.cmpi ne, %rem3A_291, %ne3A_292 : i32
    %and3A_294 = arith.andi %ne3A_290, %ne3A_293 : i1
    %sub3A_295 = arith.constant 1 : i32
    %sub3A_296 = arith.subi %div3A_275, %sub3A_295 : i32
    %select_n3A_297 = arith.select %and3A_294, %sub3A_296, %div3A_275 : i32
    %stack3A_298 = vector.broadcast %select_n3A : i32 to vector<1xi32>
    %stack3A_299 = vector.broadcast %select_n3A_129 : i32 to vector<1xi32>
    %stack3A_300 = vector.broadcast %select_n3A_153 : i32 to vector<1xi32>
    %stack3A_301 = vector.broadcast %select_n3A_177 : i32 to vector<1xi32>
    %stack3A_302 = vector.broadcast %select_n3A_201 : i32 to vector<1xi32>
    %stack3A_303 = vector.broadcast %select_n3A_225 : i32 to vector<1xi32>
    %stack3A_304 = vector.broadcast %select_n3A_249 : i32 to vector<1xi32>
    %stack3A_305 = vector.broadcast %select_n3A_273 : i32 to vector<1xi32>
    %stack3A_306 = vector.broadcast %select_n3A_297 : i32 to vector<1xi32>
    %stack3A_307 = tpu.concatenate %stack3A_298, %stack3A_299, %stack3A_300, %stack3A_301, %stack3A_302, %stack3A_303, %stack3A_304, %stack3A_305, %stack3A_306 in 0 : vector<1xi32>, vector<1xi32>, vector<1xi32>, vector<1xi32>, vector<1xi32>, vector<1xi32>, vector<1xi32>, vector<1xi32>, vector<1xi32> -> vector<9xi32>
    %reshape3A_308 = vector.shape_cast %stack3A_307 : vector<9xi32> to vector<1x9x1x1xi32>
    %jit3A_309 = arith.constant 1024 : i32
    %eq3A = arith.constant 0 : i32
    %eq3A_310 = arith.cmpi eq, %jit3A_309, %eq3A : i32
    %jit3A_311 = arith.constant 1 : i32
    %select_n3A_312 = arith.select %eq3A_310, %jit3A_311, %jit3A_309 : i32
    %rem3A_313 = arith.remsi %add3A, %select_n3A_312 : i32
    %ne3A_314 = arith.constant 0 : i32
    %ne3A_315 = arith.cmpi ne, %rem3A_313, %ne3A_314 : i32
    %lt3A = arith.constant 0 : i32
    %lt3A_316 = arith.cmpi slt, %rem3A_313, %lt3A : i32
    %lt3A_317 = arith.constant 0 : i32
    %lt3A_318 = arith.cmpi slt, %select_n3A_312, %lt3A_317 : i32
    %ne3A_319 = arith.xori %lt3A_316, %lt3A_318 : i1
    %and3A_320 = arith.andi %ne3A_319, %ne3A_315 : i1
    %add3A_321 = arith.addi %rem3A_313, %select_n3A_312 : i32
    %select_n3A_322 = arith.select %and3A_320, %add3A_321, %rem3A_313 : i32
    %jit3A_323 = arith.constant 1024 : i32
    %eq3A_324 = arith.constant 0 : i32
    %eq3A_325 = arith.cmpi eq, %jit3A_323, %eq3A_324 : i32
    %jit3A_326 = arith.constant 1 : i32
    %select_n3A_327 = arith.select %eq3A_325, %jit3A_326, %jit3A_323 : i32
    %rem3A_328 = arith.remsi %add3A_47, %select_n3A_327 : i32
    %ne3A_329 = arith.constant 0 : i32
    %ne3A_330 = arith.cmpi ne, %rem3A_328, %ne3A_329 : i32
    %lt3A_331 = arith.constant 0 : i32
    %lt3A_332 = arith.cmpi slt, %rem3A_328, %lt3A_331 : i32
    %lt3A_333 = arith.constant 0 : i32
    %lt3A_334 = arith.cmpi slt, %select_n3A_327, %lt3A_333 : i32
    %ne3A_335 = arith.xori %lt3A_332, %lt3A_334 : i1
    %and3A_336 = arith.andi %ne3A_335, %ne3A_330 : i1
    %add3A_337 = arith.addi %rem3A_328, %select_n3A_327 : i32
    %select_n3A_338 = arith.select %and3A_336, %add3A_337, %rem3A_328 : i32
    %jit3A_339 = arith.constant 1024 : i32
    %eq3A_340 = arith.constant 0 : i32
    %eq3A_341 = arith.cmpi eq, %jit3A_339, %eq3A_340 : i32
    %jit3A_342 = arith.constant 1 : i32
    %select_n3A_343 = arith.select %eq3A_341, %jit3A_342, %jit3A_339 : i32
    %rem3A_344 = arith.remsi %add3A_53, %select_n3A_343 : i32
    %ne3A_345 = arith.constant 0 : i32
    %ne3A_346 = arith.cmpi ne, %rem3A_344, %ne3A_345 : i32
    %lt3A_347 = arith.constant 0 : i32
    %lt3A_348 = arith.cmpi slt, %rem3A_344, %lt3A_347 : i32
    %lt3A_349 = arith.constant 0 : i32
    %lt3A_350 = arith.cmpi slt, %select_n3A_343, %lt3A_349 : i32
    %ne3A_351 = arith.xori %lt3A_348, %lt3A_350 : i1
    %and3A_352 = arith.andi %ne3A_351, %ne3A_346 : i1
    %add3A_353 = arith.addi %rem3A_344, %select_n3A_343 : i32
    %select_n3A_354 = arith.select %and3A_352, %add3A_353, %rem3A_344 : i32
    %jit3A_355 = arith.constant 1024 : i32
    %eq3A_356 = arith.constant 0 : i32
    %eq3A_357 = arith.cmpi eq, %jit3A_355, %eq3A_356 : i32
    %jit3A_358 = arith.constant 1 : i32
    %select_n3A_359 = arith.select %eq3A_357, %jit3A_358, %jit3A_355 : i32
    %rem3A_360 = arith.remsi %add3A_59, %select_n3A_359 : i32
    %ne3A_361 = arith.constant 0 : i32
    %ne3A_362 = arith.cmpi ne, %rem3A_360, %ne3A_361 : i32
    %lt3A_363 = arith.constant 0 : i32
    %lt3A_364 = arith.cmpi slt, %rem3A_360, %lt3A_363 : i32
    %lt3A_365 = arith.constant 0 : i32
    %lt3A_366 = arith.cmpi slt, %select_n3A_359, %lt3A_365 : i32
    %ne3A_367 = arith.xori %lt3A_364, %lt3A_366 : i1
    %and3A_368 = arith.andi %ne3A_367, %ne3A_362 : i1
    %add3A_369 = arith.addi %rem3A_360, %select_n3A_359 : i32
    %select_n3A_370 = arith.select %and3A_368, %add3A_369, %rem3A_360 : i32
    %jit3A_371 = arith.constant 1024 : i32
    %eq3A_372 = arith.constant 0 : i32
    %eq3A_373 = arith.cmpi eq, %jit3A_371, %eq3A_372 : i32
    %jit3A_374 = arith.constant 1 : i32
    %select_n3A_375 = arith.select %eq3A_373, %jit3A_374, %jit3A_371 : i32
    %rem3A_376 = arith.remsi %add3A_65, %select_n3A_375 : i32
    %ne3A_377 = arith.constant 0 : i32
    %ne3A_378 = arith.cmpi ne, %rem3A_376, %ne3A_377 : i32
    %lt3A_379 = arith.constant 0 : i32
    %lt3A_380 = arith.cmpi slt, %rem3A_376, %lt3A_379 : i32
    %lt3A_381 = arith.constant 0 : i32
    %lt3A_382 = arith.cmpi slt, %select_n3A_375, %lt3A_381 : i32
    %ne3A_383 = arith.xori %lt3A_380, %lt3A_382 : i1
    %and3A_384 = arith.andi %ne3A_383, %ne3A_378 : i1
    %add3A_385 = arith.addi %rem3A_376, %select_n3A_375 : i32
    %select_n3A_386 = arith.select %and3A_384, %add3A_385, %rem3A_376 : i32
    %jit3A_387 = arith.constant 1024 : i32
    %eq3A_388 = arith.constant 0 : i32
    %eq3A_389 = arith.cmpi eq, %jit3A_387, %eq3A_388 : i32
    %jit3A_390 = arith.constant 1 : i32
    %select_n3A_391 = arith.select %eq3A_389, %jit3A_390, %jit3A_387 : i32
    %rem3A_392 = arith.remsi %add3A_71, %select_n3A_391 : i32
    %ne3A_393 = arith.constant 0 : i32
    %ne3A_394 = arith.cmpi ne, %rem3A_392, %ne3A_393 : i32
    %lt3A_395 = arith.constant 0 : i32
    %lt3A_396 = arith.cmpi slt, %rem3A_392, %lt3A_395 : i32
    %lt3A_397 = arith.constant 0 : i32
    %lt3A_398 = arith.cmpi slt, %select_n3A_391, %lt3A_397 : i32
    %ne3A_399 = arith.xori %lt3A_396, %lt3A_398 : i1
    %and3A_400 = arith.andi %ne3A_399, %ne3A_394 : i1
    %add3A_401 = arith.addi %rem3A_392, %select_n3A_391 : i32
    %select_n3A_402 = arith.select %and3A_400, %add3A_401, %rem3A_392 : i32
    %jit3A_403 = arith.constant 1024 : i32
    %eq3A_404 = arith.constant 0 : i32
    %eq3A_405 = arith.cmpi eq, %jit3A_403, %eq3A_404 : i32
    %jit3A_406 = arith.constant 1 : i32
    %select_n3A_407 = arith.select %eq3A_405, %jit3A_406, %jit3A_403 : i32
    %rem3A_408 = arith.remsi %add3A_77, %select_n3A_407 : i32
    %ne3A_409 = arith.constant 0 : i32
    %ne3A_410 = arith.cmpi ne, %rem3A_408, %ne3A_409 : i32
    %lt3A_411 = arith.constant 0 : i32
    %lt3A_412 = arith.cmpi slt, %rem3A_408, %lt3A_411 : i32
    %lt3A_413 = arith.constant 0 : i32
    %lt3A_414 = arith.cmpi slt, %select_n3A_407, %lt3A_413 : i32
    %ne3A_415 = arith.xori %lt3A_412, %lt3A_414 : i1
    %and3A_416 = arith.andi %ne3A_415, %ne3A_410 : i1
    %add3A_417 = arith.addi %rem3A_408, %select_n3A_407 : i32
    %select_n3A_418 = arith.select %and3A_416, %add3A_417, %rem3A_408 : i32
    %jit3A_419 = arith.constant 1024 : i32
    %eq3A_420 = arith.constant 0 : i32
    %eq3A_421 = arith.cmpi eq, %jit3A_419, %eq3A_420 : i32
    %jit3A_422 = arith.constant 1 : i32
    %select_n3A_423 = arith.select %eq3A_421, %jit3A_422, %jit3A_419 : i32
    %rem3A_424 = arith.remsi %add3A_83, %select_n3A_423 : i32
    %ne3A_425 = arith.constant 0 : i32
    %ne3A_426 = arith.cmpi ne, %rem3A_424, %ne3A_425 : i32
    %lt3A_427 = arith.constant 0 : i32
    %lt3A_428 = arith.cmpi slt, %rem3A_424, %lt3A_427 : i32
    %lt3A_429 = arith.constant 0 : i32
    %lt3A_430 = arith.cmpi slt, %select_n3A_423, %lt3A_429 : i32
    %ne3A_431 = arith.xori %lt3A_428, %lt3A_430 : i1
    %and3A_432 = arith.andi %ne3A_431, %ne3A_426 : i1
    %add3A_433 = arith.addi %rem3A_424, %select_n3A_423 : i32
    %select_n3A_434 = arith.select %and3A_432, %add3A_433, %rem3A_424 : i32
    %jit3A_435 = arith.constant 1024 : i32
    %eq3A_436 = arith.constant 0 : i32
    %eq3A_437 = arith.cmpi eq, %jit3A_435, %eq3A_436 : i32
    %jit3A_438 = arith.constant 1 : i32
    %select_n3A_439 = arith.select %eq3A_437, %jit3A_438, %jit3A_435 : i32
    %rem3A_440 = arith.remsi %add3A_89, %select_n3A_439 : i32
    %ne3A_441 = arith.constant 0 : i32
    %ne3A_442 = arith.cmpi ne, %rem3A_440, %ne3A_441 : i32
    %lt3A_443 = arith.constant 0 : i32
    %lt3A_444 = arith.cmpi slt, %rem3A_440, %lt3A_443 : i32
    %lt3A_445 = arith.constant 0 : i32
    %lt3A_446 = arith.cmpi slt, %select_n3A_439, %lt3A_445 : i32
    %ne3A_447 = arith.xori %lt3A_444, %lt3A_446 : i1
    %and3A_448 = arith.andi %ne3A_447, %ne3A_442 : i1
    %add3A_449 = arith.addi %rem3A_440, %select_n3A_439 : i32
    %select_n3A_450 = arith.select %and3A_448, %add3A_449, %rem3A_440 : i32
    %stack3A_451 = vector.broadcast %select_n3A_322 : i32 to vector<1xi32>
    %stack3A_452 = vector.broadcast %select_n3A_338 : i32 to vector<1xi32>
    %stack3A_453 = vector.broadcast %select_n3A_354 : i32 to vector<1xi32>
    %stack3A_454 = vector.broadcast %select_n3A_370 : i32 to vector<1xi32>
    %stack3A_455 = vector.broadcast %select_n3A_386 : i32 to vector<1xi32>
    %stack3A_456 = vector.broadcast %select_n3A_402 : i32 to vector<1xi32>
    %stack3A_457 = vector.broadcast %select_n3A_418 : i32 to vector<1xi32>
    %stack3A_458 = vector.broadcast %select_n3A_434 : i32 to vector<1xi32>
    %stack3A_459 = vector.broadcast %select_n3A_450 : i32 to vector<1xi32>
    %stack3A_460 = tpu.concatenate %stack3A_451, %stack3A_452, %stack3A_453, %stack3A_454, %stack3A_455, %stack3A_456, %stack3A_457, %stack3A_458, %stack3A_459 in 0 : vector<1xi32>, vector<1xi32>, vector<1xi32>, vector<1xi32>, vector<1xi32>, vector<1xi32>, vector<1xi32>, vector<1xi32>, vector<1xi32> -> vector<9xi32>
    %reshape3A_461 = vector.shape_cast %stack3A_460 : vector<9xi32> to vector<1x9x1x1xi32>
    %iota3A = tpu.iota {dimensions = array<i32: 2>} : vector<1x9x392x1024xi32>
    %iota3A_462 = tpu.iota {dimensions = array<i32: 3>} : vector<1x9x392x1024xi32>
    %eq3A_463 = vector.broadcast %reshape3A_308 : vector<1x9x1x1xi32> to vector<1x9x392x1024xi32>
    %eq3A_464 = arith.cmpi eq, %iota3A, %eq3A_463 : vector<1x9x392x1024xi32>
    %eq3A_465 = vector.broadcast %reshape3A_461 : vector<1x9x1x1xi32> to vector<1x9x392x1024xi32>
    %eq3A_466 = arith.cmpi eq, %iota3A_462, %eq3A_465 : vector<1x9x392x1024xi32>
    %and3A_467 = arith.andi %eq3A_464, %eq3A_466 : vector<1x9x392x1024xi1>
    %jit3A_468 = arith.constant 0.000000e+00 : f32
    %broadcast_in_dim3A = vector.shape_cast %reshape3A : vector<1x9x1x1xf32> to vector<1x9x1x1xf32>
    %broadcast_in_dim3A_469 = vector.broadcast %broadcast_in_dim3A : vector<1x9x1x1xf32> to vector<1x9x392x1024xf32>
    %broadcast_in_dim3A_470 = vector.broadcast %jit3A_468 : f32 to vector<1x9x392x1024xf32>
    %select_n3A_471 = arith.select %and3A_467, %broadcast_in_dim3A_469, %broadcast_in_dim3A_470 : vector<1x9x392x1024xi1>, vector<1x9x392x1024xf32>
    %swap3A = arith.constant 0 : index
    %swap3A_472 = arith.constant 0 : index
    %swap3A_473 = arith.constant 0 : index
    %swap3A_474 = arith.constant 0 : index
    %swap3A_475 = vector.load %arg4[%swap3A, %swap3A_472, %swap3A_473, %swap3A_474] : memref<1x9x392x1024xf32, #tpu.memory_space<vmem>>, vector<1x9x392x1024xf32>
    tpu.vector_store %arg4[%swap3A, %swap3A_472, %swap3A_473, %swap3A_474], %select_n3A_471 {strides = array<i32>} : memref<1x9x392x1024xf32, #tpu.memory_space<vmem>>, vector<1x9x392x1024xf32>,
    return
  }
  func.func @transform_0(%arg0: i32) -> (i32, i32) {
    %c0_i32 = arith.constant 0 : i32
    %c0_i32_0 = arith.constant 0 : i32
    %c0_i32_1 = arith.constant 0 : i32
    return %c0_i32, %c0_i32_0 : i32, i32
  }
  func.func @transform_1(%arg0: i32) -> (i32, i32) {
    %c0_i32 = arith.constant 0 : i32
    %c0_i32_0 = arith.constant 0 : i32
    %c0_i32_1 = arith.constant 0 : i32
    return %c0_i32, %c0_i32_0 : i32, i32
  }
  func.func @transform_2(%arg0: i32) -> (i32, i32) {
    %c0_i32 = arith.constant 0 : i32
    %c0_i32_0 = arith.constant 0 : i32
    %c0_i32_1 = arith.constant 0 : i32
    return %c0_i32, %c0_i32_0 : i32, i32
  }
  func.func @transform_3(%arg0: i32) -> (i32, i32, i32, i32) {
    %c0_i32 = arith.constant 0 : i32
    %c0_i32_0 = arith.constant 0 : i32
    %c0_i32_1 = arith.constant 0 : i32
    %c0_i32_2 = arith.constant 0 : i32
    return %arg0, %c0_i32, %c0_i32_0, %c0_i32_1 : i32, i32, i32, i32
  }
}

module attributes {stable_mosaic.version = 14 : i64} {
  func.func @_select_kernel(%arg0: memref<64x512xf32, #tpu.memory_space<vmem>>, %arg1: memref<64x512xi32, #tpu.memory_space<vmem>>, %arg2: memref<1x9xi32, #tpu.memory_space<smem>>, %arg3: memref<9x9xi32, #tpu.memory_space<smem>>, %arg4: memref<9x9xf32, #tpu.memory_space<smem>>) attributes {dimension_semantics = [], scalar_prefetch = 0 : i64, scratch_operands = 0 : i64, tpu.core_type = #tpu.core_type<tc>} {
    %get3A = arith.constant 0 : index
    %get3A_0 = arith.constant 0 : index
    %get3A_1 = vector.load %arg0[%get3A, %get3A_0] : memref<64x512xf32, #tpu.memory_space<vmem>>, vector<64x512xf32>
    %get3A_2 = arith.constant 0 : index
    %get3A_3 = arith.constant 0 : index
    %get3A_4 = vector.load %arg1[%get3A_2, %get3A_3] : memref<64x512xi32, #tpu.memory_space<vmem>>, vector<64x512xi32>
    %reduce_sum3A = arith.constant dense<0.000000e+00> : vector<512xf32>
    %reduce_sum3A_5 = vector.multi_reduction <add>, %get3A_1, %reduce_sum3A [0] : vector<64x512xf32> to vector<512xf32>
    %broadcast_in_dim3A = vector.shape_cast %reduce_sum3A_5 : vector<512xf32> to vector<1x512xf32>
    %mul3A = arith.constant 1.562500e-02 : f32
    %mul3A_6 = vector.broadcast %mul3A : f32 to vector<1x512xf32>
    %mul3A_7 = arith.mulf %broadcast_in_dim3A, %mul3A_6 : vector<1x512xf32>
    %iota3A = tpu.iota {dimensions = array<i32: 1>} : vector<1x512xi32>
    %iota3A_8 = tpu.iota {dimensions = array<i32: 1>} : vector<64x512xi32>
    %iota3A_9 = tpu.iota {dimensions = array<i32: 0>} : vector<64x1xi32>
    %reduce_max3A = vector.shape_cast %mul3A_7 : vector<1x512xf32> to vector<1x1x512xf32>
    %reduce_max3A_10 = arith.constant dense<0xFF800000> : vector<1xf32>
    %reduce_max3A_11 = vector.multi_reduction <maximumf>, %reduce_max3A, %reduce_max3A_10 [1, 2] : vector<1x1x512xf32> to vector<1xf32>
    %reduce_max3A_12 = vector.shape_cast %reduce_max3A_11 : vector<1xf32> to vector<1x1x1xf32>
    %reduce_max3A_13 = vector.extract %reduce_max3A_12[0, 0, 0] : f32 from vector<1x1x1xf32>
    %eq3A = vector.broadcast %reduce_max3A_13 : f32 to vector<1x512xf32>
    %eq3A_14 = arith.cmpf oeq, %mul3A_7, %eq3A : vector<1x512xf32>
    %jit3A = arith.constant 512 : i32
    %broadcast_in_dim3A_15 = vector.broadcast %jit3A : i32 to vector<1x512xi32>
    %select_n3A = arith.select %eq3A_14, %iota3A, %broadcast_in_dim3A_15 : vector<1x512xi1>, vector<1x512xi32>
    %reduce_min3A = vector.shape_cast %select_n3A : vector<1x512xi32> to vector<1x1x512xi32>
    %reduce_min3A_16 = arith.constant dense<2147483647> : vector<1xi32>
    %reduce_min3A_17 = vector.multi_reduction <minsi>, %reduce_min3A, %reduce_min3A_16 [1, 2] : vector<1x1x512xi32> to vector<1xi32>
    %reduce_min3A_18 = vector.shape_cast %reduce_min3A_17 : vector<1xi32> to vector<1x1x1xi32>
    %reduce_min3A_19 = vector.extract %reduce_min3A_18[0, 0, 0] : i32 from vector<1x1x1xi32>
    %eq3A_20 = vector.broadcast %reduce_min3A_19 : i32 to vector<1x512xi32>
    %eq3A_21 = arith.cmpi eq, %iota3A, %eq3A_20 : vector<1x512xi32>
    %jit3A_22 = arith.constant 0xFF800000 : f32
    %broadcast_in_dim3A_23 = vector.broadcast %jit3A_22 : f32 to vector<1x512xf32>
    %select_n3A_24 = arith.select %eq3A_21, %broadcast_in_dim3A_23, %mul3A_7 : vector<1x512xi1>, vector<1x512xf32>
    %swap3A = arith.constant 0 : index
    %swap3A_25 = arith.constant 0 : index
    %swap3A_26 = memref.load %arg2[%swap3A, %swap3A_25] : memref<1x9xi32, #tpu.memory_space<smem>>
    memref.store %reduce_min3A_19, %arg2[%swap3A, %swap3A_25] : memref<1x9xi32, #tpu.memory_space<smem>>
    %eq3A_27 = vector.broadcast %reduce_min3A_19 : i32 to vector<64x512xi32>
    %eq3A_28 = arith.cmpi eq, %iota3A_8, %eq3A_27 : vector<64x512xi32>
    %jit3A_29 = arith.constant 0xFF800000 : f32
    %broadcast_in_dim3A_30 = vector.broadcast %jit3A_29 : f32 to vector<64x512xf32>
    %select_n3A_31 = arith.select %eq3A_28, %get3A_1, %broadcast_in_dim3A_30 : vector<64x512xi1>, vector<64x512xf32>
    %reduce_max3A_32 = arith.constant dense<0xFF800000> : vector<64xf32>
    %reduce_max3A_33 = vector.multi_reduction <maximumf>, %select_n3A_31, %reduce_max3A_32 [1] : vector<64x512xf32> to vector<64xf32>
    %broadcast_in_dim3A_34 = vector.shape_cast %reduce_max3A_33 : vector<64xf32> to vector<64x1xf32>
    %jit3A_35 = arith.constant 0 : i32
    %broadcast_in_dim3A_36 = vector.broadcast %jit3A_35 : i32 to vector<64x512xi32>
    %select_n3A_37 = arith.select %eq3A_28, %get3A_4, %broadcast_in_dim3A_36 : vector<64x512xi1>, vector<64x512xi32>
    %reduce_max3A_38 = arith.constant dense<-2147483648> : vector<64xi32>
    %reduce_max3A_39 = vector.multi_reduction <maxsi>, %select_n3A_37, %reduce_max3A_38 [1] : vector<64x512xi32> to vector<64xi32>
    %broadcast_in_dim3A_40 = vector.shape_cast %reduce_max3A_39 : vector<64xi32> to vector<64x1xi32>
    %reduce_max3A_41 = vector.shape_cast %broadcast_in_dim3A_34 : vector<64x1xf32> to vector<1x64x1xf32>
    %reduce_max3A_42 = arith.constant dense<0xFF800000> : vector<1xf32>
    %reduce_max3A_43 = vector.multi_reduction <maximumf>, %reduce_max3A_41, %reduce_max3A_42 [1, 2] : vector<1x64x1xf32> to vector<1xf32>
    %reduce_max3A_44 = vector.shape_cast %reduce_max3A_43 : vector<1xf32> to vector<1x1x1xf32>
    %reduce_max3A_45 = vector.extract %reduce_max3A_44[0, 0, 0] : f32 from vector<1x1x1xf32>
    %eq3A_46 = vector.broadcast %reduce_max3A_45 : f32 to vector<64x1xf32>
    %eq3A_47 = arith.cmpf oeq, %broadcast_in_dim3A_34, %eq3A_46 : vector<64x1xf32>
    %jit3A_48 = arith.constant 64 : i32
    %broadcast_in_dim3A_49 = vector.broadcast %jit3A_48 : i32 to vector<64x1xi32>
    %select_n3A_50 = arith.select %eq3A_47, %iota3A_9, %broadcast_in_dim3A_49 : vector<64x1xi1>, vector<64x1xi32>
    %reduce_min3A_51 = vector.shape_cast %select_n3A_50 : vector<64x1xi32> to vector<1x64x1xi32>
    %reduce_min3A_52 = arith.constant dense<2147483647> : vector<1xi32>
    %reduce_min3A_53 = vector.multi_reduction <minsi>, %reduce_min3A_51, %reduce_min3A_52 [1, 2] : vector<1x64x1xi32> to vector<1xi32>
    %reduce_min3A_54 = vector.shape_cast %reduce_min3A_53 : vector<1xi32> to vector<1x1x1xi32>
    %reduce_min3A_55 = vector.extract %reduce_min3A_54[0, 0, 0] : i32 from vector<1x1x1xi32>
    %swap3A_56 = arith.constant 0 : index
    %swap3A_57 = arith.constant 0 : index
    %swap3A_58 = memref.load %arg4[%swap3A_56, %swap3A_57] : memref<9x9xf32, #tpu.memory_space<smem>>
    memref.store %reduce_max3A_45, %arg4[%swap3A_56, %swap3A_57] : memref<9x9xf32, #tpu.memory_space<smem>>
    %eq3A_59 = vector.broadcast %reduce_min3A_55 : i32 to vector<64x1xi32>
    %eq3A_60 = arith.cmpi eq, %iota3A_9, %eq3A_59 : vector<64x1xi32>
    %jit3A_61 = arith.constant 0 : i32
    %broadcast_in_dim3A_62 = vector.broadcast %jit3A_61 : i32 to vector<64x1xi32>
    %select_n3A_63 = arith.select %eq3A_60, %broadcast_in_dim3A_40, %broadcast_in_dim3A_62 : vector<64x1xi1>, vector<64x1xi32>
    %reduce_max3A_64 = vector.shape_cast %select_n3A_63 : vector<64x1xi32> to vector<1x64x1xi32>
    %reduce_max3A_65 = arith.constant dense<-2147483648> : vector<1xi32>
    %reduce_max3A_66 = vector.multi_reduction <maxsi>, %reduce_max3A_64, %reduce_max3A_65 [1, 2] : vector<1x64x1xi32> to vector<1xi32>
    %reduce_max3A_67 = vector.shape_cast %reduce_max3A_66 : vector<1xi32> to vector<1x1x1xi32>
    %reduce_max3A_68 = vector.extract %reduce_max3A_67[0, 0, 0] : i32 from vector<1x1x1xi32>
    %swap3A_69 = arith.constant 0 : index
    %swap3A_70 = arith.constant 0 : index
    %swap3A_71 = memref.load %arg3[%swap3A_69, %swap3A_70] : memref<9x9xi32, #tpu.memory_space<smem>>
    memref.store %reduce_max3A_68, %arg3[%swap3A_69, %swap3A_70] : memref<9x9xi32, #tpu.memory_space<smem>>
    %eq3A_72 = vector.broadcast %reduce_min3A_55 : i32 to vector<64x1xi32>
    %eq3A_73 = arith.cmpi eq, %iota3A_9, %eq3A_72 : vector<64x1xi32>
    %jit3A_74 = arith.constant 0xFF800000 : f32
    %broadcast_in_dim3A_75 = vector.broadcast %jit3A_74 : f32 to vector<64x1xf32>
    %select_n3A_76 = arith.select %eq3A_73, %broadcast_in_dim3A_75, %broadcast_in_dim3A_34 : vector<64x1xi1>, vector<64x1xf32>
    %reduce_max3A_77 = vector.shape_cast %select_n3A_76 : vector<64x1xf32> to vector<1x64x1xf32>
    %reduce_max3A_78 = arith.constant dense<0xFF800000> : vector<1xf32>
    %reduce_max3A_79 = vector.multi_reduction <maximumf>, %reduce_max3A_77, %reduce_max3A_78 [1, 2] : vector<1x64x1xf32> to vector<1xf32>
    %reduce_max3A_80 = vector.shape_cast %reduce_max3A_79 : vector<1xf32> to vector<1x1x1xf32>
    %reduce_max3A_81 = vector.extract %reduce_max3A_80[0, 0, 0] : f32 from vector<1x1x1xf32>
    %eq3A_82 = vector.broadcast %reduce_max3A_81 : f32 to vector<64x1xf32>
    %eq3A_83 = arith.cmpf oeq, %select_n3A_76, %eq3A_82 : vector<64x1xf32>
    %jit3A_84 = arith.constant 64 : i32
    %broadcast_in_dim3A_85 = vector.broadcast %jit3A_84 : i32 to vector<64x1xi32>
    %select_n3A_86 = arith.select %eq3A_83, %iota3A_9, %broadcast_in_dim3A_85 : vector<64x1xi1>, vector<64x1xi32>
    %reduce_min3A_87 = vector.shape_cast %select_n3A_86 : vector<64x1xi32> to vector<1x64x1xi32>
    %reduce_min3A_88 = arith.constant dense<2147483647> : vector<1xi32>
    %reduce_min3A_89 = vector.multi_reduction <minsi>, %reduce_min3A_87, %reduce_min3A_88 [1, 2] : vector<1x64x1xi32> to vector<1xi32>
    %reduce_min3A_90 = vector.shape_cast %reduce_min3A_89 : vector<1xi32> to vector<1x1x1xi32>
    %reduce_min3A_91 = vector.extract %reduce_min3A_90[0, 0, 0] : i32 from vector<1x1x1xi32>
    %swap3A_92 = arith.constant 0 : index
    %swap3A_93 = arith.constant 1 : index
    %swap3A_94 = memref.load %arg4[%swap3A_92, %swap3A_93] : memref<9x9xf32, #tpu.memory_space<smem>>
    memref.store %reduce_max3A_81, %arg4[%swap3A_92, %swap3A_93] : memref<9x9xf32, #tpu.memory_space<smem>>
    %eq3A_95 = vector.broadcast %reduce_min3A_91 : i32 to vector<64x1xi32>
    %eq3A_96 = arith.cmpi eq, %iota3A_9, %eq3A_95 : vector<64x1xi32>
    %jit3A_97 = arith.constant 0 : i32
    %broadcast_in_dim3A_98 = vector.broadcast %jit3A_97 : i32 to vector<64x1xi32>
    %select_n3A_99 = arith.select %eq3A_96, %broadcast_in_dim3A_40, %broadcast_in_dim3A_98 : vector<64x1xi1>, vector<64x1xi32>
    %reduce_max3A_100 = vector.shape_cast %select_n3A_99 : vector<64x1xi32> to vector<1x64x1xi32>
    %reduce_max3A_101 = arith.constant dense<-2147483648> : vector<1xi32>
    %reduce_max3A_102 = vector.multi_reduction <maxsi>, %reduce_max3A_100, %reduce_max3A_101 [1, 2] : vector<1x64x1xi32> to vector<1xi32>
    %reduce_max3A_103 = vector.shape_cast %reduce_max3A_102 : vector<1xi32> to vector<1x1x1xi32>
    %reduce_max3A_104 = vector.extract %reduce_max3A_103[0, 0, 0] : i32 from vector<1x1x1xi32>
    %swap3A_105 = arith.constant 0 : index
    %swap3A_106 = arith.constant 1 : index
    %swap3A_107 = memref.load %arg3[%swap3A_105, %swap3A_106] : memref<9x9xi32, #tpu.memory_space<smem>>
    memref.store %reduce_max3A_104, %arg3[%swap3A_105, %swap3A_106] : memref<9x9xi32, #tpu.memory_space<smem>>
    %eq3A_108 = vector.broadcast %reduce_min3A_91 : i32 to vector<64x1xi32>
    %eq3A_109 = arith.cmpi eq, %iota3A_9, %eq3A_108 : vector<64x1xi32>
    %jit3A_110 = arith.constant 0xFF800000 : f32
    %broadcast_in_dim3A_111 = vector.broadcast %jit3A_110 : f32 to vector<64x1xf32>
    %select_n3A_112 = arith.select %eq3A_109, %broadcast_in_dim3A_111, %select_n3A_76 : vector<64x1xi1>, vector<64x1xf32>
    %reduce_max3A_113 = vector.shape_cast %select_n3A_112 : vector<64x1xf32> to vector<1x64x1xf32>
    %reduce_max3A_114 = arith.constant dense<0xFF800000> : vector<1xf32>
    %reduce_max3A_115 = vector.multi_reduction <maximumf>, %reduce_max3A_113, %reduce_max3A_114 [1, 2] : vector<1x64x1xf32> to vector<1xf32>
    %reduce_max3A_116 = vector.shape_cast %reduce_max3A_115 : vector<1xf32> to vector<1x1x1xf32>
    %reduce_max3A_117 = vector.extract %reduce_max3A_116[0, 0, 0] : f32 from vector<1x1x1xf32>
    %eq3A_118 = vector.broadcast %reduce_max3A_117 : f32 to vector<64x1xf32>
    %eq3A_119 = arith.cmpf oeq, %select_n3A_112, %eq3A_118 : vector<64x1xf32>
    %jit3A_120 = arith.constant 64 : i32
    %broadcast_in_dim3A_121 = vector.broadcast %jit3A_120 : i32 to vector<64x1xi32>
    %select_n3A_122 = arith.select %eq3A_119, %iota3A_9, %broadcast_in_dim3A_121 : vector<64x1xi1>, vector<64x1xi32>
    %reduce_min3A_123 = vector.shape_cast %select_n3A_122 : vector<64x1xi32> to vector<1x64x1xi32>
    %reduce_min3A_124 = arith.constant dense<2147483647> : vector<1xi32>
    %reduce_min3A_125 = vector.multi_reduction <minsi>, %reduce_min3A_123, %reduce_min3A_124 [1, 2] : vector<1x64x1xi32> to vector<1xi32>
    %reduce_min3A_126 = vector.shape_cast %reduce_min3A_125 : vector<1xi32> to vector<1x1x1xi32>
    %reduce_min3A_127 = vector.extract %reduce_min3A_126[0, 0, 0] : i32 from vector<1x1x1xi32>
    %swap3A_128 = arith.constant 0 : index
    %swap3A_129 = arith.constant 2 : index
    %swap3A_130 = memref.load %arg4[%swap3A_128, %swap3A_129] : memref<9x9xf32, #tpu.memory_space<smem>>
    memref.store %reduce_max3A_117, %arg4[%swap3A_128, %swap3A_129] : memref<9x9xf32, #tpu.memory_space<smem>>
    %eq3A_131 = vector.broadcast %reduce_min3A_127 : i32 to vector<64x1xi32>
    %eq3A_132 = arith.cmpi eq, %iota3A_9, %eq3A_131 : vector<64x1xi32>
    %jit3A_133 = arith.constant 0 : i32
    %broadcast_in_dim3A_134 = vector.broadcast %jit3A_133 : i32 to vector<64x1xi32>
    %select_n3A_135 = arith.select %eq3A_132, %broadcast_in_dim3A_40, %broadcast_in_dim3A_134 : vector<64x1xi1>, vector<64x1xi32>
    %reduce_max3A_136 = vector.shape_cast %select_n3A_135 : vector<64x1xi32> to vector<1x64x1xi32>
    %reduce_max3A_137 = arith.constant dense<-2147483648> : vector<1xi32>
    %reduce_max3A_138 = vector.multi_reduction <maxsi>, %reduce_max3A_136, %reduce_max3A_137 [1, 2] : vector<1x64x1xi32> to vector<1xi32>
    %reduce_max3A_139 = vector.shape_cast %reduce_max3A_138 : vector<1xi32> to vector<1x1x1xi32>
    %reduce_max3A_140 = vector.extract %reduce_max3A_139[0, 0, 0] : i32 from vector<1x1x1xi32>
    %swap3A_141 = arith.constant 0 : index
    %swap3A_142 = arith.constant 2 : index
    %swap3A_143 = memref.load %arg3[%swap3A_141, %swap3A_142] : memref<9x9xi32, #tpu.memory_space<smem>>
    memref.store %reduce_max3A_140, %arg3[%swap3A_141, %swap3A_142] : memref<9x9xi32, #tpu.memory_space<smem>>
    %eq3A_144 = vector.broadcast %reduce_min3A_127 : i32 to vector<64x1xi32>
    %eq3A_145 = arith.cmpi eq, %iota3A_9, %eq3A_144 : vector<64x1xi32>
    %jit3A_146 = arith.constant 0xFF800000 : f32
    %broadcast_in_dim3A_147 = vector.broadcast %jit3A_146 : f32 to vector<64x1xf32>
    %select_n3A_148 = arith.select %eq3A_145, %broadcast_in_dim3A_147, %select_n3A_112 : vector<64x1xi1>, vector<64x1xf32>
    %reduce_max3A_149 = vector.shape_cast %select_n3A_148 : vector<64x1xf32> to vector<1x64x1xf32>
    %reduce_max3A_150 = arith.constant dense<0xFF800000> : vector<1xf32>
    %reduce_max3A_151 = vector.multi_reduction <maximumf>, %reduce_max3A_149, %reduce_max3A_150 [1, 2] : vector<1x64x1xf32> to vector<1xf32>
    %reduce_max3A_152 = vector.shape_cast %reduce_max3A_151 : vector<1xf32> to vector<1x1x1xf32>
    %reduce_max3A_153 = vector.extract %reduce_max3A_152[0, 0, 0] : f32 from vector<1x1x1xf32>
    %eq3A_154 = vector.broadcast %reduce_max3A_153 : f32 to vector<64x1xf32>
    %eq3A_155 = arith.cmpf oeq, %select_n3A_148, %eq3A_154 : vector<64x1xf32>
    %jit3A_156 = arith.constant 64 : i32
    %broadcast_in_dim3A_157 = vector.broadcast %jit3A_156 : i32 to vector<64x1xi32>
    %select_n3A_158 = arith.select %eq3A_155, %iota3A_9, %broadcast_in_dim3A_157 : vector<64x1xi1>, vector<64x1xi32>
    %reduce_min3A_159 = vector.shape_cast %select_n3A_158 : vector<64x1xi32> to vector<1x64x1xi32>
    %reduce_min3A_160 = arith.constant dense<2147483647> : vector<1xi32>
    %reduce_min3A_161 = vector.multi_reduction <minsi>, %reduce_min3A_159, %reduce_min3A_160 [1, 2] : vector<1x64x1xi32> to vector<1xi32>
    %reduce_min3A_162 = vector.shape_cast %reduce_min3A_161 : vector<1xi32> to vector<1x1x1xi32>
    %reduce_min3A_163 = vector.extract %reduce_min3A_162[0, 0, 0] : i32 from vector<1x1x1xi32>
    %swap3A_164 = arith.constant 0 : index
    %swap3A_165 = arith.constant 3 : index
    %swap3A_166 = memref.load %arg4[%swap3A_164, %swap3A_165] : memref<9x9xf32, #tpu.memory_space<smem>>
    memref.store %reduce_max3A_153, %arg4[%swap3A_164, %swap3A_165] : memref<9x9xf32, #tpu.memory_space<smem>>
    %eq3A_167 = vector.broadcast %reduce_min3A_163 : i32 to vector<64x1xi32>
    %eq3A_168 = arith.cmpi eq, %iota3A_9, %eq3A_167 : vector<64x1xi32>
    %jit3A_169 = arith.constant 0 : i32
    %broadcast_in_dim3A_170 = vector.broadcast %jit3A_169 : i32 to vector<64x1xi32>
    %select_n3A_171 = arith.select %eq3A_168, %broadcast_in_dim3A_40, %broadcast_in_dim3A_170 : vector<64x1xi1>, vector<64x1xi32>
    %reduce_max3A_172 = vector.shape_cast %select_n3A_171 : vector<64x1xi32> to vector<1x64x1xi32>
    %reduce_max3A_173 = arith.constant dense<-2147483648> : vector<1xi32>
    %reduce_max3A_174 = vector.multi_reduction <maxsi>, %reduce_max3A_172, %reduce_max3A_173 [1, 2] : vector<1x64x1xi32> to vector<1xi32>
    %reduce_max3A_175 = vector.shape_cast %reduce_max3A_174 : vector<1xi32> to vector<1x1x1xi32>
    %reduce_max3A_176 = vector.extract %reduce_max3A_175[0, 0, 0] : i32 from vector<1x1x1xi32>
    %swap3A_177 = arith.constant 0 : index
    %swap3A_178 = arith.constant 3 : index
    %swap3A_179 = memref.load %arg3[%swap3A_177, %swap3A_178] : memref<9x9xi32, #tpu.memory_space<smem>>
    memref.store %reduce_max3A_176, %arg3[%swap3A_177, %swap3A_178] : memref<9x9xi32, #tpu.memory_space<smem>>
    %eq3A_180 = vector.broadcast %reduce_min3A_163 : i32 to vector<64x1xi32>
    %eq3A_181 = arith.cmpi eq, %iota3A_9, %eq3A_180 : vector<64x1xi32>
    %jit3A_182 = arith.constant 0xFF800000 : f32
    %broadcast_in_dim3A_183 = vector.broadcast %jit3A_182 : f32 to vector<64x1xf32>
    %select_n3A_184 = arith.select %eq3A_181, %broadcast_in_dim3A_183, %select_n3A_148 : vector<64x1xi1>, vector<64x1xf32>
    %reduce_max3A_185 = vector.shape_cast %select_n3A_184 : vector<64x1xf32> to vector<1x64x1xf32>
    %reduce_max3A_186 = arith.constant dense<0xFF800000> : vector<1xf32>
    %reduce_max3A_187 = vector.multi_reduction <maximumf>, %reduce_max3A_185, %reduce_max3A_186 [1, 2] : vector<1x64x1xf32> to vector<1xf32>
    %reduce_max3A_188 = vector.shape_cast %reduce_max3A_187 : vector<1xf32> to vector<1x1x1xf32>
    %reduce_max3A_189 = vector.extract %reduce_max3A_188[0, 0, 0] : f32 from vector<1x1x1xf32>
    %eq3A_190 = vector.broadcast %reduce_max3A_189 : f32 to vector<64x1xf32>
    %eq3A_191 = arith.cmpf oeq, %select_n3A_184, %eq3A_190 : vector<64x1xf32>
    %jit3A_192 = arith.constant 64 : i32
    %broadcast_in_dim3A_193 = vector.broadcast %jit3A_192 : i32 to vector<64x1xi32>
    %select_n3A_194 = arith.select %eq3A_191, %iota3A_9, %broadcast_in_dim3A_193 : vector<64x1xi1>, vector<64x1xi32>
    %reduce_min3A_195 = vector.shape_cast %select_n3A_194 : vector<64x1xi32> to vector<1x64x1xi32>
    %reduce_min3A_196 = arith.constant dense<2147483647> : vector<1xi32>
    %reduce_min3A_197 = vector.multi_reduction <minsi>, %reduce_min3A_195, %reduce_min3A_196 [1, 2] : vector<1x64x1xi32> to vector<1xi32>
    %reduce_min3A_198 = vector.shape_cast %reduce_min3A_197 : vector<1xi32> to vector<1x1x1xi32>
    %reduce_min3A_199 = vector.extract %reduce_min3A_198[0, 0, 0] : i32 from vector<1x1x1xi32>
    %swap3A_200 = arith.constant 0 : index
    %swap3A_201 = arith.constant 4 : index
    %swap3A_202 = memref.load %arg4[%swap3A_200, %swap3A_201] : memref<9x9xf32, #tpu.memory_space<smem>>
    memref.store %reduce_max3A_189, %arg4[%swap3A_200, %swap3A_201] : memref<9x9xf32, #tpu.memory_space<smem>>
    %eq3A_203 = vector.broadcast %reduce_min3A_199 : i32 to vector<64x1xi32>
    %eq3A_204 = arith.cmpi eq, %iota3A_9, %eq3A_203 : vector<64x1xi32>
    %jit3A_205 = arith.constant 0 : i32
    %broadcast_in_dim3A_206 = vector.broadcast %jit3A_205 : i32 to vector<64x1xi32>
    %select_n3A_207 = arith.select %eq3A_204, %broadcast_in_dim3A_40, %broadcast_in_dim3A_206 : vector<64x1xi1>, vector<64x1xi32>
    %reduce_max3A_208 = vector.shape_cast %select_n3A_207 : vector<64x1xi32> to vector<1x64x1xi32>
    %reduce_max3A_209 = arith.constant dense<-2147483648> : vector<1xi32>
    %reduce_max3A_210 = vector.multi_reduction <maxsi>, %reduce_max3A_208, %reduce_max3A_209 [1, 2] : vector<1x64x1xi32> to vector<1xi32>
    %reduce_max3A_211 = vector.shape_cast %reduce_max3A_210 : vector<1xi32> to vector<1x1x1xi32>
    %reduce_max3A_212 = vector.extract %reduce_max3A_211[0, 0, 0] : i32 from vector<1x1x1xi32>
    %swap3A_213 = arith.constant 0 : index
    %swap3A_214 = arith.constant 4 : index
    %swap3A_215 = memref.load %arg3[%swap3A_213, %swap3A_214] : memref<9x9xi32, #tpu.memory_space<smem>>
    memref.store %reduce_max3A_212, %arg3[%swap3A_213, %swap3A_214] : memref<9x9xi32, #tpu.memory_space<smem>>
    %eq3A_216 = vector.broadcast %reduce_min3A_199 : i32 to vector<64x1xi32>
    %eq3A_217 = arith.cmpi eq, %iota3A_9, %eq3A_216 : vector<64x1xi32>
    %jit3A_218 = arith.constant 0xFF800000 : f32
    %broadcast_in_dim3A_219 = vector.broadcast %jit3A_218 : f32 to vector<64x1xf32>
    %select_n3A_220 = arith.select %eq3A_217, %broadcast_in_dim3A_219, %select_n3A_184 : vector<64x1xi1>, vector<64x1xf32>
    %reduce_max3A_221 = vector.shape_cast %select_n3A_220 : vector<64x1xf32> to vector<1x64x1xf32>
    %reduce_max3A_222 = arith.constant dense<0xFF800000> : vector<1xf32>
    %reduce_max3A_223 = vector.multi_reduction <maximumf>, %reduce_max3A_221, %reduce_max3A_222 [1, 2] : vector<1x64x1xf32> to vector<1xf32>
    %reduce_max3A_224 = vector.shape_cast %reduce_max3A_223 : vector<1xf32> to vector<1x1x1xf32>
    %reduce_max3A_225 = vector.extract %reduce_max3A_224[0, 0, 0] : f32 from vector<1x1x1xf32>
    %eq3A_226 = vector.broadcast %reduce_max3A_225 : f32 to vector<64x1xf32>
    %eq3A_227 = arith.cmpf oeq, %select_n3A_220, %eq3A_226 : vector<64x1xf32>
    %jit3A_228 = arith.constant 64 : i32
    %broadcast_in_dim3A_229 = vector.broadcast %jit3A_228 : i32 to vector<64x1xi32>
    %select_n3A_230 = arith.select %eq3A_227, %iota3A_9, %broadcast_in_dim3A_229 : vector<64x1xi1>, vector<64x1xi32>
    %reduce_min3A_231 = vector.shape_cast %select_n3A_230 : vector<64x1xi32> to vector<1x64x1xi32>
    %reduce_min3A_232 = arith.constant dense<2147483647> : vector<1xi32>
    %reduce_min3A_233 = vector.multi_reduction <minsi>, %reduce_min3A_231, %reduce_min3A_232 [1, 2] : vector<1x64x1xi32> to vector<1xi32>
    %reduce_min3A_234 = vector.shape_cast %reduce_min3A_233 : vector<1xi32> to vector<1x1x1xi32>
    %reduce_min3A_235 = vector.extract %reduce_min3A_234[0, 0, 0] : i32 from vector<1x1x1xi32>
    %swap3A_236 = arith.constant 0 : index
    %swap3A_237 = arith.constant 5 : index
    %swap3A_238 = memref.load %arg4[%swap3A_236, %swap3A_237] : memref<9x9xf32, #tpu.memory_space<smem>>
    memref.store %reduce_max3A_225, %arg4[%swap3A_236, %swap3A_237] : memref<9x9xf32, #tpu.memory_space<smem>>
    %eq3A_239 = vector.broadcast %reduce_min3A_235 : i32 to vector<64x1xi32>
    %eq3A_240 = arith.cmpi eq, %iota3A_9, %eq3A_239 : vector<64x1xi32>
    %jit3A_241 = arith.constant 0 : i32
    %broadcast_in_dim3A_242 = vector.broadcast %jit3A_241 : i32 to vector<64x1xi32>
    %select_n3A_243 = arith.select %eq3A_240, %broadcast_in_dim3A_40, %broadcast_in_dim3A_242 : vector<64x1xi1>, vector<64x1xi32>
    %reduce_max3A_244 = vector.shape_cast %select_n3A_243 : vector<64x1xi32> to vector<1x64x1xi32>
    %reduce_max3A_245 = arith.constant dense<-2147483648> : vector<1xi32>
    %reduce_max3A_246 = vector.multi_reduction <maxsi>, %reduce_max3A_244, %reduce_max3A_245 [1, 2] : vector<1x64x1xi32> to vector<1xi32>
    %reduce_max3A_247 = vector.shape_cast %reduce_max3A_246 : vector<1xi32> to vector<1x1x1xi32>
    %reduce_max3A_248 = vector.extract %reduce_max3A_247[0, 0, 0] : i32 from vector<1x1x1xi32>
    %swap3A_249 = arith.constant 0 : index
    %swap3A_250 = arith.constant 5 : index
    %swap3A_251 = memref.load %arg3[%swap3A_249, %swap3A_250] : memref<9x9xi32, #tpu.memory_space<smem>>
    memref.store %reduce_max3A_248, %arg3[%swap3A_249, %swap3A_250] : memref<9x9xi32, #tpu.memory_space<smem>>
    %eq3A_252 = vector.broadcast %reduce_min3A_235 : i32 to vector<64x1xi32>
    %eq3A_253 = arith.cmpi eq, %iota3A_9, %eq3A_252 : vector<64x1xi32>
    %jit3A_254 = arith.constant 0xFF800000 : f32
    %broadcast_in_dim3A_255 = vector.broadcast %jit3A_254 : f32 to vector<64x1xf32>
    %select_n3A_256 = arith.select %eq3A_253, %broadcast_in_dim3A_255, %select_n3A_220 : vector<64x1xi1>, vector<64x1xf32>
    %reduce_max3A_257 = vector.shape_cast %select_n3A_256 : vector<64x1xf32> to vector<1x64x1xf32>
    %reduce_max3A_258 = arith.constant dense<0xFF800000> : vector<1xf32>
    %reduce_max3A_259 = vector.multi_reduction <maximumf>, %reduce_max3A_257, %reduce_max3A_258 [1, 2] : vector<1x64x1xf32> to vector<1xf32>
    %reduce_max3A_260 = vector.shape_cast %reduce_max3A_259 : vector<1xf32> to vector<1x1x1xf32>
    %reduce_max3A_261 = vector.extract %reduce_max3A_260[0, 0, 0] : f32 from vector<1x1x1xf32>
    %eq3A_262 = vector.broadcast %reduce_max3A_261 : f32 to vector<64x1xf32>
    %eq3A_263 = arith.cmpf oeq, %select_n3A_256, %eq3A_262 : vector<64x1xf32>
    %jit3A_264 = arith.constant 64 : i32
    %broadcast_in_dim3A_265 = vector.broadcast %jit3A_264 : i32 to vector<64x1xi32>
    %select_n3A_266 = arith.select %eq3A_263, %iota3A_9, %broadcast_in_dim3A_265 : vector<64x1xi1>, vector<64x1xi32>
    %reduce_min3A_267 = vector.shape_cast %select_n3A_266 : vector<64x1xi32> to vector<1x64x1xi32>
    %reduce_min3A_268 = arith.constant dense<2147483647> : vector<1xi32>
    %reduce_min3A_269 = vector.multi_reduction <minsi>, %reduce_min3A_267, %reduce_min3A_268 [1, 2] : vector<1x64x1xi32> to vector<1xi32>
    %reduce_min3A_270 = vector.shape_cast %reduce_min3A_269 : vector<1xi32> to vector<1x1x1xi32>
    %reduce_min3A_271 = vector.extract %reduce_min3A_270[0, 0, 0] : i32 from vector<1x1x1xi32>
    %swap3A_272 = arith.constant 0 : index
    %swap3A_273 = arith.constant 6 : index
    %swap3A_274 = memref.load %arg4[%swap3A_272, %swap3A_273] : memref<9x9xf32, #tpu.memory_space<smem>>
    memref.store %reduce_max3A_261, %arg4[%swap3A_272, %swap3A_273] : memref<9x9xf32, #tpu.memory_space<smem>>
    %eq3A_275 = vector.broadcast %reduce_min3A_271 : i32 to vector<64x1xi32>
    %eq3A_276 = arith.cmpi eq, %iota3A_9, %eq3A_275 : vector<64x1xi32>
    %jit3A_277 = arith.constant 0 : i32
    %broadcast_in_dim3A_278 = vector.broadcast %jit3A_277 : i32 to vector<64x1xi32>
    %select_n3A_279 = arith.select %eq3A_276, %broadcast_in_dim3A_40, %broadcast_in_dim3A_278 : vector<64x1xi1>, vector<64x1xi32>
    %reduce_max3A_280 = vector.shape_cast %select_n3A_279 : vector<64x1xi32> to vector<1x64x1xi32>
    %reduce_max3A_281 = arith.constant dense<-2147483648> : vector<1xi32>
    %reduce_max3A_282 = vector.multi_reduction <maxsi>, %reduce_max3A_280, %reduce_max3A_281 [1, 2] : vector<1x64x1xi32> to vector<1xi32>
    %reduce_max3A_283 = vector.shape_cast %reduce_max3A_282 : vector<1xi32> to vector<1x1x1xi32>
    %reduce_max3A_284 = vector.extract %reduce_max3A_283[0, 0, 0] : i32 from vector<1x1x1xi32>
    %swap3A_285 = arith.constant 0 : index
    %swap3A_286 = arith.constant 6 : index
    %swap3A_287 = memref.load %arg3[%swap3A_285, %swap3A_286] : memref<9x9xi32, #tpu.memory_space<smem>>
    memref.store %reduce_max3A_284, %arg3[%swap3A_285, %swap3A_286] : memref<9x9xi32, #tpu.memory_space<smem>>
    %eq3A_288 = vector.broadcast %reduce_min3A_271 : i32 to vector<64x1xi32>
    %eq3A_289 = arith.cmpi eq, %iota3A_9, %eq3A_288 : vector<64x1xi32>
    %jit3A_290 = arith.constant 0xFF800000 : f32
    %broadcast_in_dim3A_291 = vector.broadcast %jit3A_290 : f32 to vector<64x1xf32>
    %select_n3A_292 = arith.select %eq3A_289, %broadcast_in_dim3A_291, %select_n3A_256 : vector<64x1xi1>, vector<64x1xf32>
    %reduce_max3A_293 = vector.shape_cast %select_n3A_292 : vector<64x1xf32> to vector<1x64x1xf32>
    %reduce_max3A_294 = arith.constant dense<0xFF800000> : vector<1xf32>
    %reduce_max3A_295 = vector.multi_reduction <maximumf>, %reduce_max3A_293, %reduce_max3A_294 [1, 2] : vector<1x64x1xf32> to vector<1xf32>
    %reduce_max3A_296 = vector.shape_cast %reduce_max3A_295 : vector<1xf32> to vector<1x1x1xf32>
    %reduce_max3A_297 = vector.extract %reduce_max3A_296[0, 0, 0] : f32 from vector<1x1x1xf32>
    %eq3A_298 = vector.broadcast %reduce_max3A_297 : f32 to vector<64x1xf32>
    %eq3A_299 = arith.cmpf oeq, %select_n3A_292, %eq3A_298 : vector<64x1xf32>
    %jit3A_300 = arith.constant 64 : i32
    %broadcast_in_dim3A_301 = vector.broadcast %jit3A_300 : i32 to vector<64x1xi32>
    %select_n3A_302 = arith.select %eq3A_299, %iota3A_9, %broadcast_in_dim3A_301 : vector<64x1xi1>, vector<64x1xi32>
    %reduce_min3A_303 = vector.shape_cast %select_n3A_302 : vector<64x1xi32> to vector<1x64x1xi32>
    %reduce_min3A_304 = arith.constant dense<2147483647> : vector<1xi32>
    %reduce_min3A_305 = vector.multi_reduction <minsi>, %reduce_min3A_303, %reduce_min3A_304 [1, 2] : vector<1x64x1xi32> to vector<1xi32>
    %reduce_min3A_306 = vector.shape_cast %reduce_min3A_305 : vector<1xi32> to vector<1x1x1xi32>
    %reduce_min3A_307 = vector.extract %reduce_min3A_306[0, 0, 0] : i32 from vector<1x1x1xi32>
    %swap3A_308 = arith.constant 0 : index
    %swap3A_309 = arith.constant 7 : index
    %swap3A_310 = memref.load %arg4[%swap3A_308, %swap3A_309] : memref<9x9xf32, #tpu.memory_space<smem>>
    memref.store %reduce_max3A_297, %arg4[%swap3A_308, %swap3A_309] : memref<9x9xf32, #tpu.memory_space<smem>>
    %eq3A_311 = vector.broadcast %reduce_min3A_307 : i32 to vector<64x1xi32>
    %eq3A_312 = arith.cmpi eq, %iota3A_9, %eq3A_311 : vector<64x1xi32>
    %jit3A_313 = arith.constant 0 : i32
    %broadcast_in_dim3A_314 = vector.broadcast %jit3A_313 : i32 to vector<64x1xi32>
    %select_n3A_315 = arith.select %eq3A_312, %broadcast_in_dim3A_40, %broadcast_in_dim3A_314 : vector<64x1xi1>, vector<64x1xi32>
    %reduce_max3A_316 = vector.shape_cast %select_n3A_315 : vector<64x1xi32> to vector<1x64x1xi32>
    %reduce_max3A_317 = arith.constant dense<-2147483648> : vector<1xi32>
    %reduce_max3A_318 = vector.multi_reduction <maxsi>, %reduce_max3A_316, %reduce_max3A_317 [1, 2] : vector<1x64x1xi32> to vector<1xi32>
    %reduce_max3A_319 = vector.shape_cast %reduce_max3A_318 : vector<1xi32> to vector<1x1x1xi32>
    %reduce_max3A_320 = vector.extract %reduce_max3A_319[0, 0, 0] : i32 from vector<1x1x1xi32>
    %swap3A_321 = arith.constant 0 : index
    %swap3A_322 = arith.constant 7 : index
    %swap3A_323 = memref.load %arg3[%swap3A_321, %swap3A_322] : memref<9x9xi32, #tpu.memory_space<smem>>
    memref.store %reduce_max3A_320, %arg3[%swap3A_321, %swap3A_322] : memref<9x9xi32, #tpu.memory_space<smem>>
    %eq3A_324 = vector.broadcast %reduce_min3A_307 : i32 to vector<64x1xi32>
    %eq3A_325 = arith.cmpi eq, %iota3A_9, %eq3A_324 : vector<64x1xi32>
    %jit3A_326 = arith.constant 0xFF800000 : f32
    %broadcast_in_dim3A_327 = vector.broadcast %jit3A_326 : f32 to vector<64x1xf32>
    %select_n3A_328 = arith.select %eq3A_325, %broadcast_in_dim3A_327, %select_n3A_292 : vector<64x1xi1>, vector<64x1xf32>
    %reduce_max3A_329 = vector.shape_cast %select_n3A_328 : vector<64x1xf32> to vector<1x64x1xf32>
    %reduce_max3A_330 = arith.constant dense<0xFF800000> : vector<1xf32>
    %reduce_max3A_331 = vector.multi_reduction <maximumf>, %reduce_max3A_329, %reduce_max3A_330 [1, 2] : vector<1x64x1xf32> to vector<1xf32>
    %reduce_max3A_332 = vector.shape_cast %reduce_max3A_331 : vector<1xf32> to vector<1x1x1xf32>
    %reduce_max3A_333 = vector.extract %reduce_max3A_332[0, 0, 0] : f32 from vector<1x1x1xf32>
    %eq3A_334 = vector.broadcast %reduce_max3A_333 : f32 to vector<64x1xf32>
    %eq3A_335 = arith.cmpf oeq, %select_n3A_328, %eq3A_334 : vector<64x1xf32>
    %jit3A_336 = arith.constant 64 : i32
    %broadcast_in_dim3A_337 = vector.broadcast %jit3A_336 : i32 to vector<64x1xi32>
    %select_n3A_338 = arith.select %eq3A_335, %iota3A_9, %broadcast_in_dim3A_337 : vector<64x1xi1>, vector<64x1xi32>
    %reduce_min3A_339 = vector.shape_cast %select_n3A_338 : vector<64x1xi32> to vector<1x64x1xi32>
    %reduce_min3A_340 = arith.constant dense<2147483647> : vector<1xi32>
    %reduce_min3A_341 = vector.multi_reduction <minsi>, %reduce_min3A_339, %reduce_min3A_340 [1, 2] : vector<1x64x1xi32> to vector<1xi32>
    %reduce_min3A_342 = vector.shape_cast %reduce_min3A_341 : vector<1xi32> to vector<1x1x1xi32>
    %reduce_min3A_343 = vector.extract %reduce_min3A_342[0, 0, 0] : i32 from vector<1x1x1xi32>
    %swap3A_344 = arith.constant 0 : index
    %swap3A_345 = arith.constant 8 : index
    %swap3A_346 = memref.load %arg4[%swap3A_344, %swap3A_345] : memref<9x9xf32, #tpu.memory_space<smem>>
    memref.store %reduce_max3A_333, %arg4[%swap3A_344, %swap3A_345] : memref<9x9xf32, #tpu.memory_space<smem>>
    %eq3A_347 = vector.broadcast %reduce_min3A_343 : i32 to vector<64x1xi32>
    %eq3A_348 = arith.cmpi eq, %iota3A_9, %eq3A_347 : vector<64x1xi32>
    %jit3A_349 = arith.constant 0 : i32
    %broadcast_in_dim3A_350 = vector.broadcast %jit3A_349 : i32 to vector<64x1xi32>
    %select_n3A_351 = arith.select %eq3A_348, %broadcast_in_dim3A_40, %broadcast_in_dim3A_350 : vector<64x1xi1>, vector<64x1xi32>
    %reduce_max3A_352 = vector.shape_cast %select_n3A_351 : vector<64x1xi32> to vector<1x64x1xi32>
    %reduce_max3A_353 = arith.constant dense<-2147483648> : vector<1xi32>
    %reduce_max3A_354 = vector.multi_reduction <maxsi>, %reduce_max3A_352, %reduce_max3A_353 [1, 2] : vector<1x64x1xi32> to vector<1xi32>
    %reduce_max3A_355 = vector.shape_cast %reduce_max3A_354 : vector<1xi32> to vector<1x1x1xi32>
    %reduce_max3A_356 = vector.extract %reduce_max3A_355[0, 0, 0] : i32 from vector<1x1x1xi32>
    %swap3A_357 = arith.constant 0 : index
    %swap3A_358 = arith.constant 8 : index
    %swap3A_359 = memref.load %arg3[%swap3A_357, %swap3A_358] : memref<9x9xi32, #tpu.memory_space<smem>>
    memref.store %reduce_max3A_356, %arg3[%swap3A_357, %swap3A_358] : memref<9x9xi32, #tpu.memory_space<smem>>
    %reduce_max3A_360 = vector.shape_cast %select_n3A_24 : vector<1x512xf32> to vector<1x1x512xf32>
    %reduce_max3A_361 = arith.constant dense<0xFF800000> : vector<1xf32>
    %reduce_max3A_362 = vector.multi_reduction <maximumf>, %reduce_max3A_360, %reduce_max3A_361 [1, 2] : vector<1x1x512xf32> to vector<1xf32>
    %reduce_max3A_363 = vector.shape_cast %reduce_max3A_362 : vector<1xf32> to vector<1x1x1xf32>
    %reduce_max3A_364 = vector.extract %reduce_max3A_363[0, 0, 0] : f32 from vector<1x1x1xf32>
    %eq3A_365 = vector.broadcast %reduce_max3A_364 : f32 to vector<1x512xf32>
    %eq3A_366 = arith.cmpf oeq, %select_n3A_24, %eq3A_365 : vector<1x512xf32>
    %jit3A_367 = arith.constant 512 : i32
    %broadcast_in_dim3A_368 = vector.broadcast %jit3A_367 : i32 to vector<1x512xi32>
    %select_n3A_369 = arith.select %eq3A_366, %iota3A, %broadcast_in_dim3A_368 : vector<1x512xi1>, vector<1x512xi32>
    %reduce_min3A_370 = vector.shape_cast %select_n3A_369 : vector<1x512xi32> to vector<1x1x512xi32>
    %reduce_min3A_371 = arith.constant dense<2147483647> : vector<1xi32>
    %reduce_min3A_372 = vector.multi_reduction <minsi>, %reduce_min3A_370, %reduce_min3A_371 [1, 2] : vector<1x1x512xi32> to vector<1xi32>
    %reduce_min3A_373 = vector.shape_cast %reduce_min3A_372 : vector<1xi32> to vector<1x1x1xi32>
    %reduce_min3A_374 = vector.extract %reduce_min3A_373[0, 0, 0] : i32 from vector<1x1x1xi32>
    %eq3A_375 = vector.broadcast %reduce_min3A_374 : i32 to vector<1x512xi32>
    %eq3A_376 = arith.cmpi eq, %iota3A, %eq3A_375 : vector<1x512xi32>
    %jit3A_377 = arith.constant 0xFF800000 : f32
    %broadcast_in_dim3A_378 = vector.broadcast %jit3A_377 : f32 to vector<1x512xf32>
    %select_n3A_379 = arith.select %eq3A_376, %broadcast_in_dim3A_378, %select_n3A_24 : vector<1x512xi1>, vector<1x512xf32>
    %swap3A_380 = arith.constant 0 : index
    %swap3A_381 = arith.constant 1 : index
    %swap3A_382 = memref.load %arg2[%swap3A_380, %swap3A_381] : memref<1x9xi32, #tpu.memory_space<smem>>
    memref.store %reduce_min3A_374, %arg2[%swap3A_380, %swap3A_381] : memref<1x9xi32, #tpu.memory_space<smem>>
    %eq3A_383 = vector.broadcast %reduce_min3A_374 : i32 to vector<64x512xi32>
    %eq3A_384 = arith.cmpi eq, %iota3A_8, %eq3A_383 : vector<64x512xi32>
    %jit3A_385 = arith.constant 0xFF800000 : f32
    %broadcast_in_dim3A_386 = vector.broadcast %jit3A_385 : f32 to vector<64x512xf32>
    %select_n3A_387 = arith.select %eq3A_384, %get3A_1, %broadcast_in_dim3A_386 : vector<64x512xi1>, vector<64x512xf32>
    %reduce_max3A_388 = arith.constant dense<0xFF800000> : vector<64xf32>
    %reduce_max3A_389 = vector.multi_reduction <maximumf>, %select_n3A_387, %reduce_max3A_388 [1] : vector<64x512xf32> to vector<64xf32>
    %broadcast_in_dim3A_390 = vector.shape_cast %reduce_max3A_389 : vector<64xf32> to vector<64x1xf32>
    %jit3A_391 = arith.constant 0 : i32
    %broadcast_in_dim3A_392 = vector.broadcast %jit3A_391 : i32 to vector<64x512xi32>
    %select_n3A_393 = arith.select %eq3A_384, %get3A_4, %broadcast_in_dim3A_392 : vector<64x512xi1>, vector<64x512xi32>
    %reduce_max3A_394 = arith.constant dense<-2147483648> : vector<64xi32>
    %reduce_max3A_395 = vector.multi_reduction <maxsi>, %select_n3A_393, %reduce_max3A_394 [1] : vector<64x512xi32> to vector<64xi32>
    %broadcast_in_dim3A_396 = vector.shape_cast %reduce_max3A_395 : vector<64xi32> to vector<64x1xi32>
    %reduce_max3A_397 = vector.shape_cast %broadcast_in_dim3A_390 : vector<64x1xf32> to vector<1x64x1xf32>
    %reduce_max3A_398 = arith.constant dense<0xFF800000> : vector<1xf32>
    %reduce_max3A_399 = vector.multi_reduction <maximumf>, %reduce_max3A_397, %reduce_max3A_398 [1, 2] : vector<1x64x1xf32> to vector<1xf32>
    %reduce_max3A_400 = vector.shape_cast %reduce_max3A_399 : vector<1xf32> to vector<1x1x1xf32>
    %reduce_max3A_401 = vector.extract %reduce_max3A_400[0, 0, 0] : f32 from vector<1x1x1xf32>
    %eq3A_402 = vector.broadcast %reduce_max3A_401 : f32 to vector<64x1xf32>
    %eq3A_403 = arith.cmpf oeq, %broadcast_in_dim3A_390, %eq3A_402 : vector<64x1xf32>
    %jit3A_404 = arith.constant 64 : i32
    %broadcast_in_dim3A_405 = vector.broadcast %jit3A_404 : i32 to vector<64x1xi32>
    %select_n3A_406 = arith.select %eq3A_403, %iota3A_9, %broadcast_in_dim3A_405 : vector<64x1xi1>, vector<64x1xi32>
    %reduce_min3A_407 = vector.shape_cast %select_n3A_406 : vector<64x1xi32> to vector<1x64x1xi32>
    %reduce_min3A_408 = arith.constant dense<2147483647> : vector<1xi32>
    %reduce_min3A_409 = vector.multi_reduction <minsi>, %reduce_min3A_407, %reduce_min3A_408 [1, 2] : vector<1x64x1xi32> to vector<1xi32>
    %reduce_min3A_410 = vector.shape_cast %reduce_min3A_409 : vector<1xi32> to vector<1x1x1xi32>
    %reduce_min3A_411 = vector.extract %reduce_min3A_410[0, 0, 0] : i32 from vector<1x1x1xi32>
    %swap3A_412 = arith.constant 1 : index
    %swap3A_413 = arith.constant 0 : index
    %swap3A_414 = memref.load %arg4[%swap3A_412, %swap3A_413] : memref<9x9xf32, #tpu.memory_space<smem>>
    memref.store %reduce_max3A_401, %arg4[%swap3A_412, %swap3A_413] : memref<9x9xf32, #tpu.memory_space<smem>>
    %eq3A_415 = vector.broadcast %reduce_min3A_411 : i32 to vector<64x1xi32>
    %eq3A_416 = arith.cmpi eq, %iota3A_9, %eq3A_415 : vector<64x1xi32>
    %jit3A_417 = arith.constant 0 : i32
    %broadcast_in_dim3A_418 = vector.broadcast %jit3A_417 : i32 to vector<64x1xi32>
    %select_n3A_419 = arith.select %eq3A_416, %broadcast_in_dim3A_396, %broadcast_in_dim3A_418 : vector<64x1xi1>, vector<64x1xi32>
    %reduce_max3A_420 = vector.shape_cast %select_n3A_419 : vector<64x1xi32> to vector<1x64x1xi32>
    %reduce_max3A_421 = arith.constant dense<-2147483648> : vector<1xi32>
    %reduce_max3A_422 = vector.multi_reduction <maxsi>, %reduce_max3A_420, %reduce_max3A_421 [1, 2] : vector<1x64x1xi32> to vector<1xi32>
    %reduce_max3A_423 = vector.shape_cast %reduce_max3A_422 : vector<1xi32> to vector<1x1x1xi32>
    %reduce_max3A_424 = vector.extract %reduce_max3A_423[0, 0, 0] : i32 from vector<1x1x1xi32>
    %swap3A_425 = arith.constant 1 : index
    %swap3A_426 = arith.constant 0 : index
    %swap3A_427 = memref.load %arg3[%swap3A_425, %swap3A_426] : memref<9x9xi32, #tpu.memory_space<smem>>
    memref.store %reduce_max3A_424, %arg3[%swap3A_425, %swap3A_426] : memref<9x9xi32, #tpu.memory_space<smem>>
    %eq3A_428 = vector.broadcast %reduce_min3A_411 : i32 to vector<64x1xi32>
    %eq3A_429 = arith.cmpi eq, %iota3A_9, %eq3A_428 : vector<64x1xi32>
    %jit3A_430 = arith.constant 0xFF800000 : f32
    %broadcast_in_dim3A_431 = vector.broadcast %jit3A_430 : f32 to vector<64x1xf32>
    %select_n3A_432 = arith.select %eq3A_429, %broadcast_in_dim3A_431, %broadcast_in_dim3A_390 : vector<64x1xi1>, vector<64x1xf32>
    %reduce_max3A_433 = vector.shape_cast %select_n3A_432 : vector<64x1xf32> to vector<1x64x1xf32>
    %reduce_max3A_434 = arith.constant dense<0xFF800000> : vector<1xf32>
    %reduce_max3A_435 = vector.multi_reduction <maximumf>, %reduce_max3A_433, %reduce_max3A_434 [1, 2] : vector<1x64x1xf32> to vector<1xf32>
    %reduce_max3A_436 = vector.shape_cast %reduce_max3A_435 : vector<1xf32> to vector<1x1x1xf32>
    %reduce_max3A_437 = vector.extract %reduce_max3A_436[0, 0, 0] : f32 from vector<1x1x1xf32>
    %eq3A_438 = vector.broadcast %reduce_max3A_437 : f32 to vector<64x1xf32>
    %eq3A_439 = arith.cmpf oeq, %select_n3A_432, %eq3A_438 : vector<64x1xf32>
    %jit3A_440 = arith.constant 64 : i32
    %broadcast_in_dim3A_441 = vector.broadcast %jit3A_440 : i32 to vector<64x1xi32>
    %select_n3A_442 = arith.select %eq3A_439, %iota3A_9, %broadcast_in_dim3A_441 : vector<64x1xi1>, vector<64x1xi32>
    %reduce_min3A_443 = vector.shape_cast %select_n3A_442 : vector<64x1xi32> to vector<1x64x1xi32>
    %reduce_min3A_444 = arith.constant dense<2147483647> : vector<1xi32>
    %reduce_min3A_445 = vector.multi_reduction <minsi>, %reduce_min3A_443, %reduce_min3A_444 [1, 2] : vector<1x64x1xi32> to vector<1xi32>
    %reduce_min3A_446 = vector.shape_cast %reduce_min3A_445 : vector<1xi32> to vector<1x1x1xi32>
    %reduce_min3A_447 = vector.extract %reduce_min3A_446[0, 0, 0] : i32 from vector<1x1x1xi32>
    %swap3A_448 = arith.constant 1 : index
    %swap3A_449 = arith.constant 1 : index
    %swap3A_450 = memref.load %arg4[%swap3A_448, %swap3A_449] : memref<9x9xf32, #tpu.memory_space<smem>>
    memref.store %reduce_max3A_437, %arg4[%swap3A_448, %swap3A_449] : memref<9x9xf32, #tpu.memory_space<smem>>
    %eq3A_451 = vector.broadcast %reduce_min3A_447 : i32 to vector<64x1xi32>
    %eq3A_452 = arith.cmpi eq, %iota3A_9, %eq3A_451 : vector<64x1xi32>
    %jit3A_453 = arith.constant 0 : i32
    %broadcast_in_dim3A_454 = vector.broadcast %jit3A_453 : i32 to vector<64x1xi32>
    %select_n3A_455 = arith.select %eq3A_452, %broadcast_in_dim3A_396, %broadcast_in_dim3A_454 : vector<64x1xi1>, vector<64x1xi32>
    %reduce_max3A_456 = vector.shape_cast %select_n3A_455 : vector<64x1xi32> to vector<1x64x1xi32>
    %reduce_max3A_457 = arith.constant dense<-2147483648> : vector<1xi32>
    %reduce_max3A_458 = vector.multi_reduction <maxsi>, %reduce_max3A_456, %reduce_max3A_457 [1, 2] : vector<1x64x1xi32> to vector<1xi32>
    %reduce_max3A_459 = vector.shape_cast %reduce_max3A_458 : vector<1xi32> to vector<1x1x1xi32>
    %reduce_max3A_460 = vector.extract %reduce_max3A_459[0, 0, 0] : i32 from vector<1x1x1xi32>
    %swap3A_461 = arith.constant 1 : index
    %swap3A_462 = arith.constant 1 : index
    %swap3A_463 = memref.load %arg3[%swap3A_461, %swap3A_462] : memref<9x9xi32, #tpu.memory_space<smem>>
    memref.store %reduce_max3A_460, %arg3[%swap3A_461, %swap3A_462] : memref<9x9xi32, #tpu.memory_space<smem>>
    %eq3A_464 = vector.broadcast %reduce_min3A_447 : i32 to vector<64x1xi32>
    %eq3A_465 = arith.cmpi eq, %iota3A_9, %eq3A_464 : vector<64x1xi32>
    %jit3A_466 = arith.constant 0xFF800000 : f32
    %broadcast_in_dim3A_467 = vector.broadcast %jit3A_466 : f32 to vector<64x1xf32>
    %select_n3A_468 = arith.select %eq3A_465, %broadcast_in_dim3A_467, %select_n3A_432 : vector<64x1xi1>, vector<64x1xf32>
    %reduce_max3A_469 = vector.shape_cast %select_n3A_468 : vector<64x1xf32> to vector<1x64x1xf32>
    %reduce_max3A_470 = arith.constant dense<0xFF800000> : vector<1xf32>
    %reduce_max3A_471 = vector.multi_reduction <maximumf>, %reduce_max3A_469, %reduce_max3A_470 [1, 2] : vector<1x64x1xf32> to vector<1xf32>
    %reduce_max3A_472 = vector.shape_cast %reduce_max3A_471 : vector<1xf32> to vector<1x1x1xf32>
    %reduce_max3A_473 = vector.extract %reduce_max3A_472[0, 0, 0] : f32 from vector<1x1x1xf32>
    %eq3A_474 = vector.broadcast %reduce_max3A_473 : f32 to vector<64x1xf32>
    %eq3A_475 = arith.cmpf oeq, %select_n3A_468, %eq3A_474 : vector<64x1xf32>
    %jit3A_476 = arith.constant 64 : i32
    %broadcast_in_dim3A_477 = vector.broadcast %jit3A_476 : i32 to vector<64x1xi32>
    %select_n3A_478 = arith.select %eq3A_475, %iota3A_9, %broadcast_in_dim3A_477 : vector<64x1xi1>, vector<64x1xi32>
    %reduce_min3A_479 = vector.shape_cast %select_n3A_478 : vector<64x1xi32> to vector<1x64x1xi32>
    %reduce_min3A_480 = arith.constant dense<2147483647> : vector<1xi32>
    %reduce_min3A_481 = vector.multi_reduction <minsi>, %reduce_min3A_479, %reduce_min3A_480 [1, 2] : vector<1x64x1xi32> to vector<1xi32>
    %reduce_min3A_482 = vector.shape_cast %reduce_min3A_481 : vector<1xi32> to vector<1x1x1xi32>
    %reduce_min3A_483 = vector.extract %reduce_min3A_482[0, 0, 0] : i32 from vector<1x1x1xi32>
    %swap3A_484 = arith.constant 1 : index
    %swap3A_485 = arith.constant 2 : index
    %swap3A_486 = memref.load %arg4[%swap3A_484, %swap3A_485] : memref<9x9xf32, #tpu.memory_space<smem>>
    memref.store %reduce_max3A_473, %arg4[%swap3A_484, %swap3A_485] : memref<9x9xf32, #tpu.memory_space<smem>>
    %eq3A_487 = vector.broadcast %reduce_min3A_483 : i32 to vector<64x1xi32>
    %eq3A_488 = arith.cmpi eq, %iota3A_9, %eq3A_487 : vector<64x1xi32>
    %jit3A_489 = arith.constant 0 : i32
    %broadcast_in_dim3A_490 = vector.broadcast %jit3A_489 : i32 to vector<64x1xi32>
    %select_n3A_491 = arith.select %eq3A_488, %broadcast_in_dim3A_396, %broadcast_in_dim3A_490 : vector<64x1xi1>, vector<64x1xi32>
    %reduce_max3A_492 = vector.shape_cast %select_n3A_491 : vector<64x1xi32> to vector<1x64x1xi32>
    %reduce_max3A_493 = arith.constant dense<-2147483648> : vector<1xi32>
    %reduce_max3A_494 = vector.multi_reduction <maxsi>, %reduce_max3A_492, %reduce_max3A_493 [1, 2] : vector<1x64x1xi32> to vector<1xi32>
    %reduce_max3A_495 = vector.shape_cast %reduce_max3A_494 : vector<1xi32> to vector<1x1x1xi32>
    %reduce_max3A_496 = vector.extract %reduce_max3A_495[0, 0, 0] : i32 from vector<1x1x1xi32>
    %swap3A_497 = arith.constant 1 : index
    %swap3A_498 = arith.constant 2 : index
    %swap3A_499 = memref.load %arg3[%swap3A_497, %swap3A_498] : memref<9x9xi32, #tpu.memory_space<smem>>
    memref.store %reduce_max3A_496, %arg3[%swap3A_497, %swap3A_498] : memref<9x9xi32, #tpu.memory_space<smem>>
    %eq3A_500 = vector.broadcast %reduce_min3A_483 : i32 to vector<64x1xi32>
    %eq3A_501 = arith.cmpi eq, %iota3A_9, %eq3A_500 : vector<64x1xi32>
    %jit3A_502 = arith.constant 0xFF800000 : f32
    %broadcast_in_dim3A_503 = vector.broadcast %jit3A_502 : f32 to vector<64x1xf32>
    %select_n3A_504 = arith.select %eq3A_501, %broadcast_in_dim3A_503, %select_n3A_468 : vector<64x1xi1>, vector<64x1xf32>
    %reduce_max3A_505 = vector.shape_cast %select_n3A_504 : vector<64x1xf32> to vector<1x64x1xf32>
    %reduce_max3A_506 = arith.constant dense<0xFF800000> : vector<1xf32>
    %reduce_max3A_507 = vector.multi_reduction <maximumf>, %reduce_max3A_505, %reduce_max3A_506 [1, 2] : vector<1x64x1xf32> to vector<1xf32>
    %reduce_max3A_508 = vector.shape_cast %reduce_max3A_507 : vector<1xf32> to vector<1x1x1xf32>
    %reduce_max3A_509 = vector.extract %reduce_max3A_508[0, 0, 0] : f32 from vector<1x1x1xf32>
    %eq3A_510 = vector.broadcast %reduce_max3A_509 : f32 to vector<64x1xf32>
    %eq3A_511 = arith.cmpf oeq, %select_n3A_504, %eq3A_510 : vector<64x1xf32>
    %jit3A_512 = arith.constant 64 : i32
    %broadcast_in_dim3A_513 = vector.broadcast %jit3A_512 : i32 to vector<64x1xi32>
    %select_n3A_514 = arith.select %eq3A_511, %iota3A_9, %broadcast_in_dim3A_513 : vector<64x1xi1>, vector<64x1xi32>
    %reduce_min3A_515 = vector.shape_cast %select_n3A_514 : vector<64x1xi32> to vector<1x64x1xi32>
    %reduce_min3A_516 = arith.constant dense<2147483647> : vector<1xi32>
    %reduce_min3A_517 = vector.multi_reduction <minsi>, %reduce_min3A_515, %reduce_min3A_516 [1, 2] : vector<1x64x1xi32> to vector<1xi32>
    %reduce_min3A_518 = vector.shape_cast %reduce_min3A_517 : vector<1xi32> to vector<1x1x1xi32>
    %reduce_min3A_519 = vector.extract %reduce_min3A_518[0, 0, 0] : i32 from vector<1x1x1xi32>
    %swap3A_520 = arith.constant 1 : index
    %swap3A_521 = arith.constant 3 : index
    %swap3A_522 = memref.load %arg4[%swap3A_520, %swap3A_521] : memref<9x9xf32, #tpu.memory_space<smem>>
    memref.store %reduce_max3A_509, %arg4[%swap3A_520, %swap3A_521] : memref<9x9xf32, #tpu.memory_space<smem>>
    %eq3A_523 = vector.broadcast %reduce_min3A_519 : i32 to vector<64x1xi32>
    %eq3A_524 = arith.cmpi eq, %iota3A_9, %eq3A_523 : vector<64x1xi32>
    %jit3A_525 = arith.constant 0 : i32
    %broadcast_in_dim3A_526 = vector.broadcast %jit3A_525 : i32 to vector<64x1xi32>
    %select_n3A_527 = arith.select %eq3A_524, %broadcast_in_dim3A_396, %broadcast_in_dim3A_526 : vector<64x1xi1>, vector<64x1xi32>
    %reduce_max3A_528 = vector.shape_cast %select_n3A_527 : vector<64x1xi32> to vector<1x64x1xi32>
    %reduce_max3A_529 = arith.constant dense<-2147483648> : vector<1xi32>
    %reduce_max3A_530 = vector.multi_reduction <maxsi>, %reduce_max3A_528, %reduce_max3A_529 [1, 2] : vector<1x64x1xi32> to vector<1xi32>
    %reduce_max3A_531 = vector.shape_cast %reduce_max3A_530 : vector<1xi32> to vector<1x1x1xi32>
    %reduce_max3A_532 = vector.extract %reduce_max3A_531[0, 0, 0] : i32 from vector<1x1x1xi32>
    %swap3A_533 = arith.constant 1 : index
    %swap3A_534 = arith.constant 3 : index
    %swap3A_535 = memref.load %arg3[%swap3A_533, %swap3A_534] : memref<9x9xi32, #tpu.memory_space<smem>>
    memref.store %reduce_max3A_532, %arg3[%swap3A_533, %swap3A_534] : memref<9x9xi32, #tpu.memory_space<smem>>
    %eq3A_536 = vector.broadcast %reduce_min3A_519 : i32 to vector<64x1xi32>
    %eq3A_537 = arith.cmpi eq, %iota3A_9, %eq3A_536 : vector<64x1xi32>
    %jit3A_538 = arith.constant 0xFF800000 : f32
    %broadcast_in_dim3A_539 = vector.broadcast %jit3A_538 : f32 to vector<64x1xf32>
    %select_n3A_540 = arith.select %eq3A_537, %broadcast_in_dim3A_539, %select_n3A_504 : vector<64x1xi1>, vector<64x1xf32>
    %reduce_max3A_541 = vector.shape_cast %select_n3A_540 : vector<64x1xf32> to vector<1x64x1xf32>
    %reduce_max3A_542 = arith.constant dense<0xFF800000> : vector<1xf32>
    %reduce_max3A_543 = vector.multi_reduction <maximumf>, %reduce_max3A_541, %reduce_max3A_542 [1, 2] : vector<1x64x1xf32> to vector<1xf32>
    %reduce_max3A_544 = vector.shape_cast %reduce_max3A_543 : vector<1xf32> to vector<1x1x1xf32>
    %reduce_max3A_545 = vector.extract %reduce_max3A_544[0, 0, 0] : f32 from vector<1x1x1xf32>
    %eq3A_546 = vector.broadcast %reduce_max3A_545 : f32 to vector<64x1xf32>
    %eq3A_547 = arith.cmpf oeq, %select_n3A_540, %eq3A_546 : vector<64x1xf32>
    %jit3A_548 = arith.constant 64 : i32
    %broadcast_in_dim3A_549 = vector.broadcast %jit3A_548 : i32 to vector<64x1xi32>
    %select_n3A_550 = arith.select %eq3A_547, %iota3A_9, %broadcast_in_dim3A_549 : vector<64x1xi1>, vector<64x1xi32>
    %reduce_min3A_551 = vector.shape_cast %select_n3A_550 : vector<64x1xi32> to vector<1x64x1xi32>
    %reduce_min3A_552 = arith.constant dense<2147483647> : vector<1xi32>
    %reduce_min3A_553 = vector.multi_reduction <minsi>, %reduce_min3A_551, %reduce_min3A_552 [1, 2] : vector<1x64x1xi32> to vector<1xi32>
    %reduce_min3A_554 = vector.shape_cast %reduce_min3A_553 : vector<1xi32> to vector<1x1x1xi32>
    %reduce_min3A_555 = vector.extract %reduce_min3A_554[0, 0, 0] : i32 from vector<1x1x1xi32>
    %swap3A_556 = arith.constant 1 : index
    %swap3A_557 = arith.constant 4 : index
    %swap3A_558 = memref.load %arg4[%swap3A_556, %swap3A_557] : memref<9x9xf32, #tpu.memory_space<smem>>
    memref.store %reduce_max3A_545, %arg4[%swap3A_556, %swap3A_557] : memref<9x9xf32, #tpu.memory_space<smem>>
    %eq3A_559 = vector.broadcast %reduce_min3A_555 : i32 to vector<64x1xi32>
    %eq3A_560 = arith.cmpi eq, %iota3A_9, %eq3A_559 : vector<64x1xi32>
    %jit3A_561 = arith.constant 0 : i32
    %broadcast_in_dim3A_562 = vector.broadcast %jit3A_561 : i32 to vector<64x1xi32>
    %select_n3A_563 = arith.select %eq3A_560, %broadcast_in_dim3A_396, %broadcast_in_dim3A_562 : vector<64x1xi1>, vector<64x1xi32>
    %reduce_max3A_564 = vector.shape_cast %select_n3A_563 : vector<64x1xi32> to vector<1x64x1xi32>
    %reduce_max3A_565 = arith.constant dense<-2147483648> : vector<1xi32>
    %reduce_max3A_566 = vector.multi_reduction <maxsi>, %reduce_max3A_564, %reduce_max3A_565 [1, 2] : vector<1x64x1xi32> to vector<1xi32>
    %reduce_max3A_567 = vector.shape_cast %reduce_max3A_566 : vector<1xi32> to vector<1x1x1xi32>
    %reduce_max3A_568 = vector.extract %reduce_max3A_567[0, 0, 0] : i32 from vector<1x1x1xi32>
    %swap3A_569 = arith.constant 1 : index
    %swap3A_570 = arith.constant 4 : index
    %swap3A_571 = memref.load %arg3[%swap3A_569, %swap3A_570] : memref<9x9xi32, #tpu.memory_space<smem>>
    memref.store %reduce_max3A_568, %arg3[%swap3A_569, %swap3A_570] : memref<9x9xi32, #tpu.memory_space<smem>>
    %eq3A_572 = vector.broadcast %reduce_min3A_555 : i32 to vector<64x1xi32>
    %eq3A_573 = arith.cmpi eq, %iota3A_9, %eq3A_572 : vector<64x1xi32>
    %jit3A_574 = arith.constant 0xFF800000 : f32
    %broadcast_in_dim3A_575 = vector.broadcast %jit3A_574 : f32 to vector<64x1xf32>
    %select_n3A_576 = arith.select %eq3A_573, %broadcast_in_dim3A_575, %select_n3A_540 : vector<64x1xi1>, vector<64x1xf32>
    %reduce_max3A_577 = vector.shape_cast %select_n3A_576 : vector<64x1xf32> to vector<1x64x1xf32>
    %reduce_max3A_578 = arith.constant dense<0xFF800000> : vector<1xf32>
    %reduce_max3A_579 = vector.multi_reduction <maximumf>, %reduce_max3A_577, %reduce_max3A_578 [1, 2] : vector<1x64x1xf32> to vector<1xf32>
    %reduce_max3A_580 = vector.shape_cast %reduce_max3A_579 : vector<1xf32> to vector<1x1x1xf32>
    %reduce_max3A_581 = vector.extract %reduce_max3A_580[0, 0, 0] : f32 from vector<1x1x1xf32>
    %eq3A_582 = vector.broadcast %reduce_max3A_581 : f32 to vector<64x1xf32>
    %eq3A_583 = arith.cmpf oeq, %select_n3A_576, %eq3A_582 : vector<64x1xf32>
    %jit3A_584 = arith.constant 64 : i32
    %broadcast_in_dim3A_585 = vector.broadcast %jit3A_584 : i32 to vector<64x1xi32>
    %select_n3A_586 = arith.select %eq3A_583, %iota3A_9, %broadcast_in_dim3A_585 : vector<64x1xi1>, vector<64x1xi32>
    %reduce_min3A_587 = vector.shape_cast %select_n3A_586 : vector<64x1xi32> to vector<1x64x1xi32>
    %reduce_min3A_588 = arith.constant dense<2147483647> : vector<1xi32>
    %reduce_min3A_589 = vector.multi_reduction <minsi>, %reduce_min3A_587, %reduce_min3A_588 [1, 2] : vector<1x64x1xi32> to vector<1xi32>
    %reduce_min3A_590 = vector.shape_cast %reduce_min3A_589 : vector<1xi32> to vector<1x1x1xi32>
    %reduce_min3A_591 = vector.extract %reduce_min3A_590[0, 0, 0] : i32 from vector<1x1x1xi32>
    %swap3A_592 = arith.constant 1 : index
    %swap3A_593 = arith.constant 5 : index
    %swap3A_594 = memref.load %arg4[%swap3A_592, %swap3A_593] : memref<9x9xf32, #tpu.memory_space<smem>>
    memref.store %reduce_max3A_581, %arg4[%swap3A_592, %swap3A_593] : memref<9x9xf32, #tpu.memory_space<smem>>
    %eq3A_595 = vector.broadcast %reduce_min3A_591 : i32 to vector<64x1xi32>
    %eq3A_596 = arith.cmpi eq, %iota3A_9, %eq3A_595 : vector<64x1xi32>
    %jit3A_597 = arith.constant 0 : i32
    %broadcast_in_dim3A_598 = vector.broadcast %jit3A_597 : i32 to vector<64x1xi32>
    %select_n3A_599 = arith.select %eq3A_596, %broadcast_in_dim3A_396, %broadcast_in_dim3A_598 : vector<64x1xi1>, vector<64x1xi32>
    %reduce_max3A_600 = vector.shape_cast %select_n3A_599 : vector<64x1xi32> to vector<1x64x1xi32>
    %reduce_max3A_601 = arith.constant dense<-2147483648> : vector<1xi32>
    %reduce_max3A_602 = vector.multi_reduction <maxsi>, %reduce_max3A_600, %reduce_max3A_601 [1, 2] : vector<1x64x1xi32> to vector<1xi32>
    %reduce_max3A_603 = vector.shape_cast %reduce_max3A_602 : vector<1xi32> to vector<1x1x1xi32>
    %reduce_max3A_604 = vector.extract %reduce_max3A_603[0, 0, 0] : i32 from vector<1x1x1xi32>
    %swap3A_605 = arith.constant 1 : index
    %swap3A_606 = arith.constant 5 : index
    %swap3A_607 = memref.load %arg3[%swap3A_605, %swap3A_606] : memref<9x9xi32, #tpu.memory_space<smem>>
    memref.store %reduce_max3A_604, %arg3[%swap3A_605, %swap3A_606] : memref<9x9xi32, #tpu.memory_space<smem>>
    %eq3A_608 = vector.broadcast %reduce_min3A_591 : i32 to vector<64x1xi32>
    %eq3A_609 = arith.cmpi eq, %iota3A_9, %eq3A_608 : vector<64x1xi32>
    %jit3A_610 = arith.constant 0xFF800000 : f32
    %broadcast_in_dim3A_611 = vector.broadcast %jit3A_610 : f32 to vector<64x1xf32>
    %select_n3A_612 = arith.select %eq3A_609, %broadcast_in_dim3A_611, %select_n3A_576 : vector<64x1xi1>, vector<64x1xf32>
    %reduce_max3A_613 = vector.shape_cast %select_n3A_612 : vector<64x1xf32> to vector<1x64x1xf32>
    %reduce_max3A_614 = arith.constant dense<0xFF800000> : vector<1xf32>
    %reduce_max3A_615 = vector.multi_reduction <maximumf>, %reduce_max3A_613, %reduce_max3A_614 [1, 2] : vector<1x64x1xf32> to vector<1xf32>
    %reduce_max3A_616 = vector.shape_cast %reduce_max3A_615 : vector<1xf32> to vector<1x1x1xf32>
    %reduce_max3A_617 = vector.extract %reduce_max3A_616[0, 0, 0] : f32 from vector<1x1x1xf32>
    %eq3A_618 = vector.broadcast %reduce_max3A_617 : f32 to vector<64x1xf32>
    %eq3A_619 = arith.cmpf oeq, %select_n3A_612, %eq3A_618 : vector<64x1xf32>
    %jit3A_620 = arith.constant 64 : i32
    %broadcast_in_dim3A_621 = vector.broadcast %jit3A_620 : i32 to vector<64x1xi32>
    %select_n3A_622 = arith.select %eq3A_619, %iota3A_9, %broadcast_in_dim3A_621 : vector<64x1xi1>, vector<64x1xi32>
    %reduce_min3A_623 = vector.shape_cast %select_n3A_622 : vector<64x1xi32> to vector<1x64x1xi32>
    %reduce_min3A_624 = arith.constant dense<2147483647> : vector<1xi32>
    %reduce_min3A_625 = vector.multi_reduction <minsi>, %reduce_min3A_623, %reduce_min3A_624 [1, 2] : vector<1x64x1xi32> to vector<1xi32>
    %reduce_min3A_626 = vector.shape_cast %reduce_min3A_625 : vector<1xi32> to vector<1x1x1xi32>
    %reduce_min3A_627 = vector.extract %reduce_min3A_626[0, 0, 0] : i32 from vector<1x1x1xi32>
    %swap3A_628 = arith.constant 1 : index
    %swap3A_629 = arith.constant 6 : index
    %swap3A_630 = memref.load %arg4[%swap3A_628, %swap3A_629] : memref<9x9xf32, #tpu.memory_space<smem>>
    memref.store %reduce_max3A_617, %arg4[%swap3A_628, %swap3A_629] : memref<9x9xf32, #tpu.memory_space<smem>>
    %eq3A_631 = vector.broadcast %reduce_min3A_627 : i32 to vector<64x1xi32>
    %eq3A_632 = arith.cmpi eq, %iota3A_9, %eq3A_631 : vector<64x1xi32>
    %jit3A_633 = arith.constant 0 : i32
    %broadcast_in_dim3A_634 = vector.broadcast %jit3A_633 : i32 to vector<64x1xi32>
    %select_n3A_635 = arith.select %eq3A_632, %broadcast_in_dim3A_396, %broadcast_in_dim3A_634 : vector<64x1xi1>, vector<64x1xi32>
    %reduce_max3A_636 = vector.shape_cast %select_n3A_635 : vector<64x1xi32> to vector<1x64x1xi32>
    %reduce_max3A_637 = arith.constant dense<-2147483648> : vector<1xi32>
    %reduce_max3A_638 = vector.multi_reduction <maxsi>, %reduce_max3A_636, %reduce_max3A_637 [1, 2] : vector<1x64x1xi32> to vector<1xi32>
    %reduce_max3A_639 = vector.shape_cast %reduce_max3A_638 : vector<1xi32> to vector<1x1x1xi32>
    %reduce_max3A_640 = vector.extract %reduce_max3A_639[0, 0, 0] : i32 from vector<1x1x1xi32>
    %swap3A_641 = arith.constant 1 : index
    %swap3A_642 = arith.constant 6 : index
    %swap3A_643 = memref.load %arg3[%swap3A_641, %swap3A_642] : memref<9x9xi32, #tpu.memory_space<smem>>
    memref.store %reduce_max3A_640, %arg3[%swap3A_641, %swap3A_642] : memref<9x9xi32, #tpu.memory_space<smem>>
    %eq3A_644 = vector.broadcast %reduce_min3A_627 : i32 to vector<64x1xi32>
    %eq3A_645 = arith.cmpi eq, %iota3A_9, %eq3A_644 : vector<64x1xi32>
    %jit3A_646 = arith.constant 0xFF800000 : f32
    %broadcast_in_dim3A_647 = vector.broadcast %jit3A_646 : f32 to vector<64x1xf32>
    %select_n3A_648 = arith.select %eq3A_645, %broadcast_in_dim3A_647, %select_n3A_612 : vector<64x1xi1>, vector<64x1xf32>
    %reduce_max3A_649 = vector.shape_cast %select_n3A_648 : vector<64x1xf32> to vector<1x64x1xf32>
    %reduce_max3A_650 = arith.constant dense<0xFF800000> : vector<1xf32>
    %reduce_max3A_651 = vector.multi_reduction <maximumf>, %reduce_max3A_649, %reduce_max3A_650 [1, 2] : vector<1x64x1xf32> to vector<1xf32>
    %reduce_max3A_652 = vector.shape_cast %reduce_max3A_651 : vector<1xf32> to vector<1x1x1xf32>
    %reduce_max3A_653 = vector.extract %reduce_max3A_652[0, 0, 0] : f32 from vector<1x1x1xf32>
    %eq3A_654 = vector.broadcast %reduce_max3A_653 : f32 to vector<64x1xf32>
    %eq3A_655 = arith.cmpf oeq, %select_n3A_648, %eq3A_654 : vector<64x1xf32>
    %jit3A_656 = arith.constant 64 : i32
    %broadcast_in_dim3A_657 = vector.broadcast %jit3A_656 : i32 to vector<64x1xi32>
    %select_n3A_658 = arith.select %eq3A_655, %iota3A_9, %broadcast_in_dim3A_657 : vector<64x1xi1>, vector<64x1xi32>
    %reduce_min3A_659 = vector.shape_cast %select_n3A_658 : vector<64x1xi32> to vector<1x64x1xi32>
    %reduce_min3A_660 = arith.constant dense<2147483647> : vector<1xi32>
    %reduce_min3A_661 = vector.multi_reduction <minsi>, %reduce_min3A_659, %reduce_min3A_660 [1, 2] : vector<1x64x1xi32> to vector<1xi32>
    %reduce_min3A_662 = vector.shape_cast %reduce_min3A_661 : vector<1xi32> to vector<1x1x1xi32>
    %reduce_min3A_663 = vector.extract %reduce_min3A_662[0, 0, 0] : i32 from vector<1x1x1xi32>
    %swap3A_664 = arith.constant 1 : index
    %swap3A_665 = arith.constant 7 : index
    %swap3A_666 = memref.load %arg4[%swap3A_664, %swap3A_665] : memref<9x9xf32, #tpu.memory_space<smem>>
    memref.store %reduce_max3A_653, %arg4[%swap3A_664, %swap3A_665] : memref<9x9xf32, #tpu.memory_space<smem>>
    %eq3A_667 = vector.broadcast %reduce_min3A_663 : i32 to vector<64x1xi32>
    %eq3A_668 = arith.cmpi eq, %iota3A_9, %eq3A_667 : vector<64x1xi32>
    %jit3A_669 = arith.constant 0 : i32
    %broadcast_in_dim3A_670 = vector.broadcast %jit3A_669 : i32 to vector<64x1xi32>
    %select_n3A_671 = arith.select %eq3A_668, %broadcast_in_dim3A_396, %broadcast_in_dim3A_670 : vector<64x1xi1>, vector<64x1xi32>
    %reduce_max3A_672 = vector.shape_cast %select_n3A_671 : vector<64x1xi32> to vector<1x64x1xi32>
    %reduce_max3A_673 = arith.constant dense<-2147483648> : vector<1xi32>
    %reduce_max3A_674 = vector.multi_reduction <maxsi>, %reduce_max3A_672, %reduce_max3A_673 [1, 2] : vector<1x64x1xi32> to vector<1xi32>
    %reduce_max3A_675 = vector.shape_cast %reduce_max3A_674 : vector<1xi32> to vector<1x1x1xi32>
    %reduce_max3A_676 = vector.extract %reduce_max3A_675[0, 0, 0] : i32 from vector<1x1x1xi32>
    %swap3A_677 = arith.constant 1 : index
    %swap3A_678 = arith.constant 7 : index
    %swap3A_679 = memref.load %arg3[%swap3A_677, %swap3A_678] : memref<9x9xi32, #tpu.memory_space<smem>>
    memref.store %reduce_max3A_676, %arg3[%swap3A_677, %swap3A_678] : memref<9x9xi32, #tpu.memory_space<smem>>
    %eq3A_680 = vector.broadcast %reduce_min3A_663 : i32 to vector<64x1xi32>
    %eq3A_681 = arith.cmpi eq, %iota3A_9, %eq3A_680 : vector<64x1xi32>
    %jit3A_682 = arith.constant 0xFF800000 : f32
    %broadcast_in_dim3A_683 = vector.broadcast %jit3A_682 : f32 to vector<64x1xf32>
    %select_n3A_684 = arith.select %eq3A_681, %broadcast_in_dim3A_683, %select_n3A_648 : vector<64x1xi1>, vector<64x1xf32>
    %reduce_max3A_685 = vector.shape_cast %select_n3A_684 : vector<64x1xf32> to vector<1x64x1xf32>
    %reduce_max3A_686 = arith.constant dense<0xFF800000> : vector<1xf32>
    %reduce_max3A_687 = vector.multi_reduction <maximumf>, %reduce_max3A_685, %reduce_max3A_686 [1, 2] : vector<1x64x1xf32> to vector<1xf32>
    %reduce_max3A_688 = vector.shape_cast %reduce_max3A_687 : vector<1xf32> to vector<1x1x1xf32>
    %reduce_max3A_689 = vector.extract %reduce_max3A_688[0, 0, 0] : f32 from vector<1x1x1xf32>
    %eq3A_690 = vector.broadcast %reduce_max3A_689 : f32 to vector<64x1xf32>
    %eq3A_691 = arith.cmpf oeq, %select_n3A_684, %eq3A_690 : vector<64x1xf32>
    %jit3A_692 = arith.constant 64 : i32
    %broadcast_in_dim3A_693 = vector.broadcast %jit3A_692 : i32 to vector<64x1xi32>
    %select_n3A_694 = arith.select %eq3A_691, %iota3A_9, %broadcast_in_dim3A_693 : vector<64x1xi1>, vector<64x1xi32>
    %reduce_min3A_695 = vector.shape_cast %select_n3A_694 : vector<64x1xi32> to vector<1x64x1xi32>
    %reduce_min3A_696 = arith.constant dense<2147483647> : vector<1xi32>
    %reduce_min3A_697 = vector.multi_reduction <minsi>, %reduce_min3A_695, %reduce_min3A_696 [1, 2] : vector<1x64x1xi32> to vector<1xi32>
    %reduce_min3A_698 = vector.shape_cast %reduce_min3A_697 : vector<1xi32> to vector<1x1x1xi32>
    %reduce_min3A_699 = vector.extract %reduce_min3A_698[0, 0, 0] : i32 from vector<1x1x1xi32>
    %swap3A_700 = arith.constant 1 : index
    %swap3A_701 = arith.constant 8 : index
    %swap3A_702 = memref.load %arg4[%swap3A_700, %swap3A_701] : memref<9x9xf32, #tpu.memory_space<smem>>
    memref.store %reduce_max3A_689, %arg4[%swap3A_700, %swap3A_701] : memref<9x9xf32, #tpu.memory_space<smem>>
    %eq3A_703 = vector.broadcast %reduce_min3A_699 : i32 to vector<64x1xi32>
    %eq3A_704 = arith.cmpi eq, %iota3A_9, %eq3A_703 : vector<64x1xi32>
    %jit3A_705 = arith.constant 0 : i32
    %broadcast_in_dim3A_706 = vector.broadcast %jit3A_705 : i32 to vector<64x1xi32>
    %select_n3A_707 = arith.select %eq3A_704, %broadcast_in_dim3A_396, %broadcast_in_dim3A_706 : vector<64x1xi1>, vector<64x1xi32>
    %reduce_max3A_708 = vector.shape_cast %select_n3A_707 : vector<64x1xi32> to vector<1x64x1xi32>
    %reduce_max3A_709 = arith.constant dense<-2147483648> : vector<1xi32>
    %reduce_max3A_710 = vector.multi_reduction <maxsi>, %reduce_max3A_708, %reduce_max3A_709 [1, 2] : vector<1x64x1xi32> to vector<1xi32>
    %reduce_max3A_711 = vector.shape_cast %reduce_max3A_710 : vector<1xi32> to vector<1x1x1xi32>
    %reduce_max3A_712 = vector.extract %reduce_max3A_711[0, 0, 0] : i32 from vector<1x1x1xi32>
    %swap3A_713 = arith.constant 1 : index
    %swap3A_714 = arith.constant 8 : index
    %swap3A_715 = memref.load %arg3[%swap3A_713, %swap3A_714] : memref<9x9xi32, #tpu.memory_space<smem>>
    memref.store %reduce_max3A_712, %arg3[%swap3A_713, %swap3A_714] : memref<9x9xi32, #tpu.memory_space<smem>>
    %reduce_max3A_716 = vector.shape_cast %select_n3A_379 : vector<1x512xf32> to vector<1x1x512xf32>
    %reduce_max3A_717 = arith.constant dense<0xFF800000> : vector<1xf32>
    %reduce_max3A_718 = vector.multi_reduction <maximumf>, %reduce_max3A_716, %reduce_max3A_717 [1, 2] : vector<1x1x512xf32> to vector<1xf32>
    %reduce_max3A_719 = vector.shape_cast %reduce_max3A_718 : vector<1xf32> to vector<1x1x1xf32>
    %reduce_max3A_720 = vector.extract %reduce_max3A_719[0, 0, 0] : f32 from vector<1x1x1xf32>
    %eq3A_721 = vector.broadcast %reduce_max3A_720 : f32 to vector<1x512xf32>
    %eq3A_722 = arith.cmpf oeq, %select_n3A_379, %eq3A_721 : vector<1x512xf32>
    %jit3A_723 = arith.constant 512 : i32
    %broadcast_in_dim3A_724 = vector.broadcast %jit3A_723 : i32 to vector<1x512xi32>
    %select_n3A_725 = arith.select %eq3A_722, %iota3A, %broadcast_in_dim3A_724 : vector<1x512xi1>, vector<1x512xi32>
    %reduce_min3A_726 = vector.shape_cast %select_n3A_725 : vector<1x512xi32> to vector<1x1x512xi32>
    %reduce_min3A_727 = arith.constant dense<2147483647> : vector<1xi32>
    %reduce_min3A_728 = vector.multi_reduction <minsi>, %reduce_min3A_726, %reduce_min3A_727 [1, 2] : vector<1x1x512xi32> to vector<1xi32>
    %reduce_min3A_729 = vector.shape_cast %reduce_min3A_728 : vector<1xi32> to vector<1x1x1xi32>
    %reduce_min3A_730 = vector.extract %reduce_min3A_729[0, 0, 0] : i32 from vector<1x1x1xi32>
    %eq3A_731 = vector.broadcast %reduce_min3A_730 : i32 to vector<1x512xi32>
    %eq3A_732 = arith.cmpi eq, %iota3A, %eq3A_731 : vector<1x512xi32>
    %jit3A_733 = arith.constant 0xFF800000 : f32
    %broadcast_in_dim3A_734 = vector.broadcast %jit3A_733 : f32 to vector<1x512xf32>
    %select_n3A_735 = arith.select %eq3A_732, %broadcast_in_dim3A_734, %select_n3A_379 : vector<1x512xi1>, vector<1x512xf32>
    %swap3A_736 = arith.constant 0 : index
    %swap3A_737 = arith.constant 2 : index
    %swap3A_738 = memref.load %arg2[%swap3A_736, %swap3A_737] : memref<1x9xi32, #tpu.memory_space<smem>>
    memref.store %reduce_min3A_730, %arg2[%swap3A_736, %swap3A_737] : memref<1x9xi32, #tpu.memory_space<smem>>
    %eq3A_739 = vector.broadcast %reduce_min3A_730 : i32 to vector<64x512xi32>
    %eq3A_740 = arith.cmpi eq, %iota3A_8, %eq3A_739 : vector<64x512xi32>
    %jit3A_741 = arith.constant 0xFF800000 : f32
    %broadcast_in_dim3A_742 = vector.broadcast %jit3A_741 : f32 to vector<64x512xf32>
    %select_n3A_743 = arith.select %eq3A_740, %get3A_1, %broadcast_in_dim3A_742 : vector<64x512xi1>, vector<64x512xf32>
    %reduce_max3A_744 = arith.constant dense<0xFF800000> : vector<64xf32>
    %reduce_max3A_745 = vector.multi_reduction <maximumf>, %select_n3A_743, %reduce_max3A_744 [1] : vector<64x512xf32> to vector<64xf32>
    %broadcast_in_dim3A_746 = vector.shape_cast %reduce_max3A_745 : vector<64xf32> to vector<64x1xf32>
    %jit3A_747 = arith.constant 0 : i32
    %broadcast_in_dim3A_748 = vector.broadcast %jit3A_747 : i32 to vector<64x512xi32>
    %select_n3A_749 = arith.select %eq3A_740, %get3A_4, %broadcast_in_dim3A_748 : vector<64x512xi1>, vector<64x512xi32>
    %reduce_max3A_750 = arith.constant dense<-2147483648> : vector<64xi32>
    %reduce_max3A_751 = vector.multi_reduction <maxsi>, %select_n3A_749, %reduce_max3A_750 [1] : vector<64x512xi32> to vector<64xi32>
    %broadcast_in_dim3A_752 = vector.shape_cast %reduce_max3A_751 : vector<64xi32> to vector<64x1xi32>
    %reduce_max3A_753 = vector.shape_cast %broadcast_in_dim3A_746 : vector<64x1xf32> to vector<1x64x1xf32>
    %reduce_max3A_754 = arith.constant dense<0xFF800000> : vector<1xf32>
    %reduce_max3A_755 = vector.multi_reduction <maximumf>, %reduce_max3A_753, %reduce_max3A_754 [1, 2] : vector<1x64x1xf32> to vector<1xf32>
    %reduce_max3A_756 = vector.shape_cast %reduce_max3A_755 : vector<1xf32> to vector<1x1x1xf32>
    %reduce_max3A_757 = vector.extract %reduce_max3A_756[0, 0, 0] : f32 from vector<1x1x1xf32>
    %eq3A_758 = vector.broadcast %reduce_max3A_757 : f32 to vector<64x1xf32>
    %eq3A_759 = arith.cmpf oeq, %broadcast_in_dim3A_746, %eq3A_758 : vector<64x1xf32>
    %jit3A_760 = arith.constant 64 : i32
    %broadcast_in_dim3A_761 = vector.broadcast %jit3A_760 : i32 to vector<64x1xi32>
    %select_n3A_762 = arith.select %eq3A_759, %iota3A_9, %broadcast_in_dim3A_761 : vector<64x1xi1>, vector<64x1xi32>
    %reduce_min3A_763 = vector.shape_cast %select_n3A_762 : vector<64x1xi32> to vector<1x64x1xi32>
    %reduce_min3A_764 = arith.constant dense<2147483647> : vector<1xi32>
    %reduce_min3A_765 = vector.multi_reduction <minsi>, %reduce_min3A_763, %reduce_min3A_764 [1, 2] : vector<1x64x1xi32> to vector<1xi32>
    %reduce_min3A_766 = vector.shape_cast %reduce_min3A_765 : vector<1xi32> to vector<1x1x1xi32>
    %reduce_min3A_767 = vector.extract %reduce_min3A_766[0, 0, 0] : i32 from vector<1x1x1xi32>
    %swap3A_768 = arith.constant 2 : index
    %swap3A_769 = arith.constant 0 : index
    %swap3A_770 = memref.load %arg4[%swap3A_768, %swap3A_769] : memref<9x9xf32, #tpu.memory_space<smem>>
    memref.store %reduce_max3A_757, %arg4[%swap3A_768, %swap3A_769] : memref<9x9xf32, #tpu.memory_space<smem>>
    %eq3A_771 = vector.broadcast %reduce_min3A_767 : i32 to vector<64x1xi32>
    %eq3A_772 = arith.cmpi eq, %iota3A_9, %eq3A_771 : vector<64x1xi32>
    %jit3A_773 = arith.constant 0 : i32
    %broadcast_in_dim3A_774 = vector.broadcast %jit3A_773 : i32 to vector<64x1xi32>
    %select_n3A_775 = arith.select %eq3A_772, %broadcast_in_dim3A_752, %broadcast_in_dim3A_774 : vector<64x1xi1>, vector<64x1xi32>
    %reduce_max3A_776 = vector.shape_cast %select_n3A_775 : vector<64x1xi32> to vector<1x64x1xi32>
    %reduce_max3A_777 = arith.constant dense<-2147483648> : vector<1xi32>
    %reduce_max3A_778 = vector.multi_reduction <maxsi>, %reduce_max3A_776, %reduce_max3A_777 [1, 2] : vector<1x64x1xi32> to vector<1xi32>
    %reduce_max3A_779 = vector.shape_cast %reduce_max3A_778 : vector<1xi32> to vector<1x1x1xi32>
    %reduce_max3A_780 = vector.extract %reduce_max3A_779[0, 0, 0] : i32 from vector<1x1x1xi32>
    %swap3A_781 = arith.constant 2 : index
    %swap3A_782 = arith.constant 0 : index
    %swap3A_783 = memref.load %arg3[%swap3A_781, %swap3A_782] : memref<9x9xi32, #tpu.memory_space<smem>>
    memref.store %reduce_max3A_780, %arg3[%swap3A_781, %swap3A_782] : memref<9x9xi32, #tpu.memory_space<smem>>
    %eq3A_784 = vector.broadcast %reduce_min3A_767 : i32 to vector<64x1xi32>
    %eq3A_785 = arith.cmpi eq, %iota3A_9, %eq3A_784 : vector<64x1xi32>
    %jit3A_786 = arith.constant 0xFF800000 : f32
    %broadcast_in_dim3A_787 = vector.broadcast %jit3A_786 : f32 to vector<64x1xf32>
    %select_n3A_788 = arith.select %eq3A_785, %broadcast_in_dim3A_787, %broadcast_in_dim3A_746 : vector<64x1xi1>, vector<64x1xf32>
    %reduce_max3A_789 = vector.shape_cast %select_n3A_788 : vector<64x1xf32> to vector<1x64x1xf32>
    %reduce_max3A_790 = arith.constant dense<0xFF800000> : vector<1xf32>
    %reduce_max3A_791 = vector.multi_reduction <maximumf>, %reduce_max3A_789, %reduce_max3A_790 [1, 2] : vector<1x64x1xf32> to vector<1xf32>
    %reduce_max3A_792 = vector.shape_cast %reduce_max3A_791 : vector<1xf32> to vector<1x1x1xf32>
    %reduce_max3A_793 = vector.extract %reduce_max3A_792[0, 0, 0] : f32 from vector<1x1x1xf32>
    %eq3A_794 = vector.broadcast %reduce_max3A_793 : f32 to vector<64x1xf32>
    %eq3A_795 = arith.cmpf oeq, %select_n3A_788, %eq3A_794 : vector<64x1xf32>
    %jit3A_796 = arith.constant 64 : i32
    %broadcast_in_dim3A_797 = vector.broadcast %jit3A_796 : i32 to vector<64x1xi32>
    %select_n3A_798 = arith.select %eq3A_795, %iota3A_9, %broadcast_in_dim3A_797 : vector<64x1xi1>, vector<64x1xi32>
    %reduce_min3A_799 = vector.shape_cast %select_n3A_798 : vector<64x1xi32> to vector<1x64x1xi32>
    %reduce_min3A_800 = arith.constant dense<2147483647> : vector<1xi32>
    %reduce_min3A_801 = vector.multi_reduction <minsi>, %reduce_min3A_799, %reduce_min3A_800 [1, 2] : vector<1x64x1xi32> to vector<1xi32>
    %reduce_min3A_802 = vector.shape_cast %reduce_min3A_801 : vector<1xi32> to vector<1x1x1xi32>
    %reduce_min3A_803 = vector.extract %reduce_min3A_802[0, 0, 0] : i32 from vector<1x1x1xi32>
    %swap3A_804 = arith.constant 2 : index
    %swap3A_805 = arith.constant 1 : index
    %swap3A_806 = memref.load %arg4[%swap3A_804, %swap3A_805] : memref<9x9xf32, #tpu.memory_space<smem>>
    memref.store %reduce_max3A_793, %arg4[%swap3A_804, %swap3A_805] : memref<9x9xf32, #tpu.memory_space<smem>>
    %eq3A_807 = vector.broadcast %reduce_min3A_803 : i32 to vector<64x1xi32>
    %eq3A_808 = arith.cmpi eq, %iota3A_9, %eq3A_807 : vector<64x1xi32>
    %jit3A_809 = arith.constant 0 : i32
    %broadcast_in_dim3A_810 = vector.broadcast %jit3A_809 : i32 to vector<64x1xi32>
    %select_n3A_811 = arith.select %eq3A_808, %broadcast_in_dim3A_752, %broadcast_in_dim3A_810 : vector<64x1xi1>, vector<64x1xi32>
    %reduce_max3A_812 = vector.shape_cast %select_n3A_811 : vector<64x1xi32> to vector<1x64x1xi32>
    %reduce_max3A_813 = arith.constant dense<-2147483648> : vector<1xi32>
    %reduce_max3A_814 = vector.multi_reduction <maxsi>, %reduce_max3A_812, %reduce_max3A_813 [1, 2] : vector<1x64x1xi32> to vector<1xi32>
    %reduce_max3A_815 = vector.shape_cast %reduce_max3A_814 : vector<1xi32> to vector<1x1x1xi32>
    %reduce_max3A_816 = vector.extract %reduce_max3A_815[0, 0, 0] : i32 from vector<1x1x1xi32>
    %swap3A_817 = arith.constant 2 : index
    %swap3A_818 = arith.constant 1 : index
    %swap3A_819 = memref.load %arg3[%swap3A_817, %swap3A_818] : memref<9x9xi32, #tpu.memory_space<smem>>
    memref.store %reduce_max3A_816, %arg3[%swap3A_817, %swap3A_818] : memref<9x9xi32, #tpu.memory_space<smem>>
    %eq3A_820 = vector.broadcast %reduce_min3A_803 : i32 to vector<64x1xi32>
    %eq3A_821 = arith.cmpi eq, %iota3A_9, %eq3A_820 : vector<64x1xi32>
    %jit3A_822 = arith.constant 0xFF800000 : f32
    %broadcast_in_dim3A_823 = vector.broadcast %jit3A_822 : f32 to vector<64x1xf32>
    %select_n3A_824 = arith.select %eq3A_821, %broadcast_in_dim3A_823, %select_n3A_788 : vector<64x1xi1>, vector<64x1xf32>
    %reduce_max3A_825 = vector.shape_cast %select_n3A_824 : vector<64x1xf32> to vector<1x64x1xf32>
    %reduce_max3A_826 = arith.constant dense<0xFF800000> : vector<1xf32>
    %reduce_max3A_827 = vector.multi_reduction <maximumf>, %reduce_max3A_825, %reduce_max3A_826 [1, 2] : vector<1x64x1xf32> to vector<1xf32>
    %reduce_max3A_828 = vector.shape_cast %reduce_max3A_827 : vector<1xf32> to vector<1x1x1xf32>
    %reduce_max3A_829 = vector.extract %reduce_max3A_828[0, 0, 0] : f32 from vector<1x1x1xf32>
    %eq3A_830 = vector.broadcast %reduce_max3A_829 : f32 to vector<64x1xf32>
    %eq3A_831 = arith.cmpf oeq, %select_n3A_824, %eq3A_830 : vector<64x1xf32>
    %jit3A_832 = arith.constant 64 : i32
    %broadcast_in_dim3A_833 = vector.broadcast %jit3A_832 : i32 to vector<64x1xi32>
    %select_n3A_834 = arith.select %eq3A_831, %iota3A_9, %broadcast_in_dim3A_833 : vector<64x1xi1>, vector<64x1xi32>
    %reduce_min3A_835 = vector.shape_cast %select_n3A_834 : vector<64x1xi32> to vector<1x64x1xi32>
    %reduce_min3A_836 = arith.constant dense<2147483647> : vector<1xi32>
    %reduce_min3A_837 = vector.multi_reduction <minsi>, %reduce_min3A_835, %reduce_min3A_836 [1, 2] : vector<1x64x1xi32> to vector<1xi32>
    %reduce_min3A_838 = vector.shape_cast %reduce_min3A_837 : vector<1xi32> to vector<1x1x1xi32>
    %reduce_min3A_839 = vector.extract %reduce_min3A_838[0, 0, 0] : i32 from vector<1x1x1xi32>
    %swap3A_840 = arith.constant 2 : index
    %swap3A_841 = arith.constant 2 : index
    %swap3A_842 = memref.load %arg4[%swap3A_840, %swap3A_841] : memref<9x9xf32, #tpu.memory_space<smem>>
    memref.store %reduce_max3A_829, %arg4[%swap3A_840, %swap3A_841] : memref<9x9xf32, #tpu.memory_space<smem>>
    %eq3A_843 = vector.broadcast %reduce_min3A_839 : i32 to vector<64x1xi32>
    %eq3A_844 = arith.cmpi eq, %iota3A_9, %eq3A_843 : vector<64x1xi32>
    %jit3A_845 = arith.constant 0 : i32
    %broadcast_in_dim3A_846 = vector.broadcast %jit3A_845 : i32 to vector<64x1xi32>
    %select_n3A_847 = arith.select %eq3A_844, %broadcast_in_dim3A_752, %broadcast_in_dim3A_846 : vector<64x1xi1>, vector<64x1xi32>
    %reduce_max3A_848 = vector.shape_cast %select_n3A_847 : vector<64x1xi32> to vector<1x64x1xi32>
    %reduce_max3A_849 = arith.constant dense<-2147483648> : vector<1xi32>
    %reduce_max3A_850 = vector.multi_reduction <maxsi>, %reduce_max3A_848, %reduce_max3A_849 [1, 2] : vector<1x64x1xi32> to vector<1xi32>
    %reduce_max3A_851 = vector.shape_cast %reduce_max3A_850 : vector<1xi32> to vector<1x1x1xi32>
    %reduce_max3A_852 = vector.extract %reduce_max3A_851[0, 0, 0] : i32 from vector<1x1x1xi32>
    %swap3A_853 = arith.constant 2 : index
    %swap3A_854 = arith.constant 2 : index
    %swap3A_855 = memref.load %arg3[%swap3A_853, %swap3A_854] : memref<9x9xi32, #tpu.memory_space<smem>>
    memref.store %reduce_max3A_852, %arg3[%swap3A_853, %swap3A_854] : memref<9x9xi32, #tpu.memory_space<smem>>
    %eq3A_856 = vector.broadcast %reduce_min3A_839 : i32 to vector<64x1xi32>
    %eq3A_857 = arith.cmpi eq, %iota3A_9, %eq3A_856 : vector<64x1xi32>
    %jit3A_858 = arith.constant 0xFF800000 : f32
    %broadcast_in_dim3A_859 = vector.broadcast %jit3A_858 : f32 to vector<64x1xf32>
    %select_n3A_860 = arith.select %eq3A_857, %broadcast_in_dim3A_859, %select_n3A_824 : vector<64x1xi1>, vector<64x1xf32>
    %reduce_max3A_861 = vector.shape_cast %select_n3A_860 : vector<64x1xf32> to vector<1x64x1xf32>
    %reduce_max3A_862 = arith.constant dense<0xFF800000> : vector<1xf32>
    %reduce_max3A_863 = vector.multi_reduction <maximumf>, %reduce_max3A_861, %reduce_max3A_862 [1, 2] : vector<1x64x1xf32> to vector<1xf32>
    %reduce_max3A_864 = vector.shape_cast %reduce_max3A_863 : vector<1xf32> to vector<1x1x1xf32>
    %reduce_max3A_865 = vector.extract %reduce_max3A_864[0, 0, 0] : f32 from vector<1x1x1xf32>
    %eq3A_866 = vector.broadcast %reduce_max3A_865 : f32 to vector<64x1xf32>
    %eq3A_867 = arith.cmpf oeq, %select_n3A_860, %eq3A_866 : vector<64x1xf32>
    %jit3A_868 = arith.constant 64 : i32
    %broadcast_in_dim3A_869 = vector.broadcast %jit3A_868 : i32 to vector<64x1xi32>
    %select_n3A_870 = arith.select %eq3A_867, %iota3A_9, %broadcast_in_dim3A_869 : vector<64x1xi1>, vector<64x1xi32>
    %reduce_min3A_871 = vector.shape_cast %select_n3A_870 : vector<64x1xi32> to vector<1x64x1xi32>
    %reduce_min3A_872 = arith.constant dense<2147483647> : vector<1xi32>
    %reduce_min3A_873 = vector.multi_reduction <minsi>, %reduce_min3A_871, %reduce_min3A_872 [1, 2] : vector<1x64x1xi32> to vector<1xi32>
    %reduce_min3A_874 = vector.shape_cast %reduce_min3A_873 : vector<1xi32> to vector<1x1x1xi32>
    %reduce_min3A_875 = vector.extract %reduce_min3A_874[0, 0, 0] : i32 from vector<1x1x1xi32>
    %swap3A_876 = arith.constant 2 : index
    %swap3A_877 = arith.constant 3 : index
    %swap3A_878 = memref.load %arg4[%swap3A_876, %swap3A_877] : memref<9x9xf32, #tpu.memory_space<smem>>
    memref.store %reduce_max3A_865, %arg4[%swap3A_876, %swap3A_877] : memref<9x9xf32, #tpu.memory_space<smem>>
    %eq3A_879 = vector.broadcast %reduce_min3A_875 : i32 to vector<64x1xi32>
    %eq3A_880 = arith.cmpi eq, %iota3A_9, %eq3A_879 : vector<64x1xi32>
    %jit3A_881 = arith.constant 0 : i32
    %broadcast_in_dim3A_882 = vector.broadcast %jit3A_881 : i32 to vector<64x1xi32>
    %select_n3A_883 = arith.select %eq3A_880, %broadcast_in_dim3A_752, %broadcast_in_dim3A_882 : vector<64x1xi1>, vector<64x1xi32>
    %reduce_max3A_884 = vector.shape_cast %select_n3A_883 : vector<64x1xi32> to vector<1x64x1xi32>
    %reduce_max3A_885 = arith.constant dense<-2147483648> : vector<1xi32>
    %reduce_max3A_886 = vector.multi_reduction <maxsi>, %reduce_max3A_884, %reduce_max3A_885 [1, 2] : vector<1x64x1xi32> to vector<1xi32>
    %reduce_max3A_887 = vector.shape_cast %reduce_max3A_886 : vector<1xi32> to vector<1x1x1xi32>
    %reduce_max3A_888 = vector.extract %reduce_max3A_887[0, 0, 0] : i32 from vector<1x1x1xi32>
    %swap3A_889 = arith.constant 2 : index
    %swap3A_890 = arith.constant 3 : index
    %swap3A_891 = memref.load %arg3[%swap3A_889, %swap3A_890] : memref<9x9xi32, #tpu.memory_space<smem>>
    memref.store %reduce_max3A_888, %arg3[%swap3A_889, %swap3A_890] : memref<9x9xi32, #tpu.memory_space<smem>>
    %eq3A_892 = vector.broadcast %reduce_min3A_875 : i32 to vector<64x1xi32>
    %eq3A_893 = arith.cmpi eq, %iota3A_9, %eq3A_892 : vector<64x1xi32>
    %jit3A_894 = arith.constant 0xFF800000 : f32
    %broadcast_in_dim3A_895 = vector.broadcast %jit3A_894 : f32 to vector<64x1xf32>
    %select_n3A_896 = arith.select %eq3A_893, %broadcast_in_dim3A_895, %select_n3A_860 : vector<64x1xi1>, vector<64x1xf32>
    %reduce_max3A_897 = vector.shape_cast %select_n3A_896 : vector<64x1xf32> to vector<1x64x1xf32>
    %reduce_max3A_898 = arith.constant dense<0xFF800000> : vector<1xf32>
    %reduce_max3A_899 = vector.multi_reduction <maximumf>, %reduce_max3A_897, %reduce_max3A_898 [1, 2] : vector<1x64x1xf32> to vector<1xf32>
    %reduce_max3A_900 = vector.shape_cast %reduce_max3A_899 : vector<1xf32> to vector<1x1x1xf32>
    %reduce_max3A_901 = vector.extract %reduce_max3A_900[0, 0, 0] : f32 from vector<1x1x1xf32>
    %eq3A_902 = vector.broadcast %reduce_max3A_901 : f32 to vector<64x1xf32>
    %eq3A_903 = arith.cmpf oeq, %select_n3A_896, %eq3A_902 : vector<64x1xf32>
    %jit3A_904 = arith.constant 64 : i32
    %broadcast_in_dim3A_905 = vector.broadcast %jit3A_904 : i32 to vector<64x1xi32>
    %select_n3A_906 = arith.select %eq3A_903, %iota3A_9, %broadcast_in_dim3A_905 : vector<64x1xi1>, vector<64x1xi32>
    %reduce_min3A_907 = vector.shape_cast %select_n3A_906 : vector<64x1xi32> to vector<1x64x1xi32>
    %reduce_min3A_908 = arith.constant dense<2147483647> : vector<1xi32>
    %reduce_min3A_909 = vector.multi_reduction <minsi>, %reduce_min3A_907, %reduce_min3A_908 [1, 2] : vector<1x64x1xi32> to vector<1xi32>
    %reduce_min3A_910 = vector.shape_cast %reduce_min3A_909 : vector<1xi32> to vector<1x1x1xi32>
    %reduce_min3A_911 = vector.extract %reduce_min3A_910[0, 0, 0] : i32 from vector<1x1x1xi32>
    %swap3A_912 = arith.constant 2 : index
    %swap3A_913 = arith.constant 4 : index
    %swap3A_914 = memref.load %arg4[%swap3A_912, %swap3A_913] : memref<9x9xf32, #tpu.memory_space<smem>>
    memref.store %reduce_max3A_901, %arg4[%swap3A_912, %swap3A_913] : memref<9x9xf32, #tpu.memory_space<smem>>
    %eq3A_915 = vector.broadcast %reduce_min3A_911 : i32 to vector<64x1xi32>
    %eq3A_916 = arith.cmpi eq, %iota3A_9, %eq3A_915 : vector<64x1xi32>
    %jit3A_917 = arith.constant 0 : i32
    %broadcast_in_dim3A_918 = vector.broadcast %jit3A_917 : i32 to vector<64x1xi32>
    %select_n3A_919 = arith.select %eq3A_916, %broadcast_in_dim3A_752, %broadcast_in_dim3A_918 : vector<64x1xi1>, vector<64x1xi32>
    %reduce_max3A_920 = vector.shape_cast %select_n3A_919 : vector<64x1xi32> to vector<1x64x1xi32>
    %reduce_max3A_921 = arith.constant dense<-2147483648> : vector<1xi32>
    %reduce_max3A_922 = vector.multi_reduction <maxsi>, %reduce_max3A_920, %reduce_max3A_921 [1, 2] : vector<1x64x1xi32> to vector<1xi32>
    %reduce_max3A_923 = vector.shape_cast %reduce_max3A_922 : vector<1xi32> to vector<1x1x1xi32>
    %reduce_max3A_924 = vector.extract %reduce_max3A_923[0, 0, 0] : i32 from vector<1x1x1xi32>
    %swap3A_925 = arith.constant 2 : index
    %swap3A_926 = arith.constant 4 : index
    %swap3A_927 = memref.load %arg3[%swap3A_925, %swap3A_926] : memref<9x9xi32, #tpu.memory_space<smem>>
    memref.store %reduce_max3A_924, %arg3[%swap3A_925, %swap3A_926] : memref<9x9xi32, #tpu.memory_space<smem>>
    %eq3A_928 = vector.broadcast %reduce_min3A_911 : i32 to vector<64x1xi32>
    %eq3A_929 = arith.cmpi eq, %iota3A_9, %eq3A_928 : vector<64x1xi32>
    %jit3A_930 = arith.constant 0xFF800000 : f32
    %broadcast_in_dim3A_931 = vector.broadcast %jit3A_930 : f32 to vector<64x1xf32>
    %select_n3A_932 = arith.select %eq3A_929, %broadcast_in_dim3A_931, %select_n3A_896 : vector<64x1xi1>, vector<64x1xf32>
    %reduce_max3A_933 = vector.shape_cast %select_n3A_932 : vector<64x1xf32> to vector<1x64x1xf32>
    %reduce_max3A_934 = arith.constant dense<0xFF800000> : vector<1xf32>
    %reduce_max3A_935 = vector.multi_reduction <maximumf>, %reduce_max3A_933, %reduce_max3A_934 [1, 2] : vector<1x64x1xf32> to vector<1xf32>
    %reduce_max3A_936 = vector.shape_cast %reduce_max3A_935 : vector<1xf32> to vector<1x1x1xf32>
    %reduce_max3A_937 = vector.extract %reduce_max3A_936[0, 0, 0] : f32 from vector<1x1x1xf32>
    %eq3A_938 = vector.broadcast %reduce_max3A_937 : f32 to vector<64x1xf32>
    %eq3A_939 = arith.cmpf oeq, %select_n3A_932, %eq3A_938 : vector<64x1xf32>
    %jit3A_940 = arith.constant 64 : i32
    %broadcast_in_dim3A_941 = vector.broadcast %jit3A_940 : i32 to vector<64x1xi32>
    %select_n3A_942 = arith.select %eq3A_939, %iota3A_9, %broadcast_in_dim3A_941 : vector<64x1xi1>, vector<64x1xi32>
    %reduce_min3A_943 = vector.shape_cast %select_n3A_942 : vector<64x1xi32> to vector<1x64x1xi32>
    %reduce_min3A_944 = arith.constant dense<2147483647> : vector<1xi32>
    %reduce_min3A_945 = vector.multi_reduction <minsi>, %reduce_min3A_943, %reduce_min3A_944 [1, 2] : vector<1x64x1xi32> to vector<1xi32>
    %reduce_min3A_946 = vector.shape_cast %reduce_min3A_945 : vector<1xi32> to vector<1x1x1xi32>
    %reduce_min3A_947 = vector.extract %reduce_min3A_946[0, 0, 0] : i32 from vector<1x1x1xi32>
    %swap3A_948 = arith.constant 2 : index
    %swap3A_949 = arith.constant 5 : index
    %swap3A_950 = memref.load %arg4[%swap3A_948, %swap3A_949] : memref<9x9xf32, #tpu.memory_space<smem>>
    memref.store %reduce_max3A_937, %arg4[%swap3A_948, %swap3A_949] : memref<9x9xf32, #tpu.memory_space<smem>>
    %eq3A_951 = vector.broadcast %reduce_min3A_947 : i32 to vector<64x1xi32>
    %eq3A_952 = arith.cmpi eq, %iota3A_9, %eq3A_951 : vector<64x1xi32>
    %jit3A_953 = arith.constant 0 : i32
    %broadcast_in_dim3A_954 = vector.broadcast %jit3A_953 : i32 to vector<64x1xi32>
    %select_n3A_955 = arith.select %eq3A_952, %broadcast_in_dim3A_752, %broadcast_in_dim3A_954 : vector<64x1xi1>, vector<64x1xi32>
    %reduce_max3A_956 = vector.shape_cast %select_n3A_955 : vector<64x1xi32> to vector<1x64x1xi32>
    %reduce_max3A_957 = arith.constant dense<-2147483648> : vector<1xi32>
    %reduce_max3A_958 = vector.multi_reduction <maxsi>, %reduce_max3A_956, %reduce_max3A_957 [1, 2] : vector<1x64x1xi32> to vector<1xi32>
    %reduce_max3A_959 = vector.shape_cast %reduce_max3A_958 : vector<1xi32> to vector<1x1x1xi32>
    %reduce_max3A_960 = vector.extract %reduce_max3A_959[0, 0, 0] : i32 from vector<1x1x1xi32>
    %swap3A_961 = arith.constant 2 : index
    %swap3A_962 = arith.constant 5 : index
    %swap3A_963 = memref.load %arg3[%swap3A_961, %swap3A_962] : memref<9x9xi32, #tpu.memory_space<smem>>
    memref.store %reduce_max3A_960, %arg3[%swap3A_961, %swap3A_962] : memref<9x9xi32, #tpu.memory_space<smem>>
    %eq3A_964 = vector.broadcast %reduce_min3A_947 : i32 to vector<64x1xi32>
    %eq3A_965 = arith.cmpi eq, %iota3A_9, %eq3A_964 : vector<64x1xi32>
    %jit3A_966 = arith.constant 0xFF800000 : f32
    %broadcast_in_dim3A_967 = vector.broadcast %jit3A_966 : f32 to vector<64x1xf32>
    %select_n3A_968 = arith.select %eq3A_965, %broadcast_in_dim3A_967, %select_n3A_932 : vector<64x1xi1>, vector<64x1xf32>
    %reduce_max3A_969 = vector.shape_cast %select_n3A_968 : vector<64x1xf32> to vector<1x64x1xf32>
    %reduce_max3A_970 = arith.constant dense<0xFF800000> : vector<1xf32>
    %reduce_max3A_971 = vector.multi_reduction <maximumf>, %reduce_max3A_969, %reduce_max3A_970 [1, 2] : vector<1x64x1xf32> to vector<1xf32>
    %reduce_max3A_972 = vector.shape_cast %reduce_max3A_971 : vector<1xf32> to vector<1x1x1xf32>
    %reduce_max3A_973 = vector.extract %reduce_max3A_972[0, 0, 0] : f32 from vector<1x1x1xf32>
    %eq3A_974 = vector.broadcast %reduce_max3A_973 : f32 to vector<64x1xf32>
    %eq3A_975 = arith.cmpf oeq, %select_n3A_968, %eq3A_974 : vector<64x1xf32>
    %jit3A_976 = arith.constant 64 : i32
    %broadcast_in_dim3A_977 = vector.broadcast %jit3A_976 : i32 to vector<64x1xi32>
    %select_n3A_978 = arith.select %eq3A_975, %iota3A_9, %broadcast_in_dim3A_977 : vector<64x1xi1>, vector<64x1xi32>
    %reduce_min3A_979 = vector.shape_cast %select_n3A_978 : vector<64x1xi32> to vector<1x64x1xi32>
    %reduce_min3A_980 = arith.constant dense<2147483647> : vector<1xi32>
    %reduce_min3A_981 = vector.multi_reduction <minsi>, %reduce_min3A_979, %reduce_min3A_980 [1, 2] : vector<1x64x1xi32> to vector<1xi32>
    %reduce_min3A_982 = vector.shape_cast %reduce_min3A_981 : vector<1xi32> to vector<1x1x1xi32>
    %reduce_min3A_983 = vector.extract %reduce_min3A_982[0, 0, 0] : i32 from vector<1x1x1xi32>
    %swap3A_984 = arith.constant 2 : index
    %swap3A_985 = arith.constant 6 : index
    %swap3A_986 = memref.load %arg4[%swap3A_984, %swap3A_985] : memref<9x9xf32, #tpu.memory_space<smem>>
    memref.store %reduce_max3A_973, %arg4[%swap3A_984, %swap3A_985] : memref<9x9xf32, #tpu.memory_space<smem>>
    %eq3A_987 = vector.broadcast %reduce_min3A_983 : i32 to vector<64x1xi32>
    %eq3A_988 = arith.cmpi eq, %iota3A_9, %eq3A_987 : vector<64x1xi32>
    %jit3A_989 = arith.constant 0 : i32
    %broadcast_in_dim3A_990 = vector.broadcast %jit3A_989 : i32 to vector<64x1xi32>
    %select_n3A_991 = arith.select %eq3A_988, %broadcast_in_dim3A_752, %broadcast_in_dim3A_990 : vector<64x1xi1>, vector<64x1xi32>
    %reduce_max3A_992 = vector.shape_cast %select_n3A_991 : vector<64x1xi32> to vector<1x64x1xi32>
    %reduce_max3A_993 = arith.constant dense<-2147483648> : vector<1xi32>
    %reduce_max3A_994 = vector.multi_reduction <maxsi>, %reduce_max3A_992, %reduce_max3A_993 [1, 2] : vector<1x64x1xi32> to vector<1xi32>
    %reduce_max3A_995 = vector.shape_cast %reduce_max3A_994 : vector<1xi32> to vector<1x1x1xi32>
    %reduce_max3A_996 = vector.extract %reduce_max3A_995[0, 0, 0] : i32 from vector<1x1x1xi32>
    %swap3A_997 = arith.constant 2 : index
    %swap3A_998 = arith.constant 6 : index
    %swap3A_999 = memref.load %arg3[%swap3A_997, %swap3A_998] : memref<9x9xi32, #tpu.memory_space<smem>>
    memref.store %reduce_max3A_996, %arg3[%swap3A_997, %swap3A_998] : memref<9x9xi32, #tpu.memory_space<smem>>
    %eq3A_1000 = vector.broadcast %reduce_min3A_983 : i32 to vector<64x1xi32>
    %eq3A_1001 = arith.cmpi eq, %iota3A_9, %eq3A_1000 : vector<64x1xi32>
    %jit3A_1002 = arith.constant 0xFF800000 : f32
    %broadcast_in_dim3A_1003 = vector.broadcast %jit3A_1002 : f32 to vector<64x1xf32>
    %select_n3A_1004 = arith.select %eq3A_1001, %broadcast_in_dim3A_1003, %select_n3A_968 : vector<64x1xi1>, vector<64x1xf32>
    %reduce_max3A_1005 = vector.shape_cast %select_n3A_1004 : vector<64x1xf32> to vector<1x64x1xf32>
    %reduce_max3A_1006 = arith.constant dense<0xFF800000> : vector<1xf32>
    %reduce_max3A_1007 = vector.multi_reduction <maximumf>, %reduce_max3A_1005, %reduce_max3A_1006 [1, 2] : vector<1x64x1xf32> to vector<1xf32>
    %reduce_max3A_1008 = vector.shape_cast %reduce_max3A_1007 : vector<1xf32> to vector<1x1x1xf32>
    %reduce_max3A_1009 = vector.extract %reduce_max3A_1008[0, 0, 0] : f32 from vector<1x1x1xf32>
    %eq3A_1010 = vector.broadcast %reduce_max3A_1009 : f32 to vector<64x1xf32>
    %eq3A_1011 = arith.cmpf oeq, %select_n3A_1004, %eq3A_1010 : vector<64x1xf32>
    %jit3A_1012 = arith.constant 64 : i32
    %broadcast_in_dim3A_1013 = vector.broadcast %jit3A_1012 : i32 to vector<64x1xi32>
    %select_n3A_1014 = arith.select %eq3A_1011, %iota3A_9, %broadcast_in_dim3A_1013 : vector<64x1xi1>, vector<64x1xi32>
    %reduce_min3A_1015 = vector.shape_cast %select_n3A_1014 : vector<64x1xi32> to vector<1x64x1xi32>
    %reduce_min3A_1016 = arith.constant dense<2147483647> : vector<1xi32>
    %reduce_min3A_1017 = vector.multi_reduction <minsi>, %reduce_min3A_1015, %reduce_min3A_1016 [1, 2] : vector<1x64x1xi32> to vector<1xi32>
    %reduce_min3A_1018 = vector.shape_cast %reduce_min3A_1017 : vector<1xi32> to vector<1x1x1xi32>
    %reduce_min3A_1019 = vector.extract %reduce_min3A_1018[0, 0, 0] : i32 from vector<1x1x1xi32>
    %swap3A_1020 = arith.constant 2 : index
    %swap3A_1021 = arith.constant 7 : index
    %swap3A_1022 = memref.load %arg4[%swap3A_1020, %swap3A_1021] : memref<9x9xf32, #tpu.memory_space<smem>>
    memref.store %reduce_max3A_1009, %arg4[%swap3A_1020, %swap3A_1021] : memref<9x9xf32, #tpu.memory_space<smem>>
    %eq3A_1023 = vector.broadcast %reduce_min3A_1019 : i32 to vector<64x1xi32>
    %eq3A_1024 = arith.cmpi eq, %iota3A_9, %eq3A_1023 : vector<64x1xi32>
    %jit3A_1025 = arith.constant 0 : i32
    %broadcast_in_dim3A_1026 = vector.broadcast %jit3A_1025 : i32 to vector<64x1xi32>
    %select_n3A_1027 = arith.select %eq3A_1024, %broadcast_in_dim3A_752, %broadcast_in_dim3A_1026 : vector<64x1xi1>, vector<64x1xi32>
    %reduce_max3A_1028 = vector.shape_cast %select_n3A_1027 : vector<64x1xi32> to vector<1x64x1xi32>
    %reduce_max3A_1029 = arith.constant dense<-2147483648> : vector<1xi32>
    %reduce_max3A_1030 = vector.multi_reduction <maxsi>, %reduce_max3A_1028, %reduce_max3A_1029 [1, 2] : vector<1x64x1xi32> to vector<1xi32>
    %reduce_max3A_1031 = vector.shape_cast %reduce_max3A_1030 : vector<1xi32> to vector<1x1x1xi32>
    %reduce_max3A_1032 = vector.extract %reduce_max3A_1031[0, 0, 0] : i32 from vector<1x1x1xi32>
    %swap3A_1033 = arith.constant 2 : index
    %swap3A_1034 = arith.constant 7 : index
    %swap3A_1035 = memref.load %arg3[%swap3A_1033, %swap3A_1034] : memref<9x9xi32, #tpu.memory_space<smem>>
    memref.store %reduce_max3A_1032, %arg3[%swap3A_1033, %swap3A_1034] : memref<9x9xi32, #tpu.memory_space<smem>>
    %eq3A_1036 = vector.broadcast %reduce_min3A_1019 : i32 to vector<64x1xi32>
    %eq3A_1037 = arith.cmpi eq, %iota3A_9, %eq3A_1036 : vector<64x1xi32>
    %jit3A_1038 = arith.constant 0xFF800000 : f32
    %broadcast_in_dim3A_1039 = vector.broadcast %jit3A_1038 : f32 to vector<64x1xf32>
    %select_n3A_1040 = arith.select %eq3A_1037, %broadcast_in_dim3A_1039, %select_n3A_1004 : vector<64x1xi1>, vector<64x1xf32>
    %reduce_max3A_1041 = vector.shape_cast %select_n3A_1040 : vector<64x1xf32> to vector<1x64x1xf32>
    %reduce_max3A_1042 = arith.constant dense<0xFF800000> : vector<1xf32>
    %reduce_max3A_1043 = vector.multi_reduction <maximumf>, %reduce_max3A_1041, %reduce_max3A_1042 [1, 2] : vector<1x64x1xf32> to vector<1xf32>
    %reduce_max3A_1044 = vector.shape_cast %reduce_max3A_1043 : vector<1xf32> to vector<1x1x1xf32>
    %reduce_max3A_1045 = vector.extract %reduce_max3A_1044[0, 0, 0] : f32 from vector<1x1x1xf32>
    %eq3A_1046 = vector.broadcast %reduce_max3A_1045 : f32 to vector<64x1xf32>
    %eq3A_1047 = arith.cmpf oeq, %select_n3A_1040, %eq3A_1046 : vector<64x1xf32>
    %jit3A_1048 = arith.constant 64 : i32
    %broadcast_in_dim3A_1049 = vector.broadcast %jit3A_1048 : i32 to vector<64x1xi32>
    %select_n3A_1050 = arith.select %eq3A_1047, %iota3A_9, %broadcast_in_dim3A_1049 : vector<64x1xi1>, vector<64x1xi32>
    %reduce_min3A_1051 = vector.shape_cast %select_n3A_1050 : vector<64x1xi32> to vector<1x64x1xi32>
    %reduce_min3A_1052 = arith.constant dense<2147483647> : vector<1xi32>
    %reduce_min3A_1053 = vector.multi_reduction <minsi>, %reduce_min3A_1051, %reduce_min3A_1052 [1, 2] : vector<1x64x1xi32> to vector<1xi32>
    %reduce_min3A_1054 = vector.shape_cast %reduce_min3A_1053 : vector<1xi32> to vector<1x1x1xi32>
    %reduce_min3A_1055 = vector.extract %reduce_min3A_1054[0, 0, 0] : i32 from vector<1x1x1xi32>
    %swap3A_1056 = arith.constant 2 : index
    %swap3A_1057 = arith.constant 8 : index
    %swap3A_1058 = memref.load %arg4[%swap3A_1056, %swap3A_1057] : memref<9x9xf32, #tpu.memory_space<smem>>
    memref.store %reduce_max3A_1045, %arg4[%swap3A_1056, %swap3A_1057] : memref<9x9xf32, #tpu.memory_space<smem>>
    %eq3A_1059 = vector.broadcast %reduce_min3A_1055 : i32 to vector<64x1xi32>
    %eq3A_1060 = arith.cmpi eq, %iota3A_9, %eq3A_1059 : vector<64x1xi32>
    %jit3A_1061 = arith.constant 0 : i32
    %broadcast_in_dim3A_1062 = vector.broadcast %jit3A_1061 : i32 to vector<64x1xi32>
    %select_n3A_1063 = arith.select %eq3A_1060, %broadcast_in_dim3A_752, %broadcast_in_dim3A_1062 : vector<64x1xi1>, vector<64x1xi32>
    %reduce_max3A_1064 = vector.shape_cast %select_n3A_1063 : vector<64x1xi32> to vector<1x64x1xi32>
    %reduce_max3A_1065 = arith.constant dense<-2147483648> : vector<1xi32>
    %reduce_max3A_1066 = vector.multi_reduction <maxsi>, %reduce_max3A_1064, %reduce_max3A_1065 [1, 2] : vector<1x64x1xi32> to vector<1xi32>
    %reduce_max3A_1067 = vector.shape_cast %reduce_max3A_1066 : vector<1xi32> to vector<1x1x1xi32>
    %reduce_max3A_1068 = vector.extract %reduce_max3A_1067[0, 0, 0] : i32 from vector<1x1x1xi32>
    %swap3A_1069 = arith.constant 2 : index
    %swap3A_1070 = arith.constant 8 : index
    %swap3A_1071 = memref.load %arg3[%swap3A_1069, %swap3A_1070] : memref<9x9xi32, #tpu.memory_space<smem>>
    memref.store %reduce_max3A_1068, %arg3[%swap3A_1069, %swap3A_1070] : memref<9x9xi32, #tpu.memory_space<smem>>
    %reduce_max3A_1072 = vector.shape_cast %select_n3A_735 : vector<1x512xf32> to vector<1x1x512xf32>
    %reduce_max3A_1073 = arith.constant dense<0xFF800000> : vector<1xf32>
    %reduce_max3A_1074 = vector.multi_reduction <maximumf>, %reduce_max3A_1072, %reduce_max3A_1073 [1, 2] : vector<1x1x512xf32> to vector<1xf32>
    %reduce_max3A_1075 = vector.shape_cast %reduce_max3A_1074 : vector<1xf32> to vector<1x1x1xf32>
    %reduce_max3A_1076 = vector.extract %reduce_max3A_1075[0, 0, 0] : f32 from vector<1x1x1xf32>
    %eq3A_1077 = vector.broadcast %reduce_max3A_1076 : f32 to vector<1x512xf32>
    %eq3A_1078 = arith.cmpf oeq, %select_n3A_735, %eq3A_1077 : vector<1x512xf32>
    %jit3A_1079 = arith.constant 512 : i32
    %broadcast_in_dim3A_1080 = vector.broadcast %jit3A_1079 : i32 to vector<1x512xi32>
    %select_n3A_1081 = arith.select %eq3A_1078, %iota3A, %broadcast_in_dim3A_1080 : vector<1x512xi1>, vector<1x512xi32>
    %reduce_min3A_1082 = vector.shape_cast %select_n3A_1081 : vector<1x512xi32> to vector<1x1x512xi32>
    %reduce_min3A_1083 = arith.constant dense<2147483647> : vector<1xi32>
    %reduce_min3A_1084 = vector.multi_reduction <minsi>, %reduce_min3A_1082, %reduce_min3A_1083 [1, 2] : vector<1x1x512xi32> to vector<1xi32>
    %reduce_min3A_1085 = vector.shape_cast %reduce_min3A_1084 : vector<1xi32> to vector<1x1x1xi32>
    %reduce_min3A_1086 = vector.extract %reduce_min3A_1085[0, 0, 0] : i32 from vector<1x1x1xi32>
    %eq3A_1087 = vector.broadcast %reduce_min3A_1086 : i32 to vector<1x512xi32>
    %eq3A_1088 = arith.cmpi eq, %iota3A, %eq3A_1087 : vector<1x512xi32>
    %jit3A_1089 = arith.constant 0xFF800000 : f32
    %broadcast_in_dim3A_1090 = vector.broadcast %jit3A_1089 : f32 to vector<1x512xf32>
    %select_n3A_1091 = arith.select %eq3A_1088, %broadcast_in_dim3A_1090, %select_n3A_735 : vector<1x512xi1>, vector<1x512xf32>
    %swap3A_1092 = arith.constant 0 : index
    %swap3A_1093 = arith.constant 3 : index
    %swap3A_1094 = memref.load %arg2[%swap3A_1092, %swap3A_1093] : memref<1x9xi32, #tpu.memory_space<smem>>
    memref.store %reduce_min3A_1086, %arg2[%swap3A_1092, %swap3A_1093] : memref<1x9xi32, #tpu.memory_space<smem>>
    %eq3A_1095 = vector.broadcast %reduce_min3A_1086 : i32 to vector<64x512xi32>
    %eq3A_1096 = arith.cmpi eq, %iota3A_8, %eq3A_1095 : vector<64x512xi32>
    %jit3A_1097 = arith.constant 0xFF800000 : f32
    %broadcast_in_dim3A_1098 = vector.broadcast %jit3A_1097 : f32 to vector<64x512xf32>
    %select_n3A_1099 = arith.select %eq3A_1096, %get3A_1, %broadcast_in_dim3A_1098 : vector<64x512xi1>, vector<64x512xf32>
    %reduce_max3A_1100 = arith.constant dense<0xFF800000> : vector<64xf32>
    %reduce_max3A_1101 = vector.multi_reduction <maximumf>, %select_n3A_1099, %reduce_max3A_1100 [1] : vector<64x512xf32> to vector<64xf32>
    %broadcast_in_dim3A_1102 = vector.shape_cast %reduce_max3A_1101 : vector<64xf32> to vector<64x1xf32>
    %jit3A_1103 = arith.constant 0 : i32
    %broadcast_in_dim3A_1104 = vector.broadcast %jit3A_1103 : i32 to vector<64x512xi32>
    %select_n3A_1105 = arith.select %eq3A_1096, %get3A_4, %broadcast_in_dim3A_1104 : vector<64x512xi1>, vector<64x512xi32>
    %reduce_max3A_1106 = arith.constant dense<-2147483648> : vector<64xi32>
    %reduce_max3A_1107 = vector.multi_reduction <maxsi>, %select_n3A_1105, %reduce_max3A_1106 [1] : vector<64x512xi32> to vector<64xi32>
    %broadcast_in_dim3A_1108 = vector.shape_cast %reduce_max3A_1107 : vector<64xi32> to vector<64x1xi32>
    %reduce_max3A_1109 = vector.shape_cast %broadcast_in_dim3A_1102 : vector<64x1xf32> to vector<1x64x1xf32>
    %reduce_max3A_1110 = arith.constant dense<0xFF800000> : vector<1xf32>
    %reduce_max3A_1111 = vector.multi_reduction <maximumf>, %reduce_max3A_1109, %reduce_max3A_1110 [1, 2] : vector<1x64x1xf32> to vector<1xf32>
    %reduce_max3A_1112 = vector.shape_cast %reduce_max3A_1111 : vector<1xf32> to vector<1x1x1xf32>
    %reduce_max3A_1113 = vector.extract %reduce_max3A_1112[0, 0, 0] : f32 from vector<1x1x1xf32>
    %eq3A_1114 = vector.broadcast %reduce_max3A_1113 : f32 to vector<64x1xf32>
    %eq3A_1115 = arith.cmpf oeq, %broadcast_in_dim3A_1102, %eq3A_1114 : vector<64x1xf32>
    %jit3A_1116 = arith.constant 64 : i32
    %broadcast_in_dim3A_1117 = vector.broadcast %jit3A_1116 : i32 to vector<64x1xi32>
    %select_n3A_1118 = arith.select %eq3A_1115, %iota3A_9, %broadcast_in_dim3A_1117 : vector<64x1xi1>, vector<64x1xi32>
    %reduce_min3A_1119 = vector.shape_cast %select_n3A_1118 : vector<64x1xi32> to vector<1x64x1xi32>
    %reduce_min3A_1120 = arith.constant dense<2147483647> : vector<1xi32>
    %reduce_min3A_1121 = vector.multi_reduction <minsi>, %reduce_min3A_1119, %reduce_min3A_1120 [1, 2] : vector<1x64x1xi32> to vector<1xi32>
    %reduce_min3A_1122 = vector.shape_cast %reduce_min3A_1121 : vector<1xi32> to vector<1x1x1xi32>
    %reduce_min3A_1123 = vector.extract %reduce_min3A_1122[0, 0, 0] : i32 from vector<1x1x1xi32>
    %swap3A_1124 = arith.constant 3 : index
    %swap3A_1125 = arith.constant 0 : index
    %swap3A_1126 = memref.load %arg4[%swap3A_1124, %swap3A_1125] : memref<9x9xf32, #tpu.memory_space<smem>>
    memref.store %reduce_max3A_1113, %arg4[%swap3A_1124, %swap3A_1125] : memref<9x9xf32, #tpu.memory_space<smem>>
    %eq3A_1127 = vector.broadcast %reduce_min3A_1123 : i32 to vector<64x1xi32>
    %eq3A_1128 = arith.cmpi eq, %iota3A_9, %eq3A_1127 : vector<64x1xi32>
    %jit3A_1129 = arith.constant 0 : i32
    %broadcast_in_dim3A_1130 = vector.broadcast %jit3A_1129 : i32 to vector<64x1xi32>
    %select_n3A_1131 = arith.select %eq3A_1128, %broadcast_in_dim3A_1108, %broadcast_in_dim3A_1130 : vector<64x1xi1>, vector<64x1xi32>
    %reduce_max3A_1132 = vector.shape_cast %select_n3A_1131 : vector<64x1xi32> to vector<1x64x1xi32>
    %reduce_max3A_1133 = arith.constant dense<-2147483648> : vector<1xi32>
    %reduce_max3A_1134 = vector.multi_reduction <maxsi>, %reduce_max3A_1132, %reduce_max3A_1133 [1, 2] : vector<1x64x1xi32> to vector<1xi32>
    %reduce_max3A_1135 = vector.shape_cast %reduce_max3A_1134 : vector<1xi32> to vector<1x1x1xi32>
    %reduce_max3A_1136 = vector.extract %reduce_max3A_1135[0, 0, 0] : i32 from vector<1x1x1xi32>
    %swap3A_1137 = arith.constant 3 : index
    %swap3A_1138 = arith.constant 0 : index
    %swap3A_1139 = memref.load %arg3[%swap3A_1137, %swap3A_1138] : memref<9x9xi32, #tpu.memory_space<smem>>
    memref.store %reduce_max3A_1136, %arg3[%swap3A_1137, %swap3A_1138] : memref<9x9xi32, #tpu.memory_space<smem>>
    %eq3A_1140 = vector.broadcast %reduce_min3A_1123 : i32 to vector<64x1xi32>
    %eq3A_1141 = arith.cmpi eq, %iota3A_9, %eq3A_1140 : vector<64x1xi32>
    %jit3A_1142 = arith.constant 0xFF800000 : f32
    %broadcast_in_dim3A_1143 = vector.broadcast %jit3A_1142 : f32 to vector<64x1xf32>
    %select_n3A_1144 = arith.select %eq3A_1141, %broadcast_in_dim3A_1143, %broadcast_in_dim3A_1102 : vector<64x1xi1>, vector<64x1xf32>
    %reduce_max3A_1145 = vector.shape_cast %select_n3A_1144 : vector<64x1xf32> to vector<1x64x1xf32>
    %reduce_max3A_1146 = arith.constant dense<0xFF800000> : vector<1xf32>
    %reduce_max3A_1147 = vector.multi_reduction <maximumf>, %reduce_max3A_1145, %reduce_max3A_1146 [1, 2] : vector<1x64x1xf32> to vector<1xf32>
    %reduce_max3A_1148 = vector.shape_cast %reduce_max3A_1147 : vector<1xf32> to vector<1x1x1xf32>
    %reduce_max3A_1149 = vector.extract %reduce_max3A_1148[0, 0, 0] : f32 from vector<1x1x1xf32>
    %eq3A_1150 = vector.broadcast %reduce_max3A_1149 : f32 to vector<64x1xf32>
    %eq3A_1151 = arith.cmpf oeq, %select_n3A_1144, %eq3A_1150 : vector<64x1xf32>
    %jit3A_1152 = arith.constant 64 : i32
    %broadcast_in_dim3A_1153 = vector.broadcast %jit3A_1152 : i32 to vector<64x1xi32>
    %select_n3A_1154 = arith.select %eq3A_1151, %iota3A_9, %broadcast_in_dim3A_1153 : vector<64x1xi1>, vector<64x1xi32>
    %reduce_min3A_1155 = vector.shape_cast %select_n3A_1154 : vector<64x1xi32> to vector<1x64x1xi32>
    %reduce_min3A_1156 = arith.constant dense<2147483647> : vector<1xi32>
    %reduce_min3A_1157 = vector.multi_reduction <minsi>, %reduce_min3A_1155, %reduce_min3A_1156 [1, 2] : vector<1x64x1xi32> to vector<1xi32>
    %reduce_min3A_1158 = vector.shape_cast %reduce_min3A_1157 : vector<1xi32> to vector<1x1x1xi32>
    %reduce_min3A_1159 = vector.extract %reduce_min3A_1158[0, 0, 0] : i32 from vector<1x1x1xi32>
    %swap3A_1160 = arith.constant 3 : index
    %swap3A_1161 = arith.constant 1 : index
    %swap3A_1162 = memref.load %arg4[%swap3A_1160, %swap3A_1161] : memref<9x9xf32, #tpu.memory_space<smem>>
    memref.store %reduce_max3A_1149, %arg4[%swap3A_1160, %swap3A_1161] : memref<9x9xf32, #tpu.memory_space<smem>>
    %eq3A_1163 = vector.broadcast %reduce_min3A_1159 : i32 to vector<64x1xi32>
    %eq3A_1164 = arith.cmpi eq, %iota3A_9, %eq3A_1163 : vector<64x1xi32>
    %jit3A_1165 = arith.constant 0 : i32
    %broadcast_in_dim3A_1166 = vector.broadcast %jit3A_1165 : i32 to vector<64x1xi32>
    %select_n3A_1167 = arith.select %eq3A_1164, %broadcast_in_dim3A_1108, %broadcast_in_dim3A_1166 : vector<64x1xi1>, vector<64x1xi32>
    %reduce_max3A_1168 = vector.shape_cast %select_n3A_1167 : vector<64x1xi32> to vector<1x64x1xi32>
    %reduce_max3A_1169 = arith.constant dense<-2147483648> : vector<1xi32>
    %reduce_max3A_1170 = vector.multi_reduction <maxsi>, %reduce_max3A_1168, %reduce_max3A_1169 [1, 2] : vector<1x64x1xi32> to vector<1xi32>
    %reduce_max3A_1171 = vector.shape_cast %reduce_max3A_1170 : vector<1xi32> to vector<1x1x1xi32>
    %reduce_max3A_1172 = vector.extract %reduce_max3A_1171[0, 0, 0] : i32 from vector<1x1x1xi32>
    %swap3A_1173 = arith.constant 3 : index
    %swap3A_1174 = arith.constant 1 : index
    %swap3A_1175 = memref.load %arg3[%swap3A_1173, %swap3A_1174] : memref<9x9xi32, #tpu.memory_space<smem>>
    memref.store %reduce_max3A_1172, %arg3[%swap3A_1173, %swap3A_1174] : memref<9x9xi32, #tpu.memory_space<smem>>
    %eq3A_1176 = vector.broadcast %reduce_min3A_1159 : i32 to vector<64x1xi32>
    %eq3A_1177 = arith.cmpi eq, %iota3A_9, %eq3A_1176 : vector<64x1xi32>
    %jit3A_1178 = arith.constant 0xFF800000 : f32
    %broadcast_in_dim3A_1179 = vector.broadcast %jit3A_1178 : f32 to vector<64x1xf32>
    %select_n3A_1180 = arith.select %eq3A_1177, %broadcast_in_dim3A_1179, %select_n3A_1144 : vector<64x1xi1>, vector<64x1xf32>
    %reduce_max3A_1181 = vector.shape_cast %select_n3A_1180 : vector<64x1xf32> to vector<1x64x1xf32>
    %reduce_max3A_1182 = arith.constant dense<0xFF800000> : vector<1xf32>
    %reduce_max3A_1183 = vector.multi_reduction <maximumf>, %reduce_max3A_1181, %reduce_max3A_1182 [1, 2] : vector<1x64x1xf32> to vector<1xf32>
    %reduce_max3A_1184 = vector.shape_cast %reduce_max3A_1183 : vector<1xf32> to vector<1x1x1xf32>
    %reduce_max3A_1185 = vector.extract %reduce_max3A_1184[0, 0, 0] : f32 from vector<1x1x1xf32>
    %eq3A_1186 = vector.broadcast %reduce_max3A_1185 : f32 to vector<64x1xf32>
    %eq3A_1187 = arith.cmpf oeq, %select_n3A_1180, %eq3A_1186 : vector<64x1xf32>
    %jit3A_1188 = arith.constant 64 : i32
    %broadcast_in_dim3A_1189 = vector.broadcast %jit3A_1188 : i32 to vector<64x1xi32>
    %select_n3A_1190 = arith.select %eq3A_1187, %iota3A_9, %broadcast_in_dim3A_1189 : vector<64x1xi1>, vector<64x1xi32>
    %reduce_min3A_1191 = vector.shape_cast %select_n3A_1190 : vector<64x1xi32> to vector<1x64x1xi32>
    %reduce_min3A_1192 = arith.constant dense<2147483647> : vector<1xi32>
    %reduce_min3A_1193 = vector.multi_reduction <minsi>, %reduce_min3A_1191, %reduce_min3A_1192 [1, 2] : vector<1x64x1xi32> to vector<1xi32>
    %reduce_min3A_1194 = vector.shape_cast %reduce_min3A_1193 : vector<1xi32> to vector<1x1x1xi32>
    %reduce_min3A_1195 = vector.extract %reduce_min3A_1194[0, 0, 0] : i32 from vector<1x1x1xi32>
    %swap3A_1196 = arith.constant 3 : index
    %swap3A_1197 = arith.constant 2 : index
    %swap3A_1198 = memref.load %arg4[%swap3A_1196, %swap3A_1197] : memref<9x9xf32, #tpu.memory_space<smem>>
    memref.store %reduce_max3A_1185, %arg4[%swap3A_1196, %swap3A_1197] : memref<9x9xf32, #tpu.memory_space<smem>>
    %eq3A_1199 = vector.broadcast %reduce_min3A_1195 : i32 to vector<64x1xi32>
    %eq3A_1200 = arith.cmpi eq, %iota3A_9, %eq3A_1199 : vector<64x1xi32>
    %jit3A_1201 = arith.constant 0 : i32
    %broadcast_in_dim3A_1202 = vector.broadcast %jit3A_1201 : i32 to vector<64x1xi32>
    %select_n3A_1203 = arith.select %eq3A_1200, %broadcast_in_dim3A_1108, %broadcast_in_dim3A_1202 : vector<64x1xi1>, vector<64x1xi32>
    %reduce_max3A_1204 = vector.shape_cast %select_n3A_1203 : vector<64x1xi32> to vector<1x64x1xi32>
    %reduce_max3A_1205 = arith.constant dense<-2147483648> : vector<1xi32>
    %reduce_max3A_1206 = vector.multi_reduction <maxsi>, %reduce_max3A_1204, %reduce_max3A_1205 [1, 2] : vector<1x64x1xi32> to vector<1xi32>
    %reduce_max3A_1207 = vector.shape_cast %reduce_max3A_1206 : vector<1xi32> to vector<1x1x1xi32>
    %reduce_max3A_1208 = vector.extract %reduce_max3A_1207[0, 0, 0] : i32 from vector<1x1x1xi32>
    %swap3A_1209 = arith.constant 3 : index
    %swap3A_1210 = arith.constant 2 : index
    %swap3A_1211 = memref.load %arg3[%swap3A_1209, %swap3A_1210] : memref<9x9xi32, #tpu.memory_space<smem>>
    memref.store %reduce_max3A_1208, %arg3[%swap3A_1209, %swap3A_1210] : memref<9x9xi32, #tpu.memory_space<smem>>
    %eq3A_1212 = vector.broadcast %reduce_min3A_1195 : i32 to vector<64x1xi32>
    %eq3A_1213 = arith.cmpi eq, %iota3A_9, %eq3A_1212 : vector<64x1xi32>
    %jit3A_1214 = arith.constant 0xFF800000 : f32
    %broadcast_in_dim3A_1215 = vector.broadcast %jit3A_1214 : f32 to vector<64x1xf32>
    %select_n3A_1216 = arith.select %eq3A_1213, %broadcast_in_dim3A_1215, %select_n3A_1180 : vector<64x1xi1>, vector<64x1xf32>
    %reduce_max3A_1217 = vector.shape_cast %select_n3A_1216 : vector<64x1xf32> to vector<1x64x1xf32>
    %reduce_max3A_1218 = arith.constant dense<0xFF800000> : vector<1xf32>
    %reduce_max3A_1219 = vector.multi_reduction <maximumf>, %reduce_max3A_1217, %reduce_max3A_1218 [1, 2] : vector<1x64x1xf32> to vector<1xf32>
    %reduce_max3A_1220 = vector.shape_cast %reduce_max3A_1219 : vector<1xf32> to vector<1x1x1xf32>
    %reduce_max3A_1221 = vector.extract %reduce_max3A_1220[0, 0, 0] : f32 from vector<1x1x1xf32>
    %eq3A_1222 = vector.broadcast %reduce_max3A_1221 : f32 to vector<64x1xf32>
    %eq3A_1223 = arith.cmpf oeq, %select_n3A_1216, %eq3A_1222 : vector<64x1xf32>
    %jit3A_1224 = arith.constant 64 : i32
    %broadcast_in_dim3A_1225 = vector.broadcast %jit3A_1224 : i32 to vector<64x1xi32>
    %select_n3A_1226 = arith.select %eq3A_1223, %iota3A_9, %broadcast_in_dim3A_1225 : vector<64x1xi1>, vector<64x1xi32>
    %reduce_min3A_1227 = vector.shape_cast %select_n3A_1226 : vector<64x1xi32> to vector<1x64x1xi32>
    %reduce_min3A_1228 = arith.constant dense<2147483647> : vector<1xi32>
    %reduce_min3A_1229 = vector.multi_reduction <minsi>, %reduce_min3A_1227, %reduce_min3A_1228 [1, 2] : vector<1x64x1xi32> to vector<1xi32>
    %reduce_min3A_1230 = vector.shape_cast %reduce_min3A_1229 : vector<1xi32> to vector<1x1x1xi32>
    %reduce_min3A_1231 = vector.extract %reduce_min3A_1230[0, 0, 0] : i32 from vector<1x1x1xi32>
    %swap3A_1232 = arith.constant 3 : index
    %swap3A_1233 = arith.constant 3 : index
    %swap3A_1234 = memref.load %arg4[%swap3A_1232, %swap3A_1233] : memref<9x9xf32, #tpu.memory_space<smem>>
    memref.store %reduce_max3A_1221, %arg4[%swap3A_1232, %swap3A_1233] : memref<9x9xf32, #tpu.memory_space<smem>>
    %eq3A_1235 = vector.broadcast %reduce_min3A_1231 : i32 to vector<64x1xi32>
    %eq3A_1236 = arith.cmpi eq, %iota3A_9, %eq3A_1235 : vector<64x1xi32>
    %jit3A_1237 = arith.constant 0 : i32
    %broadcast_in_dim3A_1238 = vector.broadcast %jit3A_1237 : i32 to vector<64x1xi32>
    %select_n3A_1239 = arith.select %eq3A_1236, %broadcast_in_dim3A_1108, %broadcast_in_dim3A_1238 : vector<64x1xi1>, vector<64x1xi32>
    %reduce_max3A_1240 = vector.shape_cast %select_n3A_1239 : vector<64x1xi32> to vector<1x64x1xi32>
    %reduce_max3A_1241 = arith.constant dense<-2147483648> : vector<1xi32>
    %reduce_max3A_1242 = vector.multi_reduction <maxsi>, %reduce_max3A_1240, %reduce_max3A_1241 [1, 2] : vector<1x64x1xi32> to vector<1xi32>
    %reduce_max3A_1243 = vector.shape_cast %reduce_max3A_1242 : vector<1xi32> to vector<1x1x1xi32>
    %reduce_max3A_1244 = vector.extract %reduce_max3A_1243[0, 0, 0] : i32 from vector<1x1x1xi32>
    %swap3A_1245 = arith.constant 3 : index
    %swap3A_1246 = arith.constant 3 : index
    %swap3A_1247 = memref.load %arg3[%swap3A_1245, %swap3A_1246] : memref<9x9xi32, #tpu.memory_space<smem>>
    memref.store %reduce_max3A_1244, %arg3[%swap3A_1245, %swap3A_1246] : memref<9x9xi32, #tpu.memory_space<smem>>
    %eq3A_1248 = vector.broadcast %reduce_min3A_1231 : i32 to vector<64x1xi32>
    %eq3A_1249 = arith.cmpi eq, %iota3A_9, %eq3A_1248 : vector<64x1xi32>
    %jit3A_1250 = arith.constant 0xFF800000 : f32
    %broadcast_in_dim3A_1251 = vector.broadcast %jit3A_1250 : f32 to vector<64x1xf32>
    %select_n3A_1252 = arith.select %eq3A_1249, %broadcast_in_dim3A_1251, %select_n3A_1216 : vector<64x1xi1>, vector<64x1xf32>
    %reduce_max3A_1253 = vector.shape_cast %select_n3A_1252 : vector<64x1xf32> to vector<1x64x1xf32>
    %reduce_max3A_1254 = arith.constant dense<0xFF800000> : vector<1xf32>
    %reduce_max3A_1255 = vector.multi_reduction <maximumf>, %reduce_max3A_1253, %reduce_max3A_1254 [1, 2] : vector<1x64x1xf32> to vector<1xf32>
    %reduce_max3A_1256 = vector.shape_cast %reduce_max3A_1255 : vector<1xf32> to vector<1x1x1xf32>
    %reduce_max3A_1257 = vector.extract %reduce_max3A_1256[0, 0, 0] : f32 from vector<1x1x1xf32>
    %eq3A_1258 = vector.broadcast %reduce_max3A_1257 : f32 to vector<64x1xf32>
    %eq3A_1259 = arith.cmpf oeq, %select_n3A_1252, %eq3A_1258 : vector<64x1xf32>
    %jit3A_1260 = arith.constant 64 : i32
    %broadcast_in_dim3A_1261 = vector.broadcast %jit3A_1260 : i32 to vector<64x1xi32>
    %select_n3A_1262 = arith.select %eq3A_1259, %iota3A_9, %broadcast_in_dim3A_1261 : vector<64x1xi1>, vector<64x1xi32>
    %reduce_min3A_1263 = vector.shape_cast %select_n3A_1262 : vector<64x1xi32> to vector<1x64x1xi32>
    %reduce_min3A_1264 = arith.constant dense<2147483647> : vector<1xi32>
    %reduce_min3A_1265 = vector.multi_reduction <minsi>, %reduce_min3A_1263, %reduce_min3A_1264 [1, 2] : vector<1x64x1xi32> to vector<1xi32>
    %reduce_min3A_1266 = vector.shape_cast %reduce_min3A_1265 : vector<1xi32> to vector<1x1x1xi32>
    %reduce_min3A_1267 = vector.extract %reduce_min3A_1266[0, 0, 0] : i32 from vector<1x1x1xi32>
    %swap3A_1268 = arith.constant 3 : index
    %swap3A_1269 = arith.constant 4 : index
    %swap3A_1270 = memref.load %arg4[%swap3A_1268, %swap3A_1269] : memref<9x9xf32, #tpu.memory_space<smem>>
    memref.store %reduce_max3A_1257, %arg4[%swap3A_1268, %swap3A_1269] : memref<9x9xf32, #tpu.memory_space<smem>>
    %eq3A_1271 = vector.broadcast %reduce_min3A_1267 : i32 to vector<64x1xi32>
    %eq3A_1272 = arith.cmpi eq, %iota3A_9, %eq3A_1271 : vector<64x1xi32>
    %jit3A_1273 = arith.constant 0 : i32
    %broadcast_in_dim3A_1274 = vector.broadcast %jit3A_1273 : i32 to vector<64x1xi32>
    %select_n3A_1275 = arith.select %eq3A_1272, %broadcast_in_dim3A_1108, %broadcast_in_dim3A_1274 : vector<64x1xi1>, vector<64x1xi32>
    %reduce_max3A_1276 = vector.shape_cast %select_n3A_1275 : vector<64x1xi32> to vector<1x64x1xi32>
    %reduce_max3A_1277 = arith.constant dense<-2147483648> : vector<1xi32>
    %reduce_max3A_1278 = vector.multi_reduction <maxsi>, %reduce_max3A_1276, %reduce_max3A_1277 [1, 2] : vector<1x64x1xi32> to vector<1xi32>
    %reduce_max3A_1279 = vector.shape_cast %reduce_max3A_1278 : vector<1xi32> to vector<1x1x1xi32>
    %reduce_max3A_1280 = vector.extract %reduce_max3A_1279[0, 0, 0] : i32 from vector<1x1x1xi32>
    %swap3A_1281 = arith.constant 3 : index
    %swap3A_1282 = arith.constant 4 : index
    %swap3A_1283 = memref.load %arg3[%swap3A_1281, %swap3A_1282] : memref<9x9xi32, #tpu.memory_space<smem>>
    memref.store %reduce_max3A_1280, %arg3[%swap3A_1281, %swap3A_1282] : memref<9x9xi32, #tpu.memory_space<smem>>
    %eq3A_1284 = vector.broadcast %reduce_min3A_1267 : i32 to vector<64x1xi32>
    %eq3A_1285 = arith.cmpi eq, %iota3A_9, %eq3A_1284 : vector<64x1xi32>
    %jit3A_1286 = arith.constant 0xFF800000 : f32
    %broadcast_in_dim3A_1287 = vector.broadcast %jit3A_1286 : f32 to vector<64x1xf32>
    %select_n3A_1288 = arith.select %eq3A_1285, %broadcast_in_dim3A_1287, %select_n3A_1252 : vector<64x1xi1>, vector<64x1xf32>
    %reduce_max3A_1289 = vector.shape_cast %select_n3A_1288 : vector<64x1xf32> to vector<1x64x1xf32>
    %reduce_max3A_1290 = arith.constant dense<0xFF800000> : vector<1xf32>
    %reduce_max3A_1291 = vector.multi_reduction <maximumf>, %reduce_max3A_1289, %reduce_max3A_1290 [1, 2] : vector<1x64x1xf32> to vector<1xf32>
    %reduce_max3A_1292 = vector.shape_cast %reduce_max3A_1291 : vector<1xf32> to vector<1x1x1xf32>
    %reduce_max3A_1293 = vector.extract %reduce_max3A_1292[0, 0, 0] : f32 from vector<1x1x1xf32>
    %eq3A_1294 = vector.broadcast %reduce_max3A_1293 : f32 to vector<64x1xf32>
    %eq3A_1295 = arith.cmpf oeq, %select_n3A_1288, %eq3A_1294 : vector<64x1xf32>
    %jit3A_1296 = arith.constant 64 : i32
    %broadcast_in_dim3A_1297 = vector.broadcast %jit3A_1296 : i32 to vector<64x1xi32>
    %select_n3A_1298 = arith.select %eq3A_1295, %iota3A_9, %broadcast_in_dim3A_1297 : vector<64x1xi1>, vector<64x1xi32>
    %reduce_min3A_1299 = vector.shape_cast %select_n3A_1298 : vector<64x1xi32> to vector<1x64x1xi32>
    %reduce_min3A_1300 = arith.constant dense<2147483647> : vector<1xi32>
    %reduce_min3A_1301 = vector.multi_reduction <minsi>, %reduce_min3A_1299, %reduce_min3A_1300 [1, 2] : vector<1x64x1xi32> to vector<1xi32>
    %reduce_min3A_1302 = vector.shape_cast %reduce_min3A_1301 : vector<1xi32> to vector<1x1x1xi32>
    %reduce_min3A_1303 = vector.extract %reduce_min3A_1302[0, 0, 0] : i32 from vector<1x1x1xi32>
    %swap3A_1304 = arith.constant 3 : index
    %swap3A_1305 = arith.constant 5 : index
    %swap3A_1306 = memref.load %arg4[%swap3A_1304, %swap3A_1305] : memref<9x9xf32, #tpu.memory_space<smem>>
    memref.store %reduce_max3A_1293, %arg4[%swap3A_1304, %swap3A_1305] : memref<9x9xf32, #tpu.memory_space<smem>>
    %eq3A_1307 = vector.broadcast %reduce_min3A_1303 : i32 to vector<64x1xi32>
    %eq3A_1308 = arith.cmpi eq, %iota3A_9, %eq3A_1307 : vector<64x1xi32>
    %jit3A_1309 = arith.constant 0 : i32
    %broadcast_in_dim3A_1310 = vector.broadcast %jit3A_1309 : i32 to vector<64x1xi32>
    %select_n3A_1311 = arith.select %eq3A_1308, %broadcast_in_dim3A_1108, %broadcast_in_dim3A_1310 : vector<64x1xi1>, vector<64x1xi32>
    %reduce_max3A_1312 = vector.shape_cast %select_n3A_1311 : vector<64x1xi32> to vector<1x64x1xi32>
    %reduce_max3A_1313 = arith.constant dense<-2147483648> : vector<1xi32>
    %reduce_max3A_1314 = vector.multi_reduction <maxsi>, %reduce_max3A_1312, %reduce_max3A_1313 [1, 2] : vector<1x64x1xi32> to vector<1xi32>
    %reduce_max3A_1315 = vector.shape_cast %reduce_max3A_1314 : vector<1xi32> to vector<1x1x1xi32>
    %reduce_max3A_1316 = vector.extract %reduce_max3A_1315[0, 0, 0] : i32 from vector<1x1x1xi32>
    %swap3A_1317 = arith.constant 3 : index
    %swap3A_1318 = arith.constant 5 : index
    %swap3A_1319 = memref.load %arg3[%swap3A_1317, %swap3A_1318] : memref<9x9xi32, #tpu.memory_space<smem>>
    memref.store %reduce_max3A_1316, %arg3[%swap3A_1317, %swap3A_1318] : memref<9x9xi32, #tpu.memory_space<smem>>
    %eq3A_1320 = vector.broadcast %reduce_min3A_1303 : i32 to vector<64x1xi32>
    %eq3A_1321 = arith.cmpi eq, %iota3A_9, %eq3A_1320 : vector<64x1xi32>
    %jit3A_1322 = arith.constant 0xFF800000 : f32
    %broadcast_in_dim3A_1323 = vector.broadcast %jit3A_1322 : f32 to vector<64x1xf32>
    %select_n3A_1324 = arith.select %eq3A_1321, %broadcast_in_dim3A_1323, %select_n3A_1288 : vector<64x1xi1>, vector<64x1xf32>
    %reduce_max3A_1325 = vector.shape_cast %select_n3A_1324 : vector<64x1xf32> to vector<1x64x1xf32>
    %reduce_max3A_1326 = arith.constant dense<0xFF800000> : vector<1xf32>
    %reduce_max3A_1327 = vector.multi_reduction <maximumf>, %reduce_max3A_1325, %reduce_max3A_1326 [1, 2] : vector<1x64x1xf32> to vector<1xf32>
    %reduce_max3A_1328 = vector.shape_cast %reduce_max3A_1327 : vector<1xf32> to vector<1x1x1xf32>
    %reduce_max3A_1329 = vector.extract %reduce_max3A_1328[0, 0, 0] : f32 from vector<1x1x1xf32>
    %eq3A_1330 = vector.broadcast %reduce_max3A_1329 : f32 to vector<64x1xf32>
    %eq3A_1331 = arith.cmpf oeq, %select_n3A_1324, %eq3A_1330 : vector<64x1xf32>
    %jit3A_1332 = arith.constant 64 : i32
    %broadcast_in_dim3A_1333 = vector.broadcast %jit3A_1332 : i32 to vector<64x1xi32>
    %select_n3A_1334 = arith.select %eq3A_1331, %iota3A_9, %broadcast_in_dim3A_1333 : vector<64x1xi1>, vector<64x1xi32>
    %reduce_min3A_1335 = vector.shape_cast %select_n3A_1334 : vector<64x1xi32> to vector<1x64x1xi32>
    %reduce_min3A_1336 = arith.constant dense<2147483647> : vector<1xi32>
    %reduce_min3A_1337 = vector.multi_reduction <minsi>, %reduce_min3A_1335, %reduce_min3A_1336 [1, 2] : vector<1x64x1xi32> to vector<1xi32>
    %reduce_min3A_1338 = vector.shape_cast %reduce_min3A_1337 : vector<1xi32> to vector<1x1x1xi32>
    %reduce_min3A_1339 = vector.extract %reduce_min3A_1338[0, 0, 0] : i32 from vector<1x1x1xi32>
    %swap3A_1340 = arith.constant 3 : index
    %swap3A_1341 = arith.constant 6 : index
    %swap3A_1342 = memref.load %arg4[%swap3A_1340, %swap3A_1341] : memref<9x9xf32, #tpu.memory_space<smem>>
    memref.store %reduce_max3A_1329, %arg4[%swap3A_1340, %swap3A_1341] : memref<9x9xf32, #tpu.memory_space<smem>>
    %eq3A_1343 = vector.broadcast %reduce_min3A_1339 : i32 to vector<64x1xi32>
    %eq3A_1344 = arith.cmpi eq, %iota3A_9, %eq3A_1343 : vector<64x1xi32>
    %jit3A_1345 = arith.constant 0 : i32
    %broadcast_in_dim3A_1346 = vector.broadcast %jit3A_1345 : i32 to vector<64x1xi32>
    %select_n3A_1347 = arith.select %eq3A_1344, %broadcast_in_dim3A_1108, %broadcast_in_dim3A_1346 : vector<64x1xi1>, vector<64x1xi32>
    %reduce_max3A_1348 = vector.shape_cast %select_n3A_1347 : vector<64x1xi32> to vector<1x64x1xi32>
    %reduce_max3A_1349 = arith.constant dense<-2147483648> : vector<1xi32>
    %reduce_max3A_1350 = vector.multi_reduction <maxsi>, %reduce_max3A_1348, %reduce_max3A_1349 [1, 2] : vector<1x64x1xi32> to vector<1xi32>
    %reduce_max3A_1351 = vector.shape_cast %reduce_max3A_1350 : vector<1xi32> to vector<1x1x1xi32>
    %reduce_max3A_1352 = vector.extract %reduce_max3A_1351[0, 0, 0] : i32 from vector<1x1x1xi32>
    %swap3A_1353 = arith.constant 3 : index
    %swap3A_1354 = arith.constant 6 : index
    %swap3A_1355 = memref.load %arg3[%swap3A_1353, %swap3A_1354] : memref<9x9xi32, #tpu.memory_space<smem>>
    memref.store %reduce_max3A_1352, %arg3[%swap3A_1353, %swap3A_1354] : memref<9x9xi32, #tpu.memory_space<smem>>
    %eq3A_1356 = vector.broadcast %reduce_min3A_1339 : i32 to vector<64x1xi32>
    %eq3A_1357 = arith.cmpi eq, %iota3A_9, %eq3A_1356 : vector<64x1xi32>
    %jit3A_1358 = arith.constant 0xFF800000 : f32
    %broadcast_in_dim3A_1359 = vector.broadcast %jit3A_1358 : f32 to vector<64x1xf32>
    %select_n3A_1360 = arith.select %eq3A_1357, %broadcast_in_dim3A_1359, %select_n3A_1324 : vector<64x1xi1>, vector<64x1xf32>
    %reduce_max3A_1361 = vector.shape_cast %select_n3A_1360 : vector<64x1xf32> to vector<1x64x1xf32>
    %reduce_max3A_1362 = arith.constant dense<0xFF800000> : vector<1xf32>
    %reduce_max3A_1363 = vector.multi_reduction <maximumf>, %reduce_max3A_1361, %reduce_max3A_1362 [1, 2] : vector<1x64x1xf32> to vector<1xf32>
    %reduce_max3A_1364 = vector.shape_cast %reduce_max3A_1363 : vector<1xf32> to vector<1x1x1xf32>
    %reduce_max3A_1365 = vector.extract %reduce_max3A_1364[0, 0, 0] : f32 from vector<1x1x1xf32>
    %eq3A_1366 = vector.broadcast %reduce_max3A_1365 : f32 to vector<64x1xf32>
    %eq3A_1367 = arith.cmpf oeq, %select_n3A_1360, %eq3A_1366 : vector<64x1xf32>
    %jit3A_1368 = arith.constant 64 : i32
    %broadcast_in_dim3A_1369 = vector.broadcast %jit3A_1368 : i32 to vector<64x1xi32>
    %select_n3A_1370 = arith.select %eq3A_1367, %iota3A_9, %broadcast_in_dim3A_1369 : vector<64x1xi1>, vector<64x1xi32>
    %reduce_min3A_1371 = vector.shape_cast %select_n3A_1370 : vector<64x1xi32> to vector<1x64x1xi32>
    %reduce_min3A_1372 = arith.constant dense<2147483647> : vector<1xi32>
    %reduce_min3A_1373 = vector.multi_reduction <minsi>, %reduce_min3A_1371, %reduce_min3A_1372 [1, 2] : vector<1x64x1xi32> to vector<1xi32>
    %reduce_min3A_1374 = vector.shape_cast %reduce_min3A_1373 : vector<1xi32> to vector<1x1x1xi32>
    %reduce_min3A_1375 = vector.extract %reduce_min3A_1374[0, 0, 0] : i32 from vector<1x1x1xi32>
    %swap3A_1376 = arith.constant 3 : index
    %swap3A_1377 = arith.constant 7 : index
    %swap3A_1378 = memref.load %arg4[%swap3A_1376, %swap3A_1377] : memref<9x9xf32, #tpu.memory_space<smem>>
    memref.store %reduce_max3A_1365, %arg4[%swap3A_1376, %swap3A_1377] : memref<9x9xf32, #tpu.memory_space<smem>>
    %eq3A_1379 = vector.broadcast %reduce_min3A_1375 : i32 to vector<64x1xi32>
    %eq3A_1380 = arith.cmpi eq, %iota3A_9, %eq3A_1379 : vector<64x1xi32>
    %jit3A_1381 = arith.constant 0 : i32
    %broadcast_in_dim3A_1382 = vector.broadcast %jit3A_1381 : i32 to vector<64x1xi32>
    %select_n3A_1383 = arith.select %eq3A_1380, %broadcast_in_dim3A_1108, %broadcast_in_dim3A_1382 : vector<64x1xi1>, vector<64x1xi32>
    %reduce_max3A_1384 = vector.shape_cast %select_n3A_1383 : vector<64x1xi32> to vector<1x64x1xi32>
    %reduce_max3A_1385 = arith.constant dense<-2147483648> : vector<1xi32>
    %reduce_max3A_1386 = vector.multi_reduction <maxsi>, %reduce_max3A_1384, %reduce_max3A_1385 [1, 2] : vector<1x64x1xi32> to vector<1xi32>
    %reduce_max3A_1387 = vector.shape_cast %reduce_max3A_1386 : vector<1xi32> to vector<1x1x1xi32>
    %reduce_max3A_1388 = vector.extract %reduce_max3A_1387[0, 0, 0] : i32 from vector<1x1x1xi32>
    %swap3A_1389 = arith.constant 3 : index
    %swap3A_1390 = arith.constant 7 : index
    %swap3A_1391 = memref.load %arg3[%swap3A_1389, %swap3A_1390] : memref<9x9xi32, #tpu.memory_space<smem>>
    memref.store %reduce_max3A_1388, %arg3[%swap3A_1389, %swap3A_1390] : memref<9x9xi32, #tpu.memory_space<smem>>
    %eq3A_1392 = vector.broadcast %reduce_min3A_1375 : i32 to vector<64x1xi32>
    %eq3A_1393 = arith.cmpi eq, %iota3A_9, %eq3A_1392 : vector<64x1xi32>
    %jit3A_1394 = arith.constant 0xFF800000 : f32
    %broadcast_in_dim3A_1395 = vector.broadcast %jit3A_1394 : f32 to vector<64x1xf32>
    %select_n3A_1396 = arith.select %eq3A_1393, %broadcast_in_dim3A_1395, %select_n3A_1360 : vector<64x1xi1>, vector<64x1xf32>
    %reduce_max3A_1397 = vector.shape_cast %select_n3A_1396 : vector<64x1xf32> to vector<1x64x1xf32>
    %reduce_max3A_1398 = arith.constant dense<0xFF800000> : vector<1xf32>
    %reduce_max3A_1399 = vector.multi_reduction <maximumf>, %reduce_max3A_1397, %reduce_max3A_1398 [1, 2] : vector<1x64x1xf32> to vector<1xf32>
    %reduce_max3A_1400 = vector.shape_cast %reduce_max3A_1399 : vector<1xf32> to vector<1x1x1xf32>
    %reduce_max3A_1401 = vector.extract %reduce_max3A_1400[0, 0, 0] : f32 from vector<1x1x1xf32>
    %eq3A_1402 = vector.broadcast %reduce_max3A_1401 : f32 to vector<64x1xf32>
    %eq3A_1403 = arith.cmpf oeq, %select_n3A_1396, %eq3A_1402 : vector<64x1xf32>
    %jit3A_1404 = arith.constant 64 : i32
    %broadcast_in_dim3A_1405 = vector.broadcast %jit3A_1404 : i32 to vector<64x1xi32>
    %select_n3A_1406 = arith.select %eq3A_1403, %iota3A_9, %broadcast_in_dim3A_1405 : vector<64x1xi1>, vector<64x1xi32>
    %reduce_min3A_1407 = vector.shape_cast %select_n3A_1406 : vector<64x1xi32> to vector<1x64x1xi32>
    %reduce_min3A_1408 = arith.constant dense<2147483647> : vector<1xi32>
    %reduce_min3A_1409 = vector.multi_reduction <minsi>, %reduce_min3A_1407, %reduce_min3A_1408 [1, 2] : vector<1x64x1xi32> to vector<1xi32>
    %reduce_min3A_1410 = vector.shape_cast %reduce_min3A_1409 : vector<1xi32> to vector<1x1x1xi32>
    %reduce_min3A_1411 = vector.extract %reduce_min3A_1410[0, 0, 0] : i32 from vector<1x1x1xi32>
    %swap3A_1412 = arith.constant 3 : index
    %swap3A_1413 = arith.constant 8 : index
    %swap3A_1414 = memref.load %arg4[%swap3A_1412, %swap3A_1413] : memref<9x9xf32, #tpu.memory_space<smem>>
    memref.store %reduce_max3A_1401, %arg4[%swap3A_1412, %swap3A_1413] : memref<9x9xf32, #tpu.memory_space<smem>>
    %eq3A_1415 = vector.broadcast %reduce_min3A_1411 : i32 to vector<64x1xi32>
    %eq3A_1416 = arith.cmpi eq, %iota3A_9, %eq3A_1415 : vector<64x1xi32>
    %jit3A_1417 = arith.constant 0 : i32
    %broadcast_in_dim3A_1418 = vector.broadcast %jit3A_1417 : i32 to vector<64x1xi32>
    %select_n3A_1419 = arith.select %eq3A_1416, %broadcast_in_dim3A_1108, %broadcast_in_dim3A_1418 : vector<64x1xi1>, vector<64x1xi32>
    %reduce_max3A_1420 = vector.shape_cast %select_n3A_1419 : vector<64x1xi32> to vector<1x64x1xi32>
    %reduce_max3A_1421 = arith.constant dense<-2147483648> : vector<1xi32>
    %reduce_max3A_1422 = vector.multi_reduction <maxsi>, %reduce_max3A_1420, %reduce_max3A_1421 [1, 2] : vector<1x64x1xi32> to vector<1xi32>
    %reduce_max3A_1423 = vector.shape_cast %reduce_max3A_1422 : vector<1xi32> to vector<1x1x1xi32>
    %reduce_max3A_1424 = vector.extract %reduce_max3A_1423[0, 0, 0] : i32 from vector<1x1x1xi32>
    %swap3A_1425 = arith.constant 3 : index
    %swap3A_1426 = arith.constant 8 : index
    %swap3A_1427 = memref.load %arg3[%swap3A_1425, %swap3A_1426] : memref<9x9xi32, #tpu.memory_space<smem>>
    memref.store %reduce_max3A_1424, %arg3[%swap3A_1425, %swap3A_1426] : memref<9x9xi32, #tpu.memory_space<smem>>
    %reduce_max3A_1428 = vector.shape_cast %select_n3A_1091 : vector<1x512xf32> to vector<1x1x512xf32>
    %reduce_max3A_1429 = arith.constant dense<0xFF800000> : vector<1xf32>
    %reduce_max3A_1430 = vector.multi_reduction <maximumf>, %reduce_max3A_1428, %reduce_max3A_1429 [1, 2] : vector<1x1x512xf32> to vector<1xf32>
    %reduce_max3A_1431 = vector.shape_cast %reduce_max3A_1430 : vector<1xf32> to vector<1x1x1xf32>
    %reduce_max3A_1432 = vector.extract %reduce_max3A_1431[0, 0, 0] : f32 from vector<1x1x1xf32>
    %eq3A_1433 = vector.broadcast %reduce_max3A_1432 : f32 to vector<1x512xf32>
    %eq3A_1434 = arith.cmpf oeq, %select_n3A_1091, %eq3A_1433 : vector<1x512xf32>
    %jit3A_1435 = arith.constant 512 : i32
    %broadcast_in_dim3A_1436 = vector.broadcast %jit3A_1435 : i32 to vector<1x512xi32>
    %select_n3A_1437 = arith.select %eq3A_1434, %iota3A, %broadcast_in_dim3A_1436 : vector<1x512xi1>, vector<1x512xi32>
    %reduce_min3A_1438 = vector.shape_cast %select_n3A_1437 : vector<1x512xi32> to vector<1x1x512xi32>
    %reduce_min3A_1439 = arith.constant dense<2147483647> : vector<1xi32>
    %reduce_min3A_1440 = vector.multi_reduction <minsi>, %reduce_min3A_1438, %reduce_min3A_1439 [1, 2] : vector<1x1x512xi32> to vector<1xi32>
    %reduce_min3A_1441 = vector.shape_cast %reduce_min3A_1440 : vector<1xi32> to vector<1x1x1xi32>
    %reduce_min3A_1442 = vector.extract %reduce_min3A_1441[0, 0, 0] : i32 from vector<1x1x1xi32>
    %eq3A_1443 = vector.broadcast %reduce_min3A_1442 : i32 to vector<1x512xi32>
    %eq3A_1444 = arith.cmpi eq, %iota3A, %eq3A_1443 : vector<1x512xi32>
    %jit3A_1445 = arith.constant 0xFF800000 : f32
    %broadcast_in_dim3A_1446 = vector.broadcast %jit3A_1445 : f32 to vector<1x512xf32>
    %select_n3A_1447 = arith.select %eq3A_1444, %broadcast_in_dim3A_1446, %select_n3A_1091 : vector<1x512xi1>, vector<1x512xf32>
    %swap3A_1448 = arith.constant 0 : index
    %swap3A_1449 = arith.constant 4 : index
    %swap3A_1450 = memref.load %arg2[%swap3A_1448, %swap3A_1449] : memref<1x9xi32, #tpu.memory_space<smem>>
    memref.store %reduce_min3A_1442, %arg2[%swap3A_1448, %swap3A_1449] : memref<1x9xi32, #tpu.memory_space<smem>>
    %eq3A_1451 = vector.broadcast %reduce_min3A_1442 : i32 to vector<64x512xi32>
    %eq3A_1452 = arith.cmpi eq, %iota3A_8, %eq3A_1451 : vector<64x512xi32>
    %jit3A_1453 = arith.constant 0xFF800000 : f32
    %broadcast_in_dim3A_1454 = vector.broadcast %jit3A_1453 : f32 to vector<64x512xf32>
    %select_n3A_1455 = arith.select %eq3A_1452, %get3A_1, %broadcast_in_dim3A_1454 : vector<64x512xi1>, vector<64x512xf32>
    %reduce_max3A_1456 = arith.constant dense<0xFF800000> : vector<64xf32>
    %reduce_max3A_1457 = vector.multi_reduction <maximumf>, %select_n3A_1455, %reduce_max3A_1456 [1] : vector<64x512xf32> to vector<64xf32>
    %broadcast_in_dim3A_1458 = vector.shape_cast %reduce_max3A_1457 : vector<64xf32> to vector<64x1xf32>
    %jit3A_1459 = arith.constant 0 : i32
    %broadcast_in_dim3A_1460 = vector.broadcast %jit3A_1459 : i32 to vector<64x512xi32>
    %select_n3A_1461 = arith.select %eq3A_1452, %get3A_4, %broadcast_in_dim3A_1460 : vector<64x512xi1>, vector<64x512xi32>
    %reduce_max3A_1462 = arith.constant dense<-2147483648> : vector<64xi32>
    %reduce_max3A_1463 = vector.multi_reduction <maxsi>, %select_n3A_1461, %reduce_max3A_1462 [1] : vector<64x512xi32> to vector<64xi32>
    %broadcast_in_dim3A_1464 = vector.shape_cast %reduce_max3A_1463 : vector<64xi32> to vector<64x1xi32>
    %reduce_max3A_1465 = vector.shape_cast %broadcast_in_dim3A_1458 : vector<64x1xf32> to vector<1x64x1xf32>
    %reduce_max3A_1466 = arith.constant dense<0xFF800000> : vector<1xf32>
    %reduce_max3A_1467 = vector.multi_reduction <maximumf>, %reduce_max3A_1465, %reduce_max3A_1466 [1, 2] : vector<1x64x1xf32> to vector<1xf32>
    %reduce_max3A_1468 = vector.shape_cast %reduce_max3A_1467 : vector<1xf32> to vector<1x1x1xf32>
    %reduce_max3A_1469 = vector.extract %reduce_max3A_1468[0, 0, 0] : f32 from vector<1x1x1xf32>
    %eq3A_1470 = vector.broadcast %reduce_max3A_1469 : f32 to vector<64x1xf32>
    %eq3A_1471 = arith.cmpf oeq, %broadcast_in_dim3A_1458, %eq3A_1470 : vector<64x1xf32>
    %jit3A_1472 = arith.constant 64 : i32
    %broadcast_in_dim3A_1473 = vector.broadcast %jit3A_1472 : i32 to vector<64x1xi32>
    %select_n3A_1474 = arith.select %eq3A_1471, %iota3A_9, %broadcast_in_dim3A_1473 : vector<64x1xi1>, vector<64x1xi32>
    %reduce_min3A_1475 = vector.shape_cast %select_n3A_1474 : vector<64x1xi32> to vector<1x64x1xi32>
    %reduce_min3A_1476 = arith.constant dense<2147483647> : vector<1xi32>
    %reduce_min3A_1477 = vector.multi_reduction <minsi>, %reduce_min3A_1475, %reduce_min3A_1476 [1, 2] : vector<1x64x1xi32> to vector<1xi32>
    %reduce_min3A_1478 = vector.shape_cast %reduce_min3A_1477 : vector<1xi32> to vector<1x1x1xi32>
    %reduce_min3A_1479 = vector.extract %reduce_min3A_1478[0, 0, 0] : i32 from vector<1x1x1xi32>
    %swap3A_1480 = arith.constant 4 : index
    %swap3A_1481 = arith.constant 0 : index
    %swap3A_1482 = memref.load %arg4[%swap3A_1480, %swap3A_1481] : memref<9x9xf32, #tpu.memory_space<smem>>
    memref.store %reduce_max3A_1469, %arg4[%swap3A_1480, %swap3A_1481] : memref<9x9xf32, #tpu.memory_space<smem>>
    %eq3A_1483 = vector.broadcast %reduce_min3A_1479 : i32 to vector<64x1xi32>
    %eq3A_1484 = arith.cmpi eq, %iota3A_9, %eq3A_1483 : vector<64x1xi32>
    %jit3A_1485 = arith.constant 0 : i32
    %broadcast_in_dim3A_1486 = vector.broadcast %jit3A_1485 : i32 to vector<64x1xi32>
    %select_n3A_1487 = arith.select %eq3A_1484, %broadcast_in_dim3A_1464, %broadcast_in_dim3A_1486 : vector<64x1xi1>, vector<64x1xi32>
    %reduce_max3A_1488 = vector.shape_cast %select_n3A_1487 : vector<64x1xi32> to vector<1x64x1xi32>
    %reduce_max3A_1489 = arith.constant dense<-2147483648> : vector<1xi32>
    %reduce_max3A_1490 = vector.multi_reduction <maxsi>, %reduce_max3A_1488, %reduce_max3A_1489 [1, 2] : vector<1x64x1xi32> to vector<1xi32>
    %reduce_max3A_1491 = vector.shape_cast %reduce_max3A_1490 : vector<1xi32> to vector<1x1x1xi32>
    %reduce_max3A_1492 = vector.extract %reduce_max3A_1491[0, 0, 0] : i32 from vector<1x1x1xi32>
    %swap3A_1493 = arith.constant 4 : index
    %swap3A_1494 = arith.constant 0 : index
    %swap3A_1495 = memref.load %arg3[%swap3A_1493, %swap3A_1494] : memref<9x9xi32, #tpu.memory_space<smem>>
    memref.store %reduce_max3A_1492, %arg3[%swap3A_1493, %swap3A_1494] : memref<9x9xi32, #tpu.memory_space<smem>>
    %eq3A_1496 = vector.broadcast %reduce_min3A_1479 : i32 to vector<64x1xi32>
    %eq3A_1497 = arith.cmpi eq, %iota3A_9, %eq3A_1496 : vector<64x1xi32>
    %jit3A_1498 = arith.constant 0xFF800000 : f32
    %broadcast_in_dim3A_1499 = vector.broadcast %jit3A_1498 : f32 to vector<64x1xf32>
    %select_n3A_1500 = arith.select %eq3A_1497, %broadcast_in_dim3A_1499, %broadcast_in_dim3A_1458 : vector<64x1xi1>, vector<64x1xf32>
    %reduce_max3A_1501 = vector.shape_cast %select_n3A_1500 : vector<64x1xf32> to vector<1x64x1xf32>
    %reduce_max3A_1502 = arith.constant dense<0xFF800000> : vector<1xf32>
    %reduce_max3A_1503 = vector.multi_reduction <maximumf>, %reduce_max3A_1501, %reduce_max3A_1502 [1, 2] : vector<1x64x1xf32> to vector<1xf32>
    %reduce_max3A_1504 = vector.shape_cast %reduce_max3A_1503 : vector<1xf32> to vector<1x1x1xf32>
    %reduce_max3A_1505 = vector.extract %reduce_max3A_1504[0, 0, 0] : f32 from vector<1x1x1xf32>
    %eq3A_1506 = vector.broadcast %reduce_max3A_1505 : f32 to vector<64x1xf32>
    %eq3A_1507 = arith.cmpf oeq, %select_n3A_1500, %eq3A_1506 : vector<64x1xf32>
    %jit3A_1508 = arith.constant 64 : i32
    %broadcast_in_dim3A_1509 = vector.broadcast %jit3A_1508 : i32 to vector<64x1xi32>
    %select_n3A_1510 = arith.select %eq3A_1507, %iota3A_9, %broadcast_in_dim3A_1509 : vector<64x1xi1>, vector<64x1xi32>
    %reduce_min3A_1511 = vector.shape_cast %select_n3A_1510 : vector<64x1xi32> to vector<1x64x1xi32>
    %reduce_min3A_1512 = arith.constant dense<2147483647> : vector<1xi32>
    %reduce_min3A_1513 = vector.multi_reduction <minsi>, %reduce_min3A_1511, %reduce_min3A_1512 [1, 2] : vector<1x64x1xi32> to vector<1xi32>
    %reduce_min3A_1514 = vector.shape_cast %reduce_min3A_1513 : vector<1xi32> to vector<1x1x1xi32>
    %reduce_min3A_1515 = vector.extract %reduce_min3A_1514[0, 0, 0] : i32 from vector<1x1x1xi32>
    %swap3A_1516 = arith.constant 4 : index
    %swap3A_1517 = arith.constant 1 : index
    %swap3A_1518 = memref.load %arg4[%swap3A_1516, %swap3A_1517] : memref<9x9xf32, #tpu.memory_space<smem>>
    memref.store %reduce_max3A_1505, %arg4[%swap3A_1516, %swap3A_1517] : memref<9x9xf32, #tpu.memory_space<smem>>
    %eq3A_1519 = vector.broadcast %reduce_min3A_1515 : i32 to vector<64x1xi32>
    %eq3A_1520 = arith.cmpi eq, %iota3A_9, %eq3A_1519 : vector<64x1xi32>
    %jit3A_1521 = arith.constant 0 : i32
    %broadcast_in_dim3A_1522 = vector.broadcast %jit3A_1521 : i32 to vector<64x1xi32>
    %select_n3A_1523 = arith.select %eq3A_1520, %broadcast_in_dim3A_1464, %broadcast_in_dim3A_1522 : vector<64x1xi1>, vector<64x1xi32>
    %reduce_max3A_1524 = vector.shape_cast %select_n3A_1523 : vector<64x1xi32> to vector<1x64x1xi32>
    %reduce_max3A_1525 = arith.constant dense<-2147483648> : vector<1xi32>
    %reduce_max3A_1526 = vector.multi_reduction <maxsi>, %reduce_max3A_1524, %reduce_max3A_1525 [1, 2] : vector<1x64x1xi32> to vector<1xi32>
    %reduce_max3A_1527 = vector.shape_cast %reduce_max3A_1526 : vector<1xi32> to vector<1x1x1xi32>
    %reduce_max3A_1528 = vector.extract %reduce_max3A_1527[0, 0, 0] : i32 from vector<1x1x1xi32>
    %swap3A_1529 = arith.constant 4 : index
    %swap3A_1530 = arith.constant 1 : index
    %swap3A_1531 = memref.load %arg3[%swap3A_1529, %swap3A_1530] : memref<9x9xi32, #tpu.memory_space<smem>>
    memref.store %reduce_max3A_1528, %arg3[%swap3A_1529, %swap3A_1530] : memref<9x9xi32, #tpu.memory_space<smem>>
    %eq3A_1532 = vector.broadcast %reduce_min3A_1515 : i32 to vector<64x1xi32>
    %eq3A_1533 = arith.cmpi eq, %iota3A_9, %eq3A_1532 : vector<64x1xi32>
    %jit3A_1534 = arith.constant 0xFF800000 : f32
    %broadcast_in_dim3A_1535 = vector.broadcast %jit3A_1534 : f32 to vector<64x1xf32>
    %select_n3A_1536 = arith.select %eq3A_1533, %broadcast_in_dim3A_1535, %select_n3A_1500 : vector<64x1xi1>, vector<64x1xf32>
    %reduce_max3A_1537 = vector.shape_cast %select_n3A_1536 : vector<64x1xf32> to vector<1x64x1xf32>
    %reduce_max3A_1538 = arith.constant dense<0xFF800000> : vector<1xf32>
    %reduce_max3A_1539 = vector.multi_reduction <maximumf>, %reduce_max3A_1537, %reduce_max3A_1538 [1, 2] : vector<1x64x1xf32> to vector<1xf32>
    %reduce_max3A_1540 = vector.shape_cast %reduce_max3A_1539 : vector<1xf32> to vector<1x1x1xf32>
    %reduce_max3A_1541 = vector.extract %reduce_max3A_1540[0, 0, 0] : f32 from vector<1x1x1xf32>
    %eq3A_1542 = vector.broadcast %reduce_max3A_1541 : f32 to vector<64x1xf32>
    %eq3A_1543 = arith.cmpf oeq, %select_n3A_1536, %eq3A_1542 : vector<64x1xf32>
    %jit3A_1544 = arith.constant 64 : i32
    %broadcast_in_dim3A_1545 = vector.broadcast %jit3A_1544 : i32 to vector<64x1xi32>
    %select_n3A_1546 = arith.select %eq3A_1543, %iota3A_9, %broadcast_in_dim3A_1545 : vector<64x1xi1>, vector<64x1xi32>
    %reduce_min3A_1547 = vector.shape_cast %select_n3A_1546 : vector<64x1xi32> to vector<1x64x1xi32>
    %reduce_min3A_1548 = arith.constant dense<2147483647> : vector<1xi32>
    %reduce_min3A_1549 = vector.multi_reduction <minsi>, %reduce_min3A_1547, %reduce_min3A_1548 [1, 2] : vector<1x64x1xi32> to vector<1xi32>
    %reduce_min3A_1550 = vector.shape_cast %reduce_min3A_1549 : vector<1xi32> to vector<1x1x1xi32>
    %reduce_min3A_1551 = vector.extract %reduce_min3A_1550[0, 0, 0] : i32 from vector<1x1x1xi32>
    %swap3A_1552 = arith.constant 4 : index
    %swap3A_1553 = arith.constant 2 : index
    %swap3A_1554 = memref.load %arg4[%swap3A_1552, %swap3A_1553] : memref<9x9xf32, #tpu.memory_space<smem>>
    memref.store %reduce_max3A_1541, %arg4[%swap3A_1552, %swap3A_1553] : memref<9x9xf32, #tpu.memory_space<smem>>
    %eq3A_1555 = vector.broadcast %reduce_min3A_1551 : i32 to vector<64x1xi32>
    %eq3A_1556 = arith.cmpi eq, %iota3A_9, %eq3A_1555 : vector<64x1xi32>
    %jit3A_1557 = arith.constant 0 : i32
    %broadcast_in_dim3A_1558 = vector.broadcast %jit3A_1557 : i32 to vector<64x1xi32>
    %select_n3A_1559 = arith.select %eq3A_1556, %broadcast_in_dim3A_1464, %broadcast_in_dim3A_1558 : vector<64x1xi1>, vector<64x1xi32>
    %reduce_max3A_1560 = vector.shape_cast %select_n3A_1559 : vector<64x1xi32> to vector<1x64x1xi32>
    %reduce_max3A_1561 = arith.constant dense<-2147483648> : vector<1xi32>
    %reduce_max3A_1562 = vector.multi_reduction <maxsi>, %reduce_max3A_1560, %reduce_max3A_1561 [1, 2] : vector<1x64x1xi32> to vector<1xi32>
    %reduce_max3A_1563 = vector.shape_cast %reduce_max3A_1562 : vector<1xi32> to vector<1x1x1xi32>
    %reduce_max3A_1564 = vector.extract %reduce_max3A_1563[0, 0, 0] : i32 from vector<1x1x1xi32>
    %swap3A_1565 = arith.constant 4 : index
    %swap3A_1566 = arith.constant 2 : index
    %swap3A_1567 = memref.load %arg3[%swap3A_1565, %swap3A_1566] : memref<9x9xi32, #tpu.memory_space<smem>>
    memref.store %reduce_max3A_1564, %arg3[%swap3A_1565, %swap3A_1566] : memref<9x9xi32, #tpu.memory_space<smem>>
    %eq3A_1568 = vector.broadcast %reduce_min3A_1551 : i32 to vector<64x1xi32>
    %eq3A_1569 = arith.cmpi eq, %iota3A_9, %eq3A_1568 : vector<64x1xi32>
    %jit3A_1570 = arith.constant 0xFF800000 : f32
    %broadcast_in_dim3A_1571 = vector.broadcast %jit3A_1570 : f32 to vector<64x1xf32>
    %select_n3A_1572 = arith.select %eq3A_1569, %broadcast_in_dim3A_1571, %select_n3A_1536 : vector<64x1xi1>, vector<64x1xf32>
    %reduce_max3A_1573 = vector.shape_cast %select_n3A_1572 : vector<64x1xf32> to vector<1x64x1xf32>
    %reduce_max3A_1574 = arith.constant dense<0xFF800000> : vector<1xf32>
    %reduce_max3A_1575 = vector.multi_reduction <maximumf>, %reduce_max3A_1573, %reduce_max3A_1574 [1, 2] : vector<1x64x1xf32> to vector<1xf32>
    %reduce_max3A_1576 = vector.shape_cast %reduce_max3A_1575 : vector<1xf32> to vector<1x1x1xf32>
    %reduce_max3A_1577 = vector.extract %reduce_max3A_1576[0, 0, 0] : f32 from vector<1x1x1xf32>
    %eq3A_1578 = vector.broadcast %reduce_max3A_1577 : f32 to vector<64x1xf32>
    %eq3A_1579 = arith.cmpf oeq, %select_n3A_1572, %eq3A_1578 : vector<64x1xf32>
    %jit3A_1580 = arith.constant 64 : i32
    %broadcast_in_dim3A_1581 = vector.broadcast %jit3A_1580 : i32 to vector<64x1xi32>
    %select_n3A_1582 = arith.select %eq3A_1579, %iota3A_9, %broadcast_in_dim3A_1581 : vector<64x1xi1>, vector<64x1xi32>
    %reduce_min3A_1583 = vector.shape_cast %select_n3A_1582 : vector<64x1xi32> to vector<1x64x1xi32>
    %reduce_min3A_1584 = arith.constant dense<2147483647> : vector<1xi32>
    %reduce_min3A_1585 = vector.multi_reduction <minsi>, %reduce_min3A_1583, %reduce_min3A_1584 [1, 2] : vector<1x64x1xi32> to vector<1xi32>
    %reduce_min3A_1586 = vector.shape_cast %reduce_min3A_1585 : vector<1xi32> to vector<1x1x1xi32>
    %reduce_min3A_1587 = vector.extract %reduce_min3A_1586[0, 0, 0] : i32 from vector<1x1x1xi32>
    %swap3A_1588 = arith.constant 4 : index
    %swap3A_1589 = arith.constant 3 : index
    %swap3A_1590 = memref.load %arg4[%swap3A_1588, %swap3A_1589] : memref<9x9xf32, #tpu.memory_space<smem>>
    memref.store %reduce_max3A_1577, %arg4[%swap3A_1588, %swap3A_1589] : memref<9x9xf32, #tpu.memory_space<smem>>
    %eq3A_1591 = vector.broadcast %reduce_min3A_1587 : i32 to vector<64x1xi32>
    %eq3A_1592 = arith.cmpi eq, %iota3A_9, %eq3A_1591 : vector<64x1xi32>
    %jit3A_1593 = arith.constant 0 : i32
    %broadcast_in_dim3A_1594 = vector.broadcast %jit3A_1593 : i32 to vector<64x1xi32>
    %select_n3A_1595 = arith.select %eq3A_1592, %broadcast_in_dim3A_1464, %broadcast_in_dim3A_1594 : vector<64x1xi1>, vector<64x1xi32>
    %reduce_max3A_1596 = vector.shape_cast %select_n3A_1595 : vector<64x1xi32> to vector<1x64x1xi32>
    %reduce_max3A_1597 = arith.constant dense<-2147483648> : vector<1xi32>
    %reduce_max3A_1598 = vector.multi_reduction <maxsi>, %reduce_max3A_1596, %reduce_max3A_1597 [1, 2] : vector<1x64x1xi32> to vector<1xi32>
    %reduce_max3A_1599 = vector.shape_cast %reduce_max3A_1598 : vector<1xi32> to vector<1x1x1xi32>
    %reduce_max3A_1600 = vector.extract %reduce_max3A_1599[0, 0, 0] : i32 from vector<1x1x1xi32>
    %swap3A_1601 = arith.constant 4 : index
    %swap3A_1602 = arith.constant 3 : index
    %swap3A_1603 = memref.load %arg3[%swap3A_1601, %swap3A_1602] : memref<9x9xi32, #tpu.memory_space<smem>>
    memref.store %reduce_max3A_1600, %arg3[%swap3A_1601, %swap3A_1602] : memref<9x9xi32, #tpu.memory_space<smem>>
    %eq3A_1604 = vector.broadcast %reduce_min3A_1587 : i32 to vector<64x1xi32>
    %eq3A_1605 = arith.cmpi eq, %iota3A_9, %eq3A_1604 : vector<64x1xi32>
    %jit3A_1606 = arith.constant 0xFF800000 : f32
    %broadcast_in_dim3A_1607 = vector.broadcast %jit3A_1606 : f32 to vector<64x1xf32>
    %select_n3A_1608 = arith.select %eq3A_1605, %broadcast_in_dim3A_1607, %select_n3A_1572 : vector<64x1xi1>, vector<64x1xf32>
    %reduce_max3A_1609 = vector.shape_cast %select_n3A_1608 : vector<64x1xf32> to vector<1x64x1xf32>
    %reduce_max3A_1610 = arith.constant dense<0xFF800000> : vector<1xf32>
    %reduce_max3A_1611 = vector.multi_reduction <maximumf>, %reduce_max3A_1609, %reduce_max3A_1610 [1, 2] : vector<1x64x1xf32> to vector<1xf32>
    %reduce_max3A_1612 = vector.shape_cast %reduce_max3A_1611 : vector<1xf32> to vector<1x1x1xf32>
    %reduce_max3A_1613 = vector.extract %reduce_max3A_1612[0, 0, 0] : f32 from vector<1x1x1xf32>
    %eq3A_1614 = vector.broadcast %reduce_max3A_1613 : f32 to vector<64x1xf32>
    %eq3A_1615 = arith.cmpf oeq, %select_n3A_1608, %eq3A_1614 : vector<64x1xf32>
    %jit3A_1616 = arith.constant 64 : i32
    %broadcast_in_dim3A_1617 = vector.broadcast %jit3A_1616 : i32 to vector<64x1xi32>
    %select_n3A_1618 = arith.select %eq3A_1615, %iota3A_9, %broadcast_in_dim3A_1617 : vector<64x1xi1>, vector<64x1xi32>
    %reduce_min3A_1619 = vector.shape_cast %select_n3A_1618 : vector<64x1xi32> to vector<1x64x1xi32>
    %reduce_min3A_1620 = arith.constant dense<2147483647> : vector<1xi32>
    %reduce_min3A_1621 = vector.multi_reduction <minsi>, %reduce_min3A_1619, %reduce_min3A_1620 [1, 2] : vector<1x64x1xi32> to vector<1xi32>
    %reduce_min3A_1622 = vector.shape_cast %reduce_min3A_1621 : vector<1xi32> to vector<1x1x1xi32>
    %reduce_min3A_1623 = vector.extract %reduce_min3A_1622[0, 0, 0] : i32 from vector<1x1x1xi32>
    %swap3A_1624 = arith.constant 4 : index
    %swap3A_1625 = arith.constant 4 : index
    %swap3A_1626 = memref.load %arg4[%swap3A_1624, %swap3A_1625] : memref<9x9xf32, #tpu.memory_space<smem>>
    memref.store %reduce_max3A_1613, %arg4[%swap3A_1624, %swap3A_1625] : memref<9x9xf32, #tpu.memory_space<smem>>
    %eq3A_1627 = vector.broadcast %reduce_min3A_1623 : i32 to vector<64x1xi32>
    %eq3A_1628 = arith.cmpi eq, %iota3A_9, %eq3A_1627 : vector<64x1xi32>
    %jit3A_1629 = arith.constant 0 : i32
    %broadcast_in_dim3A_1630 = vector.broadcast %jit3A_1629 : i32 to vector<64x1xi32>
    %select_n3A_1631 = arith.select %eq3A_1628, %broadcast_in_dim3A_1464, %broadcast_in_dim3A_1630 : vector<64x1xi1>, vector<64x1xi32>
    %reduce_max3A_1632 = vector.shape_cast %select_n3A_1631 : vector<64x1xi32> to vector<1x64x1xi32>
    %reduce_max3A_1633 = arith.constant dense<-2147483648> : vector<1xi32>
    %reduce_max3A_1634 = vector.multi_reduction <maxsi>, %reduce_max3A_1632, %reduce_max3A_1633 [1, 2] : vector<1x64x1xi32> to vector<1xi32>
    %reduce_max3A_1635 = vector.shape_cast %reduce_max3A_1634 : vector<1xi32> to vector<1x1x1xi32>
    %reduce_max3A_1636 = vector.extract %reduce_max3A_1635[0, 0, 0] : i32 from vector<1x1x1xi32>
    %swap3A_1637 = arith.constant 4 : index
    %swap3A_1638 = arith.constant 4 : index
    %swap3A_1639 = memref.load %arg3[%swap3A_1637, %swap3A_1638] : memref<9x9xi32, #tpu.memory_space<smem>>
    memref.store %reduce_max3A_1636, %arg3[%swap3A_1637, %swap3A_1638] : memref<9x9xi32, #tpu.memory_space<smem>>
    %eq3A_1640 = vector.broadcast %reduce_min3A_1623 : i32 to vector<64x1xi32>
    %eq3A_1641 = arith.cmpi eq, %iota3A_9, %eq3A_1640 : vector<64x1xi32>
    %jit3A_1642 = arith.constant 0xFF800000 : f32
    %broadcast_in_dim3A_1643 = vector.broadcast %jit3A_1642 : f32 to vector<64x1xf32>
    %select_n3A_1644 = arith.select %eq3A_1641, %broadcast_in_dim3A_1643, %select_n3A_1608 : vector<64x1xi1>, vector<64x1xf32>
    %reduce_max3A_1645 = vector.shape_cast %select_n3A_1644 : vector<64x1xf32> to vector<1x64x1xf32>
    %reduce_max3A_1646 = arith.constant dense<0xFF800000> : vector<1xf32>
    %reduce_max3A_1647 = vector.multi_reduction <maximumf>, %reduce_max3A_1645, %reduce_max3A_1646 [1, 2] : vector<1x64x1xf32> to vector<1xf32>
    %reduce_max3A_1648 = vector.shape_cast %reduce_max3A_1647 : vector<1xf32> to vector<1x1x1xf32>
    %reduce_max3A_1649 = vector.extract %reduce_max3A_1648[0, 0, 0] : f32 from vector<1x1x1xf32>
    %eq3A_1650 = vector.broadcast %reduce_max3A_1649 : f32 to vector<64x1xf32>
    %eq3A_1651 = arith.cmpf oeq, %select_n3A_1644, %eq3A_1650 : vector<64x1xf32>
    %jit3A_1652 = arith.constant 64 : i32
    %broadcast_in_dim3A_1653 = vector.broadcast %jit3A_1652 : i32 to vector<64x1xi32>
    %select_n3A_1654 = arith.select %eq3A_1651, %iota3A_9, %broadcast_in_dim3A_1653 : vector<64x1xi1>, vector<64x1xi32>
    %reduce_min3A_1655 = vector.shape_cast %select_n3A_1654 : vector<64x1xi32> to vector<1x64x1xi32>
    %reduce_min3A_1656 = arith.constant dense<2147483647> : vector<1xi32>
    %reduce_min3A_1657 = vector.multi_reduction <minsi>, %reduce_min3A_1655, %reduce_min3A_1656 [1, 2] : vector<1x64x1xi32> to vector<1xi32>
    %reduce_min3A_1658 = vector.shape_cast %reduce_min3A_1657 : vector<1xi32> to vector<1x1x1xi32>
    %reduce_min3A_1659 = vector.extract %reduce_min3A_1658[0, 0, 0] : i32 from vector<1x1x1xi32>
    %swap3A_1660 = arith.constant 4 : index
    %swap3A_1661 = arith.constant 5 : index
    %swap3A_1662 = memref.load %arg4[%swap3A_1660, %swap3A_1661] : memref<9x9xf32, #tpu.memory_space<smem>>
    memref.store %reduce_max3A_1649, %arg4[%swap3A_1660, %swap3A_1661] : memref<9x9xf32, #tpu.memory_space<smem>>
    %eq3A_1663 = vector.broadcast %reduce_min3A_1659 : i32 to vector<64x1xi32>
    %eq3A_1664 = arith.cmpi eq, %iota3A_9, %eq3A_1663 : vector<64x1xi32>
    %jit3A_1665 = arith.constant 0 : i32
    %broadcast_in_dim3A_1666 = vector.broadcast %jit3A_1665 : i32 to vector<64x1xi32>
    %select_n3A_1667 = arith.select %eq3A_1664, %broadcast_in_dim3A_1464, %broadcast_in_dim3A_1666 : vector<64x1xi1>, vector<64x1xi32>
    %reduce_max3A_1668 = vector.shape_cast %select_n3A_1667 : vector<64x1xi32> to vector<1x64x1xi32>
    %reduce_max3A_1669 = arith.constant dense<-2147483648> : vector<1xi32>
    %reduce_max3A_1670 = vector.multi_reduction <maxsi>, %reduce_max3A_1668, %reduce_max3A_1669 [1, 2] : vector<1x64x1xi32> to vector<1xi32>
    %reduce_max3A_1671 = vector.shape_cast %reduce_max3A_1670 : vector<1xi32> to vector<1x1x1xi32>
    %reduce_max3A_1672 = vector.extract %reduce_max3A_1671[0, 0, 0] : i32 from vector<1x1x1xi32>
    %swap3A_1673 = arith.constant 4 : index
    %swap3A_1674 = arith.constant 5 : index
    %swap3A_1675 = memref.load %arg3[%swap3A_1673, %swap3A_1674] : memref<9x9xi32, #tpu.memory_space<smem>>
    memref.store %reduce_max3A_1672, %arg3[%swap3A_1673, %swap3A_1674] : memref<9x9xi32, #tpu.memory_space<smem>>
    %eq3A_1676 = vector.broadcast %reduce_min3A_1659 : i32 to vector<64x1xi32>
    %eq3A_1677 = arith.cmpi eq, %iota3A_9, %eq3A_1676 : vector<64x1xi32>
    %jit3A_1678 = arith.constant 0xFF800000 : f32
    %broadcast_in_dim3A_1679 = vector.broadcast %jit3A_1678 : f32 to vector<64x1xf32>
    %select_n3A_1680 = arith.select %eq3A_1677, %broadcast_in_dim3A_1679, %select_n3A_1644 : vector<64x1xi1>, vector<64x1xf32>
    %reduce_max3A_1681 = vector.shape_cast %select_n3A_1680 : vector<64x1xf32> to vector<1x64x1xf32>
    %reduce_max3A_1682 = arith.constant dense<0xFF800000> : vector<1xf32>
    %reduce_max3A_1683 = vector.multi_reduction <maximumf>, %reduce_max3A_1681, %reduce_max3A_1682 [1, 2] : vector<1x64x1xf32> to vector<1xf32>
    %reduce_max3A_1684 = vector.shape_cast %reduce_max3A_1683 : vector<1xf32> to vector<1x1x1xf32>
    %reduce_max3A_1685 = vector.extract %reduce_max3A_1684[0, 0, 0] : f32 from vector<1x1x1xf32>
    %eq3A_1686 = vector.broadcast %reduce_max3A_1685 : f32 to vector<64x1xf32>
    %eq3A_1687 = arith.cmpf oeq, %select_n3A_1680, %eq3A_1686 : vector<64x1xf32>
    %jit3A_1688 = arith.constant 64 : i32
    %broadcast_in_dim3A_1689 = vector.broadcast %jit3A_1688 : i32 to vector<64x1xi32>
    %select_n3A_1690 = arith.select %eq3A_1687, %iota3A_9, %broadcast_in_dim3A_1689 : vector<64x1xi1>, vector<64x1xi32>
    %reduce_min3A_1691 = vector.shape_cast %select_n3A_1690 : vector<64x1xi32> to vector<1x64x1xi32>
    %reduce_min3A_1692 = arith.constant dense<2147483647> : vector<1xi32>
    %reduce_min3A_1693 = vector.multi_reduction <minsi>, %reduce_min3A_1691, %reduce_min3A_1692 [1, 2] : vector<1x64x1xi32> to vector<1xi32>
    %reduce_min3A_1694 = vector.shape_cast %reduce_min3A_1693 : vector<1xi32> to vector<1x1x1xi32>
    %reduce_min3A_1695 = vector.extract %reduce_min3A_1694[0, 0, 0] : i32 from vector<1x1x1xi32>
    %swap3A_1696 = arith.constant 4 : index
    %swap3A_1697 = arith.constant 6 : index
    %swap3A_1698 = memref.load %arg4[%swap3A_1696, %swap3A_1697] : memref<9x9xf32, #tpu.memory_space<smem>>
    memref.store %reduce_max3A_1685, %arg4[%swap3A_1696, %swap3A_1697] : memref<9x9xf32, #tpu.memory_space<smem>>
    %eq3A_1699 = vector.broadcast %reduce_min3A_1695 : i32 to vector<64x1xi32>
    %eq3A_1700 = arith.cmpi eq, %iota3A_9, %eq3A_1699 : vector<64x1xi32>
    %jit3A_1701 = arith.constant 0 : i32
    %broadcast_in_dim3A_1702 = vector.broadcast %jit3A_1701 : i32 to vector<64x1xi32>
    %select_n3A_1703 = arith.select %eq3A_1700, %broadcast_in_dim3A_1464, %broadcast_in_dim3A_1702 : vector<64x1xi1>, vector<64x1xi32>
    %reduce_max3A_1704 = vector.shape_cast %select_n3A_1703 : vector<64x1xi32> to vector<1x64x1xi32>
    %reduce_max3A_1705 = arith.constant dense<-2147483648> : vector<1xi32>
    %reduce_max3A_1706 = vector.multi_reduction <maxsi>, %reduce_max3A_1704, %reduce_max3A_1705 [1, 2] : vector<1x64x1xi32> to vector<1xi32>
    %reduce_max3A_1707 = vector.shape_cast %reduce_max3A_1706 : vector<1xi32> to vector<1x1x1xi32>
    %reduce_max3A_1708 = vector.extract %reduce_max3A_1707[0, 0, 0] : i32 from vector<1x1x1xi32>
    %swap3A_1709 = arith.constant 4 : index
    %swap3A_1710 = arith.constant 6 : index
    %swap3A_1711 = memref.load %arg3[%swap3A_1709, %swap3A_1710] : memref<9x9xi32, #tpu.memory_space<smem>>
    memref.store %reduce_max3A_1708, %arg3[%swap3A_1709, %swap3A_1710] : memref<9x9xi32, #tpu.memory_space<smem>>
    %eq3A_1712 = vector.broadcast %reduce_min3A_1695 : i32 to vector<64x1xi32>
    %eq3A_1713 = arith.cmpi eq, %iota3A_9, %eq3A_1712 : vector<64x1xi32>
    %jit3A_1714 = arith.constant 0xFF800000 : f32
    %broadcast_in_dim3A_1715 = vector.broadcast %jit3A_1714 : f32 to vector<64x1xf32>
    %select_n3A_1716 = arith.select %eq3A_1713, %broadcast_in_dim3A_1715, %select_n3A_1680 : vector<64x1xi1>, vector<64x1xf32>
    %reduce_max3A_1717 = vector.shape_cast %select_n3A_1716 : vector<64x1xf32> to vector<1x64x1xf32>
    %reduce_max3A_1718 = arith.constant dense<0xFF800000> : vector<1xf32>
    %reduce_max3A_1719 = vector.multi_reduction <maximumf>, %reduce_max3A_1717, %reduce_max3A_1718 [1, 2] : vector<1x64x1xf32> to vector<1xf32>
    %reduce_max3A_1720 = vector.shape_cast %reduce_max3A_1719 : vector<1xf32> to vector<1x1x1xf32>
    %reduce_max3A_1721 = vector.extract %reduce_max3A_1720[0, 0, 0] : f32 from vector<1x1x1xf32>
    %eq3A_1722 = vector.broadcast %reduce_max3A_1721 : f32 to vector<64x1xf32>
    %eq3A_1723 = arith.cmpf oeq, %select_n3A_1716, %eq3A_1722 : vector<64x1xf32>
    %jit3A_1724 = arith.constant 64 : i32
    %broadcast_in_dim3A_1725 = vector.broadcast %jit3A_1724 : i32 to vector<64x1xi32>
    %select_n3A_1726 = arith.select %eq3A_1723, %iota3A_9, %broadcast_in_dim3A_1725 : vector<64x1xi1>, vector<64x1xi32>
    %reduce_min3A_1727 = vector.shape_cast %select_n3A_1726 : vector<64x1xi32> to vector<1x64x1xi32>
    %reduce_min3A_1728 = arith.constant dense<2147483647> : vector<1xi32>
    %reduce_min3A_1729 = vector.multi_reduction <minsi>, %reduce_min3A_1727, %reduce_min3A_1728 [1, 2] : vector<1x64x1xi32> to vector<1xi32>
    %reduce_min3A_1730 = vector.shape_cast %reduce_min3A_1729 : vector<1xi32> to vector<1x1x1xi32>
    %reduce_min3A_1731 = vector.extract %reduce_min3A_1730[0, 0, 0] : i32 from vector<1x1x1xi32>
    %swap3A_1732 = arith.constant 4 : index
    %swap3A_1733 = arith.constant 7 : index
    %swap3A_1734 = memref.load %arg4[%swap3A_1732, %swap3A_1733] : memref<9x9xf32, #tpu.memory_space<smem>>
    memref.store %reduce_max3A_1721, %arg4[%swap3A_1732, %swap3A_1733] : memref<9x9xf32, #tpu.memory_space<smem>>
    %eq3A_1735 = vector.broadcast %reduce_min3A_1731 : i32 to vector<64x1xi32>
    %eq3A_1736 = arith.cmpi eq, %iota3A_9, %eq3A_1735 : vector<64x1xi32>
    %jit3A_1737 = arith.constant 0 : i32
    %broadcast_in_dim3A_1738 = vector.broadcast %jit3A_1737 : i32 to vector<64x1xi32>
    %select_n3A_1739 = arith.select %eq3A_1736, %broadcast_in_dim3A_1464, %broadcast_in_dim3A_1738 : vector<64x1xi1>, vector<64x1xi32>
    %reduce_max3A_1740 = vector.shape_cast %select_n3A_1739 : vector<64x1xi32> to vector<1x64x1xi32>
    %reduce_max3A_1741 = arith.constant dense<-2147483648> : vector<1xi32>
    %reduce_max3A_1742 = vector.multi_reduction <maxsi>, %reduce_max3A_1740, %reduce_max3A_1741 [1, 2] : vector<1x64x1xi32> to vector<1xi32>
    %reduce_max3A_1743 = vector.shape_cast %reduce_max3A_1742 : vector<1xi32> to vector<1x1x1xi32>
    %reduce_max3A_1744 = vector.extract %reduce_max3A_1743[0, 0, 0] : i32 from vector<1x1x1xi32>
    %swap3A_1745 = arith.constant 4 : index
    %swap3A_1746 = arith.constant 7 : index
    %swap3A_1747 = memref.load %arg3[%swap3A_1745, %swap3A_1746] : memref<9x9xi32, #tpu.memory_space<smem>>
    memref.store %reduce_max3A_1744, %arg3[%swap3A_1745, %swap3A_1746] : memref<9x9xi32, #tpu.memory_space<smem>>
    %eq3A_1748 = vector.broadcast %reduce_min3A_1731 : i32 to vector<64x1xi32>
    %eq3A_1749 = arith.cmpi eq, %iota3A_9, %eq3A_1748 : vector<64x1xi32>
    %jit3A_1750 = arith.constant 0xFF800000 : f32
    %broadcast_in_dim3A_1751 = vector.broadcast %jit3A_1750 : f32 to vector<64x1xf32>
    %select_n3A_1752 = arith.select %eq3A_1749, %broadcast_in_dim3A_1751, %select_n3A_1716 : vector<64x1xi1>, vector<64x1xf32>
    %reduce_max3A_1753 = vector.shape_cast %select_n3A_1752 : vector<64x1xf32> to vector<1x64x1xf32>
    %reduce_max3A_1754 = arith.constant dense<0xFF800000> : vector<1xf32>
    %reduce_max3A_1755 = vector.multi_reduction <maximumf>, %reduce_max3A_1753, %reduce_max3A_1754 [1, 2] : vector<1x64x1xf32> to vector<1xf32>
    %reduce_max3A_1756 = vector.shape_cast %reduce_max3A_1755 : vector<1xf32> to vector<1x1x1xf32>
    %reduce_max3A_1757 = vector.extract %reduce_max3A_1756[0, 0, 0] : f32 from vector<1x1x1xf32>
    %eq3A_1758 = vector.broadcast %reduce_max3A_1757 : f32 to vector<64x1xf32>
    %eq3A_1759 = arith.cmpf oeq, %select_n3A_1752, %eq3A_1758 : vector<64x1xf32>
    %jit3A_1760 = arith.constant 64 : i32
    %broadcast_in_dim3A_1761 = vector.broadcast %jit3A_1760 : i32 to vector<64x1xi32>
    %select_n3A_1762 = arith.select %eq3A_1759, %iota3A_9, %broadcast_in_dim3A_1761 : vector<64x1xi1>, vector<64x1xi32>
    %reduce_min3A_1763 = vector.shape_cast %select_n3A_1762 : vector<64x1xi32> to vector<1x64x1xi32>
    %reduce_min3A_1764 = arith.constant dense<2147483647> : vector<1xi32>
    %reduce_min3A_1765 = vector.multi_reduction <minsi>, %reduce_min3A_1763, %reduce_min3A_1764 [1, 2] : vector<1x64x1xi32> to vector<1xi32>
    %reduce_min3A_1766 = vector.shape_cast %reduce_min3A_1765 : vector<1xi32> to vector<1x1x1xi32>
    %reduce_min3A_1767 = vector.extract %reduce_min3A_1766[0, 0, 0] : i32 from vector<1x1x1xi32>
    %swap3A_1768 = arith.constant 4 : index
    %swap3A_1769 = arith.constant 8 : index
    %swap3A_1770 = memref.load %arg4[%swap3A_1768, %swap3A_1769] : memref<9x9xf32, #tpu.memory_space<smem>>
    memref.store %reduce_max3A_1757, %arg4[%swap3A_1768, %swap3A_1769] : memref<9x9xf32, #tpu.memory_space<smem>>
    %eq3A_1771 = vector.broadcast %reduce_min3A_1767 : i32 to vector<64x1xi32>
    %eq3A_1772 = arith.cmpi eq, %iota3A_9, %eq3A_1771 : vector<64x1xi32>
    %jit3A_1773 = arith.constant 0 : i32
    %broadcast_in_dim3A_1774 = vector.broadcast %jit3A_1773 : i32 to vector<64x1xi32>
    %select_n3A_1775 = arith.select %eq3A_1772, %broadcast_in_dim3A_1464, %broadcast_in_dim3A_1774 : vector<64x1xi1>, vector<64x1xi32>
    %reduce_max3A_1776 = vector.shape_cast %select_n3A_1775 : vector<64x1xi32> to vector<1x64x1xi32>
    %reduce_max3A_1777 = arith.constant dense<-2147483648> : vector<1xi32>
    %reduce_max3A_1778 = vector.multi_reduction <maxsi>, %reduce_max3A_1776, %reduce_max3A_1777 [1, 2] : vector<1x64x1xi32> to vector<1xi32>
    %reduce_max3A_1779 = vector.shape_cast %reduce_max3A_1778 : vector<1xi32> to vector<1x1x1xi32>
    %reduce_max3A_1780 = vector.extract %reduce_max3A_1779[0, 0, 0] : i32 from vector<1x1x1xi32>
    %swap3A_1781 = arith.constant 4 : index
    %swap3A_1782 = arith.constant 8 : index
    %swap3A_1783 = memref.load %arg3[%swap3A_1781, %swap3A_1782] : memref<9x9xi32, #tpu.memory_space<smem>>
    memref.store %reduce_max3A_1780, %arg3[%swap3A_1781, %swap3A_1782] : memref<9x9xi32, #tpu.memory_space<smem>>
    %reduce_max3A_1784 = vector.shape_cast %select_n3A_1447 : vector<1x512xf32> to vector<1x1x512xf32>
    %reduce_max3A_1785 = arith.constant dense<0xFF800000> : vector<1xf32>
    %reduce_max3A_1786 = vector.multi_reduction <maximumf>, %reduce_max3A_1784, %reduce_max3A_1785 [1, 2] : vector<1x1x512xf32> to vector<1xf32>
    %reduce_max3A_1787 = vector.shape_cast %reduce_max3A_1786 : vector<1xf32> to vector<1x1x1xf32>
    %reduce_max3A_1788 = vector.extract %reduce_max3A_1787[0, 0, 0] : f32 from vector<1x1x1xf32>
    %eq3A_1789 = vector.broadcast %reduce_max3A_1788 : f32 to vector<1x512xf32>
    %eq3A_1790 = arith.cmpf oeq, %select_n3A_1447, %eq3A_1789 : vector<1x512xf32>
    %jit3A_1791 = arith.constant 512 : i32
    %broadcast_in_dim3A_1792 = vector.broadcast %jit3A_1791 : i32 to vector<1x512xi32>
    %select_n3A_1793 = arith.select %eq3A_1790, %iota3A, %broadcast_in_dim3A_1792 : vector<1x512xi1>, vector<1x512xi32>
    %reduce_min3A_1794 = vector.shape_cast %select_n3A_1793 : vector<1x512xi32> to vector<1x1x512xi32>
    %reduce_min3A_1795 = arith.constant dense<2147483647> : vector<1xi32>
    %reduce_min3A_1796 = vector.multi_reduction <minsi>, %reduce_min3A_1794, %reduce_min3A_1795 [1, 2] : vector<1x1x512xi32> to vector<1xi32>
    %reduce_min3A_1797 = vector.shape_cast %reduce_min3A_1796 : vector<1xi32> to vector<1x1x1xi32>
    %reduce_min3A_1798 = vector.extract %reduce_min3A_1797[0, 0, 0] : i32 from vector<1x1x1xi32>
    %eq3A_1799 = vector.broadcast %reduce_min3A_1798 : i32 to vector<1x512xi32>
    %eq3A_1800 = arith.cmpi eq, %iota3A, %eq3A_1799 : vector<1x512xi32>
    %jit3A_1801 = arith.constant 0xFF800000 : f32
    %broadcast_in_dim3A_1802 = vector.broadcast %jit3A_1801 : f32 to vector<1x512xf32>
    %select_n3A_1803 = arith.select %eq3A_1800, %broadcast_in_dim3A_1802, %select_n3A_1447 : vector<1x512xi1>, vector<1x512xf32>
    %swap3A_1804 = arith.constant 0 : index
    %swap3A_1805 = arith.constant 5 : index
    %swap3A_1806 = memref.load %arg2[%swap3A_1804, %swap3A_1805] : memref<1x9xi32, #tpu.memory_space<smem>>
    memref.store %reduce_min3A_1798, %arg2[%swap3A_1804, %swap3A_1805] : memref<1x9xi32, #tpu.memory_space<smem>>
    %eq3A_1807 = vector.broadcast %reduce_min3A_1798 : i32 to vector<64x512xi32>
    %eq3A_1808 = arith.cmpi eq, %iota3A_8, %eq3A_1807 : vector<64x512xi32>
    %jit3A_1809 = arith.constant 0xFF800000 : f32
    %broadcast_in_dim3A_1810 = vector.broadcast %jit3A_1809 : f32 to vector<64x512xf32>
    %select_n3A_1811 = arith.select %eq3A_1808, %get3A_1, %broadcast_in_dim3A_1810 : vector<64x512xi1>, vector<64x512xf32>
    %reduce_max3A_1812 = arith.constant dense<0xFF800000> : vector<64xf32>
    %reduce_max3A_1813 = vector.multi_reduction <maximumf>, %select_n3A_1811, %reduce_max3A_1812 [1] : vector<64x512xf32> to vector<64xf32>
    %broadcast_in_dim3A_1814 = vector.shape_cast %reduce_max3A_1813 : vector<64xf32> to vector<64x1xf32>
    %jit3A_1815 = arith.constant 0 : i32
    %broadcast_in_dim3A_1816 = vector.broadcast %jit3A_1815 : i32 to vector<64x512xi32>
    %select_n3A_1817 = arith.select %eq3A_1808, %get3A_4, %broadcast_in_dim3A_1816 : vector<64x512xi1>, vector<64x512xi32>
    %reduce_max3A_1818 = arith.constant dense<-2147483648> : vector<64xi32>
    %reduce_max3A_1819 = vector.multi_reduction <maxsi>, %select_n3A_1817, %reduce_max3A_1818 [1] : vector<64x512xi32> to vector<64xi32>
    %broadcast_in_dim3A_1820 = vector.shape_cast %reduce_max3A_1819 : vector<64xi32> to vector<64x1xi32>
    %reduce_max3A_1821 = vector.shape_cast %broadcast_in_dim3A_1814 : vector<64x1xf32> to vector<1x64x1xf32>
    %reduce_max3A_1822 = arith.constant dense<0xFF800000> : vector<1xf32>
    %reduce_max3A_1823 = vector.multi_reduction <maximumf>, %reduce_max3A_1821, %reduce_max3A_1822 [1, 2] : vector<1x64x1xf32> to vector<1xf32>
    %reduce_max3A_1824 = vector.shape_cast %reduce_max3A_1823 : vector<1xf32> to vector<1x1x1xf32>
    %reduce_max3A_1825 = vector.extract %reduce_max3A_1824[0, 0, 0] : f32 from vector<1x1x1xf32>
    %eq3A_1826 = vector.broadcast %reduce_max3A_1825 : f32 to vector<64x1xf32>
    %eq3A_1827 = arith.cmpf oeq, %broadcast_in_dim3A_1814, %eq3A_1826 : vector<64x1xf32>
    %jit3A_1828 = arith.constant 64 : i32
    %broadcast_in_dim3A_1829 = vector.broadcast %jit3A_1828 : i32 to vector<64x1xi32>
    %select_n3A_1830 = arith.select %eq3A_1827, %iota3A_9, %broadcast_in_dim3A_1829 : vector<64x1xi1>, vector<64x1xi32>
    %reduce_min3A_1831 = vector.shape_cast %select_n3A_1830 : vector<64x1xi32> to vector<1x64x1xi32>
    %reduce_min3A_1832 = arith.constant dense<2147483647> : vector<1xi32>
    %reduce_min3A_1833 = vector.multi_reduction <minsi>, %reduce_min3A_1831, %reduce_min3A_1832 [1, 2] : vector<1x64x1xi32> to vector<1xi32>
    %reduce_min3A_1834 = vector.shape_cast %reduce_min3A_1833 : vector<1xi32> to vector<1x1x1xi32>
    %reduce_min3A_1835 = vector.extract %reduce_min3A_1834[0, 0, 0] : i32 from vector<1x1x1xi32>
    %swap3A_1836 = arith.constant 5 : index
    %swap3A_1837 = arith.constant 0 : index
    %swap3A_1838 = memref.load %arg4[%swap3A_1836, %swap3A_1837] : memref<9x9xf32, #tpu.memory_space<smem>>
    memref.store %reduce_max3A_1825, %arg4[%swap3A_1836, %swap3A_1837] : memref<9x9xf32, #tpu.memory_space<smem>>
    %eq3A_1839 = vector.broadcast %reduce_min3A_1835 : i32 to vector<64x1xi32>
    %eq3A_1840 = arith.cmpi eq, %iota3A_9, %eq3A_1839 : vector<64x1xi32>
    %jit3A_1841 = arith.constant 0 : i32
    %broadcast_in_dim3A_1842 = vector.broadcast %jit3A_1841 : i32 to vector<64x1xi32>
    %select_n3A_1843 = arith.select %eq3A_1840, %broadcast_in_dim3A_1820, %broadcast_in_dim3A_1842 : vector<64x1xi1>, vector<64x1xi32>
    %reduce_max3A_1844 = vector.shape_cast %select_n3A_1843 : vector<64x1xi32> to vector<1x64x1xi32>
    %reduce_max3A_1845 = arith.constant dense<-2147483648> : vector<1xi32>
    %reduce_max3A_1846 = vector.multi_reduction <maxsi>, %reduce_max3A_1844, %reduce_max3A_1845 [1, 2] : vector<1x64x1xi32> to vector<1xi32>
    %reduce_max3A_1847 = vector.shape_cast %reduce_max3A_1846 : vector<1xi32> to vector<1x1x1xi32>
    %reduce_max3A_1848 = vector.extract %reduce_max3A_1847[0, 0, 0] : i32 from vector<1x1x1xi32>
    %swap3A_1849 = arith.constant 5 : index
    %swap3A_1850 = arith.constant 0 : index
    %swap3A_1851 = memref.load %arg3[%swap3A_1849, %swap3A_1850] : memref<9x9xi32, #tpu.memory_space<smem>>
    memref.store %reduce_max3A_1848, %arg3[%swap3A_1849, %swap3A_1850] : memref<9x9xi32, #tpu.memory_space<smem>>
    %eq3A_1852 = vector.broadcast %reduce_min3A_1835 : i32 to vector<64x1xi32>
    %eq3A_1853 = arith.cmpi eq, %iota3A_9, %eq3A_1852 : vector<64x1xi32>
    %jit3A_1854 = arith.constant 0xFF800000 : f32
    %broadcast_in_dim3A_1855 = vector.broadcast %jit3A_1854 : f32 to vector<64x1xf32>
    %select_n3A_1856 = arith.select %eq3A_1853, %broadcast_in_dim3A_1855, %broadcast_in_dim3A_1814 : vector<64x1xi1>, vector<64x1xf32>
    %reduce_max3A_1857 = vector.shape_cast %select_n3A_1856 : vector<64x1xf32> to vector<1x64x1xf32>
    %reduce_max3A_1858 = arith.constant dense<0xFF800000> : vector<1xf32>
    %reduce_max3A_1859 = vector.multi_reduction <maximumf>, %reduce_max3A_1857, %reduce_max3A_1858 [1, 2] : vector<1x64x1xf32> to vector<1xf32>
    %reduce_max3A_1860 = vector.shape_cast %reduce_max3A_1859 : vector<1xf32> to vector<1x1x1xf32>
    %reduce_max3A_1861 = vector.extract %reduce_max3A_1860[0, 0, 0] : f32 from vector<1x1x1xf32>
    %eq3A_1862 = vector.broadcast %reduce_max3A_1861 : f32 to vector<64x1xf32>
    %eq3A_1863 = arith.cmpf oeq, %select_n3A_1856, %eq3A_1862 : vector<64x1xf32>
    %jit3A_1864 = arith.constant 64 : i32
    %broadcast_in_dim3A_1865 = vector.broadcast %jit3A_1864 : i32 to vector<64x1xi32>
    %select_n3A_1866 = arith.select %eq3A_1863, %iota3A_9, %broadcast_in_dim3A_1865 : vector<64x1xi1>, vector<64x1xi32>
    %reduce_min3A_1867 = vector.shape_cast %select_n3A_1866 : vector<64x1xi32> to vector<1x64x1xi32>
    %reduce_min3A_1868 = arith.constant dense<2147483647> : vector<1xi32>
    %reduce_min3A_1869 = vector.multi_reduction <minsi>, %reduce_min3A_1867, %reduce_min3A_1868 [1, 2] : vector<1x64x1xi32> to vector<1xi32>
    %reduce_min3A_1870 = vector.shape_cast %reduce_min3A_1869 : vector<1xi32> to vector<1x1x1xi32>
    %reduce_min3A_1871 = vector.extract %reduce_min3A_1870[0, 0, 0] : i32 from vector<1x1x1xi32>
    %swap3A_1872 = arith.constant 5 : index
    %swap3A_1873 = arith.constant 1 : index
    %swap3A_1874 = memref.load %arg4[%swap3A_1872, %swap3A_1873] : memref<9x9xf32, #tpu.memory_space<smem>>
    memref.store %reduce_max3A_1861, %arg4[%swap3A_1872, %swap3A_1873] : memref<9x9xf32, #tpu.memory_space<smem>>
    %eq3A_1875 = vector.broadcast %reduce_min3A_1871 : i32 to vector<64x1xi32>
    %eq3A_1876 = arith.cmpi eq, %iota3A_9, %eq3A_1875 : vector<64x1xi32>
    %jit3A_1877 = arith.constant 0 : i32
    %broadcast_in_dim3A_1878 = vector.broadcast %jit3A_1877 : i32 to vector<64x1xi32>
    %select_n3A_1879 = arith.select %eq3A_1876, %broadcast_in_dim3A_1820, %broadcast_in_dim3A_1878 : vector<64x1xi1>, vector<64x1xi32>
    %reduce_max3A_1880 = vector.shape_cast %select_n3A_1879 : vector<64x1xi32> to vector<1x64x1xi32>
    %reduce_max3A_1881 = arith.constant dense<-2147483648> : vector<1xi32>
    %reduce_max3A_1882 = vector.multi_reduction <maxsi>, %reduce_max3A_1880, %reduce_max3A_1881 [1, 2] : vector<1x64x1xi32> to vector<1xi32>
    %reduce_max3A_1883 = vector.shape_cast %reduce_max3A_1882 : vector<1xi32> to vector<1x1x1xi32>
    %reduce_max3A_1884 = vector.extract %reduce_max3A_1883[0, 0, 0] : i32 from vector<1x1x1xi32>
    %swap3A_1885 = arith.constant 5 : index
    %swap3A_1886 = arith.constant 1 : index
    %swap3A_1887 = memref.load %arg3[%swap3A_1885, %swap3A_1886] : memref<9x9xi32, #tpu.memory_space<smem>>
    memref.store %reduce_max3A_1884, %arg3[%swap3A_1885, %swap3A_1886] : memref<9x9xi32, #tpu.memory_space<smem>>
    %eq3A_1888 = vector.broadcast %reduce_min3A_1871 : i32 to vector<64x1xi32>
    %eq3A_1889 = arith.cmpi eq, %iota3A_9, %eq3A_1888 : vector<64x1xi32>
    %jit3A_1890 = arith.constant 0xFF800000 : f32
    %broadcast_in_dim3A_1891 = vector.broadcast %jit3A_1890 : f32 to vector<64x1xf32>
    %select_n3A_1892 = arith.select %eq3A_1889, %broadcast_in_dim3A_1891, %select_n3A_1856 : vector<64x1xi1>, vector<64x1xf32>
    %reduce_max3A_1893 = vector.shape_cast %select_n3A_1892 : vector<64x1xf32> to vector<1x64x1xf32>
    %reduce_max3A_1894 = arith.constant dense<0xFF800000> : vector<1xf32>
    %reduce_max3A_1895 = vector.multi_reduction <maximumf>, %reduce_max3A_1893, %reduce_max3A_1894 [1, 2] : vector<1x64x1xf32> to vector<1xf32>
    %reduce_max3A_1896 = vector.shape_cast %reduce_max3A_1895 : vector<1xf32> to vector<1x1x1xf32>
    %reduce_max3A_1897 = vector.extract %reduce_max3A_1896[0, 0, 0] : f32 from vector<1x1x1xf32>
    %eq3A_1898 = vector.broadcast %reduce_max3A_1897 : f32 to vector<64x1xf32>
    %eq3A_1899 = arith.cmpf oeq, %select_n3A_1892, %eq3A_1898 : vector<64x1xf32>
    %jit3A_1900 = arith.constant 64 : i32
    %broadcast_in_dim3A_1901 = vector.broadcast %jit3A_1900 : i32 to vector<64x1xi32>
    %select_n3A_1902 = arith.select %eq3A_1899, %iota3A_9, %broadcast_in_dim3A_1901 : vector<64x1xi1>, vector<64x1xi32>
    %reduce_min3A_1903 = vector.shape_cast %select_n3A_1902 : vector<64x1xi32> to vector<1x64x1xi32>
    %reduce_min3A_1904 = arith.constant dense<2147483647> : vector<1xi32>
    %reduce_min3A_1905 = vector.multi_reduction <minsi>, %reduce_min3A_1903, %reduce_min3A_1904 [1, 2] : vector<1x64x1xi32> to vector<1xi32>
    %reduce_min3A_1906 = vector.shape_cast %reduce_min3A_1905 : vector<1xi32> to vector<1x1x1xi32>
    %reduce_min3A_1907 = vector.extract %reduce_min3A_1906[0, 0, 0] : i32 from vector<1x1x1xi32>
    %swap3A_1908 = arith.constant 5 : index
    %swap3A_1909 = arith.constant 2 : index
    %swap3A_1910 = memref.load %arg4[%swap3A_1908, %swap3A_1909] : memref<9x9xf32, #tpu.memory_space<smem>>
    memref.store %reduce_max3A_1897, %arg4[%swap3A_1908, %swap3A_1909] : memref<9x9xf32, #tpu.memory_space<smem>>
    %eq3A_1911 = vector.broadcast %reduce_min3A_1907 : i32 to vector<64x1xi32>
    %eq3A_1912 = arith.cmpi eq, %iota3A_9, %eq3A_1911 : vector<64x1xi32>
    %jit3A_1913 = arith.constant 0 : i32
    %broadcast_in_dim3A_1914 = vector.broadcast %jit3A_1913 : i32 to vector<64x1xi32>
    %select_n3A_1915 = arith.select %eq3A_1912, %broadcast_in_dim3A_1820, %broadcast_in_dim3A_1914 : vector<64x1xi1>, vector<64x1xi32>
    %reduce_max3A_1916 = vector.shape_cast %select_n3A_1915 : vector<64x1xi32> to vector<1x64x1xi32>
    %reduce_max3A_1917 = arith.constant dense<-2147483648> : vector<1xi32>
    %reduce_max3A_1918 = vector.multi_reduction <maxsi>, %reduce_max3A_1916, %reduce_max3A_1917 [1, 2] : vector<1x64x1xi32> to vector<1xi32>
    %reduce_max3A_1919 = vector.shape_cast %reduce_max3A_1918 : vector<1xi32> to vector<1x1x1xi32>
    %reduce_max3A_1920 = vector.extract %reduce_max3A_1919[0, 0, 0] : i32 from vector<1x1x1xi32>
    %swap3A_1921 = arith.constant 5 : index
    %swap3A_1922 = arith.constant 2 : index
    %swap3A_1923 = memref.load %arg3[%swap3A_1921, %swap3A_1922] : memref<9x9xi32, #tpu.memory_space<smem>>
    memref.store %reduce_max3A_1920, %arg3[%swap3A_1921, %swap3A_1922] : memref<9x9xi32, #tpu.memory_space<smem>>
    %eq3A_1924 = vector.broadcast %reduce_min3A_1907 : i32 to vector<64x1xi32>
    %eq3A_1925 = arith.cmpi eq, %iota3A_9, %eq3A_1924 : vector<64x1xi32>
    %jit3A_1926 = arith.constant 0xFF800000 : f32
    %broadcast_in_dim3A_1927 = vector.broadcast %jit3A_1926 : f32 to vector<64x1xf32>
    %select_n3A_1928 = arith.select %eq3A_1925, %broadcast_in_dim3A_1927, %select_n3A_1892 : vector<64x1xi1>, vector<64x1xf32>
    %reduce_max3A_1929 = vector.shape_cast %select_n3A_1928 : vector<64x1xf32> to vector<1x64x1xf32>
    %reduce_max3A_1930 = arith.constant dense<0xFF800000> : vector<1xf32>
    %reduce_max3A_1931 = vector.multi_reduction <maximumf>, %reduce_max3A_1929, %reduce_max3A_1930 [1, 2] : vector<1x64x1xf32> to vector<1xf32>
    %reduce_max3A_1932 = vector.shape_cast %reduce_max3A_1931 : vector<1xf32> to vector<1x1x1xf32>
    %reduce_max3A_1933 = vector.extract %reduce_max3A_1932[0, 0, 0] : f32 from vector<1x1x1xf32>
    %eq3A_1934 = vector.broadcast %reduce_max3A_1933 : f32 to vector<64x1xf32>
    %eq3A_1935 = arith.cmpf oeq, %select_n3A_1928, %eq3A_1934 : vector<64x1xf32>
    %jit3A_1936 = arith.constant 64 : i32
    %broadcast_in_dim3A_1937 = vector.broadcast %jit3A_1936 : i32 to vector<64x1xi32>
    %select_n3A_1938 = arith.select %eq3A_1935, %iota3A_9, %broadcast_in_dim3A_1937 : vector<64x1xi1>, vector<64x1xi32>
    %reduce_min3A_1939 = vector.shape_cast %select_n3A_1938 : vector<64x1xi32> to vector<1x64x1xi32>
    %reduce_min3A_1940 = arith.constant dense<2147483647> : vector<1xi32>
    %reduce_min3A_1941 = vector.multi_reduction <minsi>, %reduce_min3A_1939, %reduce_min3A_1940 [1, 2] : vector<1x64x1xi32> to vector<1xi32>
    %reduce_min3A_1942 = vector.shape_cast %reduce_min3A_1941 : vector<1xi32> to vector<1x1x1xi32>
    %reduce_min3A_1943 = vector.extract %reduce_min3A_1942[0, 0, 0] : i32 from vector<1x1x1xi32>
    %swap3A_1944 = arith.constant 5 : index
    %swap3A_1945 = arith.constant 3 : index
    %swap3A_1946 = memref.load %arg4[%swap3A_1944, %swap3A_1945] : memref<9x9xf32, #tpu.memory_space<smem>>
    memref.store %reduce_max3A_1933, %arg4[%swap3A_1944, %swap3A_1945] : memref<9x9xf32, #tpu.memory_space<smem>>
    %eq3A_1947 = vector.broadcast %reduce_min3A_1943 : i32 to vector<64x1xi32>
    %eq3A_1948 = arith.cmpi eq, %iota3A_9, %eq3A_1947 : vector<64x1xi32>
    %jit3A_1949 = arith.constant 0 : i32
    %broadcast_in_dim3A_1950 = vector.broadcast %jit3A_1949 : i32 to vector<64x1xi32>
    %select_n3A_1951 = arith.select %eq3A_1948, %broadcast_in_dim3A_1820, %broadcast_in_dim3A_1950 : vector<64x1xi1>, vector<64x1xi32>
    %reduce_max3A_1952 = vector.shape_cast %select_n3A_1951 : vector<64x1xi32> to vector<1x64x1xi32>
    %reduce_max3A_1953 = arith.constant dense<-2147483648> : vector<1xi32>
    %reduce_max3A_1954 = vector.multi_reduction <maxsi>, %reduce_max3A_1952, %reduce_max3A_1953 [1, 2] : vector<1x64x1xi32> to vector<1xi32>
    %reduce_max3A_1955 = vector.shape_cast %reduce_max3A_1954 : vector<1xi32> to vector<1x1x1xi32>
    %reduce_max3A_1956 = vector.extract %reduce_max3A_1955[0, 0, 0] : i32 from vector<1x1x1xi32>
    %swap3A_1957 = arith.constant 5 : index
    %swap3A_1958 = arith.constant 3 : index
    %swap3A_1959 = memref.load %arg3[%swap3A_1957, %swap3A_1958] : memref<9x9xi32, #tpu.memory_space<smem>>
    memref.store %reduce_max3A_1956, %arg3[%swap3A_1957, %swap3A_1958] : memref<9x9xi32, #tpu.memory_space<smem>>
    %eq3A_1960 = vector.broadcast %reduce_min3A_1943 : i32 to vector<64x1xi32>
    %eq3A_1961 = arith.cmpi eq, %iota3A_9, %eq3A_1960 : vector<64x1xi32>
    %jit3A_1962 = arith.constant 0xFF800000 : f32
    %broadcast_in_dim3A_1963 = vector.broadcast %jit3A_1962 : f32 to vector<64x1xf32>
    %select_n3A_1964 = arith.select %eq3A_1961, %broadcast_in_dim3A_1963, %select_n3A_1928 : vector<64x1xi1>, vector<64x1xf32>
    %reduce_max3A_1965 = vector.shape_cast %select_n3A_1964 : vector<64x1xf32> to vector<1x64x1xf32>
    %reduce_max3A_1966 = arith.constant dense<0xFF800000> : vector<1xf32>
    %reduce_max3A_1967 = vector.multi_reduction <maximumf>, %reduce_max3A_1965, %reduce_max3A_1966 [1, 2] : vector<1x64x1xf32> to vector<1xf32>
    %reduce_max3A_1968 = vector.shape_cast %reduce_max3A_1967 : vector<1xf32> to vector<1x1x1xf32>
    %reduce_max3A_1969 = vector.extract %reduce_max3A_1968[0, 0, 0] : f32 from vector<1x1x1xf32>
    %eq3A_1970 = vector.broadcast %reduce_max3A_1969 : f32 to vector<64x1xf32>
    %eq3A_1971 = arith.cmpf oeq, %select_n3A_1964, %eq3A_1970 : vector<64x1xf32>
    %jit3A_1972 = arith.constant 64 : i32
    %broadcast_in_dim3A_1973 = vector.broadcast %jit3A_1972 : i32 to vector<64x1xi32>
    %select_n3A_1974 = arith.select %eq3A_1971, %iota3A_9, %broadcast_in_dim3A_1973 : vector<64x1xi1>, vector<64x1xi32>
    %reduce_min3A_1975 = vector.shape_cast %select_n3A_1974 : vector<64x1xi32> to vector<1x64x1xi32>
    %reduce_min3A_1976 = arith.constant dense<2147483647> : vector<1xi32>
    %reduce_min3A_1977 = vector.multi_reduction <minsi>, %reduce_min3A_1975, %reduce_min3A_1976 [1, 2] : vector<1x64x1xi32> to vector<1xi32>
    %reduce_min3A_1978 = vector.shape_cast %reduce_min3A_1977 : vector<1xi32> to vector<1x1x1xi32>
    %reduce_min3A_1979 = vector.extract %reduce_min3A_1978[0, 0, 0] : i32 from vector<1x1x1xi32>
    %swap3A_1980 = arith.constant 5 : index
    %swap3A_1981 = arith.constant 4 : index
    %swap3A_1982 = memref.load %arg4[%swap3A_1980, %swap3A_1981] : memref<9x9xf32, #tpu.memory_space<smem>>
    memref.store %reduce_max3A_1969, %arg4[%swap3A_1980, %swap3A_1981] : memref<9x9xf32, #tpu.memory_space<smem>>
    %eq3A_1983 = vector.broadcast %reduce_min3A_1979 : i32 to vector<64x1xi32>
    %eq3A_1984 = arith.cmpi eq, %iota3A_9, %eq3A_1983 : vector<64x1xi32>
    %jit3A_1985 = arith.constant 0 : i32
    %broadcast_in_dim3A_1986 = vector.broadcast %jit3A_1985 : i32 to vector<64x1xi32>
    %select_n3A_1987 = arith.select %eq3A_1984, %broadcast_in_dim3A_1820, %broadcast_in_dim3A_1986 : vector<64x1xi1>, vector<64x1xi32>
    %reduce_max3A_1988 = vector.shape_cast %select_n3A_1987 : vector<64x1xi32> to vector<1x64x1xi32>
    %reduce_max3A_1989 = arith.constant dense<-2147483648> : vector<1xi32>
    %reduce_max3A_1990 = vector.multi_reduction <maxsi>, %reduce_max3A_1988, %reduce_max3A_1989 [1, 2] : vector<1x64x1xi32> to vector<1xi32>
    %reduce_max3A_1991 = vector.shape_cast %reduce_max3A_1990 : vector<1xi32> to vector<1x1x1xi32>
    %reduce_max3A_1992 = vector.extract %reduce_max3A_1991[0, 0, 0] : i32 from vector<1x1x1xi32>
    %swap3A_1993 = arith.constant 5 : index
    %swap3A_1994 = arith.constant 4 : index
    %swap3A_1995 = memref.load %arg3[%swap3A_1993, %swap3A_1994] : memref<9x9xi32, #tpu.memory_space<smem>>
    memref.store %reduce_max3A_1992, %arg3[%swap3A_1993, %swap3A_1994] : memref<9x9xi32, #tpu.memory_space<smem>>
    %eq3A_1996 = vector.broadcast %reduce_min3A_1979 : i32 to vector<64x1xi32>
    %eq3A_1997 = arith.cmpi eq, %iota3A_9, %eq3A_1996 : vector<64x1xi32>
    %jit3A_1998 = arith.constant 0xFF800000 : f32
    %broadcast_in_dim3A_1999 = vector.broadcast %jit3A_1998 : f32 to vector<64x1xf32>
    %select_n3A_2000 = arith.select %eq3A_1997, %broadcast_in_dim3A_1999, %select_n3A_1964 : vector<64x1xi1>, vector<64x1xf32>
    %reduce_max3A_2001 = vector.shape_cast %select_n3A_2000 : vector<64x1xf32> to vector<1x64x1xf32>
    %reduce_max3A_2002 = arith.constant dense<0xFF800000> : vector<1xf32>
    %reduce_max3A_2003 = vector.multi_reduction <maximumf>, %reduce_max3A_2001, %reduce_max3A_2002 [1, 2] : vector<1x64x1xf32> to vector<1xf32>
    %reduce_max3A_2004 = vector.shape_cast %reduce_max3A_2003 : vector<1xf32> to vector<1x1x1xf32>
    %reduce_max3A_2005 = vector.extract %reduce_max3A_2004[0, 0, 0] : f32 from vector<1x1x1xf32>
    %eq3A_2006 = vector.broadcast %reduce_max3A_2005 : f32 to vector<64x1xf32>
    %eq3A_2007 = arith.cmpf oeq, %select_n3A_2000, %eq3A_2006 : vector<64x1xf32>
    %jit3A_2008 = arith.constant 64 : i32
    %broadcast_in_dim3A_2009 = vector.broadcast %jit3A_2008 : i32 to vector<64x1xi32>
    %select_n3A_2010 = arith.select %eq3A_2007, %iota3A_9, %broadcast_in_dim3A_2009 : vector<64x1xi1>, vector<64x1xi32>
    %reduce_min3A_2011 = vector.shape_cast %select_n3A_2010 : vector<64x1xi32> to vector<1x64x1xi32>
    %reduce_min3A_2012 = arith.constant dense<2147483647> : vector<1xi32>
    %reduce_min3A_2013 = vector.multi_reduction <minsi>, %reduce_min3A_2011, %reduce_min3A_2012 [1, 2] : vector<1x64x1xi32> to vector<1xi32>
    %reduce_min3A_2014 = vector.shape_cast %reduce_min3A_2013 : vector<1xi32> to vector<1x1x1xi32>
    %reduce_min3A_2015 = vector.extract %reduce_min3A_2014[0, 0, 0] : i32 from vector<1x1x1xi32>
    %swap3A_2016 = arith.constant 5 : index
    %swap3A_2017 = arith.constant 5 : index
    %swap3A_2018 = memref.load %arg4[%swap3A_2016, %swap3A_2017] : memref<9x9xf32, #tpu.memory_space<smem>>
    memref.store %reduce_max3A_2005, %arg4[%swap3A_2016, %swap3A_2017] : memref<9x9xf32, #tpu.memory_space<smem>>
    %eq3A_2019 = vector.broadcast %reduce_min3A_2015 : i32 to vector<64x1xi32>
    %eq3A_2020 = arith.cmpi eq, %iota3A_9, %eq3A_2019 : vector<64x1xi32>
    %jit3A_2021 = arith.constant 0 : i32
    %broadcast_in_dim3A_2022 = vector.broadcast %jit3A_2021 : i32 to vector<64x1xi32>
    %select_n3A_2023 = arith.select %eq3A_2020, %broadcast_in_dim3A_1820, %broadcast_in_dim3A_2022 : vector<64x1xi1>, vector<64x1xi32>
    %reduce_max3A_2024 = vector.shape_cast %select_n3A_2023 : vector<64x1xi32> to vector<1x64x1xi32>
    %reduce_max3A_2025 = arith.constant dense<-2147483648> : vector<1xi32>
    %reduce_max3A_2026 = vector.multi_reduction <maxsi>, %reduce_max3A_2024, %reduce_max3A_2025 [1, 2] : vector<1x64x1xi32> to vector<1xi32>
    %reduce_max3A_2027 = vector.shape_cast %reduce_max3A_2026 : vector<1xi32> to vector<1x1x1xi32>
    %reduce_max3A_2028 = vector.extract %reduce_max3A_2027[0, 0, 0] : i32 from vector<1x1x1xi32>
    %swap3A_2029 = arith.constant 5 : index
    %swap3A_2030 = arith.constant 5 : index
    %swap3A_2031 = memref.load %arg3[%swap3A_2029, %swap3A_2030] : memref<9x9xi32, #tpu.memory_space<smem>>
    memref.store %reduce_max3A_2028, %arg3[%swap3A_2029, %swap3A_2030] : memref<9x9xi32, #tpu.memory_space<smem>>
    %eq3A_2032 = vector.broadcast %reduce_min3A_2015 : i32 to vector<64x1xi32>
    %eq3A_2033 = arith.cmpi eq, %iota3A_9, %eq3A_2032 : vector<64x1xi32>
    %jit3A_2034 = arith.constant 0xFF800000 : f32
    %broadcast_in_dim3A_2035 = vector.broadcast %jit3A_2034 : f32 to vector<64x1xf32>
    %select_n3A_2036 = arith.select %eq3A_2033, %broadcast_in_dim3A_2035, %select_n3A_2000 : vector<64x1xi1>, vector<64x1xf32>
    %reduce_max3A_2037 = vector.shape_cast %select_n3A_2036 : vector<64x1xf32> to vector<1x64x1xf32>
    %reduce_max3A_2038 = arith.constant dense<0xFF800000> : vector<1xf32>
    %reduce_max3A_2039 = vector.multi_reduction <maximumf>, %reduce_max3A_2037, %reduce_max3A_2038 [1, 2] : vector<1x64x1xf32> to vector<1xf32>
    %reduce_max3A_2040 = vector.shape_cast %reduce_max3A_2039 : vector<1xf32> to vector<1x1x1xf32>
    %reduce_max3A_2041 = vector.extract %reduce_max3A_2040[0, 0, 0] : f32 from vector<1x1x1xf32>
    %eq3A_2042 = vector.broadcast %reduce_max3A_2041 : f32 to vector<64x1xf32>
    %eq3A_2043 = arith.cmpf oeq, %select_n3A_2036, %eq3A_2042 : vector<64x1xf32>
    %jit3A_2044 = arith.constant 64 : i32
    %broadcast_in_dim3A_2045 = vector.broadcast %jit3A_2044 : i32 to vector<64x1xi32>
    %select_n3A_2046 = arith.select %eq3A_2043, %iota3A_9, %broadcast_in_dim3A_2045 : vector<64x1xi1>, vector<64x1xi32>
    %reduce_min3A_2047 = vector.shape_cast %select_n3A_2046 : vector<64x1xi32> to vector<1x64x1xi32>
    %reduce_min3A_2048 = arith.constant dense<2147483647> : vector<1xi32>
    %reduce_min3A_2049 = vector.multi_reduction <minsi>, %reduce_min3A_2047, %reduce_min3A_2048 [1, 2] : vector<1x64x1xi32> to vector<1xi32>
    %reduce_min3A_2050 = vector.shape_cast %reduce_min3A_2049 : vector<1xi32> to vector<1x1x1xi32>
    %reduce_min3A_2051 = vector.extract %reduce_min3A_2050[0, 0, 0] : i32 from vector<1x1x1xi32>
    %swap3A_2052 = arith.constant 5 : index
    %swap3A_2053 = arith.constant 6 : index
    %swap3A_2054 = memref.load %arg4[%swap3A_2052, %swap3A_2053] : memref<9x9xf32, #tpu.memory_space<smem>>
    memref.store %reduce_max3A_2041, %arg4[%swap3A_2052, %swap3A_2053] : memref<9x9xf32, #tpu.memory_space<smem>>
    %eq3A_2055 = vector.broadcast %reduce_min3A_2051 : i32 to vector<64x1xi32>
    %eq3A_2056 = arith.cmpi eq, %iota3A_9, %eq3A_2055 : vector<64x1xi32>
    %jit3A_2057 = arith.constant 0 : i32
    %broadcast_in_dim3A_2058 = vector.broadcast %jit3A_2057 : i32 to vector<64x1xi32>
    %select_n3A_2059 = arith.select %eq3A_2056, %broadcast_in_dim3A_1820, %broadcast_in_dim3A_2058 : vector<64x1xi1>, vector<64x1xi32>
    %reduce_max3A_2060 = vector.shape_cast %select_n3A_2059 : vector<64x1xi32> to vector<1x64x1xi32>
    %reduce_max3A_2061 = arith.constant dense<-2147483648> : vector<1xi32>
    %reduce_max3A_2062 = vector.multi_reduction <maxsi>, %reduce_max3A_2060, %reduce_max3A_2061 [1, 2] : vector<1x64x1xi32> to vector<1xi32>
    %reduce_max3A_2063 = vector.shape_cast %reduce_max3A_2062 : vector<1xi32> to vector<1x1x1xi32>
    %reduce_max3A_2064 = vector.extract %reduce_max3A_2063[0, 0, 0] : i32 from vector<1x1x1xi32>
    %swap3A_2065 = arith.constant 5 : index
    %swap3A_2066 = arith.constant 6 : index
    %swap3A_2067 = memref.load %arg3[%swap3A_2065, %swap3A_2066] : memref<9x9xi32, #tpu.memory_space<smem>>
    memref.store %reduce_max3A_2064, %arg3[%swap3A_2065, %swap3A_2066] : memref<9x9xi32, #tpu.memory_space<smem>>
    %eq3A_2068 = vector.broadcast %reduce_min3A_2051 : i32 to vector<64x1xi32>
    %eq3A_2069 = arith.cmpi eq, %iota3A_9, %eq3A_2068 : vector<64x1xi32>
    %jit3A_2070 = arith.constant 0xFF800000 : f32
    %broadcast_in_dim3A_2071 = vector.broadcast %jit3A_2070 : f32 to vector<64x1xf32>
    %select_n3A_2072 = arith.select %eq3A_2069, %broadcast_in_dim3A_2071, %select_n3A_2036 : vector<64x1xi1>, vector<64x1xf32>
    %reduce_max3A_2073 = vector.shape_cast %select_n3A_2072 : vector<64x1xf32> to vector<1x64x1xf32>
    %reduce_max3A_2074 = arith.constant dense<0xFF800000> : vector<1xf32>
    %reduce_max3A_2075 = vector.multi_reduction <maximumf>, %reduce_max3A_2073, %reduce_max3A_2074 [1, 2] : vector<1x64x1xf32> to vector<1xf32>
    %reduce_max3A_2076 = vector.shape_cast %reduce_max3A_2075 : vector<1xf32> to vector<1x1x1xf32>
    %reduce_max3A_2077 = vector.extract %reduce_max3A_2076[0, 0, 0] : f32 from vector<1x1x1xf32>
    %eq3A_2078 = vector.broadcast %reduce_max3A_2077 : f32 to vector<64x1xf32>
    %eq3A_2079 = arith.cmpf oeq, %select_n3A_2072, %eq3A_2078 : vector<64x1xf32>
    %jit3A_2080 = arith.constant 64 : i32
    %broadcast_in_dim3A_2081 = vector.broadcast %jit3A_2080 : i32 to vector<64x1xi32>
    %select_n3A_2082 = arith.select %eq3A_2079, %iota3A_9, %broadcast_in_dim3A_2081 : vector<64x1xi1>, vector<64x1xi32>
    %reduce_min3A_2083 = vector.shape_cast %select_n3A_2082 : vector<64x1xi32> to vector<1x64x1xi32>
    %reduce_min3A_2084 = arith.constant dense<2147483647> : vector<1xi32>
    %reduce_min3A_2085 = vector.multi_reduction <minsi>, %reduce_min3A_2083, %reduce_min3A_2084 [1, 2] : vector<1x64x1xi32> to vector<1xi32>
    %reduce_min3A_2086 = vector.shape_cast %reduce_min3A_2085 : vector<1xi32> to vector<1x1x1xi32>
    %reduce_min3A_2087 = vector.extract %reduce_min3A_2086[0, 0, 0] : i32 from vector<1x1x1xi32>
    %swap3A_2088 = arith.constant 5 : index
    %swap3A_2089 = arith.constant 7 : index
    %swap3A_2090 = memref.load %arg4[%swap3A_2088, %swap3A_2089] : memref<9x9xf32, #tpu.memory_space<smem>>
    memref.store %reduce_max3A_2077, %arg4[%swap3A_2088, %swap3A_2089] : memref<9x9xf32, #tpu.memory_space<smem>>
    %eq3A_2091 = vector.broadcast %reduce_min3A_2087 : i32 to vector<64x1xi32>
    %eq3A_2092 = arith.cmpi eq, %iota3A_9, %eq3A_2091 : vector<64x1xi32>
    %jit3A_2093 = arith.constant 0 : i32
    %broadcast_in_dim3A_2094 = vector.broadcast %jit3A_2093 : i32 to vector<64x1xi32>
    %select_n3A_2095 = arith.select %eq3A_2092, %broadcast_in_dim3A_1820, %broadcast_in_dim3A_2094 : vector<64x1xi1>, vector<64x1xi32>
    %reduce_max3A_2096 = vector.shape_cast %select_n3A_2095 : vector<64x1xi32> to vector<1x64x1xi32>
    %reduce_max3A_2097 = arith.constant dense<-2147483648> : vector<1xi32>
    %reduce_max3A_2098 = vector.multi_reduction <maxsi>, %reduce_max3A_2096, %reduce_max3A_2097 [1, 2] : vector<1x64x1xi32> to vector<1xi32>
    %reduce_max3A_2099 = vector.shape_cast %reduce_max3A_2098 : vector<1xi32> to vector<1x1x1xi32>
    %reduce_max3A_2100 = vector.extract %reduce_max3A_2099[0, 0, 0] : i32 from vector<1x1x1xi32>
    %swap3A_2101 = arith.constant 5 : index
    %swap3A_2102 = arith.constant 7 : index
    %swap3A_2103 = memref.load %arg3[%swap3A_2101, %swap3A_2102] : memref<9x9xi32, #tpu.memory_space<smem>>
    memref.store %reduce_max3A_2100, %arg3[%swap3A_2101, %swap3A_2102] : memref<9x9xi32, #tpu.memory_space<smem>>
    %eq3A_2104 = vector.broadcast %reduce_min3A_2087 : i32 to vector<64x1xi32>
    %eq3A_2105 = arith.cmpi eq, %iota3A_9, %eq3A_2104 : vector<64x1xi32>
    %jit3A_2106 = arith.constant 0xFF800000 : f32
    %broadcast_in_dim3A_2107 = vector.broadcast %jit3A_2106 : f32 to vector<64x1xf32>
    %select_n3A_2108 = arith.select %eq3A_2105, %broadcast_in_dim3A_2107, %select_n3A_2072 : vector<64x1xi1>, vector<64x1xf32>
    %reduce_max3A_2109 = vector.shape_cast %select_n3A_2108 : vector<64x1xf32> to vector<1x64x1xf32>
    %reduce_max3A_2110 = arith.constant dense<0xFF800000> : vector<1xf32>
    %reduce_max3A_2111 = vector.multi_reduction <maximumf>, %reduce_max3A_2109, %reduce_max3A_2110 [1, 2] : vector<1x64x1xf32> to vector<1xf32>
    %reduce_max3A_2112 = vector.shape_cast %reduce_max3A_2111 : vector<1xf32> to vector<1x1x1xf32>
    %reduce_max3A_2113 = vector.extract %reduce_max3A_2112[0, 0, 0] : f32 from vector<1x1x1xf32>
    %eq3A_2114 = vector.broadcast %reduce_max3A_2113 : f32 to vector<64x1xf32>
    %eq3A_2115 = arith.cmpf oeq, %select_n3A_2108, %eq3A_2114 : vector<64x1xf32>
    %jit3A_2116 = arith.constant 64 : i32
    %broadcast_in_dim3A_2117 = vector.broadcast %jit3A_2116 : i32 to vector<64x1xi32>
    %select_n3A_2118 = arith.select %eq3A_2115, %iota3A_9, %broadcast_in_dim3A_2117 : vector<64x1xi1>, vector<64x1xi32>
    %reduce_min3A_2119 = vector.shape_cast %select_n3A_2118 : vector<64x1xi32> to vector<1x64x1xi32>
    %reduce_min3A_2120 = arith.constant dense<2147483647> : vector<1xi32>
    %reduce_min3A_2121 = vector.multi_reduction <minsi>, %reduce_min3A_2119, %reduce_min3A_2120 [1, 2] : vector<1x64x1xi32> to vector<1xi32>
    %reduce_min3A_2122 = vector.shape_cast %reduce_min3A_2121 : vector<1xi32> to vector<1x1x1xi32>
    %reduce_min3A_2123 = vector.extract %reduce_min3A_2122[0, 0, 0] : i32 from vector<1x1x1xi32>
    %swap3A_2124 = arith.constant 5 : index
    %swap3A_2125 = arith.constant 8 : index
    %swap3A_2126 = memref.load %arg4[%swap3A_2124, %swap3A_2125] : memref<9x9xf32, #tpu.memory_space<smem>>
    memref.store %reduce_max3A_2113, %arg4[%swap3A_2124, %swap3A_2125] : memref<9x9xf32, #tpu.memory_space<smem>>
    %eq3A_2127 = vector.broadcast %reduce_min3A_2123 : i32 to vector<64x1xi32>
    %eq3A_2128 = arith.cmpi eq, %iota3A_9, %eq3A_2127 : vector<64x1xi32>
    %jit3A_2129 = arith.constant 0 : i32
    %broadcast_in_dim3A_2130 = vector.broadcast %jit3A_2129 : i32 to vector<64x1xi32>
    %select_n3A_2131 = arith.select %eq3A_2128, %broadcast_in_dim3A_1820, %broadcast_in_dim3A_2130 : vector<64x1xi1>, vector<64x1xi32>
    %reduce_max3A_2132 = vector.shape_cast %select_n3A_2131 : vector<64x1xi32> to vector<1x64x1xi32>
    %reduce_max3A_2133 = arith.constant dense<-2147483648> : vector<1xi32>
    %reduce_max3A_2134 = vector.multi_reduction <maxsi>, %reduce_max3A_2132, %reduce_max3A_2133 [1, 2] : vector<1x64x1xi32> to vector<1xi32>
    %reduce_max3A_2135 = vector.shape_cast %reduce_max3A_2134 : vector<1xi32> to vector<1x1x1xi32>
    %reduce_max3A_2136 = vector.extract %reduce_max3A_2135[0, 0, 0] : i32 from vector<1x1x1xi32>
    %swap3A_2137 = arith.constant 5 : index
    %swap3A_2138 = arith.constant 8 : index
    %swap3A_2139 = memref.load %arg3[%swap3A_2137, %swap3A_2138] : memref<9x9xi32, #tpu.memory_space<smem>>
    memref.store %reduce_max3A_2136, %arg3[%swap3A_2137, %swap3A_2138] : memref<9x9xi32, #tpu.memory_space<smem>>
    %reduce_max3A_2140 = vector.shape_cast %select_n3A_1803 : vector<1x512xf32> to vector<1x1x512xf32>
    %reduce_max3A_2141 = arith.constant dense<0xFF800000> : vector<1xf32>
    %reduce_max3A_2142 = vector.multi_reduction <maximumf>, %reduce_max3A_2140, %reduce_max3A_2141 [1, 2] : vector<1x1x512xf32> to vector<1xf32>
    %reduce_max3A_2143 = vector.shape_cast %reduce_max3A_2142 : vector<1xf32> to vector<1x1x1xf32>
    %reduce_max3A_2144 = vector.extract %reduce_max3A_2143[0, 0, 0] : f32 from vector<1x1x1xf32>
    %eq3A_2145 = vector.broadcast %reduce_max3A_2144 : f32 to vector<1x512xf32>
    %eq3A_2146 = arith.cmpf oeq, %select_n3A_1803, %eq3A_2145 : vector<1x512xf32>
    %jit3A_2147 = arith.constant 512 : i32
    %broadcast_in_dim3A_2148 = vector.broadcast %jit3A_2147 : i32 to vector<1x512xi32>
    %select_n3A_2149 = arith.select %eq3A_2146, %iota3A, %broadcast_in_dim3A_2148 : vector<1x512xi1>, vector<1x512xi32>
    %reduce_min3A_2150 = vector.shape_cast %select_n3A_2149 : vector<1x512xi32> to vector<1x1x512xi32>
    %reduce_min3A_2151 = arith.constant dense<2147483647> : vector<1xi32>
    %reduce_min3A_2152 = vector.multi_reduction <minsi>, %reduce_min3A_2150, %reduce_min3A_2151 [1, 2] : vector<1x1x512xi32> to vector<1xi32>
    %reduce_min3A_2153 = vector.shape_cast %reduce_min3A_2152 : vector<1xi32> to vector<1x1x1xi32>
    %reduce_min3A_2154 = vector.extract %reduce_min3A_2153[0, 0, 0] : i32 from vector<1x1x1xi32>
    %eq3A_2155 = vector.broadcast %reduce_min3A_2154 : i32 to vector<1x512xi32>
    %eq3A_2156 = arith.cmpi eq, %iota3A, %eq3A_2155 : vector<1x512xi32>
    %jit3A_2157 = arith.constant 0xFF800000 : f32
    %broadcast_in_dim3A_2158 = vector.broadcast %jit3A_2157 : f32 to vector<1x512xf32>
    %select_n3A_2159 = arith.select %eq3A_2156, %broadcast_in_dim3A_2158, %select_n3A_1803 : vector<1x512xi1>, vector<1x512xf32>
    %swap3A_2160 = arith.constant 0 : index
    %swap3A_2161 = arith.constant 6 : index
    %swap3A_2162 = memref.load %arg2[%swap3A_2160, %swap3A_2161] : memref<1x9xi32, #tpu.memory_space<smem>>
    memref.store %reduce_min3A_2154, %arg2[%swap3A_2160, %swap3A_2161] : memref<1x9xi32, #tpu.memory_space<smem>>
    %eq3A_2163 = vector.broadcast %reduce_min3A_2154 : i32 to vector<64x512xi32>
    %eq3A_2164 = arith.cmpi eq, %iota3A_8, %eq3A_2163 : vector<64x512xi32>
    %jit3A_2165 = arith.constant 0xFF800000 : f32
    %broadcast_in_dim3A_2166 = vector.broadcast %jit3A_2165 : f32 to vector<64x512xf32>
    %select_n3A_2167 = arith.select %eq3A_2164, %get3A_1, %broadcast_in_dim3A_2166 : vector<64x512xi1>, vector<64x512xf32>
    %reduce_max3A_2168 = arith.constant dense<0xFF800000> : vector<64xf32>
    %reduce_max3A_2169 = vector.multi_reduction <maximumf>, %select_n3A_2167, %reduce_max3A_2168 [1] : vector<64x512xf32> to vector<64xf32>
    %broadcast_in_dim3A_2170 = vector.shape_cast %reduce_max3A_2169 : vector<64xf32> to vector<64x1xf32>
    %jit3A_2171 = arith.constant 0 : i32
    %broadcast_in_dim3A_2172 = vector.broadcast %jit3A_2171 : i32 to vector<64x512xi32>
    %select_n3A_2173 = arith.select %eq3A_2164, %get3A_4, %broadcast_in_dim3A_2172 : vector<64x512xi1>, vector<64x512xi32>
    %reduce_max3A_2174 = arith.constant dense<-2147483648> : vector<64xi32>
    %reduce_max3A_2175 = vector.multi_reduction <maxsi>, %select_n3A_2173, %reduce_max3A_2174 [1] : vector<64x512xi32> to vector<64xi32>
    %broadcast_in_dim3A_2176 = vector.shape_cast %reduce_max3A_2175 : vector<64xi32> to vector<64x1xi32>
    %reduce_max3A_2177 = vector.shape_cast %broadcast_in_dim3A_2170 : vector<64x1xf32> to vector<1x64x1xf32>
    %reduce_max3A_2178 = arith.constant dense<0xFF800000> : vector<1xf32>
    %reduce_max3A_2179 = vector.multi_reduction <maximumf>, %reduce_max3A_2177, %reduce_max3A_2178 [1, 2] : vector<1x64x1xf32> to vector<1xf32>
    %reduce_max3A_2180 = vector.shape_cast %reduce_max3A_2179 : vector<1xf32> to vector<1x1x1xf32>
    %reduce_max3A_2181 = vector.extract %reduce_max3A_2180[0, 0, 0] : f32 from vector<1x1x1xf32>
    %eq3A_2182 = vector.broadcast %reduce_max3A_2181 : f32 to vector<64x1xf32>
    %eq3A_2183 = arith.cmpf oeq, %broadcast_in_dim3A_2170, %eq3A_2182 : vector<64x1xf32>
    %jit3A_2184 = arith.constant 64 : i32
    %broadcast_in_dim3A_2185 = vector.broadcast %jit3A_2184 : i32 to vector<64x1xi32>
    %select_n3A_2186 = arith.select %eq3A_2183, %iota3A_9, %broadcast_in_dim3A_2185 : vector<64x1xi1>, vector<64x1xi32>
    %reduce_min3A_2187 = vector.shape_cast %select_n3A_2186 : vector<64x1xi32> to vector<1x64x1xi32>
    %reduce_min3A_2188 = arith.constant dense<2147483647> : vector<1xi32>
    %reduce_min3A_2189 = vector.multi_reduction <minsi>, %reduce_min3A_2187, %reduce_min3A_2188 [1, 2] : vector<1x64x1xi32> to vector<1xi32>
    %reduce_min3A_2190 = vector.shape_cast %reduce_min3A_2189 : vector<1xi32> to vector<1x1x1xi32>
    %reduce_min3A_2191 = vector.extract %reduce_min3A_2190[0, 0, 0] : i32 from vector<1x1x1xi32>
    %swap3A_2192 = arith.constant 6 : index
    %swap3A_2193 = arith.constant 0 : index
    %swap3A_2194 = memref.load %arg4[%swap3A_2192, %swap3A_2193] : memref<9x9xf32, #tpu.memory_space<smem>>
    memref.store %reduce_max3A_2181, %arg4[%swap3A_2192, %swap3A_2193] : memref<9x9xf32, #tpu.memory_space<smem>>
    %eq3A_2195 = vector.broadcast %reduce_min3A_2191 : i32 to vector<64x1xi32>
    %eq3A_2196 = arith.cmpi eq, %iota3A_9, %eq3A_2195 : vector<64x1xi32>
    %jit3A_2197 = arith.constant 0 : i32
    %broadcast_in_dim3A_2198 = vector.broadcast %jit3A_2197 : i32 to vector<64x1xi32>
    %select_n3A_2199 = arith.select %eq3A_2196, %broadcast_in_dim3A_2176, %broadcast_in_dim3A_2198 : vector<64x1xi1>, vector<64x1xi32>
    %reduce_max3A_2200 = vector.shape_cast %select_n3A_2199 : vector<64x1xi32> to vector<1x64x1xi32>
    %reduce_max3A_2201 = arith.constant dense<-2147483648> : vector<1xi32>
    %reduce_max3A_2202 = vector.multi_reduction <maxsi>, %reduce_max3A_2200, %reduce_max3A_2201 [1, 2] : vector<1x64x1xi32> to vector<1xi32>
    %reduce_max3A_2203 = vector.shape_cast %reduce_max3A_2202 : vector<1xi32> to vector<1x1x1xi32>
    %reduce_max3A_2204 = vector.extract %reduce_max3A_2203[0, 0, 0] : i32 from vector<1x1x1xi32>
    %swap3A_2205 = arith.constant 6 : index
    %swap3A_2206 = arith.constant 0 : index
    %swap3A_2207 = memref.load %arg3[%swap3A_2205, %swap3A_2206] : memref<9x9xi32, #tpu.memory_space<smem>>
    memref.store %reduce_max3A_2204, %arg3[%swap3A_2205, %swap3A_2206] : memref<9x9xi32, #tpu.memory_space<smem>>
    %eq3A_2208 = vector.broadcast %reduce_min3A_2191 : i32 to vector<64x1xi32>
    %eq3A_2209 = arith.cmpi eq, %iota3A_9, %eq3A_2208 : vector<64x1xi32>
    %jit3A_2210 = arith.constant 0xFF800000 : f32
    %broadcast_in_dim3A_2211 = vector.broadcast %jit3A_2210 : f32 to vector<64x1xf32>
    %select_n3A_2212 = arith.select %eq3A_2209, %broadcast_in_dim3A_2211, %broadcast_in_dim3A_2170 : vector<64x1xi1>, vector<64x1xf32>
    %reduce_max3A_2213 = vector.shape_cast %select_n3A_2212 : vector<64x1xf32> to vector<1x64x1xf32>
    %reduce_max3A_2214 = arith.constant dense<0xFF800000> : vector<1xf32>
    %reduce_max3A_2215 = vector.multi_reduction <maximumf>, %reduce_max3A_2213, %reduce_max3A_2214 [1, 2] : vector<1x64x1xf32> to vector<1xf32>
    %reduce_max3A_2216 = vector.shape_cast %reduce_max3A_2215 : vector<1xf32> to vector<1x1x1xf32>
    %reduce_max3A_2217 = vector.extract %reduce_max3A_2216[0, 0, 0] : f32 from vector<1x1x1xf32>
    %eq3A_2218 = vector.broadcast %reduce_max3A_2217 : f32 to vector<64x1xf32>
    %eq3A_2219 = arith.cmpf oeq, %select_n3A_2212, %eq3A_2218 : vector<64x1xf32>
    %jit3A_2220 = arith.constant 64 : i32
    %broadcast_in_dim3A_2221 = vector.broadcast %jit3A_2220 : i32 to vector<64x1xi32>
    %select_n3A_2222 = arith.select %eq3A_2219, %iota3A_9, %broadcast_in_dim3A_2221 : vector<64x1xi1>, vector<64x1xi32>
    %reduce_min3A_2223 = vector.shape_cast %select_n3A_2222 : vector<64x1xi32> to vector<1x64x1xi32>
    %reduce_min3A_2224 = arith.constant dense<2147483647> : vector<1xi32>
    %reduce_min3A_2225 = vector.multi_reduction <minsi>, %reduce_min3A_2223, %reduce_min3A_2224 [1, 2] : vector<1x64x1xi32> to vector<1xi32>
    %reduce_min3A_2226 = vector.shape_cast %reduce_min3A_2225 : vector<1xi32> to vector<1x1x1xi32>
    %reduce_min3A_2227 = vector.extract %reduce_min3A_2226[0, 0, 0] : i32 from vector<1x1x1xi32>
    %swap3A_2228 = arith.constant 6 : index
    %swap3A_2229 = arith.constant 1 : index
    %swap3A_2230 = memref.load %arg4[%swap3A_2228, %swap3A_2229] : memref<9x9xf32, #tpu.memory_space<smem>>
    memref.store %reduce_max3A_2217, %arg4[%swap3A_2228, %swap3A_2229] : memref<9x9xf32, #tpu.memory_space<smem>>
    %eq3A_2231 = vector.broadcast %reduce_min3A_2227 : i32 to vector<64x1xi32>
    %eq3A_2232 = arith.cmpi eq, %iota3A_9, %eq3A_2231 : vector<64x1xi32>
    %jit3A_2233 = arith.constant 0 : i32
    %broadcast_in_dim3A_2234 = vector.broadcast %jit3A_2233 : i32 to vector<64x1xi32>
    %select_n3A_2235 = arith.select %eq3A_2232, %broadcast_in_dim3A_2176, %broadcast_in_dim3A_2234 : vector<64x1xi1>, vector<64x1xi32>
    %reduce_max3A_2236 = vector.shape_cast %select_n3A_2235 : vector<64x1xi32> to vector<1x64x1xi32>
    %reduce_max3A_2237 = arith.constant dense<-2147483648> : vector<1xi32>
    %reduce_max3A_2238 = vector.multi_reduction <maxsi>, %reduce_max3A_2236, %reduce_max3A_2237 [1, 2] : vector<1x64x1xi32> to vector<1xi32>
    %reduce_max3A_2239 = vector.shape_cast %reduce_max3A_2238 : vector<1xi32> to vector<1x1x1xi32>
    %reduce_max3A_2240 = vector.extract %reduce_max3A_2239[0, 0, 0] : i32 from vector<1x1x1xi32>
    %swap3A_2241 = arith.constant 6 : index
    %swap3A_2242 = arith.constant 1 : index
    %swap3A_2243 = memref.load %arg3[%swap3A_2241, %swap3A_2242] : memref<9x9xi32, #tpu.memory_space<smem>>
    memref.store %reduce_max3A_2240, %arg3[%swap3A_2241, %swap3A_2242] : memref<9x9xi32, #tpu.memory_space<smem>>
    %eq3A_2244 = vector.broadcast %reduce_min3A_2227 : i32 to vector<64x1xi32>
    %eq3A_2245 = arith.cmpi eq, %iota3A_9, %eq3A_2244 : vector<64x1xi32>
    %jit3A_2246 = arith.constant 0xFF800000 : f32
    %broadcast_in_dim3A_2247 = vector.broadcast %jit3A_2246 : f32 to vector<64x1xf32>
    %select_n3A_2248 = arith.select %eq3A_2245, %broadcast_in_dim3A_2247, %select_n3A_2212 : vector<64x1xi1>, vector<64x1xf32>
    %reduce_max3A_2249 = vector.shape_cast %select_n3A_2248 : vector<64x1xf32> to vector<1x64x1xf32>
    %reduce_max3A_2250 = arith.constant dense<0xFF800000> : vector<1xf32>
    %reduce_max3A_2251 = vector.multi_reduction <maximumf>, %reduce_max3A_2249, %reduce_max3A_2250 [1, 2] : vector<1x64x1xf32> to vector<1xf32>
    %reduce_max3A_2252 = vector.shape_cast %reduce_max3A_2251 : vector<1xf32> to vector<1x1x1xf32>
    %reduce_max3A_2253 = vector.extract %reduce_max3A_2252[0, 0, 0] : f32 from vector<1x1x1xf32>
    %eq3A_2254 = vector.broadcast %reduce_max3A_2253 : f32 to vector<64x1xf32>
    %eq3A_2255 = arith.cmpf oeq, %select_n3A_2248, %eq3A_2254 : vector<64x1xf32>
    %jit3A_2256 = arith.constant 64 : i32
    %broadcast_in_dim3A_2257 = vector.broadcast %jit3A_2256 : i32 to vector<64x1xi32>
    %select_n3A_2258 = arith.select %eq3A_2255, %iota3A_9, %broadcast_in_dim3A_2257 : vector<64x1xi1>, vector<64x1xi32>
    %reduce_min3A_2259 = vector.shape_cast %select_n3A_2258 : vector<64x1xi32> to vector<1x64x1xi32>
    %reduce_min3A_2260 = arith.constant dense<2147483647> : vector<1xi32>
    %reduce_min3A_2261 = vector.multi_reduction <minsi>, %reduce_min3A_2259, %reduce_min3A_2260 [1, 2] : vector<1x64x1xi32> to vector<1xi32>
    %reduce_min3A_2262 = vector.shape_cast %reduce_min3A_2261 : vector<1xi32> to vector<1x1x1xi32>
    %reduce_min3A_2263 = vector.extract %reduce_min3A_2262[0, 0, 0] : i32 from vector<1x1x1xi32>
    %swap3A_2264 = arith.constant 6 : index
    %swap3A_2265 = arith.constant 2 : index
    %swap3A_2266 = memref.load %arg4[%swap3A_2264, %swap3A_2265] : memref<9x9xf32, #tpu.memory_space<smem>>
    memref.store %reduce_max3A_2253, %arg4[%swap3A_2264, %swap3A_2265] : memref<9x9xf32, #tpu.memory_space<smem>>
    %eq3A_2267 = vector.broadcast %reduce_min3A_2263 : i32 to vector<64x1xi32>
    %eq3A_2268 = arith.cmpi eq, %iota3A_9, %eq3A_2267 : vector<64x1xi32>
    %jit3A_2269 = arith.constant 0 : i32
    %broadcast_in_dim3A_2270 = vector.broadcast %jit3A_2269 : i32 to vector<64x1xi32>
    %select_n3A_2271 = arith.select %eq3A_2268, %broadcast_in_dim3A_2176, %broadcast_in_dim3A_2270 : vector<64x1xi1>, vector<64x1xi32>
    %reduce_max3A_2272 = vector.shape_cast %select_n3A_2271 : vector<64x1xi32> to vector<1x64x1xi32>
    %reduce_max3A_2273 = arith.constant dense<-2147483648> : vector<1xi32>
    %reduce_max3A_2274 = vector.multi_reduction <maxsi>, %reduce_max3A_2272, %reduce_max3A_2273 [1, 2] : vector<1x64x1xi32> to vector<1xi32>
    %reduce_max3A_2275 = vector.shape_cast %reduce_max3A_2274 : vector<1xi32> to vector<1x1x1xi32>
    %reduce_max3A_2276 = vector.extract %reduce_max3A_2275[0, 0, 0] : i32 from vector<1x1x1xi32>
    %swap3A_2277 = arith.constant 6 : index
    %swap3A_2278 = arith.constant 2 : index
    %swap3A_2279 = memref.load %arg3[%swap3A_2277, %swap3A_2278] : memref<9x9xi32, #tpu.memory_space<smem>>
    memref.store %reduce_max3A_2276, %arg3[%swap3A_2277, %swap3A_2278] : memref<9x9xi32, #tpu.memory_space<smem>>
    %eq3A_2280 = vector.broadcast %reduce_min3A_2263 : i32 to vector<64x1xi32>
    %eq3A_2281 = arith.cmpi eq, %iota3A_9, %eq3A_2280 : vector<64x1xi32>
    %jit3A_2282 = arith.constant 0xFF800000 : f32
    %broadcast_in_dim3A_2283 = vector.broadcast %jit3A_2282 : f32 to vector<64x1xf32>
    %select_n3A_2284 = arith.select %eq3A_2281, %broadcast_in_dim3A_2283, %select_n3A_2248 : vector<64x1xi1>, vector<64x1xf32>
    %reduce_max3A_2285 = vector.shape_cast %select_n3A_2284 : vector<64x1xf32> to vector<1x64x1xf32>
    %reduce_max3A_2286 = arith.constant dense<0xFF800000> : vector<1xf32>
    %reduce_max3A_2287 = vector.multi_reduction <maximumf>, %reduce_max3A_2285, %reduce_max3A_2286 [1, 2] : vector<1x64x1xf32> to vector<1xf32>
    %reduce_max3A_2288 = vector.shape_cast %reduce_max3A_2287 : vector<1xf32> to vector<1x1x1xf32>
    %reduce_max3A_2289 = vector.extract %reduce_max3A_2288[0, 0, 0] : f32 from vector<1x1x1xf32>
    %eq3A_2290 = vector.broadcast %reduce_max3A_2289 : f32 to vector<64x1xf32>
    %eq3A_2291 = arith.cmpf oeq, %select_n3A_2284, %eq3A_2290 : vector<64x1xf32>
    %jit3A_2292 = arith.constant 64 : i32
    %broadcast_in_dim3A_2293 = vector.broadcast %jit3A_2292 : i32 to vector<64x1xi32>
    %select_n3A_2294 = arith.select %eq3A_2291, %iota3A_9, %broadcast_in_dim3A_2293 : vector<64x1xi1>, vector<64x1xi32>
    %reduce_min3A_2295 = vector.shape_cast %select_n3A_2294 : vector<64x1xi32> to vector<1x64x1xi32>
    %reduce_min3A_2296 = arith.constant dense<2147483647> : vector<1xi32>
    %reduce_min3A_2297 = vector.multi_reduction <minsi>, %reduce_min3A_2295, %reduce_min3A_2296 [1, 2] : vector<1x64x1xi32> to vector<1xi32>
    %reduce_min3A_2298 = vector.shape_cast %reduce_min3A_2297 : vector<1xi32> to vector<1x1x1xi32>
    %reduce_min3A_2299 = vector.extract %reduce_min3A_2298[0, 0, 0] : i32 from vector<1x1x1xi32>
    %swap3A_2300 = arith.constant 6 : index
    %swap3A_2301 = arith.constant 3 : index
    %swap3A_2302 = memref.load %arg4[%swap3A_2300, %swap3A_2301] : memref<9x9xf32, #tpu.memory_space<smem>>
    memref.store %reduce_max3A_2289, %arg4[%swap3A_2300, %swap3A_2301] : memref<9x9xf32, #tpu.memory_space<smem>>
    %eq3A_2303 = vector.broadcast %reduce_min3A_2299 : i32 to vector<64x1xi32>
    %eq3A_2304 = arith.cmpi eq, %iota3A_9, %eq3A_2303 : vector<64x1xi32>
    %jit3A_2305 = arith.constant 0 : i32
    %broadcast_in_dim3A_2306 = vector.broadcast %jit3A_2305 : i32 to vector<64x1xi32>
    %select_n3A_2307 = arith.select %eq3A_2304, %broadcast_in_dim3A_2176, %broadcast_in_dim3A_2306 : vector<64x1xi1>, vector<64x1xi32>
    %reduce_max3A_2308 = vector.shape_cast %select_n3A_2307 : vector<64x1xi32> to vector<1x64x1xi32>
    %reduce_max3A_2309 = arith.constant dense<-2147483648> : vector<1xi32>
    %reduce_max3A_2310 = vector.multi_reduction <maxsi>, %reduce_max3A_2308, %reduce_max3A_2309 [1, 2] : vector<1x64x1xi32> to vector<1xi32>
    %reduce_max3A_2311 = vector.shape_cast %reduce_max3A_2310 : vector<1xi32> to vector<1x1x1xi32>
    %reduce_max3A_2312 = vector.extract %reduce_max3A_2311[0, 0, 0] : i32 from vector<1x1x1xi32>
    %swap3A_2313 = arith.constant 6 : index
    %swap3A_2314 = arith.constant 3 : index
    %swap3A_2315 = memref.load %arg3[%swap3A_2313, %swap3A_2314] : memref<9x9xi32, #tpu.memory_space<smem>>
    memref.store %reduce_max3A_2312, %arg3[%swap3A_2313, %swap3A_2314] : memref<9x9xi32, #tpu.memory_space<smem>>
    %eq3A_2316 = vector.broadcast %reduce_min3A_2299 : i32 to vector<64x1xi32>
    %eq3A_2317 = arith.cmpi eq, %iota3A_9, %eq3A_2316 : vector<64x1xi32>
    %jit3A_2318 = arith.constant 0xFF800000 : f32
    %broadcast_in_dim3A_2319 = vector.broadcast %jit3A_2318 : f32 to vector<64x1xf32>
    %select_n3A_2320 = arith.select %eq3A_2317, %broadcast_in_dim3A_2319, %select_n3A_2284 : vector<64x1xi1>, vector<64x1xf32>
    %reduce_max3A_2321 = vector.shape_cast %select_n3A_2320 : vector<64x1xf32> to vector<1x64x1xf32>
    %reduce_max3A_2322 = arith.constant dense<0xFF800000> : vector<1xf32>
    %reduce_max3A_2323 = vector.multi_reduction <maximumf>, %reduce_max3A_2321, %reduce_max3A_2322 [1, 2] : vector<1x64x1xf32> to vector<1xf32>
    %reduce_max3A_2324 = vector.shape_cast %reduce_max3A_2323 : vector<1xf32> to vector<1x1x1xf32>
    %reduce_max3A_2325 = vector.extract %reduce_max3A_2324[0, 0, 0] : f32 from vector<1x1x1xf32>
    %eq3A_2326 = vector.broadcast %reduce_max3A_2325 : f32 to vector<64x1xf32>
    %eq3A_2327 = arith.cmpf oeq, %select_n3A_2320, %eq3A_2326 : vector<64x1xf32>
    %jit3A_2328 = arith.constant 64 : i32
    %broadcast_in_dim3A_2329 = vector.broadcast %jit3A_2328 : i32 to vector<64x1xi32>
    %select_n3A_2330 = arith.select %eq3A_2327, %iota3A_9, %broadcast_in_dim3A_2329 : vector<64x1xi1>, vector<64x1xi32>
    %reduce_min3A_2331 = vector.shape_cast %select_n3A_2330 : vector<64x1xi32> to vector<1x64x1xi32>
    %reduce_min3A_2332 = arith.constant dense<2147483647> : vector<1xi32>
    %reduce_min3A_2333 = vector.multi_reduction <minsi>, %reduce_min3A_2331, %reduce_min3A_2332 [1, 2] : vector<1x64x1xi32> to vector<1xi32>
    %reduce_min3A_2334 = vector.shape_cast %reduce_min3A_2333 : vector<1xi32> to vector<1x1x1xi32>
    %reduce_min3A_2335 = vector.extract %reduce_min3A_2334[0, 0, 0] : i32 from vector<1x1x1xi32>
    %swap3A_2336 = arith.constant 6 : index
    %swap3A_2337 = arith.constant 4 : index
    %swap3A_2338 = memref.load %arg4[%swap3A_2336, %swap3A_2337] : memref<9x9xf32, #tpu.memory_space<smem>>
    memref.store %reduce_max3A_2325, %arg4[%swap3A_2336, %swap3A_2337] : memref<9x9xf32, #tpu.memory_space<smem>>
    %eq3A_2339 = vector.broadcast %reduce_min3A_2335 : i32 to vector<64x1xi32>
    %eq3A_2340 = arith.cmpi eq, %iota3A_9, %eq3A_2339 : vector<64x1xi32>
    %jit3A_2341 = arith.constant 0 : i32
    %broadcast_in_dim3A_2342 = vector.broadcast %jit3A_2341 : i32 to vector<64x1xi32>
    %select_n3A_2343 = arith.select %eq3A_2340, %broadcast_in_dim3A_2176, %broadcast_in_dim3A_2342 : vector<64x1xi1>, vector<64x1xi32>
    %reduce_max3A_2344 = vector.shape_cast %select_n3A_2343 : vector<64x1xi32> to vector<1x64x1xi32>
    %reduce_max3A_2345 = arith.constant dense<-2147483648> : vector<1xi32>
    %reduce_max3A_2346 = vector.multi_reduction <maxsi>, %reduce_max3A_2344, %reduce_max3A_2345 [1, 2] : vector<1x64x1xi32> to vector<1xi32>
    %reduce_max3A_2347 = vector.shape_cast %reduce_max3A_2346 : vector<1xi32> to vector<1x1x1xi32>
    %reduce_max3A_2348 = vector.extract %reduce_max3A_2347[0, 0, 0] : i32 from vector<1x1x1xi32>
    %swap3A_2349 = arith.constant 6 : index
    %swap3A_2350 = arith.constant 4 : index
    %swap3A_2351 = memref.load %arg3[%swap3A_2349, %swap3A_2350] : memref<9x9xi32, #tpu.memory_space<smem>>
    memref.store %reduce_max3A_2348, %arg3[%swap3A_2349, %swap3A_2350] : memref<9x9xi32, #tpu.memory_space<smem>>
    %eq3A_2352 = vector.broadcast %reduce_min3A_2335 : i32 to vector<64x1xi32>
    %eq3A_2353 = arith.cmpi eq, %iota3A_9, %eq3A_2352 : vector<64x1xi32>
    %jit3A_2354 = arith.constant 0xFF800000 : f32
    %broadcast_in_dim3A_2355 = vector.broadcast %jit3A_2354 : f32 to vector<64x1xf32>
    %select_n3A_2356 = arith.select %eq3A_2353, %broadcast_in_dim3A_2355, %select_n3A_2320 : vector<64x1xi1>, vector<64x1xf32>
    %reduce_max3A_2357 = vector.shape_cast %select_n3A_2356 : vector<64x1xf32> to vector<1x64x1xf32>
    %reduce_max3A_2358 = arith.constant dense<0xFF800000> : vector<1xf32>
    %reduce_max3A_2359 = vector.multi_reduction <maximumf>, %reduce_max3A_2357, %reduce_max3A_2358 [1, 2] : vector<1x64x1xf32> to vector<1xf32>
    %reduce_max3A_2360 = vector.shape_cast %reduce_max3A_2359 : vector<1xf32> to vector<1x1x1xf32>
    %reduce_max3A_2361 = vector.extract %reduce_max3A_2360[0, 0, 0] : f32 from vector<1x1x1xf32>
    %eq3A_2362 = vector.broadcast %reduce_max3A_2361 : f32 to vector<64x1xf32>
    %eq3A_2363 = arith.cmpf oeq, %select_n3A_2356, %eq3A_2362 : vector<64x1xf32>
    %jit3A_2364 = arith.constant 64 : i32
    %broadcast_in_dim3A_2365 = vector.broadcast %jit3A_2364 : i32 to vector<64x1xi32>
    %select_n3A_2366 = arith.select %eq3A_2363, %iota3A_9, %broadcast_in_dim3A_2365 : vector<64x1xi1>, vector<64x1xi32>
    %reduce_min3A_2367 = vector.shape_cast %select_n3A_2366 : vector<64x1xi32> to vector<1x64x1xi32>
    %reduce_min3A_2368 = arith.constant dense<2147483647> : vector<1xi32>
    %reduce_min3A_2369 = vector.multi_reduction <minsi>, %reduce_min3A_2367, %reduce_min3A_2368 [1, 2] : vector<1x64x1xi32> to vector<1xi32>
    %reduce_min3A_2370 = vector.shape_cast %reduce_min3A_2369 : vector<1xi32> to vector<1x1x1xi32>
    %reduce_min3A_2371 = vector.extract %reduce_min3A_2370[0, 0, 0] : i32 from vector<1x1x1xi32>
    %swap3A_2372 = arith.constant 6 : index
    %swap3A_2373 = arith.constant 5 : index
    %swap3A_2374 = memref.load %arg4[%swap3A_2372, %swap3A_2373] : memref<9x9xf32, #tpu.memory_space<smem>>
    memref.store %reduce_max3A_2361, %arg4[%swap3A_2372, %swap3A_2373] : memref<9x9xf32, #tpu.memory_space<smem>>
    %eq3A_2375 = vector.broadcast %reduce_min3A_2371 : i32 to vector<64x1xi32>
    %eq3A_2376 = arith.cmpi eq, %iota3A_9, %eq3A_2375 : vector<64x1xi32>
    %jit3A_2377 = arith.constant 0 : i32
    %broadcast_in_dim3A_2378 = vector.broadcast %jit3A_2377 : i32 to vector<64x1xi32>
    %select_n3A_2379 = arith.select %eq3A_2376, %broadcast_in_dim3A_2176, %broadcast_in_dim3A_2378 : vector<64x1xi1>, vector<64x1xi32>
    %reduce_max3A_2380 = vector.shape_cast %select_n3A_2379 : vector<64x1xi32> to vector<1x64x1xi32>
    %reduce_max3A_2381 = arith.constant dense<-2147483648> : vector<1xi32>
    %reduce_max3A_2382 = vector.multi_reduction <maxsi>, %reduce_max3A_2380, %reduce_max3A_2381 [1, 2] : vector<1x64x1xi32> to vector<1xi32>
    %reduce_max3A_2383 = vector.shape_cast %reduce_max3A_2382 : vector<1xi32> to vector<1x1x1xi32>
    %reduce_max3A_2384 = vector.extract %reduce_max3A_2383[0, 0, 0] : i32 from vector<1x1x1xi32>
    %swap3A_2385 = arith.constant 6 : index
    %swap3A_2386 = arith.constant 5 : index
    %swap3A_2387 = memref.load %arg3[%swap3A_2385, %swap3A_2386] : memref<9x9xi32, #tpu.memory_space<smem>>
    memref.store %reduce_max3A_2384, %arg3[%swap3A_2385, %swap3A_2386] : memref<9x9xi32, #tpu.memory_space<smem>>
    %eq3A_2388 = vector.broadcast %reduce_min3A_2371 : i32 to vector<64x1xi32>
    %eq3A_2389 = arith.cmpi eq, %iota3A_9, %eq3A_2388 : vector<64x1xi32>
    %jit3A_2390 = arith.constant 0xFF800000 : f32
    %broadcast_in_dim3A_2391 = vector.broadcast %jit3A_2390 : f32 to vector<64x1xf32>
    %select_n3A_2392 = arith.select %eq3A_2389, %broadcast_in_dim3A_2391, %select_n3A_2356 : vector<64x1xi1>, vector<64x1xf32>
    %reduce_max3A_2393 = vector.shape_cast %select_n3A_2392 : vector<64x1xf32> to vector<1x64x1xf32>
    %reduce_max3A_2394 = arith.constant dense<0xFF800000> : vector<1xf32>
    %reduce_max3A_2395 = vector.multi_reduction <maximumf>, %reduce_max3A_2393, %reduce_max3A_2394 [1, 2] : vector<1x64x1xf32> to vector<1xf32>
    %reduce_max3A_2396 = vector.shape_cast %reduce_max3A_2395 : vector<1xf32> to vector<1x1x1xf32>
    %reduce_max3A_2397 = vector.extract %reduce_max3A_2396[0, 0, 0] : f32 from vector<1x1x1xf32>
    %eq3A_2398 = vector.broadcast %reduce_max3A_2397 : f32 to vector<64x1xf32>
    %eq3A_2399 = arith.cmpf oeq, %select_n3A_2392, %eq3A_2398 : vector<64x1xf32>
    %jit3A_2400 = arith.constant 64 : i32
    %broadcast_in_dim3A_2401 = vector.broadcast %jit3A_2400 : i32 to vector<64x1xi32>
    %select_n3A_2402 = arith.select %eq3A_2399, %iota3A_9, %broadcast_in_dim3A_2401 : vector<64x1xi1>, vector<64x1xi32>
    %reduce_min3A_2403 = vector.shape_cast %select_n3A_2402 : vector<64x1xi32> to vector<1x64x1xi32>
    %reduce_min3A_2404 = arith.constant dense<2147483647> : vector<1xi32>
    %reduce_min3A_2405 = vector.multi_reduction <minsi>, %reduce_min3A_2403, %reduce_min3A_2404 [1, 2] : vector<1x64x1xi32> to vector<1xi32>
    %reduce_min3A_2406 = vector.shape_cast %reduce_min3A_2405 : vector<1xi32> to vector<1x1x1xi32>
    %reduce_min3A_2407 = vector.extract %reduce_min3A_2406[0, 0, 0] : i32 from vector<1x1x1xi32>
    %swap3A_2408 = arith.constant 6 : index
    %swap3A_2409 = arith.constant 6 : index
    %swap3A_2410 = memref.load %arg4[%swap3A_2408, %swap3A_2409] : memref<9x9xf32, #tpu.memory_space<smem>>
    memref.store %reduce_max3A_2397, %arg4[%swap3A_2408, %swap3A_2409] : memref<9x9xf32, #tpu.memory_space<smem>>
    %eq3A_2411 = vector.broadcast %reduce_min3A_2407 : i32 to vector<64x1xi32>
    %eq3A_2412 = arith.cmpi eq, %iota3A_9, %eq3A_2411 : vector<64x1xi32>
    %jit3A_2413 = arith.constant 0 : i32
    %broadcast_in_dim3A_2414 = vector.broadcast %jit3A_2413 : i32 to vector<64x1xi32>
    %select_n3A_2415 = arith.select %eq3A_2412, %broadcast_in_dim3A_2176, %broadcast_in_dim3A_2414 : vector<64x1xi1>, vector<64x1xi32>
    %reduce_max3A_2416 = vector.shape_cast %select_n3A_2415 : vector<64x1xi32> to vector<1x64x1xi32>
    %reduce_max3A_2417 = arith.constant dense<-2147483648> : vector<1xi32>
    %reduce_max3A_2418 = vector.multi_reduction <maxsi>, %reduce_max3A_2416, %reduce_max3A_2417 [1, 2] : vector<1x64x1xi32> to vector<1xi32>
    %reduce_max3A_2419 = vector.shape_cast %reduce_max3A_2418 : vector<1xi32> to vector<1x1x1xi32>
    %reduce_max3A_2420 = vector.extract %reduce_max3A_2419[0, 0, 0] : i32 from vector<1x1x1xi32>
    %swap3A_2421 = arith.constant 6 : index
    %swap3A_2422 = arith.constant 6 : index
    %swap3A_2423 = memref.load %arg3[%swap3A_2421, %swap3A_2422] : memref<9x9xi32, #tpu.memory_space<smem>>
    memref.store %reduce_max3A_2420, %arg3[%swap3A_2421, %swap3A_2422] : memref<9x9xi32, #tpu.memory_space<smem>>
    %eq3A_2424 = vector.broadcast %reduce_min3A_2407 : i32 to vector<64x1xi32>
    %eq3A_2425 = arith.cmpi eq, %iota3A_9, %eq3A_2424 : vector<64x1xi32>
    %jit3A_2426 = arith.constant 0xFF800000 : f32
    %broadcast_in_dim3A_2427 = vector.broadcast %jit3A_2426 : f32 to vector<64x1xf32>
    %select_n3A_2428 = arith.select %eq3A_2425, %broadcast_in_dim3A_2427, %select_n3A_2392 : vector<64x1xi1>, vector<64x1xf32>
    %reduce_max3A_2429 = vector.shape_cast %select_n3A_2428 : vector<64x1xf32> to vector<1x64x1xf32>
    %reduce_max3A_2430 = arith.constant dense<0xFF800000> : vector<1xf32>
    %reduce_max3A_2431 = vector.multi_reduction <maximumf>, %reduce_max3A_2429, %reduce_max3A_2430 [1, 2] : vector<1x64x1xf32> to vector<1xf32>
    %reduce_max3A_2432 = vector.shape_cast %reduce_max3A_2431 : vector<1xf32> to vector<1x1x1xf32>
    %reduce_max3A_2433 = vector.extract %reduce_max3A_2432[0, 0, 0] : f32 from vector<1x1x1xf32>
    %eq3A_2434 = vector.broadcast %reduce_max3A_2433 : f32 to vector<64x1xf32>
    %eq3A_2435 = arith.cmpf oeq, %select_n3A_2428, %eq3A_2434 : vector<64x1xf32>
    %jit3A_2436 = arith.constant 64 : i32
    %broadcast_in_dim3A_2437 = vector.broadcast %jit3A_2436 : i32 to vector<64x1xi32>
    %select_n3A_2438 = arith.select %eq3A_2435, %iota3A_9, %broadcast_in_dim3A_2437 : vector<64x1xi1>, vector<64x1xi32>
    %reduce_min3A_2439 = vector.shape_cast %select_n3A_2438 : vector<64x1xi32> to vector<1x64x1xi32>
    %reduce_min3A_2440 = arith.constant dense<2147483647> : vector<1xi32>
    %reduce_min3A_2441 = vector.multi_reduction <minsi>, %reduce_min3A_2439, %reduce_min3A_2440 [1, 2] : vector<1x64x1xi32> to vector<1xi32>
    %reduce_min3A_2442 = vector.shape_cast %reduce_min3A_2441 : vector<1xi32> to vector<1x1x1xi32>
    %reduce_min3A_2443 = vector.extract %reduce_min3A_2442[0, 0, 0] : i32 from vector<1x1x1xi32>
    %swap3A_2444 = arith.constant 6 : index
    %swap3A_2445 = arith.constant 7 : index
    %swap3A_2446 = memref.load %arg4[%swap3A_2444, %swap3A_2445] : memref<9x9xf32, #tpu.memory_space<smem>>
    memref.store %reduce_max3A_2433, %arg4[%swap3A_2444, %swap3A_2445] : memref<9x9xf32, #tpu.memory_space<smem>>
    %eq3A_2447 = vector.broadcast %reduce_min3A_2443 : i32 to vector<64x1xi32>
    %eq3A_2448 = arith.cmpi eq, %iota3A_9, %eq3A_2447 : vector<64x1xi32>
    %jit3A_2449 = arith.constant 0 : i32
    %broadcast_in_dim3A_2450 = vector.broadcast %jit3A_2449 : i32 to vector<64x1xi32>
    %select_n3A_2451 = arith.select %eq3A_2448, %broadcast_in_dim3A_2176, %broadcast_in_dim3A_2450 : vector<64x1xi1>, vector<64x1xi32>
    %reduce_max3A_2452 = vector.shape_cast %select_n3A_2451 : vector<64x1xi32> to vector<1x64x1xi32>
    %reduce_max3A_2453 = arith.constant dense<-2147483648> : vector<1xi32>
    %reduce_max3A_2454 = vector.multi_reduction <maxsi>, %reduce_max3A_2452, %reduce_max3A_2453 [1, 2] : vector<1x64x1xi32> to vector<1xi32>
    %reduce_max3A_2455 = vector.shape_cast %reduce_max3A_2454 : vector<1xi32> to vector<1x1x1xi32>
    %reduce_max3A_2456 = vector.extract %reduce_max3A_2455[0, 0, 0] : i32 from vector<1x1x1xi32>
    %swap3A_2457 = arith.constant 6 : index
    %swap3A_2458 = arith.constant 7 : index
    %swap3A_2459 = memref.load %arg3[%swap3A_2457, %swap3A_2458] : memref<9x9xi32, #tpu.memory_space<smem>>
    memref.store %reduce_max3A_2456, %arg3[%swap3A_2457, %swap3A_2458] : memref<9x9xi32, #tpu.memory_space<smem>>
    %eq3A_2460 = vector.broadcast %reduce_min3A_2443 : i32 to vector<64x1xi32>
    %eq3A_2461 = arith.cmpi eq, %iota3A_9, %eq3A_2460 : vector<64x1xi32>
    %jit3A_2462 = arith.constant 0xFF800000 : f32
    %broadcast_in_dim3A_2463 = vector.broadcast %jit3A_2462 : f32 to vector<64x1xf32>
    %select_n3A_2464 = arith.select %eq3A_2461, %broadcast_in_dim3A_2463, %select_n3A_2428 : vector<64x1xi1>, vector<64x1xf32>
    %reduce_max3A_2465 = vector.shape_cast %select_n3A_2464 : vector<64x1xf32> to vector<1x64x1xf32>
    %reduce_max3A_2466 = arith.constant dense<0xFF800000> : vector<1xf32>
    %reduce_max3A_2467 = vector.multi_reduction <maximumf>, %reduce_max3A_2465, %reduce_max3A_2466 [1, 2] : vector<1x64x1xf32> to vector<1xf32>
    %reduce_max3A_2468 = vector.shape_cast %reduce_max3A_2467 : vector<1xf32> to vector<1x1x1xf32>
    %reduce_max3A_2469 = vector.extract %reduce_max3A_2468[0, 0, 0] : f32 from vector<1x1x1xf32>
    %eq3A_2470 = vector.broadcast %reduce_max3A_2469 : f32 to vector<64x1xf32>
    %eq3A_2471 = arith.cmpf oeq, %select_n3A_2464, %eq3A_2470 : vector<64x1xf32>
    %jit3A_2472 = arith.constant 64 : i32
    %broadcast_in_dim3A_2473 = vector.broadcast %jit3A_2472 : i32 to vector<64x1xi32>
    %select_n3A_2474 = arith.select %eq3A_2471, %iota3A_9, %broadcast_in_dim3A_2473 : vector<64x1xi1>, vector<64x1xi32>
    %reduce_min3A_2475 = vector.shape_cast %select_n3A_2474 : vector<64x1xi32> to vector<1x64x1xi32>
    %reduce_min3A_2476 = arith.constant dense<2147483647> : vector<1xi32>
    %reduce_min3A_2477 = vector.multi_reduction <minsi>, %reduce_min3A_2475, %reduce_min3A_2476 [1, 2] : vector<1x64x1xi32> to vector<1xi32>
    %reduce_min3A_2478 = vector.shape_cast %reduce_min3A_2477 : vector<1xi32> to vector<1x1x1xi32>
    %reduce_min3A_2479 = vector.extract %reduce_min3A_2478[0, 0, 0] : i32 from vector<1x1x1xi32>
    %swap3A_2480 = arith.constant 6 : index
    %swap3A_2481 = arith.constant 8 : index
    %swap3A_2482 = memref.load %arg4[%swap3A_2480, %swap3A_2481] : memref<9x9xf32, #tpu.memory_space<smem>>
    memref.store %reduce_max3A_2469, %arg4[%swap3A_2480, %swap3A_2481] : memref<9x9xf32, #tpu.memory_space<smem>>
    %eq3A_2483 = vector.broadcast %reduce_min3A_2479 : i32 to vector<64x1xi32>
    %eq3A_2484 = arith.cmpi eq, %iota3A_9, %eq3A_2483 : vector<64x1xi32>
    %jit3A_2485 = arith.constant 0 : i32
    %broadcast_in_dim3A_2486 = vector.broadcast %jit3A_2485 : i32 to vector<64x1xi32>
    %select_n3A_2487 = arith.select %eq3A_2484, %broadcast_in_dim3A_2176, %broadcast_in_dim3A_2486 : vector<64x1xi1>, vector<64x1xi32>
    %reduce_max3A_2488 = vector.shape_cast %select_n3A_2487 : vector<64x1xi32> to vector<1x64x1xi32>
    %reduce_max3A_2489 = arith.constant dense<-2147483648> : vector<1xi32>
    %reduce_max3A_2490 = vector.multi_reduction <maxsi>, %reduce_max3A_2488, %reduce_max3A_2489 [1, 2] : vector<1x64x1xi32> to vector<1xi32>
    %reduce_max3A_2491 = vector.shape_cast %reduce_max3A_2490 : vector<1xi32> to vector<1x1x1xi32>
    %reduce_max3A_2492 = vector.extract %reduce_max3A_2491[0, 0, 0] : i32 from vector<1x1x1xi32>
    %swap3A_2493 = arith.constant 6 : index
    %swap3A_2494 = arith.constant 8 : index
    %swap3A_2495 = memref.load %arg3[%swap3A_2493, %swap3A_2494] : memref<9x9xi32, #tpu.memory_space<smem>>
    memref.store %reduce_max3A_2492, %arg3[%swap3A_2493, %swap3A_2494] : memref<9x9xi32, #tpu.memory_space<smem>>
    %reduce_max3A_2496 = vector.shape_cast %select_n3A_2159 : vector<1x512xf32> to vector<1x1x512xf32>
    %reduce_max3A_2497 = arith.constant dense<0xFF800000> : vector<1xf32>
    %reduce_max3A_2498 = vector.multi_reduction <maximumf>, %reduce_max3A_2496, %reduce_max3A_2497 [1, 2] : vector<1x1x512xf32> to vector<1xf32>
    %reduce_max3A_2499 = vector.shape_cast %reduce_max3A_2498 : vector<1xf32> to vector<1x1x1xf32>
    %reduce_max3A_2500 = vector.extract %reduce_max3A_2499[0, 0, 0] : f32 from vector<1x1x1xf32>
    %eq3A_2501 = vector.broadcast %reduce_max3A_2500 : f32 to vector<1x512xf32>
    %eq3A_2502 = arith.cmpf oeq, %select_n3A_2159, %eq3A_2501 : vector<1x512xf32>
    %jit3A_2503 = arith.constant 512 : i32
    %broadcast_in_dim3A_2504 = vector.broadcast %jit3A_2503 : i32 to vector<1x512xi32>
    %select_n3A_2505 = arith.select %eq3A_2502, %iota3A, %broadcast_in_dim3A_2504 : vector<1x512xi1>, vector<1x512xi32>
    %reduce_min3A_2506 = vector.shape_cast %select_n3A_2505 : vector<1x512xi32> to vector<1x1x512xi32>
    %reduce_min3A_2507 = arith.constant dense<2147483647> : vector<1xi32>
    %reduce_min3A_2508 = vector.multi_reduction <minsi>, %reduce_min3A_2506, %reduce_min3A_2507 [1, 2] : vector<1x1x512xi32> to vector<1xi32>
    %reduce_min3A_2509 = vector.shape_cast %reduce_min3A_2508 : vector<1xi32> to vector<1x1x1xi32>
    %reduce_min3A_2510 = vector.extract %reduce_min3A_2509[0, 0, 0] : i32 from vector<1x1x1xi32>
    %eq3A_2511 = vector.broadcast %reduce_min3A_2510 : i32 to vector<1x512xi32>
    %eq3A_2512 = arith.cmpi eq, %iota3A, %eq3A_2511 : vector<1x512xi32>
    %jit3A_2513 = arith.constant 0xFF800000 : f32
    %broadcast_in_dim3A_2514 = vector.broadcast %jit3A_2513 : f32 to vector<1x512xf32>
    %select_n3A_2515 = arith.select %eq3A_2512, %broadcast_in_dim3A_2514, %select_n3A_2159 : vector<1x512xi1>, vector<1x512xf32>
    %swap3A_2516 = arith.constant 0 : index
    %swap3A_2517 = arith.constant 7 : index
    %swap3A_2518 = memref.load %arg2[%swap3A_2516, %swap3A_2517] : memref<1x9xi32, #tpu.memory_space<smem>>
    memref.store %reduce_min3A_2510, %arg2[%swap3A_2516, %swap3A_2517] : memref<1x9xi32, #tpu.memory_space<smem>>
    %eq3A_2519 = vector.broadcast %reduce_min3A_2510 : i32 to vector<64x512xi32>
    %eq3A_2520 = arith.cmpi eq, %iota3A_8, %eq3A_2519 : vector<64x512xi32>
    %jit3A_2521 = arith.constant 0xFF800000 : f32
    %broadcast_in_dim3A_2522 = vector.broadcast %jit3A_2521 : f32 to vector<64x512xf32>
    %select_n3A_2523 = arith.select %eq3A_2520, %get3A_1, %broadcast_in_dim3A_2522 : vector<64x512xi1>, vector<64x512xf32>
    %reduce_max3A_2524 = arith.constant dense<0xFF800000> : vector<64xf32>
    %reduce_max3A_2525 = vector.multi_reduction <maximumf>, %select_n3A_2523, %reduce_max3A_2524 [1] : vector<64x512xf32> to vector<64xf32>
    %broadcast_in_dim3A_2526 = vector.shape_cast %reduce_max3A_2525 : vector<64xf32> to vector<64x1xf32>
    %jit3A_2527 = arith.constant 0 : i32
    %broadcast_in_dim3A_2528 = vector.broadcast %jit3A_2527 : i32 to vector<64x512xi32>
    %select_n3A_2529 = arith.select %eq3A_2520, %get3A_4, %broadcast_in_dim3A_2528 : vector<64x512xi1>, vector<64x512xi32>
    %reduce_max3A_2530 = arith.constant dense<-2147483648> : vector<64xi32>
    %reduce_max3A_2531 = vector.multi_reduction <maxsi>, %select_n3A_2529, %reduce_max3A_2530 [1] : vector<64x512xi32> to vector<64xi32>
    %broadcast_in_dim3A_2532 = vector.shape_cast %reduce_max3A_2531 : vector<64xi32> to vector<64x1xi32>
    %reduce_max3A_2533 = vector.shape_cast %broadcast_in_dim3A_2526 : vector<64x1xf32> to vector<1x64x1xf32>
    %reduce_max3A_2534 = arith.constant dense<0xFF800000> : vector<1xf32>
    %reduce_max3A_2535 = vector.multi_reduction <maximumf>, %reduce_max3A_2533, %reduce_max3A_2534 [1, 2] : vector<1x64x1xf32> to vector<1xf32>
    %reduce_max3A_2536 = vector.shape_cast %reduce_max3A_2535 : vector<1xf32> to vector<1x1x1xf32>
    %reduce_max3A_2537 = vector.extract %reduce_max3A_2536[0, 0, 0] : f32 from vector<1x1x1xf32>
    %eq3A_2538 = vector.broadcast %reduce_max3A_2537 : f32 to vector<64x1xf32>
    %eq3A_2539 = arith.cmpf oeq, %broadcast_in_dim3A_2526, %eq3A_2538 : vector<64x1xf32>
    %jit3A_2540 = arith.constant 64 : i32
    %broadcast_in_dim3A_2541 = vector.broadcast %jit3A_2540 : i32 to vector<64x1xi32>
    %select_n3A_2542 = arith.select %eq3A_2539, %iota3A_9, %broadcast_in_dim3A_2541 : vector<64x1xi1>, vector<64x1xi32>
    %reduce_min3A_2543 = vector.shape_cast %select_n3A_2542 : vector<64x1xi32> to vector<1x64x1xi32>
    %reduce_min3A_2544 = arith.constant dense<2147483647> : vector<1xi32>
    %reduce_min3A_2545 = vector.multi_reduction <minsi>, %reduce_min3A_2543, %reduce_min3A_2544 [1, 2] : vector<1x64x1xi32> to vector<1xi32>
    %reduce_min3A_2546 = vector.shape_cast %reduce_min3A_2545 : vector<1xi32> to vector<1x1x1xi32>
    %reduce_min3A_2547 = vector.extract %reduce_min3A_2546[0, 0, 0] : i32 from vector<1x1x1xi32>
    %swap3A_2548 = arith.constant 7 : index
    %swap3A_2549 = arith.constant 0 : index
    %swap3A_2550 = memref.load %arg4[%swap3A_2548, %swap3A_2549] : memref<9x9xf32, #tpu.memory_space<smem>>
    memref.store %reduce_max3A_2537, %arg4[%swap3A_2548, %swap3A_2549] : memref<9x9xf32, #tpu.memory_space<smem>>
    %eq3A_2551 = vector.broadcast %reduce_min3A_2547 : i32 to vector<64x1xi32>
    %eq3A_2552 = arith.cmpi eq, %iota3A_9, %eq3A_2551 : vector<64x1xi32>
    %jit3A_2553 = arith.constant 0 : i32
    %broadcast_in_dim3A_2554 = vector.broadcast %jit3A_2553 : i32 to vector<64x1xi32>
    %select_n3A_2555 = arith.select %eq3A_2552, %broadcast_in_dim3A_2532, %broadcast_in_dim3A_2554 : vector<64x1xi1>, vector<64x1xi32>
    %reduce_max3A_2556 = vector.shape_cast %select_n3A_2555 : vector<64x1xi32> to vector<1x64x1xi32>
    %reduce_max3A_2557 = arith.constant dense<-2147483648> : vector<1xi32>
    %reduce_max3A_2558 = vector.multi_reduction <maxsi>, %reduce_max3A_2556, %reduce_max3A_2557 [1, 2] : vector<1x64x1xi32> to vector<1xi32>
    %reduce_max3A_2559 = vector.shape_cast %reduce_max3A_2558 : vector<1xi32> to vector<1x1x1xi32>
    %reduce_max3A_2560 = vector.extract %reduce_max3A_2559[0, 0, 0] : i32 from vector<1x1x1xi32>
    %swap3A_2561 = arith.constant 7 : index
    %swap3A_2562 = arith.constant 0 : index
    %swap3A_2563 = memref.load %arg3[%swap3A_2561, %swap3A_2562] : memref<9x9xi32, #tpu.memory_space<smem>>
    memref.store %reduce_max3A_2560, %arg3[%swap3A_2561, %swap3A_2562] : memref<9x9xi32, #tpu.memory_space<smem>>
    %eq3A_2564 = vector.broadcast %reduce_min3A_2547 : i32 to vector<64x1xi32>
    %eq3A_2565 = arith.cmpi eq, %iota3A_9, %eq3A_2564 : vector<64x1xi32>
    %jit3A_2566 = arith.constant 0xFF800000 : f32
    %broadcast_in_dim3A_2567 = vector.broadcast %jit3A_2566 : f32 to vector<64x1xf32>
    %select_n3A_2568 = arith.select %eq3A_2565, %broadcast_in_dim3A_2567, %broadcast_in_dim3A_2526 : vector<64x1xi1>, vector<64x1xf32>
    %reduce_max3A_2569 = vector.shape_cast %select_n3A_2568 : vector<64x1xf32> to vector<1x64x1xf32>
    %reduce_max3A_2570 = arith.constant dense<0xFF800000> : vector<1xf32>
    %reduce_max3A_2571 = vector.multi_reduction <maximumf>, %reduce_max3A_2569, %reduce_max3A_2570 [1, 2] : vector<1x64x1xf32> to vector<1xf32>
    %reduce_max3A_2572 = vector.shape_cast %reduce_max3A_2571 : vector<1xf32> to vector<1x1x1xf32>
    %reduce_max3A_2573 = vector.extract %reduce_max3A_2572[0, 0, 0] : f32 from vector<1x1x1xf32>
    %eq3A_2574 = vector.broadcast %reduce_max3A_2573 : f32 to vector<64x1xf32>
    %eq3A_2575 = arith.cmpf oeq, %select_n3A_2568, %eq3A_2574 : vector<64x1xf32>
    %jit3A_2576 = arith.constant 64 : i32
    %broadcast_in_dim3A_2577 = vector.broadcast %jit3A_2576 : i32 to vector<64x1xi32>
    %select_n3A_2578 = arith.select %eq3A_2575, %iota3A_9, %broadcast_in_dim3A_2577 : vector<64x1xi1>, vector<64x1xi32>
    %reduce_min3A_2579 = vector.shape_cast %select_n3A_2578 : vector<64x1xi32> to vector<1x64x1xi32>
    %reduce_min3A_2580 = arith.constant dense<2147483647> : vector<1xi32>
    %reduce_min3A_2581 = vector.multi_reduction <minsi>, %reduce_min3A_2579, %reduce_min3A_2580 [1, 2] : vector<1x64x1xi32> to vector<1xi32>
    %reduce_min3A_2582 = vector.shape_cast %reduce_min3A_2581 : vector<1xi32> to vector<1x1x1xi32>
    %reduce_min3A_2583 = vector.extract %reduce_min3A_2582[0, 0, 0] : i32 from vector<1x1x1xi32>
    %swap3A_2584 = arith.constant 7 : index
    %swap3A_2585 = arith.constant 1 : index
    %swap3A_2586 = memref.load %arg4[%swap3A_2584, %swap3A_2585] : memref<9x9xf32, #tpu.memory_space<smem>>
    memref.store %reduce_max3A_2573, %arg4[%swap3A_2584, %swap3A_2585] : memref<9x9xf32, #tpu.memory_space<smem>>
    %eq3A_2587 = vector.broadcast %reduce_min3A_2583 : i32 to vector<64x1xi32>
    %eq3A_2588 = arith.cmpi eq, %iota3A_9, %eq3A_2587 : vector<64x1xi32>
    %jit3A_2589 = arith.constant 0 : i32
    %broadcast_in_dim3A_2590 = vector.broadcast %jit3A_2589 : i32 to vector<64x1xi32>
    %select_n3A_2591 = arith.select %eq3A_2588, %broadcast_in_dim3A_2532, %broadcast_in_dim3A_2590 : vector<64x1xi1>, vector<64x1xi32>
    %reduce_max3A_2592 = vector.shape_cast %select_n3A_2591 : vector<64x1xi32> to vector<1x64x1xi32>
    %reduce_max3A_2593 = arith.constant dense<-2147483648> : vector<1xi32>
    %reduce_max3A_2594 = vector.multi_reduction <maxsi>, %reduce_max3A_2592, %reduce_max3A_2593 [1, 2] : vector<1x64x1xi32> to vector<1xi32>
    %reduce_max3A_2595 = vector.shape_cast %reduce_max3A_2594 : vector<1xi32> to vector<1x1x1xi32>
    %reduce_max3A_2596 = vector.extract %reduce_max3A_2595[0, 0, 0] : i32 from vector<1x1x1xi32>
    %swap3A_2597 = arith.constant 7 : index
    %swap3A_2598 = arith.constant 1 : index
    %swap3A_2599 = memref.load %arg3[%swap3A_2597, %swap3A_2598] : memref<9x9xi32, #tpu.memory_space<smem>>
    memref.store %reduce_max3A_2596, %arg3[%swap3A_2597, %swap3A_2598] : memref<9x9xi32, #tpu.memory_space<smem>>
    %eq3A_2600 = vector.broadcast %reduce_min3A_2583 : i32 to vector<64x1xi32>
    %eq3A_2601 = arith.cmpi eq, %iota3A_9, %eq3A_2600 : vector<64x1xi32>
    %jit3A_2602 = arith.constant 0xFF800000 : f32
    %broadcast_in_dim3A_2603 = vector.broadcast %jit3A_2602 : f32 to vector<64x1xf32>
    %select_n3A_2604 = arith.select %eq3A_2601, %broadcast_in_dim3A_2603, %select_n3A_2568 : vector<64x1xi1>, vector<64x1xf32>
    %reduce_max3A_2605 = vector.shape_cast %select_n3A_2604 : vector<64x1xf32> to vector<1x64x1xf32>
    %reduce_max3A_2606 = arith.constant dense<0xFF800000> : vector<1xf32>
    %reduce_max3A_2607 = vector.multi_reduction <maximumf>, %reduce_max3A_2605, %reduce_max3A_2606 [1, 2] : vector<1x64x1xf32> to vector<1xf32>
    %reduce_max3A_2608 = vector.shape_cast %reduce_max3A_2607 : vector<1xf32> to vector<1x1x1xf32>
    %reduce_max3A_2609 = vector.extract %reduce_max3A_2608[0, 0, 0] : f32 from vector<1x1x1xf32>
    %eq3A_2610 = vector.broadcast %reduce_max3A_2609 : f32 to vector<64x1xf32>
    %eq3A_2611 = arith.cmpf oeq, %select_n3A_2604, %eq3A_2610 : vector<64x1xf32>
    %jit3A_2612 = arith.constant 64 : i32
    %broadcast_in_dim3A_2613 = vector.broadcast %jit3A_2612 : i32 to vector<64x1xi32>
    %select_n3A_2614 = arith.select %eq3A_2611, %iota3A_9, %broadcast_in_dim3A_2613 : vector<64x1xi1>, vector<64x1xi32>
    %reduce_min3A_2615 = vector.shape_cast %select_n3A_2614 : vector<64x1xi32> to vector<1x64x1xi32>
    %reduce_min3A_2616 = arith.constant dense<2147483647> : vector<1xi32>
    %reduce_min3A_2617 = vector.multi_reduction <minsi>, %reduce_min3A_2615, %reduce_min3A_2616 [1, 2] : vector<1x64x1xi32> to vector<1xi32>
    %reduce_min3A_2618 = vector.shape_cast %reduce_min3A_2617 : vector<1xi32> to vector<1x1x1xi32>
    %reduce_min3A_2619 = vector.extract %reduce_min3A_2618[0, 0, 0] : i32 from vector<1x1x1xi32>
    %swap3A_2620 = arith.constant 7 : index
    %swap3A_2621 = arith.constant 2 : index
    %swap3A_2622 = memref.load %arg4[%swap3A_2620, %swap3A_2621] : memref<9x9xf32, #tpu.memory_space<smem>>
    memref.store %reduce_max3A_2609, %arg4[%swap3A_2620, %swap3A_2621] : memref<9x9xf32, #tpu.memory_space<smem>>
    %eq3A_2623 = vector.broadcast %reduce_min3A_2619 : i32 to vector<64x1xi32>
    %eq3A_2624 = arith.cmpi eq, %iota3A_9, %eq3A_2623 : vector<64x1xi32>
    %jit3A_2625 = arith.constant 0 : i32
    %broadcast_in_dim3A_2626 = vector.broadcast %jit3A_2625 : i32 to vector<64x1xi32>
    %select_n3A_2627 = arith.select %eq3A_2624, %broadcast_in_dim3A_2532, %broadcast_in_dim3A_2626 : vector<64x1xi1>, vector<64x1xi32>
    %reduce_max3A_2628 = vector.shape_cast %select_n3A_2627 : vector<64x1xi32> to vector<1x64x1xi32>
    %reduce_max3A_2629 = arith.constant dense<-2147483648> : vector<1xi32>
    %reduce_max3A_2630 = vector.multi_reduction <maxsi>, %reduce_max3A_2628, %reduce_max3A_2629 [1, 2] : vector<1x64x1xi32> to vector<1xi32>
    %reduce_max3A_2631 = vector.shape_cast %reduce_max3A_2630 : vector<1xi32> to vector<1x1x1xi32>
    %reduce_max3A_2632 = vector.extract %reduce_max3A_2631[0, 0, 0] : i32 from vector<1x1x1xi32>
    %swap3A_2633 = arith.constant 7 : index
    %swap3A_2634 = arith.constant 2 : index
    %swap3A_2635 = memref.load %arg3[%swap3A_2633, %swap3A_2634] : memref<9x9xi32, #tpu.memory_space<smem>>
    memref.store %reduce_max3A_2632, %arg3[%swap3A_2633, %swap3A_2634] : memref<9x9xi32, #tpu.memory_space<smem>>
    %eq3A_2636 = vector.broadcast %reduce_min3A_2619 : i32 to vector<64x1xi32>
    %eq3A_2637 = arith.cmpi eq, %iota3A_9, %eq3A_2636 : vector<64x1xi32>
    %jit3A_2638 = arith.constant 0xFF800000 : f32
    %broadcast_in_dim3A_2639 = vector.broadcast %jit3A_2638 : f32 to vector<64x1xf32>
    %select_n3A_2640 = arith.select %eq3A_2637, %broadcast_in_dim3A_2639, %select_n3A_2604 : vector<64x1xi1>, vector<64x1xf32>
    %reduce_max3A_2641 = vector.shape_cast %select_n3A_2640 : vector<64x1xf32> to vector<1x64x1xf32>
    %reduce_max3A_2642 = arith.constant dense<0xFF800000> : vector<1xf32>
    %reduce_max3A_2643 = vector.multi_reduction <maximumf>, %reduce_max3A_2641, %reduce_max3A_2642 [1, 2] : vector<1x64x1xf32> to vector<1xf32>
    %reduce_max3A_2644 = vector.shape_cast %reduce_max3A_2643 : vector<1xf32> to vector<1x1x1xf32>
    %reduce_max3A_2645 = vector.extract %reduce_max3A_2644[0, 0, 0] : f32 from vector<1x1x1xf32>
    %eq3A_2646 = vector.broadcast %reduce_max3A_2645 : f32 to vector<64x1xf32>
    %eq3A_2647 = arith.cmpf oeq, %select_n3A_2640, %eq3A_2646 : vector<64x1xf32>
    %jit3A_2648 = arith.constant 64 : i32
    %broadcast_in_dim3A_2649 = vector.broadcast %jit3A_2648 : i32 to vector<64x1xi32>
    %select_n3A_2650 = arith.select %eq3A_2647, %iota3A_9, %broadcast_in_dim3A_2649 : vector<64x1xi1>, vector<64x1xi32>
    %reduce_min3A_2651 = vector.shape_cast %select_n3A_2650 : vector<64x1xi32> to vector<1x64x1xi32>
    %reduce_min3A_2652 = arith.constant dense<2147483647> : vector<1xi32>
    %reduce_min3A_2653 = vector.multi_reduction <minsi>, %reduce_min3A_2651, %reduce_min3A_2652 [1, 2] : vector<1x64x1xi32> to vector<1xi32>
    %reduce_min3A_2654 = vector.shape_cast %reduce_min3A_2653 : vector<1xi32> to vector<1x1x1xi32>
    %reduce_min3A_2655 = vector.extract %reduce_min3A_2654[0, 0, 0] : i32 from vector<1x1x1xi32>
    %swap3A_2656 = arith.constant 7 : index
    %swap3A_2657 = arith.constant 3 : index
    %swap3A_2658 = memref.load %arg4[%swap3A_2656, %swap3A_2657] : memref<9x9xf32, #tpu.memory_space<smem>>
    memref.store %reduce_max3A_2645, %arg4[%swap3A_2656, %swap3A_2657] : memref<9x9xf32, #tpu.memory_space<smem>>
    %eq3A_2659 = vector.broadcast %reduce_min3A_2655 : i32 to vector<64x1xi32>
    %eq3A_2660 = arith.cmpi eq, %iota3A_9, %eq3A_2659 : vector<64x1xi32>
    %jit3A_2661 = arith.constant 0 : i32
    %broadcast_in_dim3A_2662 = vector.broadcast %jit3A_2661 : i32 to vector<64x1xi32>
    %select_n3A_2663 = arith.select %eq3A_2660, %broadcast_in_dim3A_2532, %broadcast_in_dim3A_2662 : vector<64x1xi1>, vector<64x1xi32>
    %reduce_max3A_2664 = vector.shape_cast %select_n3A_2663 : vector<64x1xi32> to vector<1x64x1xi32>
    %reduce_max3A_2665 = arith.constant dense<-2147483648> : vector<1xi32>
    %reduce_max3A_2666 = vector.multi_reduction <maxsi>, %reduce_max3A_2664, %reduce_max3A_2665 [1, 2] : vector<1x64x1xi32> to vector<1xi32>
    %reduce_max3A_2667 = vector.shape_cast %reduce_max3A_2666 : vector<1xi32> to vector<1x1x1xi32>
    %reduce_max3A_2668 = vector.extract %reduce_max3A_2667[0, 0, 0] : i32 from vector<1x1x1xi32>
    %swap3A_2669 = arith.constant 7 : index
    %swap3A_2670 = arith.constant 3 : index
    %swap3A_2671 = memref.load %arg3[%swap3A_2669, %swap3A_2670] : memref<9x9xi32, #tpu.memory_space<smem>>
    memref.store %reduce_max3A_2668, %arg3[%swap3A_2669, %swap3A_2670] : memref<9x9xi32, #tpu.memory_space<smem>>
    %eq3A_2672 = vector.broadcast %reduce_min3A_2655 : i32 to vector<64x1xi32>
    %eq3A_2673 = arith.cmpi eq, %iota3A_9, %eq3A_2672 : vector<64x1xi32>
    %jit3A_2674 = arith.constant 0xFF800000 : f32
    %broadcast_in_dim3A_2675 = vector.broadcast %jit3A_2674 : f32 to vector<64x1xf32>
    %select_n3A_2676 = arith.select %eq3A_2673, %broadcast_in_dim3A_2675, %select_n3A_2640 : vector<64x1xi1>, vector<64x1xf32>
    %reduce_max3A_2677 = vector.shape_cast %select_n3A_2676 : vector<64x1xf32> to vector<1x64x1xf32>
    %reduce_max3A_2678 = arith.constant dense<0xFF800000> : vector<1xf32>
    %reduce_max3A_2679 = vector.multi_reduction <maximumf>, %reduce_max3A_2677, %reduce_max3A_2678 [1, 2] : vector<1x64x1xf32> to vector<1xf32>
    %reduce_max3A_2680 = vector.shape_cast %reduce_max3A_2679 : vector<1xf32> to vector<1x1x1xf32>
    %reduce_max3A_2681 = vector.extract %reduce_max3A_2680[0, 0, 0] : f32 from vector<1x1x1xf32>
    %eq3A_2682 = vector.broadcast %reduce_max3A_2681 : f32 to vector<64x1xf32>
    %eq3A_2683 = arith.cmpf oeq, %select_n3A_2676, %eq3A_2682 : vector<64x1xf32>
    %jit3A_2684 = arith.constant 64 : i32
    %broadcast_in_dim3A_2685 = vector.broadcast %jit3A_2684 : i32 to vector<64x1xi32>
    %select_n3A_2686 = arith.select %eq3A_2683, %iota3A_9, %broadcast_in_dim3A_2685 : vector<64x1xi1>, vector<64x1xi32>
    %reduce_min3A_2687 = vector.shape_cast %select_n3A_2686 : vector<64x1xi32> to vector<1x64x1xi32>
    %reduce_min3A_2688 = arith.constant dense<2147483647> : vector<1xi32>
    %reduce_min3A_2689 = vector.multi_reduction <minsi>, %reduce_min3A_2687, %reduce_min3A_2688 [1, 2] : vector<1x64x1xi32> to vector<1xi32>
    %reduce_min3A_2690 = vector.shape_cast %reduce_min3A_2689 : vector<1xi32> to vector<1x1x1xi32>
    %reduce_min3A_2691 = vector.extract %reduce_min3A_2690[0, 0, 0] : i32 from vector<1x1x1xi32>
    %swap3A_2692 = arith.constant 7 : index
    %swap3A_2693 = arith.constant 4 : index
    %swap3A_2694 = memref.load %arg4[%swap3A_2692, %swap3A_2693] : memref<9x9xf32, #tpu.memory_space<smem>>
    memref.store %reduce_max3A_2681, %arg4[%swap3A_2692, %swap3A_2693] : memref<9x9xf32, #tpu.memory_space<smem>>
    %eq3A_2695 = vector.broadcast %reduce_min3A_2691 : i32 to vector<64x1xi32>
    %eq3A_2696 = arith.cmpi eq, %iota3A_9, %eq3A_2695 : vector<64x1xi32>
    %jit3A_2697 = arith.constant 0 : i32
    %broadcast_in_dim3A_2698 = vector.broadcast %jit3A_2697 : i32 to vector<64x1xi32>
    %select_n3A_2699 = arith.select %eq3A_2696, %broadcast_in_dim3A_2532, %broadcast_in_dim3A_2698 : vector<64x1xi1>, vector<64x1xi32>
    %reduce_max3A_2700 = vector.shape_cast %select_n3A_2699 : vector<64x1xi32> to vector<1x64x1xi32>
    %reduce_max3A_2701 = arith.constant dense<-2147483648> : vector<1xi32>
    %reduce_max3A_2702 = vector.multi_reduction <maxsi>, %reduce_max3A_2700, %reduce_max3A_2701 [1, 2] : vector<1x64x1xi32> to vector<1xi32>
    %reduce_max3A_2703 = vector.shape_cast %reduce_max3A_2702 : vector<1xi32> to vector<1x1x1xi32>
    %reduce_max3A_2704 = vector.extract %reduce_max3A_2703[0, 0, 0] : i32 from vector<1x1x1xi32>
    %swap3A_2705 = arith.constant 7 : index
    %swap3A_2706 = arith.constant 4 : index
    %swap3A_2707 = memref.load %arg3[%swap3A_2705, %swap3A_2706] : memref<9x9xi32, #tpu.memory_space<smem>>
    memref.store %reduce_max3A_2704, %arg3[%swap3A_2705, %swap3A_2706] : memref<9x9xi32, #tpu.memory_space<smem>>
    %eq3A_2708 = vector.broadcast %reduce_min3A_2691 : i32 to vector<64x1xi32>
    %eq3A_2709 = arith.cmpi eq, %iota3A_9, %eq3A_2708 : vector<64x1xi32>
    %jit3A_2710 = arith.constant 0xFF800000 : f32
    %broadcast_in_dim3A_2711 = vector.broadcast %jit3A_2710 : f32 to vector<64x1xf32>
    %select_n3A_2712 = arith.select %eq3A_2709, %broadcast_in_dim3A_2711, %select_n3A_2676 : vector<64x1xi1>, vector<64x1xf32>
    %reduce_max3A_2713 = vector.shape_cast %select_n3A_2712 : vector<64x1xf32> to vector<1x64x1xf32>
    %reduce_max3A_2714 = arith.constant dense<0xFF800000> : vector<1xf32>
    %reduce_max3A_2715 = vector.multi_reduction <maximumf>, %reduce_max3A_2713, %reduce_max3A_2714 [1, 2] : vector<1x64x1xf32> to vector<1xf32>
    %reduce_max3A_2716 = vector.shape_cast %reduce_max3A_2715 : vector<1xf32> to vector<1x1x1xf32>
    %reduce_max3A_2717 = vector.extract %reduce_max3A_2716[0, 0, 0] : f32 from vector<1x1x1xf32>
    %eq3A_2718 = vector.broadcast %reduce_max3A_2717 : f32 to vector<64x1xf32>
    %eq3A_2719 = arith.cmpf oeq, %select_n3A_2712, %eq3A_2718 : vector<64x1xf32>
    %jit3A_2720 = arith.constant 64 : i32
    %broadcast_in_dim3A_2721 = vector.broadcast %jit3A_2720 : i32 to vector<64x1xi32>
    %select_n3A_2722 = arith.select %eq3A_2719, %iota3A_9, %broadcast_in_dim3A_2721 : vector<64x1xi1>, vector<64x1xi32>
    %reduce_min3A_2723 = vector.shape_cast %select_n3A_2722 : vector<64x1xi32> to vector<1x64x1xi32>
    %reduce_min3A_2724 = arith.constant dense<2147483647> : vector<1xi32>
    %reduce_min3A_2725 = vector.multi_reduction <minsi>, %reduce_min3A_2723, %reduce_min3A_2724 [1, 2] : vector<1x64x1xi32> to vector<1xi32>
    %reduce_min3A_2726 = vector.shape_cast %reduce_min3A_2725 : vector<1xi32> to vector<1x1x1xi32>
    %reduce_min3A_2727 = vector.extract %reduce_min3A_2726[0, 0, 0] : i32 from vector<1x1x1xi32>
    %swap3A_2728 = arith.constant 7 : index
    %swap3A_2729 = arith.constant 5 : index
    %swap3A_2730 = memref.load %arg4[%swap3A_2728, %swap3A_2729] : memref<9x9xf32, #tpu.memory_space<smem>>
    memref.store %reduce_max3A_2717, %arg4[%swap3A_2728, %swap3A_2729] : memref<9x9xf32, #tpu.memory_space<smem>>
    %eq3A_2731 = vector.broadcast %reduce_min3A_2727 : i32 to vector<64x1xi32>
    %eq3A_2732 = arith.cmpi eq, %iota3A_9, %eq3A_2731 : vector<64x1xi32>
    %jit3A_2733 = arith.constant 0 : i32
    %broadcast_in_dim3A_2734 = vector.broadcast %jit3A_2733 : i32 to vector<64x1xi32>
    %select_n3A_2735 = arith.select %eq3A_2732, %broadcast_in_dim3A_2532, %broadcast_in_dim3A_2734 : vector<64x1xi1>, vector<64x1xi32>
    %reduce_max3A_2736 = vector.shape_cast %select_n3A_2735 : vector<64x1xi32> to vector<1x64x1xi32>
    %reduce_max3A_2737 = arith.constant dense<-2147483648> : vector<1xi32>
    %reduce_max3A_2738 = vector.multi_reduction <maxsi>, %reduce_max3A_2736, %reduce_max3A_2737 [1, 2] : vector<1x64x1xi32> to vector<1xi32>
    %reduce_max3A_2739 = vector.shape_cast %reduce_max3A_2738 : vector<1xi32> to vector<1x1x1xi32>
    %reduce_max3A_2740 = vector.extract %reduce_max3A_2739[0, 0, 0] : i32 from vector<1x1x1xi32>
    %swap3A_2741 = arith.constant 7 : index
    %swap3A_2742 = arith.constant 5 : index
    %swap3A_2743 = memref.load %arg3[%swap3A_2741, %swap3A_2742] : memref<9x9xi32, #tpu.memory_space<smem>>
    memref.store %reduce_max3A_2740, %arg3[%swap3A_2741, %swap3A_2742] : memref<9x9xi32, #tpu.memory_space<smem>>
    %eq3A_2744 = vector.broadcast %reduce_min3A_2727 : i32 to vector<64x1xi32>
    %eq3A_2745 = arith.cmpi eq, %iota3A_9, %eq3A_2744 : vector<64x1xi32>
    %jit3A_2746 = arith.constant 0xFF800000 : f32
    %broadcast_in_dim3A_2747 = vector.broadcast %jit3A_2746 : f32 to vector<64x1xf32>
    %select_n3A_2748 = arith.select %eq3A_2745, %broadcast_in_dim3A_2747, %select_n3A_2712 : vector<64x1xi1>, vector<64x1xf32>
    %reduce_max3A_2749 = vector.shape_cast %select_n3A_2748 : vector<64x1xf32> to vector<1x64x1xf32>
    %reduce_max3A_2750 = arith.constant dense<0xFF800000> : vector<1xf32>
    %reduce_max3A_2751 = vector.multi_reduction <maximumf>, %reduce_max3A_2749, %reduce_max3A_2750 [1, 2] : vector<1x64x1xf32> to vector<1xf32>
    %reduce_max3A_2752 = vector.shape_cast %reduce_max3A_2751 : vector<1xf32> to vector<1x1x1xf32>
    %reduce_max3A_2753 = vector.extract %reduce_max3A_2752[0, 0, 0] : f32 from vector<1x1x1xf32>
    %eq3A_2754 = vector.broadcast %reduce_max3A_2753 : f32 to vector<64x1xf32>
    %eq3A_2755 = arith.cmpf oeq, %select_n3A_2748, %eq3A_2754 : vector<64x1xf32>
    %jit3A_2756 = arith.constant 64 : i32
    %broadcast_in_dim3A_2757 = vector.broadcast %jit3A_2756 : i32 to vector<64x1xi32>
    %select_n3A_2758 = arith.select %eq3A_2755, %iota3A_9, %broadcast_in_dim3A_2757 : vector<64x1xi1>, vector<64x1xi32>
    %reduce_min3A_2759 = vector.shape_cast %select_n3A_2758 : vector<64x1xi32> to vector<1x64x1xi32>
    %reduce_min3A_2760 = arith.constant dense<2147483647> : vector<1xi32>
    %reduce_min3A_2761 = vector.multi_reduction <minsi>, %reduce_min3A_2759, %reduce_min3A_2760 [1, 2] : vector<1x64x1xi32> to vector<1xi32>
    %reduce_min3A_2762 = vector.shape_cast %reduce_min3A_2761 : vector<1xi32> to vector<1x1x1xi32>
    %reduce_min3A_2763 = vector.extract %reduce_min3A_2762[0, 0, 0] : i32 from vector<1x1x1xi32>
    %swap3A_2764 = arith.constant 7 : index
    %swap3A_2765 = arith.constant 6 : index
    %swap3A_2766 = memref.load %arg4[%swap3A_2764, %swap3A_2765] : memref<9x9xf32, #tpu.memory_space<smem>>
    memref.store %reduce_max3A_2753, %arg4[%swap3A_2764, %swap3A_2765] : memref<9x9xf32, #tpu.memory_space<smem>>
    %eq3A_2767 = vector.broadcast %reduce_min3A_2763 : i32 to vector<64x1xi32>
    %eq3A_2768 = arith.cmpi eq, %iota3A_9, %eq3A_2767 : vector<64x1xi32>
    %jit3A_2769 = arith.constant 0 : i32
    %broadcast_in_dim3A_2770 = vector.broadcast %jit3A_2769 : i32 to vector<64x1xi32>
    %select_n3A_2771 = arith.select %eq3A_2768, %broadcast_in_dim3A_2532, %broadcast_in_dim3A_2770 : vector<64x1xi1>, vector<64x1xi32>
    %reduce_max3A_2772 = vector.shape_cast %select_n3A_2771 : vector<64x1xi32> to vector<1x64x1xi32>
    %reduce_max3A_2773 = arith.constant dense<-2147483648> : vector<1xi32>
    %reduce_max3A_2774 = vector.multi_reduction <maxsi>, %reduce_max3A_2772, %reduce_max3A_2773 [1, 2] : vector<1x64x1xi32> to vector<1xi32>
    %reduce_max3A_2775 = vector.shape_cast %reduce_max3A_2774 : vector<1xi32> to vector<1x1x1xi32>
    %reduce_max3A_2776 = vector.extract %reduce_max3A_2775[0, 0, 0] : i32 from vector<1x1x1xi32>
    %swap3A_2777 = arith.constant 7 : index
    %swap3A_2778 = arith.constant 6 : index
    %swap3A_2779 = memref.load %arg3[%swap3A_2777, %swap3A_2778] : memref<9x9xi32, #tpu.memory_space<smem>>
    memref.store %reduce_max3A_2776, %arg3[%swap3A_2777, %swap3A_2778] : memref<9x9xi32, #tpu.memory_space<smem>>
    %eq3A_2780 = vector.broadcast %reduce_min3A_2763 : i32 to vector<64x1xi32>
    %eq3A_2781 = arith.cmpi eq, %iota3A_9, %eq3A_2780 : vector<64x1xi32>
    %jit3A_2782 = arith.constant 0xFF800000 : f32
    %broadcast_in_dim3A_2783 = vector.broadcast %jit3A_2782 : f32 to vector<64x1xf32>
    %select_n3A_2784 = arith.select %eq3A_2781, %broadcast_in_dim3A_2783, %select_n3A_2748 : vector<64x1xi1>, vector<64x1xf32>
    %reduce_max3A_2785 = vector.shape_cast %select_n3A_2784 : vector<64x1xf32> to vector<1x64x1xf32>
    %reduce_max3A_2786 = arith.constant dense<0xFF800000> : vector<1xf32>
    %reduce_max3A_2787 = vector.multi_reduction <maximumf>, %reduce_max3A_2785, %reduce_max3A_2786 [1, 2] : vector<1x64x1xf32> to vector<1xf32>
    %reduce_max3A_2788 = vector.shape_cast %reduce_max3A_2787 : vector<1xf32> to vector<1x1x1xf32>
    %reduce_max3A_2789 = vector.extract %reduce_max3A_2788[0, 0, 0] : f32 from vector<1x1x1xf32>
    %eq3A_2790 = vector.broadcast %reduce_max3A_2789 : f32 to vector<64x1xf32>
    %eq3A_2791 = arith.cmpf oeq, %select_n3A_2784, %eq3A_2790 : vector<64x1xf32>
    %jit3A_2792 = arith.constant 64 : i32
    %broadcast_in_dim3A_2793 = vector.broadcast %jit3A_2792 : i32 to vector<64x1xi32>
    %select_n3A_2794 = arith.select %eq3A_2791, %iota3A_9, %broadcast_in_dim3A_2793 : vector<64x1xi1>, vector<64x1xi32>
    %reduce_min3A_2795 = vector.shape_cast %select_n3A_2794 : vector<64x1xi32> to vector<1x64x1xi32>
    %reduce_min3A_2796 = arith.constant dense<2147483647> : vector<1xi32>
    %reduce_min3A_2797 = vector.multi_reduction <minsi>, %reduce_min3A_2795, %reduce_min3A_2796 [1, 2] : vector<1x64x1xi32> to vector<1xi32>
    %reduce_min3A_2798 = vector.shape_cast %reduce_min3A_2797 : vector<1xi32> to vector<1x1x1xi32>
    %reduce_min3A_2799 = vector.extract %reduce_min3A_2798[0, 0, 0] : i32 from vector<1x1x1xi32>
    %swap3A_2800 = arith.constant 7 : index
    %swap3A_2801 = arith.constant 7 : index
    %swap3A_2802 = memref.load %arg4[%swap3A_2800, %swap3A_2801] : memref<9x9xf32, #tpu.memory_space<smem>>
    memref.store %reduce_max3A_2789, %arg4[%swap3A_2800, %swap3A_2801] : memref<9x9xf32, #tpu.memory_space<smem>>
    %eq3A_2803 = vector.broadcast %reduce_min3A_2799 : i32 to vector<64x1xi32>
    %eq3A_2804 = arith.cmpi eq, %iota3A_9, %eq3A_2803 : vector<64x1xi32>
    %jit3A_2805 = arith.constant 0 : i32
    %broadcast_in_dim3A_2806 = vector.broadcast %jit3A_2805 : i32 to vector<64x1xi32>
    %select_n3A_2807 = arith.select %eq3A_2804, %broadcast_in_dim3A_2532, %broadcast_in_dim3A_2806 : vector<64x1xi1>, vector<64x1xi32>
    %reduce_max3A_2808 = vector.shape_cast %select_n3A_2807 : vector<64x1xi32> to vector<1x64x1xi32>
    %reduce_max3A_2809 = arith.constant dense<-2147483648> : vector<1xi32>
    %reduce_max3A_2810 = vector.multi_reduction <maxsi>, %reduce_max3A_2808, %reduce_max3A_2809 [1, 2] : vector<1x64x1xi32> to vector<1xi32>
    %reduce_max3A_2811 = vector.shape_cast %reduce_max3A_2810 : vector<1xi32> to vector<1x1x1xi32>
    %reduce_max3A_2812 = vector.extract %reduce_max3A_2811[0, 0, 0] : i32 from vector<1x1x1xi32>
    %swap3A_2813 = arith.constant 7 : index
    %swap3A_2814 = arith.constant 7 : index
    %swap3A_2815 = memref.load %arg3[%swap3A_2813, %swap3A_2814] : memref<9x9xi32, #tpu.memory_space<smem>>
    memref.store %reduce_max3A_2812, %arg3[%swap3A_2813, %swap3A_2814] : memref<9x9xi32, #tpu.memory_space<smem>>
    %eq3A_2816 = vector.broadcast %reduce_min3A_2799 : i32 to vector<64x1xi32>
    %eq3A_2817 = arith.cmpi eq, %iota3A_9, %eq3A_2816 : vector<64x1xi32>
    %jit3A_2818 = arith.constant 0xFF800000 : f32
    %broadcast_in_dim3A_2819 = vector.broadcast %jit3A_2818 : f32 to vector<64x1xf32>
    %select_n3A_2820 = arith.select %eq3A_2817, %broadcast_in_dim3A_2819, %select_n3A_2784 : vector<64x1xi1>, vector<64x1xf32>
    %reduce_max3A_2821 = vector.shape_cast %select_n3A_2820 : vector<64x1xf32> to vector<1x64x1xf32>
    %reduce_max3A_2822 = arith.constant dense<0xFF800000> : vector<1xf32>
    %reduce_max3A_2823 = vector.multi_reduction <maximumf>, %reduce_max3A_2821, %reduce_max3A_2822 [1, 2] : vector<1x64x1xf32> to vector<1xf32>
    %reduce_max3A_2824 = vector.shape_cast %reduce_max3A_2823 : vector<1xf32> to vector<1x1x1xf32>
    %reduce_max3A_2825 = vector.extract %reduce_max3A_2824[0, 0, 0] : f32 from vector<1x1x1xf32>
    %eq3A_2826 = vector.broadcast %reduce_max3A_2825 : f32 to vector<64x1xf32>
    %eq3A_2827 = arith.cmpf oeq, %select_n3A_2820, %eq3A_2826 : vector<64x1xf32>
    %jit3A_2828 = arith.constant 64 : i32
    %broadcast_in_dim3A_2829 = vector.broadcast %jit3A_2828 : i32 to vector<64x1xi32>
    %select_n3A_2830 = arith.select %eq3A_2827, %iota3A_9, %broadcast_in_dim3A_2829 : vector<64x1xi1>, vector<64x1xi32>
    %reduce_min3A_2831 = vector.shape_cast %select_n3A_2830 : vector<64x1xi32> to vector<1x64x1xi32>
    %reduce_min3A_2832 = arith.constant dense<2147483647> : vector<1xi32>
    %reduce_min3A_2833 = vector.multi_reduction <minsi>, %reduce_min3A_2831, %reduce_min3A_2832 [1, 2] : vector<1x64x1xi32> to vector<1xi32>
    %reduce_min3A_2834 = vector.shape_cast %reduce_min3A_2833 : vector<1xi32> to vector<1x1x1xi32>
    %reduce_min3A_2835 = vector.extract %reduce_min3A_2834[0, 0, 0] : i32 from vector<1x1x1xi32>
    %swap3A_2836 = arith.constant 7 : index
    %swap3A_2837 = arith.constant 8 : index
    %swap3A_2838 = memref.load %arg4[%swap3A_2836, %swap3A_2837] : memref<9x9xf32, #tpu.memory_space<smem>>
    memref.store %reduce_max3A_2825, %arg4[%swap3A_2836, %swap3A_2837] : memref<9x9xf32, #tpu.memory_space<smem>>
    %eq3A_2839 = vector.broadcast %reduce_min3A_2835 : i32 to vector<64x1xi32>
    %eq3A_2840 = arith.cmpi eq, %iota3A_9, %eq3A_2839 : vector<64x1xi32>
    %jit3A_2841 = arith.constant 0 : i32
    %broadcast_in_dim3A_2842 = vector.broadcast %jit3A_2841 : i32 to vector<64x1xi32>
    %select_n3A_2843 = arith.select %eq3A_2840, %broadcast_in_dim3A_2532, %broadcast_in_dim3A_2842 : vector<64x1xi1>, vector<64x1xi32>
    %reduce_max3A_2844 = vector.shape_cast %select_n3A_2843 : vector<64x1xi32> to vector<1x64x1xi32>
    %reduce_max3A_2845 = arith.constant dense<-2147483648> : vector<1xi32>
    %reduce_max3A_2846 = vector.multi_reduction <maxsi>, %reduce_max3A_2844, %reduce_max3A_2845 [1, 2] : vector<1x64x1xi32> to vector<1xi32>
    %reduce_max3A_2847 = vector.shape_cast %reduce_max3A_2846 : vector<1xi32> to vector<1x1x1xi32>
    %reduce_max3A_2848 = vector.extract %reduce_max3A_2847[0, 0, 0] : i32 from vector<1x1x1xi32>
    %swap3A_2849 = arith.constant 7 : index
    %swap3A_2850 = arith.constant 8 : index
    %swap3A_2851 = memref.load %arg3[%swap3A_2849, %swap3A_2850] : memref<9x9xi32, #tpu.memory_space<smem>>
    memref.store %reduce_max3A_2848, %arg3[%swap3A_2849, %swap3A_2850] : memref<9x9xi32, #tpu.memory_space<smem>>
    %reduce_max3A_2852 = vector.shape_cast %select_n3A_2515 : vector<1x512xf32> to vector<1x1x512xf32>
    %reduce_max3A_2853 = arith.constant dense<0xFF800000> : vector<1xf32>
    %reduce_max3A_2854 = vector.multi_reduction <maximumf>, %reduce_max3A_2852, %reduce_max3A_2853 [1, 2] : vector<1x1x512xf32> to vector<1xf32>
    %reduce_max3A_2855 = vector.shape_cast %reduce_max3A_2854 : vector<1xf32> to vector<1x1x1xf32>
    %reduce_max3A_2856 = vector.extract %reduce_max3A_2855[0, 0, 0] : f32 from vector<1x1x1xf32>
    %eq3A_2857 = vector.broadcast %reduce_max3A_2856 : f32 to vector<1x512xf32>
    %eq3A_2858 = arith.cmpf oeq, %select_n3A_2515, %eq3A_2857 : vector<1x512xf32>
    %jit3A_2859 = arith.constant 512 : i32
    %broadcast_in_dim3A_2860 = vector.broadcast %jit3A_2859 : i32 to vector<1x512xi32>
    %select_n3A_2861 = arith.select %eq3A_2858, %iota3A, %broadcast_in_dim3A_2860 : vector<1x512xi1>, vector<1x512xi32>
    %reduce_min3A_2862 = vector.shape_cast %select_n3A_2861 : vector<1x512xi32> to vector<1x1x512xi32>
    %reduce_min3A_2863 = arith.constant dense<2147483647> : vector<1xi32>
    %reduce_min3A_2864 = vector.multi_reduction <minsi>, %reduce_min3A_2862, %reduce_min3A_2863 [1, 2] : vector<1x1x512xi32> to vector<1xi32>
    %reduce_min3A_2865 = vector.shape_cast %reduce_min3A_2864 : vector<1xi32> to vector<1x1x1xi32>
    %reduce_min3A_2866 = vector.extract %reduce_min3A_2865[0, 0, 0] : i32 from vector<1x1x1xi32>
    %swap3A_2867 = arith.constant 0 : index
    %swap3A_2868 = arith.constant 8 : index
    %swap3A_2869 = memref.load %arg2[%swap3A_2867, %swap3A_2868] : memref<1x9xi32, #tpu.memory_space<smem>>
    memref.store %reduce_min3A_2866, %arg2[%swap3A_2867, %swap3A_2868] : memref<1x9xi32, #tpu.memory_space<smem>>
    %eq3A_2870 = vector.broadcast %reduce_min3A_2866 : i32 to vector<64x512xi32>
    %eq3A_2871 = arith.cmpi eq, %iota3A_8, %eq3A_2870 : vector<64x512xi32>
    %jit3A_2872 = arith.constant 0xFF800000 : f32
    %broadcast_in_dim3A_2873 = vector.broadcast %jit3A_2872 : f32 to vector<64x512xf32>
    %select_n3A_2874 = arith.select %eq3A_2871, %get3A_1, %broadcast_in_dim3A_2873 : vector<64x512xi1>, vector<64x512xf32>
    %reduce_max3A_2875 = arith.constant dense<0xFF800000> : vector<64xf32>
    %reduce_max3A_2876 = vector.multi_reduction <maximumf>, %select_n3A_2874, %reduce_max3A_2875 [1] : vector<64x512xf32> to vector<64xf32>
    %broadcast_in_dim3A_2877 = vector.shape_cast %reduce_max3A_2876 : vector<64xf32> to vector<64x1xf32>
    %jit3A_2878 = arith.constant 0 : i32
    %broadcast_in_dim3A_2879 = vector.broadcast %jit3A_2878 : i32 to vector<64x512xi32>
    %select_n3A_2880 = arith.select %eq3A_2871, %get3A_4, %broadcast_in_dim3A_2879 : vector<64x512xi1>, vector<64x512xi32>
    %reduce_max3A_2881 = arith.constant dense<-2147483648> : vector<64xi32>
    %reduce_max3A_2882 = vector.multi_reduction <maxsi>, %select_n3A_2880, %reduce_max3A_2881 [1] : vector<64x512xi32> to vector<64xi32>
    %broadcast_in_dim3A_2883 = vector.shape_cast %reduce_max3A_2882 : vector<64xi32> to vector<64x1xi32>
    %reduce_max3A_2884 = vector.shape_cast %broadcast_in_dim3A_2877 : vector<64x1xf32> to vector<1x64x1xf32>
    %reduce_max3A_2885 = arith.constant dense<0xFF800000> : vector<1xf32>
    %reduce_max3A_2886 = vector.multi_reduction <maximumf>, %reduce_max3A_2884, %reduce_max3A_2885 [1, 2] : vector<1x64x1xf32> to vector<1xf32>
    %reduce_max3A_2887 = vector.shape_cast %reduce_max3A_2886 : vector<1xf32> to vector<1x1x1xf32>
    %reduce_max3A_2888 = vector.extract %reduce_max3A_2887[0, 0, 0] : f32 from vector<1x1x1xf32>
    %eq3A_2889 = vector.broadcast %reduce_max3A_2888 : f32 to vector<64x1xf32>
    %eq3A_2890 = arith.cmpf oeq, %broadcast_in_dim3A_2877, %eq3A_2889 : vector<64x1xf32>
    %jit3A_2891 = arith.constant 64 : i32
    %broadcast_in_dim3A_2892 = vector.broadcast %jit3A_2891 : i32 to vector<64x1xi32>
    %select_n3A_2893 = arith.select %eq3A_2890, %iota3A_9, %broadcast_in_dim3A_2892 : vector<64x1xi1>, vector<64x1xi32>
    %reduce_min3A_2894 = vector.shape_cast %select_n3A_2893 : vector<64x1xi32> to vector<1x64x1xi32>
    %reduce_min3A_2895 = arith.constant dense<2147483647> : vector<1xi32>
    %reduce_min3A_2896 = vector.multi_reduction <minsi>, %reduce_min3A_2894, %reduce_min3A_2895 [1, 2] : vector<1x64x1xi32> to vector<1xi32>
    %reduce_min3A_2897 = vector.shape_cast %reduce_min3A_2896 : vector<1xi32> to vector<1x1x1xi32>
    %reduce_min3A_2898 = vector.extract %reduce_min3A_2897[0, 0, 0] : i32 from vector<1x1x1xi32>
    %swap3A_2899 = arith.constant 8 : index
    %swap3A_2900 = arith.constant 0 : index
    %swap3A_2901 = memref.load %arg4[%swap3A_2899, %swap3A_2900] : memref<9x9xf32, #tpu.memory_space<smem>>
    memref.store %reduce_max3A_2888, %arg4[%swap3A_2899, %swap3A_2900] : memref<9x9xf32, #tpu.memory_space<smem>>
    %eq3A_2902 = vector.broadcast %reduce_min3A_2898 : i32 to vector<64x1xi32>
    %eq3A_2903 = arith.cmpi eq, %iota3A_9, %eq3A_2902 : vector<64x1xi32>
    %jit3A_2904 = arith.constant 0 : i32
    %broadcast_in_dim3A_2905 = vector.broadcast %jit3A_2904 : i32 to vector<64x1xi32>
    %select_n3A_2906 = arith.select %eq3A_2903, %broadcast_in_dim3A_2883, %broadcast_in_dim3A_2905 : vector<64x1xi1>, vector<64x1xi32>
    %reduce_max3A_2907 = vector.shape_cast %select_n3A_2906 : vector<64x1xi32> to vector<1x64x1xi32>
    %reduce_max3A_2908 = arith.constant dense<-2147483648> : vector<1xi32>
    %reduce_max3A_2909 = vector.multi_reduction <maxsi>, %reduce_max3A_2907, %reduce_max3A_2908 [1, 2] : vector<1x64x1xi32> to vector<1xi32>
    %reduce_max3A_2910 = vector.shape_cast %reduce_max3A_2909 : vector<1xi32> to vector<1x1x1xi32>
    %reduce_max3A_2911 = vector.extract %reduce_max3A_2910[0, 0, 0] : i32 from vector<1x1x1xi32>
    %swap3A_2912 = arith.constant 8 : index
    %swap3A_2913 = arith.constant 0 : index
    %swap3A_2914 = memref.load %arg3[%swap3A_2912, %swap3A_2913] : memref<9x9xi32, #tpu.memory_space<smem>>
    memref.store %reduce_max3A_2911, %arg3[%swap3A_2912, %swap3A_2913] : memref<9x9xi32, #tpu.memory_space<smem>>
    %eq3A_2915 = vector.broadcast %reduce_min3A_2898 : i32 to vector<64x1xi32>
    %eq3A_2916 = arith.cmpi eq, %iota3A_9, %eq3A_2915 : vector<64x1xi32>
    %jit3A_2917 = arith.constant 0xFF800000 : f32
    %broadcast_in_dim3A_2918 = vector.broadcast %jit3A_2917 : f32 to vector<64x1xf32>
    %select_n3A_2919 = arith.select %eq3A_2916, %broadcast_in_dim3A_2918, %broadcast_in_dim3A_2877 : vector<64x1xi1>, vector<64x1xf32>
    %reduce_max3A_2920 = vector.shape_cast %select_n3A_2919 : vector<64x1xf32> to vector<1x64x1xf32>
    %reduce_max3A_2921 = arith.constant dense<0xFF800000> : vector<1xf32>
    %reduce_max3A_2922 = vector.multi_reduction <maximumf>, %reduce_max3A_2920, %reduce_max3A_2921 [1, 2] : vector<1x64x1xf32> to vector<1xf32>
    %reduce_max3A_2923 = vector.shape_cast %reduce_max3A_2922 : vector<1xf32> to vector<1x1x1xf32>
    %reduce_max3A_2924 = vector.extract %reduce_max3A_2923[0, 0, 0] : f32 from vector<1x1x1xf32>
    %eq3A_2925 = vector.broadcast %reduce_max3A_2924 : f32 to vector<64x1xf32>
    %eq3A_2926 = arith.cmpf oeq, %select_n3A_2919, %eq3A_2925 : vector<64x1xf32>
    %jit3A_2927 = arith.constant 64 : i32
    %broadcast_in_dim3A_2928 = vector.broadcast %jit3A_2927 : i32 to vector<64x1xi32>
    %select_n3A_2929 = arith.select %eq3A_2926, %iota3A_9, %broadcast_in_dim3A_2928 : vector<64x1xi1>, vector<64x1xi32>
    %reduce_min3A_2930 = vector.shape_cast %select_n3A_2929 : vector<64x1xi32> to vector<1x64x1xi32>
    %reduce_min3A_2931 = arith.constant dense<2147483647> : vector<1xi32>
    %reduce_min3A_2932 = vector.multi_reduction <minsi>, %reduce_min3A_2930, %reduce_min3A_2931 [1, 2] : vector<1x64x1xi32> to vector<1xi32>
    %reduce_min3A_2933 = vector.shape_cast %reduce_min3A_2932 : vector<1xi32> to vector<1x1x1xi32>
    %reduce_min3A_2934 = vector.extract %reduce_min3A_2933[0, 0, 0] : i32 from vector<1x1x1xi32>
    %swap3A_2935 = arith.constant 8 : index
    %swap3A_2936 = arith.constant 1 : index
    %swap3A_2937 = memref.load %arg4[%swap3A_2935, %swap3A_2936] : memref<9x9xf32, #tpu.memory_space<smem>>
    memref.store %reduce_max3A_2924, %arg4[%swap3A_2935, %swap3A_2936] : memref<9x9xf32, #tpu.memory_space<smem>>
    %eq3A_2938 = vector.broadcast %reduce_min3A_2934 : i32 to vector<64x1xi32>
    %eq3A_2939 = arith.cmpi eq, %iota3A_9, %eq3A_2938 : vector<64x1xi32>
    %jit3A_2940 = arith.constant 0 : i32
    %broadcast_in_dim3A_2941 = vector.broadcast %jit3A_2940 : i32 to vector<64x1xi32>
    %select_n3A_2942 = arith.select %eq3A_2939, %broadcast_in_dim3A_2883, %broadcast_in_dim3A_2941 : vector<64x1xi1>, vector<64x1xi32>
    %reduce_max3A_2943 = vector.shape_cast %select_n3A_2942 : vector<64x1xi32> to vector<1x64x1xi32>
    %reduce_max3A_2944 = arith.constant dense<-2147483648> : vector<1xi32>
    %reduce_max3A_2945 = vector.multi_reduction <maxsi>, %reduce_max3A_2943, %reduce_max3A_2944 [1, 2] : vector<1x64x1xi32> to vector<1xi32>
    %reduce_max3A_2946 = vector.shape_cast %reduce_max3A_2945 : vector<1xi32> to vector<1x1x1xi32>
    %reduce_max3A_2947 = vector.extract %reduce_max3A_2946[0, 0, 0] : i32 from vector<1x1x1xi32>
    %swap3A_2948 = arith.constant 8 : index
    %swap3A_2949 = arith.constant 1 : index
    %swap3A_2950 = memref.load %arg3[%swap3A_2948, %swap3A_2949] : memref<9x9xi32, #tpu.memory_space<smem>>
    memref.store %reduce_max3A_2947, %arg3[%swap3A_2948, %swap3A_2949] : memref<9x9xi32, #tpu.memory_space<smem>>
    %eq3A_2951 = vector.broadcast %reduce_min3A_2934 : i32 to vector<64x1xi32>
    %eq3A_2952 = arith.cmpi eq, %iota3A_9, %eq3A_2951 : vector<64x1xi32>
    %jit3A_2953 = arith.constant 0xFF800000 : f32
    %broadcast_in_dim3A_2954 = vector.broadcast %jit3A_2953 : f32 to vector<64x1xf32>
    %select_n3A_2955 = arith.select %eq3A_2952, %broadcast_in_dim3A_2954, %select_n3A_2919 : vector<64x1xi1>, vector<64x1xf32>
    %reduce_max3A_2956 = vector.shape_cast %select_n3A_2955 : vector<64x1xf32> to vector<1x64x1xf32>
    %reduce_max3A_2957 = arith.constant dense<0xFF800000> : vector<1xf32>
    %reduce_max3A_2958 = vector.multi_reduction <maximumf>, %reduce_max3A_2956, %reduce_max3A_2957 [1, 2] : vector<1x64x1xf32> to vector<1xf32>
    %reduce_max3A_2959 = vector.shape_cast %reduce_max3A_2958 : vector<1xf32> to vector<1x1x1xf32>
    %reduce_max3A_2960 = vector.extract %reduce_max3A_2959[0, 0, 0] : f32 from vector<1x1x1xf32>
    %eq3A_2961 = vector.broadcast %reduce_max3A_2960 : f32 to vector<64x1xf32>
    %eq3A_2962 = arith.cmpf oeq, %select_n3A_2955, %eq3A_2961 : vector<64x1xf32>
    %jit3A_2963 = arith.constant 64 : i32
    %broadcast_in_dim3A_2964 = vector.broadcast %jit3A_2963 : i32 to vector<64x1xi32>
    %select_n3A_2965 = arith.select %eq3A_2962, %iota3A_9, %broadcast_in_dim3A_2964 : vector<64x1xi1>, vector<64x1xi32>
    %reduce_min3A_2966 = vector.shape_cast %select_n3A_2965 : vector<64x1xi32> to vector<1x64x1xi32>
    %reduce_min3A_2967 = arith.constant dense<2147483647> : vector<1xi32>
    %reduce_min3A_2968 = vector.multi_reduction <minsi>, %reduce_min3A_2966, %reduce_min3A_2967 [1, 2] : vector<1x64x1xi32> to vector<1xi32>
    %reduce_min3A_2969 = vector.shape_cast %reduce_min3A_2968 : vector<1xi32> to vector<1x1x1xi32>
    %reduce_min3A_2970 = vector.extract %reduce_min3A_2969[0, 0, 0] : i32 from vector<1x1x1xi32>
    %swap3A_2971 = arith.constant 8 : index
    %swap3A_2972 = arith.constant 2 : index
    %swap3A_2973 = memref.load %arg4[%swap3A_2971, %swap3A_2972] : memref<9x9xf32, #tpu.memory_space<smem>>
    memref.store %reduce_max3A_2960, %arg4[%swap3A_2971, %swap3A_2972] : memref<9x9xf32, #tpu.memory_space<smem>>
    %eq3A_2974 = vector.broadcast %reduce_min3A_2970 : i32 to vector<64x1xi32>
    %eq3A_2975 = arith.cmpi eq, %iota3A_9, %eq3A_2974 : vector<64x1xi32>
    %jit3A_2976 = arith.constant 0 : i32
    %broadcast_in_dim3A_2977 = vector.broadcast %jit3A_2976 : i32 to vector<64x1xi32>
    %select_n3A_2978 = arith.select %eq3A_2975, %broadcast_in_dim3A_2883, %broadcast_in_dim3A_2977 : vector<64x1xi1>, vector<64x1xi32>
    %reduce_max3A_2979 = vector.shape_cast %select_n3A_2978 : vector<64x1xi32> to vector<1x64x1xi32>
    %reduce_max3A_2980 = arith.constant dense<-2147483648> : vector<1xi32>
    %reduce_max3A_2981 = vector.multi_reduction <maxsi>, %reduce_max3A_2979, %reduce_max3A_2980 [1, 2] : vector<1x64x1xi32> to vector<1xi32>
    %reduce_max3A_2982 = vector.shape_cast %reduce_max3A_2981 : vector<1xi32> to vector<1x1x1xi32>
    %reduce_max3A_2983 = vector.extract %reduce_max3A_2982[0, 0, 0] : i32 from vector<1x1x1xi32>
    %swap3A_2984 = arith.constant 8 : index
    %swap3A_2985 = arith.constant 2 : index
    %swap3A_2986 = memref.load %arg3[%swap3A_2984, %swap3A_2985] : memref<9x9xi32, #tpu.memory_space<smem>>
    memref.store %reduce_max3A_2983, %arg3[%swap3A_2984, %swap3A_2985] : memref<9x9xi32, #tpu.memory_space<smem>>
    %eq3A_2987 = vector.broadcast %reduce_min3A_2970 : i32 to vector<64x1xi32>
    %eq3A_2988 = arith.cmpi eq, %iota3A_9, %eq3A_2987 : vector<64x1xi32>
    %jit3A_2989 = arith.constant 0xFF800000 : f32
    %broadcast_in_dim3A_2990 = vector.broadcast %jit3A_2989 : f32 to vector<64x1xf32>
    %select_n3A_2991 = arith.select %eq3A_2988, %broadcast_in_dim3A_2990, %select_n3A_2955 : vector<64x1xi1>, vector<64x1xf32>
    %reduce_max3A_2992 = vector.shape_cast %select_n3A_2991 : vector<64x1xf32> to vector<1x64x1xf32>
    %reduce_max3A_2993 = arith.constant dense<0xFF800000> : vector<1xf32>
    %reduce_max3A_2994 = vector.multi_reduction <maximumf>, %reduce_max3A_2992, %reduce_max3A_2993 [1, 2] : vector<1x64x1xf32> to vector<1xf32>
    %reduce_max3A_2995 = vector.shape_cast %reduce_max3A_2994 : vector<1xf32> to vector<1x1x1xf32>
    %reduce_max3A_2996 = vector.extract %reduce_max3A_2995[0, 0, 0] : f32 from vector<1x1x1xf32>
    %eq3A_2997 = vector.broadcast %reduce_max3A_2996 : f32 to vector<64x1xf32>
    %eq3A_2998 = arith.cmpf oeq, %select_n3A_2991, %eq3A_2997 : vector<64x1xf32>
    %jit3A_2999 = arith.constant 64 : i32
    %broadcast_in_dim3A_3000 = vector.broadcast %jit3A_2999 : i32 to vector<64x1xi32>
    %select_n3A_3001 = arith.select %eq3A_2998, %iota3A_9, %broadcast_in_dim3A_3000 : vector<64x1xi1>, vector<64x1xi32>
    %reduce_min3A_3002 = vector.shape_cast %select_n3A_3001 : vector<64x1xi32> to vector<1x64x1xi32>
    %reduce_min3A_3003 = arith.constant dense<2147483647> : vector<1xi32>
    %reduce_min3A_3004 = vector.multi_reduction <minsi>, %reduce_min3A_3002, %reduce_min3A_3003 [1, 2] : vector<1x64x1xi32> to vector<1xi32>
    %reduce_min3A_3005 = vector.shape_cast %reduce_min3A_3004 : vector<1xi32> to vector<1x1x1xi32>
    %reduce_min3A_3006 = vector.extract %reduce_min3A_3005[0, 0, 0] : i32 from vector<1x1x1xi32>
    %swap3A_3007 = arith.constant 8 : index
    %swap3A_3008 = arith.constant 3 : index
    %swap3A_3009 = memref.load %arg4[%swap3A_3007, %swap3A_3008] : memref<9x9xf32, #tpu.memory_space<smem>>
    memref.store %reduce_max3A_2996, %arg4[%swap3A_3007, %swap3A_3008] : memref<9x9xf32, #tpu.memory_space<smem>>
    %eq3A_3010 = vector.broadcast %reduce_min3A_3006 : i32 to vector<64x1xi32>
    %eq3A_3011 = arith.cmpi eq, %iota3A_9, %eq3A_3010 : vector<64x1xi32>
    %jit3A_3012 = arith.constant 0 : i32
    %broadcast_in_dim3A_3013 = vector.broadcast %jit3A_3012 : i32 to vector<64x1xi32>
    %select_n3A_3014 = arith.select %eq3A_3011, %broadcast_in_dim3A_2883, %broadcast_in_dim3A_3013 : vector<64x1xi1>, vector<64x1xi32>
    %reduce_max3A_3015 = vector.shape_cast %select_n3A_3014 : vector<64x1xi32> to vector<1x64x1xi32>
    %reduce_max3A_3016 = arith.constant dense<-2147483648> : vector<1xi32>
    %reduce_max3A_3017 = vector.multi_reduction <maxsi>, %reduce_max3A_3015, %reduce_max3A_3016 [1, 2] : vector<1x64x1xi32> to vector<1xi32>
    %reduce_max3A_3018 = vector.shape_cast %reduce_max3A_3017 : vector<1xi32> to vector<1x1x1xi32>
    %reduce_max3A_3019 = vector.extract %reduce_max3A_3018[0, 0, 0] : i32 from vector<1x1x1xi32>
    %swap3A_3020 = arith.constant 8 : index
    %swap3A_3021 = arith.constant 3 : index
    %swap3A_3022 = memref.load %arg3[%swap3A_3020, %swap3A_3021] : memref<9x9xi32, #tpu.memory_space<smem>>
    memref.store %reduce_max3A_3019, %arg3[%swap3A_3020, %swap3A_3021] : memref<9x9xi32, #tpu.memory_space<smem>>
    %eq3A_3023 = vector.broadcast %reduce_min3A_3006 : i32 to vector<64x1xi32>
    %eq3A_3024 = arith.cmpi eq, %iota3A_9, %eq3A_3023 : vector<64x1xi32>
    %jit3A_3025 = arith.constant 0xFF800000 : f32
    %broadcast_in_dim3A_3026 = vector.broadcast %jit3A_3025 : f32 to vector<64x1xf32>
    %select_n3A_3027 = arith.select %eq3A_3024, %broadcast_in_dim3A_3026, %select_n3A_2991 : vector<64x1xi1>, vector<64x1xf32>
    %reduce_max3A_3028 = vector.shape_cast %select_n3A_3027 : vector<64x1xf32> to vector<1x64x1xf32>
    %reduce_max3A_3029 = arith.constant dense<0xFF800000> : vector<1xf32>
    %reduce_max3A_3030 = vector.multi_reduction <maximumf>, %reduce_max3A_3028, %reduce_max3A_3029 [1, 2] : vector<1x64x1xf32> to vector<1xf32>
    %reduce_max3A_3031 = vector.shape_cast %reduce_max3A_3030 : vector<1xf32> to vector<1x1x1xf32>
    %reduce_max3A_3032 = vector.extract %reduce_max3A_3031[0, 0, 0] : f32 from vector<1x1x1xf32>
    %eq3A_3033 = vector.broadcast %reduce_max3A_3032 : f32 to vector<64x1xf32>
    %eq3A_3034 = arith.cmpf oeq, %select_n3A_3027, %eq3A_3033 : vector<64x1xf32>
    %jit3A_3035 = arith.constant 64 : i32
    %broadcast_in_dim3A_3036 = vector.broadcast %jit3A_3035 : i32 to vector<64x1xi32>
    %select_n3A_3037 = arith.select %eq3A_3034, %iota3A_9, %broadcast_in_dim3A_3036 : vector<64x1xi1>, vector<64x1xi32>
    %reduce_min3A_3038 = vector.shape_cast %select_n3A_3037 : vector<64x1xi32> to vector<1x64x1xi32>
    %reduce_min3A_3039 = arith.constant dense<2147483647> : vector<1xi32>
    %reduce_min3A_3040 = vector.multi_reduction <minsi>, %reduce_min3A_3038, %reduce_min3A_3039 [1, 2] : vector<1x64x1xi32> to vector<1xi32>
    %reduce_min3A_3041 = vector.shape_cast %reduce_min3A_3040 : vector<1xi32> to vector<1x1x1xi32>
    %reduce_min3A_3042 = vector.extract %reduce_min3A_3041[0, 0, 0] : i32 from vector<1x1x1xi32>
    %swap3A_3043 = arith.constant 8 : index
    %swap3A_3044 = arith.constant 4 : index
    %swap3A_3045 = memref.load %arg4[%swap3A_3043, %swap3A_3044] : memref<9x9xf32, #tpu.memory_space<smem>>
    memref.store %reduce_max3A_3032, %arg4[%swap3A_3043, %swap3A_3044] : memref<9x9xf32, #tpu.memory_space<smem>>
    %eq3A_3046 = vector.broadcast %reduce_min3A_3042 : i32 to vector<64x1xi32>
    %eq3A_3047 = arith.cmpi eq, %iota3A_9, %eq3A_3046 : vector<64x1xi32>
    %jit3A_3048 = arith.constant 0 : i32
    %broadcast_in_dim3A_3049 = vector.broadcast %jit3A_3048 : i32 to vector<64x1xi32>
    %select_n3A_3050 = arith.select %eq3A_3047, %broadcast_in_dim3A_2883, %broadcast_in_dim3A_3049 : vector<64x1xi1>, vector<64x1xi32>
    %reduce_max3A_3051 = vector.shape_cast %select_n3A_3050 : vector<64x1xi32> to vector<1x64x1xi32>
    %reduce_max3A_3052 = arith.constant dense<-2147483648> : vector<1xi32>
    %reduce_max3A_3053 = vector.multi_reduction <maxsi>, %reduce_max3A_3051, %reduce_max3A_3052 [1, 2] : vector<1x64x1xi32> to vector<1xi32>
    %reduce_max3A_3054 = vector.shape_cast %reduce_max3A_3053 : vector<1xi32> to vector<1x1x1xi32>
    %reduce_max3A_3055 = vector.extract %reduce_max3A_3054[0, 0, 0] : i32 from vector<1x1x1xi32>
    %swap3A_3056 = arith.constant 8 : index
    %swap3A_3057 = arith.constant 4 : index
    %swap3A_3058 = memref.load %arg3[%swap3A_3056, %swap3A_3057] : memref<9x9xi32, #tpu.memory_space<smem>>
    memref.store %reduce_max3A_3055, %arg3[%swap3A_3056, %swap3A_3057] : memref<9x9xi32, #tpu.memory_space<smem>>
    %eq3A_3059 = vector.broadcast %reduce_min3A_3042 : i32 to vector<64x1xi32>
    %eq3A_3060 = arith.cmpi eq, %iota3A_9, %eq3A_3059 : vector<64x1xi32>
    %jit3A_3061 = arith.constant 0xFF800000 : f32
    %broadcast_in_dim3A_3062 = vector.broadcast %jit3A_3061 : f32 to vector<64x1xf32>
    %select_n3A_3063 = arith.select %eq3A_3060, %broadcast_in_dim3A_3062, %select_n3A_3027 : vector<64x1xi1>, vector<64x1xf32>
    %reduce_max3A_3064 = vector.shape_cast %select_n3A_3063 : vector<64x1xf32> to vector<1x64x1xf32>
    %reduce_max3A_3065 = arith.constant dense<0xFF800000> : vector<1xf32>
    %reduce_max3A_3066 = vector.multi_reduction <maximumf>, %reduce_max3A_3064, %reduce_max3A_3065 [1, 2] : vector<1x64x1xf32> to vector<1xf32>
    %reduce_max3A_3067 = vector.shape_cast %reduce_max3A_3066 : vector<1xf32> to vector<1x1x1xf32>
    %reduce_max3A_3068 = vector.extract %reduce_max3A_3067[0, 0, 0] : f32 from vector<1x1x1xf32>
    %eq3A_3069 = vector.broadcast %reduce_max3A_3068 : f32 to vector<64x1xf32>
    %eq3A_3070 = arith.cmpf oeq, %select_n3A_3063, %eq3A_3069 : vector<64x1xf32>
    %jit3A_3071 = arith.constant 64 : i32
    %broadcast_in_dim3A_3072 = vector.broadcast %jit3A_3071 : i32 to vector<64x1xi32>
    %select_n3A_3073 = arith.select %eq3A_3070, %iota3A_9, %broadcast_in_dim3A_3072 : vector<64x1xi1>, vector<64x1xi32>
    %reduce_min3A_3074 = vector.shape_cast %select_n3A_3073 : vector<64x1xi32> to vector<1x64x1xi32>
    %reduce_min3A_3075 = arith.constant dense<2147483647> : vector<1xi32>
    %reduce_min3A_3076 = vector.multi_reduction <minsi>, %reduce_min3A_3074, %reduce_min3A_3075 [1, 2] : vector<1x64x1xi32> to vector<1xi32>
    %reduce_min3A_3077 = vector.shape_cast %reduce_min3A_3076 : vector<1xi32> to vector<1x1x1xi32>
    %reduce_min3A_3078 = vector.extract %reduce_min3A_3077[0, 0, 0] : i32 from vector<1x1x1xi32>
    %swap3A_3079 = arith.constant 8 : index
    %swap3A_3080 = arith.constant 5 : index
    %swap3A_3081 = memref.load %arg4[%swap3A_3079, %swap3A_3080] : memref<9x9xf32, #tpu.memory_space<smem>>
    memref.store %reduce_max3A_3068, %arg4[%swap3A_3079, %swap3A_3080] : memref<9x9xf32, #tpu.memory_space<smem>>
    %eq3A_3082 = vector.broadcast %reduce_min3A_3078 : i32 to vector<64x1xi32>
    %eq3A_3083 = arith.cmpi eq, %iota3A_9, %eq3A_3082 : vector<64x1xi32>
    %jit3A_3084 = arith.constant 0 : i32
    %broadcast_in_dim3A_3085 = vector.broadcast %jit3A_3084 : i32 to vector<64x1xi32>
    %select_n3A_3086 = arith.select %eq3A_3083, %broadcast_in_dim3A_2883, %broadcast_in_dim3A_3085 : vector<64x1xi1>, vector<64x1xi32>
    %reduce_max3A_3087 = vector.shape_cast %select_n3A_3086 : vector<64x1xi32> to vector<1x64x1xi32>
    %reduce_max3A_3088 = arith.constant dense<-2147483648> : vector<1xi32>
    %reduce_max3A_3089 = vector.multi_reduction <maxsi>, %reduce_max3A_3087, %reduce_max3A_3088 [1, 2] : vector<1x64x1xi32> to vector<1xi32>
    %reduce_max3A_3090 = vector.shape_cast %reduce_max3A_3089 : vector<1xi32> to vector<1x1x1xi32>
    %reduce_max3A_3091 = vector.extract %reduce_max3A_3090[0, 0, 0] : i32 from vector<1x1x1xi32>
    %swap3A_3092 = arith.constant 8 : index
    %swap3A_3093 = arith.constant 5 : index
    %swap3A_3094 = memref.load %arg3[%swap3A_3092, %swap3A_3093] : memref<9x9xi32, #tpu.memory_space<smem>>
    memref.store %reduce_max3A_3091, %arg3[%swap3A_3092, %swap3A_3093] : memref<9x9xi32, #tpu.memory_space<smem>>
    %eq3A_3095 = vector.broadcast %reduce_min3A_3078 : i32 to vector<64x1xi32>
    %eq3A_3096 = arith.cmpi eq, %iota3A_9, %eq3A_3095 : vector<64x1xi32>
    %jit3A_3097 = arith.constant 0xFF800000 : f32
    %broadcast_in_dim3A_3098 = vector.broadcast %jit3A_3097 : f32 to vector<64x1xf32>
    %select_n3A_3099 = arith.select %eq3A_3096, %broadcast_in_dim3A_3098, %select_n3A_3063 : vector<64x1xi1>, vector<64x1xf32>
    %reduce_max3A_3100 = vector.shape_cast %select_n3A_3099 : vector<64x1xf32> to vector<1x64x1xf32>
    %reduce_max3A_3101 = arith.constant dense<0xFF800000> : vector<1xf32>
    %reduce_max3A_3102 = vector.multi_reduction <maximumf>, %reduce_max3A_3100, %reduce_max3A_3101 [1, 2] : vector<1x64x1xf32> to vector<1xf32>
    %reduce_max3A_3103 = vector.shape_cast %reduce_max3A_3102 : vector<1xf32> to vector<1x1x1xf32>
    %reduce_max3A_3104 = vector.extract %reduce_max3A_3103[0, 0, 0] : f32 from vector<1x1x1xf32>
    %eq3A_3105 = vector.broadcast %reduce_max3A_3104 : f32 to vector<64x1xf32>
    %eq3A_3106 = arith.cmpf oeq, %select_n3A_3099, %eq3A_3105 : vector<64x1xf32>
    %jit3A_3107 = arith.constant 64 : i32
    %broadcast_in_dim3A_3108 = vector.broadcast %jit3A_3107 : i32 to vector<64x1xi32>
    %select_n3A_3109 = arith.select %eq3A_3106, %iota3A_9, %broadcast_in_dim3A_3108 : vector<64x1xi1>, vector<64x1xi32>
    %reduce_min3A_3110 = vector.shape_cast %select_n3A_3109 : vector<64x1xi32> to vector<1x64x1xi32>
    %reduce_min3A_3111 = arith.constant dense<2147483647> : vector<1xi32>
    %reduce_min3A_3112 = vector.multi_reduction <minsi>, %reduce_min3A_3110, %reduce_min3A_3111 [1, 2] : vector<1x64x1xi32> to vector<1xi32>
    %reduce_min3A_3113 = vector.shape_cast %reduce_min3A_3112 : vector<1xi32> to vector<1x1x1xi32>
    %reduce_min3A_3114 = vector.extract %reduce_min3A_3113[0, 0, 0] : i32 from vector<1x1x1xi32>
    %swap3A_3115 = arith.constant 8 : index
    %swap3A_3116 = arith.constant 6 : index
    %swap3A_3117 = memref.load %arg4[%swap3A_3115, %swap3A_3116] : memref<9x9xf32, #tpu.memory_space<smem>>
    memref.store %reduce_max3A_3104, %arg4[%swap3A_3115, %swap3A_3116] : memref<9x9xf32, #tpu.memory_space<smem>>
    %eq3A_3118 = vector.broadcast %reduce_min3A_3114 : i32 to vector<64x1xi32>
    %eq3A_3119 = arith.cmpi eq, %iota3A_9, %eq3A_3118 : vector<64x1xi32>
    %jit3A_3120 = arith.constant 0 : i32
    %broadcast_in_dim3A_3121 = vector.broadcast %jit3A_3120 : i32 to vector<64x1xi32>
    %select_n3A_3122 = arith.select %eq3A_3119, %broadcast_in_dim3A_2883, %broadcast_in_dim3A_3121 : vector<64x1xi1>, vector<64x1xi32>
    %reduce_max3A_3123 = vector.shape_cast %select_n3A_3122 : vector<64x1xi32> to vector<1x64x1xi32>
    %reduce_max3A_3124 = arith.constant dense<-2147483648> : vector<1xi32>
    %reduce_max3A_3125 = vector.multi_reduction <maxsi>, %reduce_max3A_3123, %reduce_max3A_3124 [1, 2] : vector<1x64x1xi32> to vector<1xi32>
    %reduce_max3A_3126 = vector.shape_cast %reduce_max3A_3125 : vector<1xi32> to vector<1x1x1xi32>
    %reduce_max3A_3127 = vector.extract %reduce_max3A_3126[0, 0, 0] : i32 from vector<1x1x1xi32>
    %swap3A_3128 = arith.constant 8 : index
    %swap3A_3129 = arith.constant 6 : index
    %swap3A_3130 = memref.load %arg3[%swap3A_3128, %swap3A_3129] : memref<9x9xi32, #tpu.memory_space<smem>>
    memref.store %reduce_max3A_3127, %arg3[%swap3A_3128, %swap3A_3129] : memref<9x9xi32, #tpu.memory_space<smem>>
    %eq3A_3131 = vector.broadcast %reduce_min3A_3114 : i32 to vector<64x1xi32>
    %eq3A_3132 = arith.cmpi eq, %iota3A_9, %eq3A_3131 : vector<64x1xi32>
    %jit3A_3133 = arith.constant 0xFF800000 : f32
    %broadcast_in_dim3A_3134 = vector.broadcast %jit3A_3133 : f32 to vector<64x1xf32>
    %select_n3A_3135 = arith.select %eq3A_3132, %broadcast_in_dim3A_3134, %select_n3A_3099 : vector<64x1xi1>, vector<64x1xf32>
    %reduce_max3A_3136 = vector.shape_cast %select_n3A_3135 : vector<64x1xf32> to vector<1x64x1xf32>
    %reduce_max3A_3137 = arith.constant dense<0xFF800000> : vector<1xf32>
    %reduce_max3A_3138 = vector.multi_reduction <maximumf>, %reduce_max3A_3136, %reduce_max3A_3137 [1, 2] : vector<1x64x1xf32> to vector<1xf32>
    %reduce_max3A_3139 = vector.shape_cast %reduce_max3A_3138 : vector<1xf32> to vector<1x1x1xf32>
    %reduce_max3A_3140 = vector.extract %reduce_max3A_3139[0, 0, 0] : f32 from vector<1x1x1xf32>
    %eq3A_3141 = vector.broadcast %reduce_max3A_3140 : f32 to vector<64x1xf32>
    %eq3A_3142 = arith.cmpf oeq, %select_n3A_3135, %eq3A_3141 : vector<64x1xf32>
    %jit3A_3143 = arith.constant 64 : i32
    %broadcast_in_dim3A_3144 = vector.broadcast %jit3A_3143 : i32 to vector<64x1xi32>
    %select_n3A_3145 = arith.select %eq3A_3142, %iota3A_9, %broadcast_in_dim3A_3144 : vector<64x1xi1>, vector<64x1xi32>
    %reduce_min3A_3146 = vector.shape_cast %select_n3A_3145 : vector<64x1xi32> to vector<1x64x1xi32>
    %reduce_min3A_3147 = arith.constant dense<2147483647> : vector<1xi32>
    %reduce_min3A_3148 = vector.multi_reduction <minsi>, %reduce_min3A_3146, %reduce_min3A_3147 [1, 2] : vector<1x64x1xi32> to vector<1xi32>
    %reduce_min3A_3149 = vector.shape_cast %reduce_min3A_3148 : vector<1xi32> to vector<1x1x1xi32>
    %reduce_min3A_3150 = vector.extract %reduce_min3A_3149[0, 0, 0] : i32 from vector<1x1x1xi32>
    %swap3A_3151 = arith.constant 8 : index
    %swap3A_3152 = arith.constant 7 : index
    %swap3A_3153 = memref.load %arg4[%swap3A_3151, %swap3A_3152] : memref<9x9xf32, #tpu.memory_space<smem>>
    memref.store %reduce_max3A_3140, %arg4[%swap3A_3151, %swap3A_3152] : memref<9x9xf32, #tpu.memory_space<smem>>
    %eq3A_3154 = vector.broadcast %reduce_min3A_3150 : i32 to vector<64x1xi32>
    %eq3A_3155 = arith.cmpi eq, %iota3A_9, %eq3A_3154 : vector<64x1xi32>
    %jit3A_3156 = arith.constant 0 : i32
    %broadcast_in_dim3A_3157 = vector.broadcast %jit3A_3156 : i32 to vector<64x1xi32>
    %select_n3A_3158 = arith.select %eq3A_3155, %broadcast_in_dim3A_2883, %broadcast_in_dim3A_3157 : vector<64x1xi1>, vector<64x1xi32>
    %reduce_max3A_3159 = vector.shape_cast %select_n3A_3158 : vector<64x1xi32> to vector<1x64x1xi32>
    %reduce_max3A_3160 = arith.constant dense<-2147483648> : vector<1xi32>
    %reduce_max3A_3161 = vector.multi_reduction <maxsi>, %reduce_max3A_3159, %reduce_max3A_3160 [1, 2] : vector<1x64x1xi32> to vector<1xi32>
    %reduce_max3A_3162 = vector.shape_cast %reduce_max3A_3161 : vector<1xi32> to vector<1x1x1xi32>
    %reduce_max3A_3163 = vector.extract %reduce_max3A_3162[0, 0, 0] : i32 from vector<1x1x1xi32>
    %swap3A_3164 = arith.constant 8 : index
    %swap3A_3165 = arith.constant 7 : index
    %swap3A_3166 = memref.load %arg3[%swap3A_3164, %swap3A_3165] : memref<9x9xi32, #tpu.memory_space<smem>>
    memref.store %reduce_max3A_3163, %arg3[%swap3A_3164, %swap3A_3165] : memref<9x9xi32, #tpu.memory_space<smem>>
    %eq3A_3167 = vector.broadcast %reduce_min3A_3150 : i32 to vector<64x1xi32>
    %eq3A_3168 = arith.cmpi eq, %iota3A_9, %eq3A_3167 : vector<64x1xi32>
    %jit3A_3169 = arith.constant 0xFF800000 : f32
    %broadcast_in_dim3A_3170 = vector.broadcast %jit3A_3169 : f32 to vector<64x1xf32>
    %select_n3A_3171 = arith.select %eq3A_3168, %broadcast_in_dim3A_3170, %select_n3A_3135 : vector<64x1xi1>, vector<64x1xf32>
    %reduce_max3A_3172 = vector.shape_cast %select_n3A_3171 : vector<64x1xf32> to vector<1x64x1xf32>
    %reduce_max3A_3173 = arith.constant dense<0xFF800000> : vector<1xf32>
    %reduce_max3A_3174 = vector.multi_reduction <maximumf>, %reduce_max3A_3172, %reduce_max3A_3173 [1, 2] : vector<1x64x1xf32> to vector<1xf32>
    %reduce_max3A_3175 = vector.shape_cast %reduce_max3A_3174 : vector<1xf32> to vector<1x1x1xf32>
    %reduce_max3A_3176 = vector.extract %reduce_max3A_3175[0, 0, 0] : f32 from vector<1x1x1xf32>
    %eq3A_3177 = vector.broadcast %reduce_max3A_3176 : f32 to vector<64x1xf32>
    %eq3A_3178 = arith.cmpf oeq, %select_n3A_3171, %eq3A_3177 : vector<64x1xf32>
    %jit3A_3179 = arith.constant 64 : i32
    %broadcast_in_dim3A_3180 = vector.broadcast %jit3A_3179 : i32 to vector<64x1xi32>
    %select_n3A_3181 = arith.select %eq3A_3178, %iota3A_9, %broadcast_in_dim3A_3180 : vector<64x1xi1>, vector<64x1xi32>
    %reduce_min3A_3182 = vector.shape_cast %select_n3A_3181 : vector<64x1xi32> to vector<1x64x1xi32>
    %reduce_min3A_3183 = arith.constant dense<2147483647> : vector<1xi32>
    %reduce_min3A_3184 = vector.multi_reduction <minsi>, %reduce_min3A_3182, %reduce_min3A_3183 [1, 2] : vector<1x64x1xi32> to vector<1xi32>
    %reduce_min3A_3185 = vector.shape_cast %reduce_min3A_3184 : vector<1xi32> to vector<1x1x1xi32>
    %reduce_min3A_3186 = vector.extract %reduce_min3A_3185[0, 0, 0] : i32 from vector<1x1x1xi32>
    %swap3A_3187 = arith.constant 8 : index
    %swap3A_3188 = arith.constant 8 : index
    %swap3A_3189 = memref.load %arg4[%swap3A_3187, %swap3A_3188] : memref<9x9xf32, #tpu.memory_space<smem>>
    memref.store %reduce_max3A_3176, %arg4[%swap3A_3187, %swap3A_3188] : memref<9x9xf32, #tpu.memory_space<smem>>
    %eq3A_3190 = vector.broadcast %reduce_min3A_3186 : i32 to vector<64x1xi32>
    %eq3A_3191 = arith.cmpi eq, %iota3A_9, %eq3A_3190 : vector<64x1xi32>
    %jit3A_3192 = arith.constant 0 : i32
    %broadcast_in_dim3A_3193 = vector.broadcast %jit3A_3192 : i32 to vector<64x1xi32>
    %select_n3A_3194 = arith.select %eq3A_3191, %broadcast_in_dim3A_2883, %broadcast_in_dim3A_3193 : vector<64x1xi1>, vector<64x1xi32>
    %reduce_max3A_3195 = vector.shape_cast %select_n3A_3194 : vector<64x1xi32> to vector<1x64x1xi32>
    %reduce_max3A_3196 = arith.constant dense<-2147483648> : vector<1xi32>
    %reduce_max3A_3197 = vector.multi_reduction <maxsi>, %reduce_max3A_3195, %reduce_max3A_3196 [1, 2] : vector<1x64x1xi32> to vector<1xi32>
    %reduce_max3A_3198 = vector.shape_cast %reduce_max3A_3197 : vector<1xi32> to vector<1x1x1xi32>
    %reduce_max3A_3199 = vector.extract %reduce_max3A_3198[0, 0, 0] : i32 from vector<1x1x1xi32>
    %swap3A_3200 = arith.constant 8 : index
    %swap3A_3201 = arith.constant 8 : index
    %swap3A_3202 = memref.load %arg3[%swap3A_3200, %swap3A_3201] : memref<9x9xi32, #tpu.memory_space<smem>>
    memref.store %reduce_max3A_3199, %arg3[%swap3A_3200, %swap3A_3201] : memref<9x9xi32, #tpu.memory_space<smem>>
    return
  }
}

</mosaic_0001>

<sc_bundles>
// kernel: sparse-core-data-format-call.cloned.1.call-start
scs
called_computation_lowered:
.L_overlay_start_0:
0x0: {  	s2 =	sld [smem:$0x3FD9]  }
0x1: {  	s3 =	sld [smem:$0x3FFE];
	_ =	sdelay $0x1  }
0x2: {  	s1 =	srdreg.scid  }
0x3: {  	s0 =	sand.u32 $0x1, s1  }
0x4: {  	s18 =	sshll.u32 s0, $0xA;
	s2 =	sadd.s32 s3, s2  }
0x5: {  	s2 =	sadd.s32 s2, s18  }
0x6: {  	[smem:$0x3FC7] =	sst s2  }
0x7: {  	_ = 	snop  }
0x8: {  	s2 =	sld [smem:$0x3FD0];
	(tm) =	ssettm $0x1  }
0x9: {  	s19 =	sld [smem:$0x3FFB];
	_ =	sdelay $0x3  }
0xa: {  	_ =	strace s19  }
0xb: {  	s3 =	sld [smem:$0x3FFC];
	_ =	sdelay $0x3  }
0xc: {  	_ =	strace s3  }
0xd: {  	s3 =	sld [smem:$0x3FFD];
	_ =	sdelay $0x3  }
0xe: {  	_ =	strace s3  }
0xf: {  	_ =	strace $0x8FFFFFFF  }
0x10: {  	s20 =	sld [smem:$0x3FDB];
	_ =	sdelay $0x1  }
0x11: {  	s4 =	simm.s32 $_scs_section_size  }
0x12: {  	s5 =	simm.s32 $_size__tile_overlayer_lowered;
	s6 =	simm.s32 $_tile_overlayer_lowered  }
0x13: {  	s23 =	simm.s32 $0x1BFF;
	s22 =	sshll.u32 s6, $0x1;
	s3 =	sadd.s32 s4, s20  }
0x14: {  	s7 =	simm.s32 $0x0;
	s21 =	sshll.u32 s5, $0x1;
	s5 =	sadd.s32 s22, s3  }
0x15: {  	[timem:s7], [sflag:s23] =	dma.local [hbm:s5], s21  }
0x16: {  	_ =	swait.ge [sflag:s23], s21  }
0x17: {  	s4 =	ssub.s32 $0x0, s21;
	[sflag:s23] =	ssyncset.done $0x0  }
0x18: {  	[sflag:s23] =	ssyncadd.s32 s4;
	_ =	sdelay $0x1  }
0x19: {  	s24 =	simm.s32 $0x1B8B  }
0x1a: {  	_ =	swait.ge [sflag:s24], $0x1  }
0x1b: {  	[sflag:s24] =	ssyncset.done $0x0  }
0x1c: {  	s26 =	simm.s32 $0x1B8E;
	s25 =	sld [smem:$0x3FFE];
	[sflag:s24] =	ssyncadd.s32 $0xFFFFFFFF  }
0x1d: {  	s27 =	simm.s32 $execute0_lowered;
	[smem:$0x3FD2] =	sst s26  }
0x1e: {  	s5 =	sshll.u32 s27, $0x1;
	_ =	strace $0x80000046;
	[dreg:$0x1] =	wrdreg $0xFFFFFFFF  }
0x1f: {  	s28 =	simm.s32 $_size_execute0_lowered;
	s3 =	sadd.s32 s3, s5;
	[dreg:$0x0] =	wrdreg $0x0  }
0x20: {  	s5 =	sshll.u32 s28, $0x1;
	[dreg:$0x2] =	wrdreg s3  }
0x21: {  	[dreg:$0x3] =	wrdreg s5  }
0x22: {  	[dreg:$0x4] =	wrdreg $0xC0  }
0x23: {  	_ =	task [dreg:s7], $0x5FFFF  }
0x24: {  	[dreg:$0x1] =	wrdreg $0xFFFFFFFF  }
0x25: {  	[dreg:$0x0] =	wrdreg $0x60  }
0x26: {  	[dreg:$0x2] =	wrdreg s25  }
0x27: {  	[dreg:$0x3] =	wrdreg s2  }
0x28: {  	[dreg:$0x4] =	wrdreg $0x9  }
0x29: {  	_ =	task.clear_ibuf [dreg:s7], $0x5FFFF;
	_ =	strace $0x90000046  }
0x2a: {  	s29 =	simm.s32 $0x9;
	_ =	strace $0x80000048  }
0x2b: {  	_ =	swait.ge [sflag:s29], $0x1  }
0x2c: {  	[sflag:s29] =	ssyncadd.s32 $0xFFFFFFFF  }
0x2d: {  	_ =	strace $0x90000048  }
0x2e: {  	_ =	sfence  }
0x2f: {  	s30 =	sld [smem:$0x0];
	_ =	sdelay $0x2  }
0x30: {  	s31 =	sshll.u32 s1, $0xD;
	s1 =	sshrl.u32 s1, $0x2  }
0x31: {  	s3 =	sand.u32 $0x4000, s31;
	s1 =	sadd.s32 s1, s30  }
0x32: {  	s0 =	sor.u32 s3, s0;
	s1 =	sshll.u32 s1, $0x11  }
0x33: {  	s0 =	sor.u32 s1, s0  }
0x34: {  	s0 =	sadd.s32 $0x8F2B, s0  }
0x35: {  	[sflag:s0] =	ssyncadd.remote.s32 $0x1  }
0x36: {  	_ =	sfence.sel $0xFFFF  }
0x37: {  	[dreg:$0x0] =	wrdreg $0xFFFFFFFF;
	(pc) =	sbr.abs _section_cstart, $3  }
0x38: {  	[dreg:$0x1] =	wrdreg $0xFFFFFFFF  }
0x39: {  	_ =	task.clear_ibuf [dreg:s7], $0x2FFFF;
	_ =	strace $0x9FFFFFFF  }
0x3a: {  	(tm) =	ssettm $0x7FFFFFFF  }
0x3b: {  	_ =	shalt  }
tec
execute0_lowered:
.L_overlay_start_1:
0x0: {  	(tag) =	ssettag $0x1  }
0x1: {  	s0 =	stileid.u32;
	s1 =	srdreg.scid  }
0x2: {  	s7 =	rddreg [dreg:$0x0];
	s8 =	simm.s32 $0x2;
	s2 =	sshll.u32 s0, $0x7  }
0x3: {  	s15 =	simm.s32 $0x0;
	s3 =	sshll.u32 s1, $0x4;
	s1 =	sand.u32 $0x180, s2  }
0x4: {  	s9 =	simm.s32 $0x1000;
	s30 =	sand.u32 $0x10, s3;
	s31 =	ssub.s32 $0x200, s1  }
0x5: {  	s16 =	simm.s32 $0x0;
	s2 =	sor.u32 s0, s30;
	s4 =	sand.u32 $0x180, s31  }
0x6: {  	s2 =	sshrl.u32 s2, $0x2;
	p0 =	sne.s32 s4, $0x0;
	s4 =	simm.s32 $0x1  }
0x7: {  	s3 =	sshrl.u32 s31, $0x9;
	s5 =	ssub.s32 $0x23, s2;
	s4 =	simm.s32 @!p0 $0x0  }
0x8: {  	s17 =	simm.s32 $0x0;
	s5 =	sshrl.u32 s5, $0x3;
	s3 =	sadd.s32 s4, s3  }
0x9: {  	s18 =	simm.s32 $0x0;
	s12 =	simm.s32 $0x0;
	s6 =	smul.u32 s5, s3  }
.Ltmp0:
0xa: {  	s13 =	simm.s32 $0x0;
	s4 =	rddreg [dreg:$0x1];
	(pc) =	sbr.rel .LBB1_1-.Ltmp0, $4  }
0xb: {  	s14 =	simm.s32 $0x0;
	s7 =	sadd.s32 $0x800, s7;
	s3 =	rddreg [dreg:$0x2]  }
0xc: {  	_ =	strace $0x80000047;
	s5 =	simm.s32 $0x1;
	s6 =	smul.u32 $0x51, s6  }
0xd: {  	s11 =	smov.u32 s1;
	s10 =	smov.u32 s2;
	[sflag:s5] =	ssyncpa.u1 $0x0  }
0xe: {  	p0 =	por $0x0, $0x0;
	[sflag:s8] =	ssyncpa.u1 $0x0;
	s8 =	sadd.s32 $0x1, s6  }
.LBB1_4:
0xf: {  	s18 =	smul.u32 $0x7E000, s18  }
0x10: {  	s17 =	smul.u32 $0xE000, s17  }
0x11: {  	s18 =	sadd.s32 s4, s18  }
0x12: {  	s21 =	sand.u32 $0x780, s16;
	s15 =	sshll.u32 s15, $0xB;
	s17 =	sadd.s32 s17, s18  }
0x13: {  	s30 =	sshrl.u32 s16, $0x3;
	s31 =	sand.u32 $0x7, s16;
	s17 =	sadd.s32 s21, s17  }
0x14: {  	s16 =	sshll.u32 s31, $0x12;
	s18 =	sand.u32 $0xF, s30;
	s15 =	sadd.s32 s15, s17  }
0x15: {  	[tilespmem:s20+$0x0 ss:$0x81] =	vst.msk $0xffff, v0;
	s16 =	sor.u32 $0x400, s16;
	s15 =	sadd.s32 s18, s15  }
0x16: {  	[hbm4b:s15+s16] =	stream.strided.scatter [tilespmem:s19], [sflag:$0x2], $0x1000, s9, s16, $0x20;
	[tilespmem:$0x4040] =	vst v63  }
.LBB1_5:
0x17: {  	s19 =	sadd.s32 $0x8, s10  }
0x18: {  	s15 =	sadd.s32 $0x200, s11;
	s20 =	smov.u32 s11;
	p2 =	sgt.s32 s19, $0x1B  }
0x19: {  	s20 =	smov.u32 @p2 s15  }
0x1a: {  	s15 =	simm.s32 $0x1;
	p3 =	sgt.s32 s20, $0x1FF  }
0x1b: {  	s15 =	simm.s32 @!p3 $0x0  }
0x1c: {  	s21 =	sadd.s32 s15, s12  }
0x1d: {  	s15 =	simm.s32 $0x1;
	p4 =	sgt.s32 s21, $0x8  }
0x1e: {  	s15 =	simm.s32 @!p4 $0x0  }
0x1f: {  	p1 =	slt.u32 s14, $0x2;
	s23 =	sadd.s32 s15, s13  }
0x20: {  	s16 =	smov.u32 s11;
	s19 =	smov.u32 @p2 s2;
	p2 =	sgt.s32 s23, $0x8  }
0x21: {  	s22 =	simm.s32 @!p1 $0x2;
	s23 =	simm.s32 @p2 $0x0;
	p2 =	sne.s32 s14, s8  }
.Ltmp1:
0x22: {  	s17 =	smov.u32 s12;
	_ =	swait.ge @!p1 [sflag:s22], $0x1000;
	(pc) =	sbr.rel @!p2 .LBB1_6-.Ltmp1, $4  }
0x23: {  	s18 =	smov.u32 s13;
	[sflag:s22] =	ssyncset.done @!p1 $0x0;
	s20 =	smov.u32 @p3 s1  }
0x24: {  	p0 =	por !p0, !p0;
	[sflag:s22] =	ssyncadd.s32 @!p1 $0xFFFFF000;
	s11 =	smov.u32 s20  }
0x25: {  	s21 =	simm.s32 @p4 $0x0;
	s15 =	smov.u32 s10;
	s10 =	smov.u32 s19  }
0x26: {  	s12 =	smov.u32 s21;
	s14 =	sadd.s32 $0x1, s14;
	s13 =	smov.u32 s23  }
.LBB1_1:
0x27: {  	p1 =	sge.u32 s14, s6  }
0x28: {  	s19 =	smul.u32 @!p1 $0x240000, s13  }
0x29: {  	s31 =	sadd.s32 $0xFFFFFFFF, s14;
	s20 =	sxor.u32 @!p1 $0xFFFFFFFF, s14  }
0x2a: {  	s21 =	sshll.u32 @!p1 s12, $0x12;
	s22 =	sshll.u32 @!p1 s11, $0x9;
	s19 =	sadd.s32 @!p1 s7, s19  }
0x2b: {  	s23 =	sshll.u32 @!p1 s10, $0x4;
	s20 =	sshll.u32 @!p1 s20, $0xC;
	s19 =	sadd.s32 @!p1 s21, s19  }
0x2c: {  	s20 =	sand.u32 @!p1 $0x1000, s20;
	s21 =	sand.u32 @!p1 $0x1F0, s23;
	s19 =	sadd.s32 @!p1 s22, s19  }
0x2d: {  	s22 =	simm.s32 @!p1 $0x1000;
	s19 =	sadd.s32 @!p1 s21, s19;
	s21 =	simm.s32 @!p1 $0x20  }
0x2e: {  	[tilespmem:s20], [sflag:$0x1] =	stream.strided.gather @!p1 [hbm4b:s19+s21], $0x1000, s22, s21, $0x38;
	[tilespmem:$0x4040] =	vst v63  }
0x2f: {  	p1 =	sge.u32 s31, s6  }
.Ltmp2:
0x30: {  	_ = 	snop;
	(pc) =	sbr.rel @p1 .LBB1_5-.Ltmp2, $1  }
0x31: {  	_ =	sdelay $0x3  }
0x32: {  	s19 =	simm.s32 $0x1  }
0x33: {  	_ =	swait.ge [sflag:s5], $0x1000;
	s19 =	simm.s32 @!p0 $0x0  }
0x34: {  	[sflag:s5] =	ssyncset.done $0x0;
	s20 =	sshll.u32 s19, $0xC  }
0x35: {  	[sflag:s5] =	ssyncadd.s32 $0xFFFFF000;
	s23 =	sor.u32 $0x10, s20  }
0x36: {  	s19 =	smul.u32 $0x4080, s19;
	v1 =	vld [tilespmem:s23+$0x0]  }
0x37: {  	s30 =	sand.u32 $0x1, s14;
	v0 =	vld [tilespmem:s23+$0xFFFFFFF0]  }
0x38: {  	s20 =	smul.u32 $0x4080, s30;
	s19 =	sshrl.u32 s19, $0x2  }
0x39: {  	s21 =	sor.u32 $0x2000, s19  }
0x3a: {  	s31 =	sshrl.u32 s20, $0x2;
	s20 =	sadd.s32 $0x0, s21  }
0x3b: {  	s22 =	simm.s32 $0x4;
	s23 =	sadd.s32 $0x20, s23;
	s19 =	sor.u32 $0x2000, s31;
	[tilespmem:s20+$0x810 ss:$0x81] =	vst.msk $0xffff, v1  }
.LBB1_3:
0x3c: {  	v1 =	vld [tilespmem:s23+$0x0];
	p1 =	sne.s32 s22, $0x1FC;
	[tilespmem:s20+$0x0 ss:$0x81] =	vst.msk $0xffff, v0;
	s20 =	smov.u32 s22;
	s22 =	sadd.s32 $0x4, s22  }
.Ltmp3:
0x3d: {  	v0 =	vld [tilespmem:s23+$0xFFFFFFF0];
	(pc) =	sbr.rel @p1 .LBB1_3-.Ltmp3, $4  }
0x3e: {  	_ = 	snop  }
0x3f: {  	s20 =	sshra.s32 s20, $0x2  }
0x40: {  	s20 =	sadd.s32 s20, s21  }
0x41: {  	s23 =	sadd.s32 $0x20, s23;
	[tilespmem:s20+$0x810 ss:$0x81] =	vst.msk $0xffff, v1  }
.Ltmp4:
0x42: {  	_ = 	snop;
	(pc) =	sbr.rel .LBB1_4-.Ltmp4, $1  }
0x43: {  	_ =	sdelay $0x3  }
.LBB1_6:
0x44: {  	_ =	sfence.sel $0x180000  }
0x45: {  	s1 =	simm.s32 $0x1;
	[bflag:$0x0] =	sbarrier.arrive $0xFFFF  }
0x46: {  	s31 =	simm.s32 $0x2;
	[sflag:s1] =	ssyncpa.u1 $0x1  }
0x47: {  	[sflag:s31] =	ssyncpa.u1 $0x1  }
0x48: {  	p0 =	sne.s32 s0, $0x0;
	_ =	strace $0x90000047  }
0x49: {  	s0 =	sadd.s32 @!p0 $0x100000, s3;
	[bflag:$0x2] =	sbarrier.arrive $0xFFFF  }
0x4a: {  	[sflag:s0] =	ssyncadd.tile.s32 @!p0 $0x1;
	_ =	shalt  }
.Lfunc_end1:
_tile_overlayer_lowered:
.L_overlay_start_2:
0x4b: {  	(tag) =	ssettag $0x2  }
0x4c: {  	s0 =	rddreg [dreg:$0x0];
	s2 =	stileid.u32  }
0x4d: {  	s1 =	rddreg [dreg:$0x1];
	p0 =	sne.s32 s2, $0x0  }
0x4e: {  	s3 =	rddreg [dreg:$0x2];
	[bflag:$0x3] =	sbarrier.arrive $0xFFFF;
	s2 =	simm.s32 @!p0 $0x1C01  }
0x4f: {  	[timem:s3], [sflag:s2] =	dma.local @!p0 [hbm:s0], s1  }
0x50: {  	s0 =	simm.s32 @!p0 $0x1  }
0x51: {  	_ =	swait.ge @!p0 [sflag:s0], s1  }
0x52: {  	s1 =	ssub.s32 @!p0 $0x0, s1;
	[sflag:s0] =	ssyncset.done @!p0 $0x0  }
0x53: {  	[sflag:s0] =	ssyncadd.s32 @!p0 s1  }
0x54: {  	[bflag:$0x3] =	sbarrier.arrive $0xFFFF  }
0x55: {  	_ =	shalt  }

</sc_bundles>
